<compile_context>
chip_gen: v7x
topology: tpu7x:2x2x1
jax: 0.10.2.dev20260603
libtpu: 0.0.44.dev20260713+nightly
codegen_flags: <defaults>
</compile_context>

<pallas_src>
import functools

import jax
import jax.numpy as jnp
from jax import lax
from jax.experimental import pallas as pl
from jax.experimental.pallas import tpu as pltpu
from jax.experimental.pallas import tpu_sc as plsc

NC = 2
NS = 16
NW = NC * NS
G = 80
NBUF = 4


def _sc_join(unary, binary, idx1, idx2, row0, nrows):
    V, D = unary.shape
    B, E = binary.shape
    NG = nrows // G
    W = 2 * D + E
    n_pw = NG // NW - 1
    assert n_pw % NBUF == 0 and n_pw >= 3 * NBUF
    assert NG == NW * (n_pw + 1)
    gbase = row0 // G

    mesh = plsc.VectorSubcoreMesh(core_axis_name="c", subcore_axis_name="s")

    @functools.partial(
        pl.kernel,
        out_type=jax.ShapeDtypeStruct((nrows, W), jnp.float32),
        mesh=mesh,
        compiler_params=pltpu.CompilerParams(use_tc_tiling_on_sc=True,
                                             needs_layout_passes=True),
        scratch_types=[
            pltpu.VMEM((NBUF, G), jnp.int32),
            pltpu.VMEM((NBUF, G), jnp.int32),
            pltpu.VMEM((NBUF, G, D), jnp.float32),
            pltpu.VMEM((NBUF, G, D), jnp.float32),
            pltpu.VMEM((NBUF, G, E), jnp.float32),
            [pltpu.SemaphoreType.DMA] * NBUF,
            [pltpu.SemaphoreType.DMA] * NBUF,
            [pltpu.SemaphoreType.DMA] * NBUF,
        ],
    )
    def join_kernel(unary_h, binary_h, idx1_h, idx2_h, out_h,
                    i1_v, i2_v, r1_v, r2_v, b_v,
                    sem_idx, sem_in, sem_out):
        cid = lax.axis_index("c")
        sid = lax.axis_index("s")
        wid = sid * NC + cid
        g0 = wid * n_pw

        def issue_idx(g, k):
            pltpu.async_copy(idx1_h.at[pl.ds((gbase + g0 + g) * G, G)], i1_v.at[k],
                             sem_idx[k])
            pltpu.async_copy(idx2_h.at[pl.ds((gbase + g0 + g) * G, G)], i2_v.at[k],
                             sem_idx[k])

        def wait_idx(k):
            pltpu.make_async_copy(idx1_h.at[pl.ds(0, G)], i1_v.at[k],
                                  sem_idx[k]).wait()
            pltpu.make_async_copy(idx2_h.at[pl.ds(0, G)], i2_v.at[k],
                                  sem_idx[k]).wait()

        def issue_in(g, b):
            pltpu.async_copy(unary_h.at[i1_v.at[b]], r1_v.at[b], sem_in[b])
            pltpu.async_copy(unary_h.at[i2_v.at[b]], r2_v.at[b], sem_in[b])
            pltpu.async_copy(binary_h.at[pl.ds((gbase + g0 + g) * G, G)], b_v.at[b],
                             sem_in[b])

        def wait_in(b):
            pltpu.make_async_copy(unary_h.at[pl.ds(0, G)], r1_v.at[b],
                                  sem_in[b]).wait()
            pltpu.make_async_copy(unary_h.at[pl.ds(0, G)], r2_v.at[b],
                                  sem_in[b]).wait()
            pltpu.make_async_copy(binary_h.at[pl.ds(0, G)], b_v.at[b],
                                  sem_in[b]).wait()

        def issue_out(g, b):
            row = (g0 + g) * G
            pltpu.async_copy(r1_v.at[b], out_h.at[pl.ds(row, G), pl.ds(0, D)],
                             sem_out[b])
            pltpu.async_copy(r2_v.at[b], out_h.at[pl.ds(row, G), pl.ds(D, D)],
                             sem_out[b])
            pltpu.async_copy(b_v.at[b], out_h.at[pl.ds(row, G), pl.ds(2 * D, E)],
                             sem_out[b])

        def wait_out(b):
            pltpu.make_async_copy(r1_v.at[b], out_h.at[pl.ds(0, G), pl.ds(0, D)],
                                  sem_out[b]).wait()
            pltpu.make_async_copy(r2_v.at[b], out_h.at[pl.ds(0, G), pl.ds(D, D)],
                                  sem_out[b]).wait()
            pltpu.make_async_copy(b_v.at[b], out_h.at[pl.ds(0, G),
                                                      pl.ds(2 * D, E)],
                                  sem_out[b]).wait()

        def slot(g, p, do_waitout, do_in, do_idx):
            b = p
            b2 = (p + 2) % NBUF
            wait_in(b)
            issue_out(g, b)
            if do_in:
                wait_idx(b2)
                if do_waitout:
                    wait_out(b2)
                issue_in(g + 2, b2)
            if do_idx:
                issue_idx(g + 4, b)

        issue_idx(0, 0)
        issue_idx(1, 1)
        wait_idx(0)
        issue_in(0, 0)
        issue_idx(2, 2)
        wait_idx(1)
        issue_in(1, 1)
        issue_idx(3, 3)

        slot(0, 0, False, True, True)
        slot(1, 1, False, True, True)

        @pl.loop(2, n_pw - 6, step=NBUF)
        def _(jj):
            for p in range(NBUF):
                slot(jj + p, (2 + p) % NBUF, True, True, True)

        for i in range(6):
            g = n_pw - 6 + i
            slot(g, g % NBUF, True, i < 4, i < 2)
        for i in range(NBUF):
            wait_out((n_pw - 4 + i) % NBUF)

        eg = NW * n_pw + wid
        row = eg * G
        grow = (gbase + eg) * G
        pltpu.sync_copy(idx1_h.at[pl.ds(grow, G)], i1_v.at[0])
        pltpu.sync_copy(idx2_h.at[pl.ds(grow, G)], i2_v.at[0])
        c1 = pltpu.async_copy(unary_h.at[i1_v.at[0]], r1_v.at[0], sem_in[0])
        c2 = pltpu.async_copy(unary_h.at[i2_v.at[0]], r2_v.at[0], sem_in[0])
        pltpu.sync_copy(binary_h.at[pl.ds(grow, G)], b_v.at[0])
        c1.wait()
        c2.wait()
        pltpu.sync_copy(r1_v.at[0], out_h.at[pl.ds(row, G), pl.ds(0, D)])
        pltpu.sync_copy(r2_v.at[0], out_h.at[pl.ds(row, G), pl.ds(D, D)])
        pltpu.sync_copy(b_v.at[0], out_h.at[pl.ds(row, G), pl.ds(2 * D, E)])

    return join_kernel(unary, binary, idx1, idx2)


def kernel(unary, binary, index1, index2):
    B = index1.shape[0]
    return _sc_join(unary, binary, index1, index2, 0, B)

# --- scband reference (transcript-rebuilt; emitter-appended) ---
"""Pipeline reference for scband-join-13271448944863 (READ-ONLY COPY).

The authoritative reference and input builder live on the scoring server;
editing this copy changes nothing except your own understanding.
"""

import jax, jax.numpy as jnp
import numpy as np

N_NODES = 10000
N_EDGES = 320000
D_FEAT = 128
D_EDGE = 16


def setup_inputs(seed: int = 0) -> dict:
    key = jax.random.key(seed)
    k1, k2, k3, k4 = jax.random.split(key, 4)
    unary = jax.random.normal(k1, (N_NODES, D_FEAT), dtype=jnp.float32)
    binary = jax.random.normal(k2, (N_EDGES, D_EDGE), dtype=jnp.float32)
    index1 = jax.random.randint(k3, (N_EDGES,), 0, N_NODES, dtype=jnp.int32)
    index2 = jax.random.randint(k4, (N_EDGES,), 0, N_NODES, dtype=jnp.int32)
    return {"unary": unary, "binary": binary, "index1": index1, "index2": index2}


def reference(unary, binary, index1, index2):
    # Faithful translation of Join.call:
    # index1/index2 squeezed (no-op for 1-D), gather rows of unary, concat with binary on axis=1
    idx1 = jnp.squeeze(index1)
    idx2 = jnp.squeeze(index2)
    g1 = jnp.take(unary, idx1, axis=0)
    g2 = jnp.take(unary, idx2, axis=0)
    return jnp.concatenate([g1, g2, binary], axis=1)

if __name__ == "__main__":
    import jax
    _d = setup_inputs()
    print(jax.jit(kernel)(*tuple(_d.values())))

</pallas_src>

<mosaic_0001>
#map = affine_map<(d0, d1) -> (0, 0)>
#map1 = affine_map<(d0, d1) -> (0)>
module attributes {stable_mosaic.version = 14 : i64} {
  func.func @join_kernel(%arg0: i32, %arg1: i32, %arg2: memref<10000x128xf32, #tpu.memory_space<hbm>>, %arg3: memref<320000x16xf32, #tpu.memory_space<hbm>>, %arg4: memref<320000xi32, #tpu.memory_space<hbm>>, %arg5: memref<320000xi32, #tpu.memory_space<hbm>>, %arg6: memref<320000x272xf32, #tpu.memory_space<hbm>>, %arg7: memref<4x80xi32, #tpu.memory_space<vmem>>, %arg8: memref<4x80xi32, #tpu.memory_space<vmem>>, %arg9: memref<4x80x128xf32, #tpu.memory_space<vmem>>, %arg10: memref<4x80x128xf32, #tpu.memory_space<vmem>>, %arg11: memref<4x80x16xf32, #tpu.memory_space<vmem>>, %arg12: memref<!tpu.dma_semaphore, #tpu.memory_space<semaphore_mem>>, %arg13: memref<!tpu.dma_semaphore, #tpu.memory_space<semaphore_mem>>, %arg14: memref<!tpu.dma_semaphore, #tpu.memory_space<semaphore_mem>>, %arg15: memref<!tpu.dma_semaphore, #tpu.memory_space<semaphore_mem>>, %arg16: memref<!tpu.dma_semaphore, #tpu.memory_space<semaphore_mem>>, %arg17: memref<!tpu.dma_semaphore, #tpu.memory_space<semaphore_mem>>, %arg18: memref<!tpu.dma_semaphore, #tpu.memory_space<semaphore_mem>>, %arg19: memref<!tpu.dma_semaphore, #tpu.memory_space<semaphore_mem>>, %arg20: memref<!tpu.dma_semaphore, #tpu.memory_space<semaphore_mem>>, %arg21: memref<!tpu.dma_semaphore, #tpu.memory_space<semaphore_mem>>, %arg22: memref<!tpu.dma_semaphore, #tpu.memory_space<semaphore_mem>>, %arg23: memref<!tpu.dma_semaphore, #tpu.memory_space<semaphore_mem>>) attributes {dimension_semantics = [#tpu.dimension_semantics<core_parallel>, #tpu.dimension_semantics<subcore_parallel>], iteration_bounds = array<i64: 2, 16>, scalar_prefetch = 0 : i64, scratch_operands = 17 : i64, tpu.core_type = #tpu.core_type<sc_vector_subcore>, window_params = [{transform_indices = #map}, {transform_indices = #map}, {transform_indices = #map1}, {transform_indices = #map1}, {transform_indices = #map}]} {
    %mul3A = arith.constant 2 : i32
    %mul3A_0 = arith.muli %arg1, %mul3A : i32
    %add3A = arith.addi %mul3A_0, %arg0 : i32
    %mul3A_1 = arith.constant 124 : i32
    %mul3A_2 = arith.muli %add3A, %mul3A_1 : i32
    %add3A_3 = arith.constant 0 : i32
    %add3A_4 = arith.addi %add3A_3, %mul3A_2 : i32
    %add3A_5 = arith.constant 0 : i32
    %add3A_6 = arith.addi %add3A_4, %add3A_5 : i32
    %mul3A_7 = arith.constant 80 : i32
    %mul3A_8 = arith.muli %add3A_6, %mul3A_7 : i32
    %dma_start3A = arith.constant 0 : i32
    %dma_start3A_9 = arith.constant 0 : i32
    %dma_start3A_10 = tpu.memref_slice %arg7[%dma_start3A, %dma_start3A_9] : memref<4x80xi32, #tpu.memory_space<vmem>> -> memref<1x80xi32, #tpu.memory_space<vmem>>
    %dma_start3A_11 = tpu.memref_squeeze %dma_start3A_10 : memref<1x80xi32, #tpu.memory_space<vmem>> -> memref<80xi32, #tpu.memory_space<vmem>>
    %dma_start3A_12 = tpu.memref_slice %arg4[%mul3A_8] : memref<320000xi32, #tpu.memory_space<hbm>> -> memref<80xi32, #tpu.memory_space<hbm>>
    %dma_start3A_13 = arith.constant 0 : i32
    %dma_start3A_14 = tpu.memref_slice %arg7[%dma_start3A, %dma_start3A_13] : memref<4x80xi32, #tpu.memory_space<vmem>> -> memref<1x80xi32, #tpu.memory_space<vmem>>
    %dma_start3A_15 = tpu.memref_squeeze %dma_start3A_14 : memref<1x80xi32, #tpu.memory_space<vmem>> -> memref<80xi32, #tpu.memory_space<vmem>>
    %dma_start3A_16 = tpu.memref_slice %arg4[%mul3A_8] : memref<320000xi32, #tpu.memory_space<hbm>> -> memref<80xi32, #tpu.memory_space<hbm>>
    tpu.enqueue_dma source(%dma_start3A_16 : memref<80xi32, #tpu.memory_space<hbm>>) target(%dma_start3A_15 : memref<80xi32, #tpu.memory_space<vmem>>) target_semaphore(%arg12 : memref<!tpu.dma_semaphore, #tpu.memory_space<semaphore_mem>>)
    %add3A_17 = arith.constant 0 : i32
    %add3A_18 = arith.addi %add3A_17, %mul3A_2 : i32
    %add3A_19 = arith.constant 0 : i32
    %add3A_20 = arith.addi %add3A_18, %add3A_19 : i32
    %mul3A_21 = arith.constant 80 : i32
    %mul3A_22 = arith.muli %add3A_20, %mul3A_21 : i32
    %dma_start3A_23 = arith.constant 0 : i32
    %dma_start3A_24 = arith.constant 0 : i32
    %dma_start3A_25 = tpu.memref_slice %arg8[%dma_start3A_23, %dma_start3A_24] : memref<4x80xi32, #tpu.memory_space<vmem>> -> memref<1x80xi32, #tpu.memory_space<vmem>>
    %dma_start3A_26 = tpu.memref_squeeze %dma_start3A_25 : memref<1x80xi32, #tpu.memory_space<vmem>> -> memref<80xi32, #tpu.memory_space<vmem>>
    %dma_start3A_27 = tpu.memref_slice %arg5[%mul3A_22] : memref<320000xi32, #tpu.memory_space<hbm>> -> memref<80xi32, #tpu.memory_space<hbm>>
    %dma_start3A_28 = arith.constant 0 : i32
    %dma_start3A_29 = tpu.memref_slice %arg8[%dma_start3A_23, %dma_start3A_28] : memref<4x80xi32, #tpu.memory_space<vmem>> -> memref<1x80xi32, #tpu.memory_space<vmem>>
    %dma_start3A_30 = tpu.memref_squeeze %dma_start3A_29 : memref<1x80xi32, #tpu.memory_space<vmem>> -> memref<80xi32, #tpu.memory_space<vmem>>
    %dma_start3A_31 = tpu.memref_slice %arg5[%mul3A_22] : memref<320000xi32, #tpu.memory_space<hbm>> -> memref<80xi32, #tpu.memory_space<hbm>>
    tpu.enqueue_dma source(%dma_start3A_31 : memref<80xi32, #tpu.memory_space<hbm>>) target(%dma_start3A_30 : memref<80xi32, #tpu.memory_space<vmem>>) target_semaphore(%arg12 : memref<!tpu.dma_semaphore, #tpu.memory_space<semaphore_mem>>)
    %add3A_32 = arith.constant 0 : i32
    %add3A_33 = arith.addi %add3A_32, %mul3A_2 : i32
    %add3A_34 = arith.constant 1 : i32
    %add3A_35 = arith.addi %add3A_33, %add3A_34 : i32
    %mul3A_36 = arith.constant 80 : i32
    %mul3A_37 = arith.muli %add3A_35, %mul3A_36 : i32
    %dma_start3A_38 = arith.constant 1 : i32
    %dma_start3A_39 = arith.constant 0 : i32
    %dma_start3A_40 = tpu.memref_slice %arg7[%dma_start3A_38, %dma_start3A_39] : memref<4x80xi32, #tpu.memory_space<vmem>> -> memref<1x80xi32, #tpu.memory_space<vmem>>
    %dma_start3A_41 = tpu.memref_squeeze %dma_start3A_40 : memref<1x80xi32, #tpu.memory_space<vmem>> -> memref<80xi32, #tpu.memory_space<vmem>>
    %dma_start3A_42 = tpu.memref_slice %arg4[%mul3A_37] : memref<320000xi32, #tpu.memory_space<hbm>> -> memref<80xi32, #tpu.memory_space<hbm>>
    %dma_start3A_43 = arith.constant 0 : i32
    %dma_start3A_44 = tpu.memref_slice %arg7[%dma_start3A_38, %dma_start3A_43] : memref<4x80xi32, #tpu.memory_space<vmem>> -> memref<1x80xi32, #tpu.memory_space<vmem>>
    %dma_start3A_45 = tpu.memref_squeeze %dma_start3A_44 : memref<1x80xi32, #tpu.memory_space<vmem>> -> memref<80xi32, #tpu.memory_space<vmem>>
    %dma_start3A_46 = tpu.memref_slice %arg4[%mul3A_37] : memref<320000xi32, #tpu.memory_space<hbm>> -> memref<80xi32, #tpu.memory_space<hbm>>
    tpu.enqueue_dma source(%dma_start3A_46 : memref<80xi32, #tpu.memory_space<hbm>>) target(%dma_start3A_45 : memref<80xi32, #tpu.memory_space<vmem>>) target_semaphore(%arg13 : memref<!tpu.dma_semaphore, #tpu.memory_space<semaphore_mem>>)
    %add3A_47 = arith.constant 0 : i32
    %add3A_48 = arith.addi %add3A_47, %mul3A_2 : i32
    %add3A_49 = arith.constant 1 : i32
    %add3A_50 = arith.addi %add3A_48, %add3A_49 : i32
    %mul3A_51 = arith.constant 80 : i32
    %mul3A_52 = arith.muli %add3A_50, %mul3A_51 : i32
    %dma_start3A_53 = arith.constant 1 : i32
    %dma_start3A_54 = arith.constant 0 : i32
    %dma_start3A_55 = tpu.memref_slice %arg8[%dma_start3A_53, %dma_start3A_54] : memref<4x80xi32, #tpu.memory_space<vmem>> -> memref<1x80xi32, #tpu.memory_space<vmem>>
    %dma_start3A_56 = tpu.memref_squeeze %dma_start3A_55 : memref<1x80xi32, #tpu.memory_space<vmem>> -> memref<80xi32, #tpu.memory_space<vmem>>
    %dma_start3A_57 = tpu.memref_slice %arg5[%mul3A_52] : memref<320000xi32, #tpu.memory_space<hbm>> -> memref<80xi32, #tpu.memory_space<hbm>>
    %dma_start3A_58 = arith.constant 0 : i32
    %dma_start3A_59 = tpu.memref_slice %arg8[%dma_start3A_53, %dma_start3A_58] : memref<4x80xi32, #tpu.memory_space<vmem>> -> memref<1x80xi32, #tpu.memory_space<vmem>>
    %dma_start3A_60 = tpu.memref_squeeze %dma_start3A_59 : memref<1x80xi32, #tpu.memory_space<vmem>> -> memref<80xi32, #tpu.memory_space<vmem>>
    %dma_start3A_61 = tpu.memref_slice %arg5[%mul3A_52] : memref<320000xi32, #tpu.memory_space<hbm>> -> memref<80xi32, #tpu.memory_space<hbm>>
    tpu.enqueue_dma source(%dma_start3A_61 : memref<80xi32, #tpu.memory_space<hbm>>) target(%dma_start3A_60 : memref<80xi32, #tpu.memory_space<vmem>>) target_semaphore(%arg13 : memref<!tpu.dma_semaphore, #tpu.memory_space<semaphore_mem>>)
    %dma_wait3A = arith.constant 0 : i32
    %dma_wait3A_62 = arith.constant 0 : i32
    %dma_wait3A_63 = tpu.memref_slice %arg7[%dma_wait3A, %dma_wait3A_62] : memref<4x80xi32, #tpu.memory_space<vmem>> -> memref<1x80xi32, #tpu.memory_space<vmem>>
    %dma_wait3A_64 = tpu.memref_squeeze %dma_wait3A_63 : memref<1x80xi32, #tpu.memory_space<vmem>> -> memref<80xi32, #tpu.memory_space<vmem>>
    %dma_wait3A_65 = arith.constant 0 : i32
    %dma_wait3A_66 = tpu.memref_slice %arg4[%dma_wait3A_65] : memref<320000xi32, #tpu.memory_space<hbm>> -> memref<80xi32, #tpu.memory_space<hbm>>
    %dma_wait3A_67 = arith.constant 0 : i32
    %dma_wait3A_68 = tpu.memref_slice %arg7[%dma_wait3A, %dma_wait3A_67] : memref<4x80xi32, #tpu.memory_space<vmem>> -> memref<1x80xi32, #tpu.memory_space<vmem>>
    %dma_wait3A_69 = tpu.memref_squeeze %dma_wait3A_68 : memref<1x80xi32, #tpu.memory_space<vmem>> -> memref<80xi32, #tpu.memory_space<vmem>>
    %dma_wait3A_70 = arith.constant 0 : i32
    %dma_wait3A_71 = tpu.memref_slice %arg4[%dma_wait3A_70] : memref<320000xi32, #tpu.memory_space<hbm>> -> memref<80xi32, #tpu.memory_space<hbm>>
    tpu.wait_dma2 semaphore(%arg12 : memref<!tpu.dma_semaphore, #tpu.memory_space<semaphore_mem>>) src(%dma_wait3A_71 : memref<80xi32, #tpu.memory_space<hbm>>) dst(%dma_wait3A_69 : memref<80xi32, #tpu.memory_space<vmem>>)
    %dma_wait3A_72 = arith.constant 0 : i32
    %dma_wait3A_73 = arith.constant 0 : i32
    %dma_wait3A_74 = tpu.memref_slice %arg8[%dma_wait3A_72, %dma_wait3A_73] : memref<4x80xi32, #tpu.memory_space<vmem>> -> memref<1x80xi32, #tpu.memory_space<vmem>>
    %dma_wait3A_75 = tpu.memref_squeeze %dma_wait3A_74 : memref<1x80xi32, #tpu.memory_space<vmem>> -> memref<80xi32, #tpu.memory_space<vmem>>
    %dma_wait3A_76 = arith.constant 0 : i32
    %dma_wait3A_77 = tpu.memref_slice %arg5[%dma_wait3A_76] : memref<320000xi32, #tpu.memory_space<hbm>> -> memref<80xi32, #tpu.memory_space<hbm>>
    %dma_wait3A_78 = arith.constant 0 : i32
    %dma_wait3A_79 = tpu.memref_slice %arg8[%dma_wait3A_72, %dma_wait3A_78] : memref<4x80xi32, #tpu.memory_space<vmem>> -> memref<1x80xi32, #tpu.memory_space<vmem>>
    %dma_wait3A_80 = tpu.memref_squeeze %dma_wait3A_79 : memref<1x80xi32, #tpu.memory_space<vmem>> -> memref<80xi32, #tpu.memory_space<vmem>>
    %dma_wait3A_81 = arith.constant 0 : i32
    %dma_wait3A_82 = tpu.memref_slice %arg5[%dma_wait3A_81] : memref<320000xi32, #tpu.memory_space<hbm>> -> memref<80xi32, #tpu.memory_space<hbm>>
    tpu.wait_dma2 semaphore(%arg12 : memref<!tpu.dma_semaphore, #tpu.memory_space<semaphore_mem>>) src(%dma_wait3A_82 : memref<80xi32, #tpu.memory_space<hbm>>) dst(%dma_wait3A_80 : memref<80xi32, #tpu.memory_space<vmem>>)
    %dma_start3A_83 = arith.constant 0 : i32
    %dma_start3A_84 = arith.constant 0 : i32
    %dma_start3A_85 = arith.constant 0 : i32
    %dma_start3A_86 = arith.constant 0 : i32
    %dma_start3A_87 = tpu.memref_slice %arg9[%dma_start3A_84, %dma_start3A_85, %dma_start3A_86] : memref<4x80x128xf32, #tpu.memory_space<vmem>> -> memref<1x80x128xf32, #tpu.memory_space<vmem>>
    %dma_start3A_88 = tpu.memref_squeeze %dma_start3A_87 : memref<1x80x128xf32, #tpu.memory_space<vmem>> -> memref<80x128xf32, #tpu.memory_space<vmem>>
    %dma_start3A_89 = arith.constant 0 : i32
    %dma_start3A_90 = tpu.memref_slice %arg7[%dma_start3A_83, %dma_start3A_89] : memref<4x80xi32, #tpu.memory_space<vmem>> -> memref<1x80xi32, #tpu.memory_space<vmem>>
    %dma_start3A_91 = tpu.memref_squeeze %dma_start3A_90 : memref<1x80xi32, #tpu.memory_space<vmem>> -> memref<80xi32, #tpu.memory_space<vmem>>
    %dma_start3A_92 = arith.constant 0 : i32
    %dma_start3A_93 = arith.constant 0 : i32
    %dma_start3A_94 = tpu.memref_slice %arg2[%dma_start3A_92, %dma_start3A_93] : memref<10000x128xf32, #tpu.memory_space<hbm>> -> memref<10000x128xf32, #tpu.memory_space<hbm>>
    tpu.enqueue_indirect_dma source(%dma_start3A_94 : memref<10000x128xf32, #tpu.memory_space<hbm>>) target(%dma_start3A_88 : memref<80x128xf32, #tpu.memory_space<vmem>>) offsets(%dma_start3A_91 : memref<80xi32, #tpu.memory_space<vmem>>) semaphore(%arg16 : memref<!tpu.dma_semaphore, #tpu.memory_space<semaphore_mem>>)
    %dma_start3A_95 = arith.constant 0 : i32
    %dma_start3A_96 = arith.constant 0 : i32
    %dma_start3A_97 = arith.constant 0 : i32
    %dma_start3A_98 = arith.constant 0 : i32
    %dma_start3A_99 = tpu.memref_slice %arg10[%dma_start3A_96, %dma_start3A_97, %dma_start3A_98] : memref<4x80x128xf32, #tpu.memory_space<vmem>> -> memref<1x80x128xf32, #tpu.memory_space<vmem>>
    %dma_start3A_100 = tpu.memref_squeeze %dma_start3A_99 : memref<1x80x128xf32, #tpu.memory_space<vmem>> -> memref<80x128xf32, #tpu.memory_space<vmem>>
    %dma_start3A_101 = arith.constant 0 : i32
    %dma_start3A_102 = tpu.memref_slice %arg8[%dma_start3A_95, %dma_start3A_101] : memref<4x80xi32, #tpu.memory_space<vmem>> -> memref<1x80xi32, #tpu.memory_space<vmem>>
    %dma_start3A_103 = tpu.memref_squeeze %dma_start3A_102 : memref<1x80xi32, #tpu.memory_space<vmem>> -> memref<80xi32, #tpu.memory_space<vmem>>
    %dma_start3A_104 = arith.constant 0 : i32
    %dma_start3A_105 = arith.constant 0 : i32
    %dma_start3A_106 = tpu.memref_slice %arg2[%dma_start3A_104, %dma_start3A_105] : memref<10000x128xf32, #tpu.memory_space<hbm>> -> memref<10000x128xf32, #tpu.memory_space<hbm>>
    tpu.enqueue_indirect_dma source(%dma_start3A_106 : memref<10000x128xf32, #tpu.memory_space<hbm>>) target(%dma_start3A_100 : memref<80x128xf32, #tpu.memory_space<vmem>>) offsets(%dma_start3A_103 : memref<80xi32, #tpu.memory_space<vmem>>) semaphore(%arg16 : memref<!tpu.dma_semaphore, #tpu.memory_space<semaphore_mem>>)
    %add3A_107 = arith.constant 0 : i32
    %add3A_108 = arith.addi %add3A_107, %mul3A_2 : i32
    %add3A_109 = arith.constant 0 : i32
    %add3A_110 = arith.addi %add3A_108, %add3A_109 : i32
    %mul3A_111 = arith.constant 80 : i32
    %mul3A_112 = arith.muli %add3A_110, %mul3A_111 : i32
    %dma_start3A_113 = arith.constant 0 : i32
    %dma_start3A_114 = arith.constant 0 : i32
    %dma_start3A_115 = arith.constant 0 : i32
    %dma_start3A_116 = tpu.memref_slice %arg11[%dma_start3A_113, %dma_start3A_114, %dma_start3A_115] : memref<4x80x16xf32, #tpu.memory_space<vmem>> -> memref<1x80x16xf32, #tpu.memory_space<vmem>>
    %dma_start3A_117 = tpu.memref_squeeze %dma_start3A_116 : memref<1x80x16xf32, #tpu.memory_space<vmem>> -> memref<80x16xf32, #tpu.memory_space<vmem>>
    %dma_start3A_118 = arith.constant 0 : i32
    %dma_start3A_119 = tpu.memref_slice %arg3[%mul3A_112, %dma_start3A_118] : memref<320000x16xf32, #tpu.memory_space<hbm>> -> memref<80x16xf32, #tpu.memory_space<hbm>>
    %dma_start3A_120 = arith.constant 0 : i32
    %dma_start3A_121 = arith.constant 0 : i32
    %dma_start3A_122 = tpu.memref_slice %arg11[%dma_start3A_113, %dma_start3A_120, %dma_start3A_121] : memref<4x80x16xf32, #tpu.memory_space<vmem>> -> memref<1x80x16xf32, #tpu.memory_space<vmem>>
    %dma_start3A_123 = tpu.memref_squeeze %dma_start3A_122 : memref<1x80x16xf32, #tpu.memory_space<vmem>> -> memref<80x16xf32, #tpu.memory_space<vmem>>
    %dma_start3A_124 = arith.constant 0 : i32
    %dma_start3A_125 = tpu.memref_slice %arg3[%mul3A_112, %dma_start3A_124] : memref<320000x16xf32, #tpu.memory_space<hbm>> -> memref<80x16xf32, #tpu.memory_space<hbm>>
    tpu.enqueue_dma source(%dma_start3A_125 : memref<80x16xf32, #tpu.memory_space<hbm>>) target(%dma_start3A_123 : memref<80x16xf32, #tpu.memory_space<vmem>>) target_semaphore(%arg16 : memref<!tpu.dma_semaphore, #tpu.memory_space<semaphore_mem>>)
    %add3A_126 = arith.constant 0 : i32
    %add3A_127 = arith.addi %add3A_126, %mul3A_2 : i32
    %add3A_128 = arith.constant 2 : i32
    %add3A_129 = arith.addi %add3A_127, %add3A_128 : i32
    %mul3A_130 = arith.constant 80 : i32
    %mul3A_131 = arith.muli %add3A_129, %mul3A_130 : i32
    %dma_start3A_132 = arith.constant 2 : i32
    %dma_start3A_133 = arith.constant 0 : i32
    %dma_start3A_134 = tpu.memref_slice %arg7[%dma_start3A_132, %dma_start3A_133] : memref<4x80xi32, #tpu.memory_space<vmem>> -> memref<1x80xi32, #tpu.memory_space<vmem>>
    %dma_start3A_135 = tpu.memref_squeeze %dma_start3A_134 : memref<1x80xi32, #tpu.memory_space<vmem>> -> memref<80xi32, #tpu.memory_space<vmem>>
    %dma_start3A_136 = tpu.memref_slice %arg4[%mul3A_131] : memref<320000xi32, #tpu.memory_space<hbm>> -> memref<80xi32, #tpu.memory_space<hbm>>
    %dma_start3A_137 = arith.constant 0 : i32
    %dma_start3A_138 = tpu.memref_slice %arg7[%dma_start3A_132, %dma_start3A_137] : memref<4x80xi32, #tpu.memory_space<vmem>> -> memref<1x80xi32, #tpu.memory_space<vmem>>
    %dma_start3A_139 = tpu.memref_squeeze %dma_start3A_138 : memref<1x80xi32, #tpu.memory_space<vmem>> -> memref<80xi32, #tpu.memory_space<vmem>>
    %dma_start3A_140 = tpu.memref_slice %arg4[%mul3A_131] : memref<320000xi32, #tpu.memory_space<hbm>> -> memref<80xi32, #tpu.memory_space<hbm>>
    tpu.enqueue_dma source(%dma_start3A_140 : memref<80xi32, #tpu.memory_space<hbm>>) target(%dma_start3A_139 : memref<80xi32, #tpu.memory_space<vmem>>) target_semaphore(%arg14 : memref<!tpu.dma_semaphore, #tpu.memory_space<semaphore_mem>>)
    %add3A_141 = arith.constant 0 : i32
    %add3A_142 = arith.addi %add3A_141, %mul3A_2 : i32
    %add3A_143 = arith.constant 2 : i32
    %add3A_144 = arith.addi %add3A_142, %add3A_143 : i32
    %mul3A_145 = arith.constant 80 : i32
    %mul3A_146 = arith.muli %add3A_144, %mul3A_145 : i32
    %dma_start3A_147 = arith.constant 2 : i32
    %dma_start3A_148 = arith.constant 0 : i32
    %dma_start3A_149 = tpu.memref_slice %arg8[%dma_start3A_147, %dma_start3A_148] : memref<4x80xi32, #tpu.memory_space<vmem>> -> memref<1x80xi32, #tpu.memory_space<vmem>>
    %dma_start3A_150 = tpu.memref_squeeze %dma_start3A_149 : memref<1x80xi32, #tpu.memory_space<vmem>> -> memref<80xi32, #tpu.memory_space<vmem>>
    %dma_start3A_151 = tpu.memref_slice %arg5[%mul3A_146] : memref<320000xi32, #tpu.memory_space<hbm>> -> memref<80xi32, #tpu.memory_space<hbm>>
    %dma_start3A_152 = arith.constant 0 : i32
    %dma_start3A_153 = tpu.memref_slice %arg8[%dma_start3A_147, %dma_start3A_152] : memref<4x80xi32, #tpu.memory_space<vmem>> -> memref<1x80xi32, #tpu.memory_space<vmem>>
    %dma_start3A_154 = tpu.memref_squeeze %dma_start3A_153 : memref<1x80xi32, #tpu.memory_space<vmem>> -> memref<80xi32, #tpu.memory_space<vmem>>
    %dma_start3A_155 = tpu.memref_slice %arg5[%mul3A_146] : memref<320000xi32, #tpu.memory_space<hbm>> -> memref<80xi32, #tpu.memory_space<hbm>>
    tpu.enqueue_dma source(%dma_start3A_155 : memref<80xi32, #tpu.memory_space<hbm>>) target(%dma_start3A_154 : memref<80xi32, #tpu.memory_space<vmem>>) target_semaphore(%arg14 : memref<!tpu.dma_semaphore, #tpu.memory_space<semaphore_mem>>)
    %dma_wait3A_156 = arith.constant 1 : i32
    %dma_wait3A_157 = arith.constant 0 : i32
    %dma_wait3A_158 = tpu.memref_slice %arg7[%dma_wait3A_156, %dma_wait3A_157] : memref<4x80xi32, #tpu.memory_space<vmem>> -> memref<1x80xi32, #tpu.memory_space<vmem>>
    %dma_wait3A_159 = tpu.memref_squeeze %dma_wait3A_158 : memref<1x80xi32, #tpu.memory_space<vmem>> -> memref<80xi32, #tpu.memory_space<vmem>>
    %dma_wait3A_160 = arith.constant 0 : i32
    %dma_wait3A_161 = tpu.memref_slice %arg4[%dma_wait3A_160] : memref<320000xi32, #tpu.memory_space<hbm>> -> memref<80xi32, #tpu.memory_space<hbm>>
    %dma_wait3A_162 = arith.constant 0 : i32
    %dma_wait3A_163 = tpu.memref_slice %arg7[%dma_wait3A_156, %dma_wait3A_162] : memref<4x80xi32, #tpu.memory_space<vmem>> -> memref<1x80xi32, #tpu.memory_space<vmem>>
    %dma_wait3A_164 = tpu.memref_squeeze %dma_wait3A_163 : memref<1x80xi32, #tpu.memory_space<vmem>> -> memref<80xi32, #tpu.memory_space<vmem>>
    %dma_wait3A_165 = arith.constant 0 : i32
    %dma_wait3A_166 = tpu.memref_slice %arg4[%dma_wait3A_165] : memref<320000xi32, #tpu.memory_space<hbm>> -> memref<80xi32, #tpu.memory_space<hbm>>
    tpu.wait_dma2 semaphore(%arg13 : memref<!tpu.dma_semaphore, #tpu.memory_space<semaphore_mem>>) src(%dma_wait3A_166 : memref<80xi32, #tpu.memory_space<hbm>>) dst(%dma_wait3A_164 : memref<80xi32, #tpu.memory_space<vmem>>)
    %dma_wait3A_167 = arith.constant 1 : i32
    %dma_wait3A_168 = arith.constant 0 : i32
    %dma_wait3A_169 = tpu.memref_slice %arg8[%dma_wait3A_167, %dma_wait3A_168] : memref<4x80xi32, #tpu.memory_space<vmem>> -> memref<1x80xi32, #tpu.memory_space<vmem>>
    %dma_wait3A_170 = tpu.memref_squeeze %dma_wait3A_169 : memref<1x80xi32, #tpu.memory_space<vmem>> -> memref<80xi32, #tpu.memory_space<vmem>>
    %dma_wait3A_171 = arith.constant 0 : i32
    %dma_wait3A_172 = tpu.memref_slice %arg5[%dma_wait3A_171] : memref<320000xi32, #tpu.memory_space<hbm>> -> memref<80xi32, #tpu.memory_space<hbm>>
    %dma_wait3A_173 = arith.constant 0 : i32
    %dma_wait3A_174 = tpu.memref_slice %arg8[%dma_wait3A_167, %dma_wait3A_173] : memref<4x80xi32, #tpu.memory_space<vmem>> -> memref<1x80xi32, #tpu.memory_space<vmem>>
    %dma_wait3A_175 = tpu.memref_squeeze %dma_wait3A_174 : memref<1x80xi32, #tpu.memory_space<vmem>> -> memref<80xi32, #tpu.memory_space<vmem>>
    %dma_wait3A_176 = arith.constant 0 : i32
    %dma_wait3A_177 = tpu.memref_slice %arg5[%dma_wait3A_176] : memref<320000xi32, #tpu.memory_space<hbm>> -> memref<80xi32, #tpu.memory_space<hbm>>
    tpu.wait_dma2 semaphore(%arg13 : memref<!tpu.dma_semaphore, #tpu.memory_space<semaphore_mem>>) src(%dma_wait3A_177 : memref<80xi32, #tpu.memory_space<hbm>>) dst(%dma_wait3A_175 : memref<80xi32, #tpu.memory_space<vmem>>)
    %dma_start3A_178 = arith.constant 1 : i32
    %dma_start3A_179 = arith.constant 1 : i32
    %dma_start3A_180 = arith.constant 0 : i32
    %dma_start3A_181 = arith.constant 0 : i32
    %dma_start3A_182 = tpu.memref_slice %arg9[%dma_start3A_179, %dma_start3A_180, %dma_start3A_181] : memref<4x80x128xf32, #tpu.memory_space<vmem>> -> memref<1x80x128xf32, #tpu.memory_space<vmem>>
    %dma_start3A_183 = tpu.memref_squeeze %dma_start3A_182 : memref<1x80x128xf32, #tpu.memory_space<vmem>> -> memref<80x128xf32, #tpu.memory_space<vmem>>
    %dma_start3A_184 = arith.constant 0 : i32
    %dma_start3A_185 = tpu.memref_slice %arg7[%dma_start3A_178, %dma_start3A_184] : memref<4x80xi32, #tpu.memory_space<vmem>> -> memref<1x80xi32, #tpu.memory_space<vmem>>
    %dma_start3A_186 = tpu.memref_squeeze %dma_start3A_185 : memref<1x80xi32, #tpu.memory_space<vmem>> -> memref<80xi32, #tpu.memory_space<vmem>>
    %dma_start3A_187 = arith.constant 0 : i32
    %dma_start3A_188 = arith.constant 0 : i32
    %dma_start3A_189 = tpu.memref_slice %arg2[%dma_start3A_187, %dma_start3A_188] : memref<10000x128xf32, #tpu.memory_space<hbm>> -> memref<10000x128xf32, #tpu.memory_space<hbm>>
    tpu.enqueue_indirect_dma source(%dma_start3A_189 : memref<10000x128xf32, #tpu.memory_space<hbm>>) target(%dma_start3A_183 : memref<80x128xf32, #tpu.memory_space<vmem>>) offsets(%dma_start3A_186 : memref<80xi32, #tpu.memory_space<vmem>>) semaphore(%arg17 : memref<!tpu.dma_semaphore, #tpu.memory_space<semaphore_mem>>)
    %dma_start3A_190 = arith.constant 1 : i32
    %dma_start3A_191 = arith.constant 1 : i32
    %dma_start3A_192 = arith.constant 0 : i32
    %dma_start3A_193 = arith.constant 0 : i32
    %dma_start3A_194 = tpu.memref_slice %arg10[%dma_start3A_191, %dma_start3A_192, %dma_start3A_193] : memref<4x80x128xf32, #tpu.memory_space<vmem>> -> memref<1x80x128xf32, #tpu.memory_space<vmem>>
    %dma_start3A_195 = tpu.memref_squeeze %dma_start3A_194 : memref<1x80x128xf32, #tpu.memory_space<vmem>> -> memref<80x128xf32, #tpu.memory_space<vmem>>
    %dma_start3A_196 = arith.constant 0 : i32
    %dma_start3A_197 = tpu.memref_slice %arg8[%dma_start3A_190, %dma_start3A_196] : memref<4x80xi32, #tpu.memory_space<vmem>> -> memref<1x80xi32, #tpu.memory_space<vmem>>
    %dma_start3A_198 = tpu.memref_squeeze %dma_start3A_197 : memref<1x80xi32, #tpu.memory_space<vmem>> -> memref<80xi32, #tpu.memory_space<vmem>>
    %dma_start3A_199 = arith.constant 0 : i32
    %dma_start3A_200 = arith.constant 0 : i32
    %dma_start3A_201 = tpu.memref_slice %arg2[%dma_start3A_199, %dma_start3A_200] : memref<10000x128xf32, #tpu.memory_space<hbm>> -> memref<10000x128xf32, #tpu.memory_space<hbm>>
    tpu.enqueue_indirect_dma source(%dma_start3A_201 : memref<10000x128xf32, #tpu.memory_space<hbm>>) target(%dma_start3A_195 : memref<80x128xf32, #tpu.memory_space<vmem>>) offsets(%dma_start3A_198 : memref<80xi32, #tpu.memory_space<vmem>>) semaphore(%arg17 : memref<!tpu.dma_semaphore, #tpu.memory_space<semaphore_mem>>)
    %add3A_202 = arith.constant 0 : i32
    %add3A_203 = arith.addi %add3A_202, %mul3A_2 : i32
    %add3A_204 = arith.constant 1 : i32
    %add3A_205 = arith.addi %add3A_203, %add3A_204 : i32
    %mul3A_206 = arith.constant 80 : i32
    %mul3A_207 = arith.muli %add3A_205, %mul3A_206 : i32
    %dma_start3A_208 = arith.constant 1 : i32
    %dma_start3A_209 = arith.constant 0 : i32
    %dma_start3A_210 = arith.constant 0 : i32
    %dma_start3A_211 = tpu.memref_slice %arg11[%dma_start3A_208, %dma_start3A_209, %dma_start3A_210] : memref<4x80x16xf32, #tpu.memory_space<vmem>> -> memref<1x80x16xf32, #tpu.memory_space<vmem>>
    %dma_start3A_212 = tpu.memref_squeeze %dma_start3A_211 : memref<1x80x16xf32, #tpu.memory_space<vmem>> -> memref<80x16xf32, #tpu.memory_space<vmem>>
    %dma_start3A_213 = arith.constant 0 : i32
    %dma_start3A_214 = tpu.memref_slice %arg3[%mul3A_207, %dma_start3A_213] : memref<320000x16xf32, #tpu.memory_space<hbm>> -> memref<80x16xf32, #tpu.memory_space<hbm>>
    %dma_start3A_215 = arith.constant 0 : i32
    %dma_start3A_216 = arith.constant 0 : i32
    %dma_start3A_217 = tpu.memref_slice %arg11[%dma_start3A_208, %dma_start3A_215, %dma_start3A_216] : memref<4x80x16xf32, #tpu.memory_space<vmem>> -> memref<1x80x16xf32, #tpu.memory_space<vmem>>
    %dma_start3A_218 = tpu.memref_squeeze %dma_start3A_217 : memref<1x80x16xf32, #tpu.memory_space<vmem>> -> memref<80x16xf32, #tpu.memory_space<vmem>>
    %dma_start3A_219 = arith.constant 0 : i32
    %dma_start3A_220 = tpu.memref_slice %arg3[%mul3A_207, %dma_start3A_219] : memref<320000x16xf32, #tpu.memory_space<hbm>> -> memref<80x16xf32, #tpu.memory_space<hbm>>
    tpu.enqueue_dma source(%dma_start3A_220 : memref<80x16xf32, #tpu.memory_space<hbm>>) target(%dma_start3A_218 : memref<80x16xf32, #tpu.memory_space<vmem>>) target_semaphore(%arg17 : memref<!tpu.dma_semaphore, #tpu.memory_space<semaphore_mem>>)
    %add3A_221 = arith.constant 0 : i32
    %add3A_222 = arith.addi %add3A_221, %mul3A_2 : i32
    %add3A_223 = arith.constant 3 : i32
    %add3A_224 = arith.addi %add3A_222, %add3A_223 : i32
    %mul3A_225 = arith.constant 80 : i32
    %mul3A_226 = arith.muli %add3A_224, %mul3A_225 : i32
    %dma_start3A_227 = arith.constant 3 : i32
    %dma_start3A_228 = arith.constant 0 : i32
    %dma_start3A_229 = tpu.memref_slice %arg7[%dma_start3A_227, %dma_start3A_228] : memref<4x80xi32, #tpu.memory_space<vmem>> -> memref<1x80xi32, #tpu.memory_space<vmem>>
    %dma_start3A_230 = tpu.memref_squeeze %dma_start3A_229 : memref<1x80xi32, #tpu.memory_space<vmem>> -> memref<80xi32, #tpu.memory_space<vmem>>
    %dma_start3A_231 = tpu.memref_slice %arg4[%mul3A_226] : memref<320000xi32, #tpu.memory_space<hbm>> -> memref<80xi32, #tpu.memory_space<hbm>>
    %dma_start3A_232 = arith.constant 0 : i32
    %dma_start3A_233 = tpu.memref_slice %arg7[%dma_start3A_227, %dma_start3A_232] : memref<4x80xi32, #tpu.memory_space<vmem>> -> memref<1x80xi32, #tpu.memory_space<vmem>>
    %dma_start3A_234 = tpu.memref_squeeze %dma_start3A_233 : memref<1x80xi32, #tpu.memory_space<vmem>> -> memref<80xi32, #tpu.memory_space<vmem>>
    %dma_start3A_235 = tpu.memref_slice %arg4[%mul3A_226] : memref<320000xi32, #tpu.memory_space<hbm>> -> memref<80xi32, #tpu.memory_space<hbm>>
    tpu.enqueue_dma source(%dma_start3A_235 : memref<80xi32, #tpu.memory_space<hbm>>) target(%dma_start3A_234 : memref<80xi32, #tpu.memory_space<vmem>>) target_semaphore(%arg15 : memref<!tpu.dma_semaphore, #tpu.memory_space<semaphore_mem>>)
    %add3A_236 = arith.constant 0 : i32
    %add3A_237 = arith.addi %add3A_236, %mul3A_2 : i32
    %add3A_238 = arith.constant 3 : i32
    %add3A_239 = arith.addi %add3A_237, %add3A_238 : i32
    %mul3A_240 = arith.constant 80 : i32
    %mul3A_241 = arith.muli %add3A_239, %mul3A_240 : i32
    %dma_start3A_242 = arith.constant 3 : i32
    %dma_start3A_243 = arith.constant 0 : i32
    %dma_start3A_244 = tpu.memref_slice %arg8[%dma_start3A_242, %dma_start3A_243] : memref<4x80xi32, #tpu.memory_space<vmem>> -> memref<1x80xi32, #tpu.memory_space<vmem>>
    %dma_start3A_245 = tpu.memref_squeeze %dma_start3A_244 : memref<1x80xi32, #tpu.memory_space<vmem>> -> memref<80xi32, #tpu.memory_space<vmem>>
    %dma_start3A_246 = tpu.memref_slice %arg5[%mul3A_241] : memref<320000xi32, #tpu.memory_space<hbm>> -> memref<80xi32, #tpu.memory_space<hbm>>
    %dma_start3A_247 = arith.constant 0 : i32
    %dma_start3A_248 = tpu.memref_slice %arg8[%dma_start3A_242, %dma_start3A_247] : memref<4x80xi32, #tpu.memory_space<vmem>> -> memref<1x80xi32, #tpu.memory_space<vmem>>
    %dma_start3A_249 = tpu.memref_squeeze %dma_start3A_248 : memref<1x80xi32, #tpu.memory_space<vmem>> -> memref<80xi32, #tpu.memory_space<vmem>>
    %dma_start3A_250 = tpu.memref_slice %arg5[%mul3A_241] : memref<320000xi32, #tpu.memory_space<hbm>> -> memref<80xi32, #tpu.memory_space<hbm>>
    tpu.enqueue_dma source(%dma_start3A_250 : memref<80xi32, #tpu.memory_space<hbm>>) target(%dma_start3A_249 : memref<80xi32, #tpu.memory_space<vmem>>) target_semaphore(%arg15 : memref<!tpu.dma_semaphore, #tpu.memory_space<semaphore_mem>>)
    %dma_wait3A_251 = arith.constant 0 : i32
    %dma_wait3A_252 = arith.constant 0 : i32
    %dma_wait3A_253 = arith.constant 0 : i32
    %dma_wait3A_254 = tpu.memref_slice %arg9[%dma_wait3A_251, %dma_wait3A_252, %dma_wait3A_253] : memref<4x80x128xf32, #tpu.memory_space<vmem>> -> memref<1x80x128xf32, #tpu.memory_space<vmem>>
    %dma_wait3A_255 = tpu.memref_squeeze %dma_wait3A_254 : memref<1x80x128xf32, #tpu.memory_space<vmem>> -> memref<80x128xf32, #tpu.memory_space<vmem>>
    %dma_wait3A_256 = arith.constant 0 : i32
    %dma_wait3A_257 = arith.constant 0 : i32
    %dma_wait3A_258 = tpu.memref_slice %arg2[%dma_wait3A_256, %dma_wait3A_257] : memref<10000x128xf32, #tpu.memory_space<hbm>> -> memref<80x128xf32, #tpu.memory_space<hbm>>
    %dma_wait3A_259 = arith.constant 0 : i32
    %dma_wait3A_260 = arith.constant 0 : i32
    %dma_wait3A_261 = tpu.memref_slice %arg9[%dma_wait3A_251, %dma_wait3A_259, %dma_wait3A_260] : memref<4x80x128xf32, #tpu.memory_space<vmem>> -> memref<1x80x128xf32, #tpu.memory_space<vmem>>
    %dma_wait3A_262 = tpu.memref_squeeze %dma_wait3A_261 : memref<1x80x128xf32, #tpu.memory_space<vmem>> -> memref<80x128xf32, #tpu.memory_space<vmem>>
    %dma_wait3A_263 = arith.constant 0 : i32
    %dma_wait3A_264 = arith.constant 0 : i32
    %dma_wait3A_265 = tpu.memref_slice %arg2[%dma_wait3A_263, %dma_wait3A_264] : memref<10000x128xf32, #tpu.memory_space<hbm>> -> memref<80x128xf32, #tpu.memory_space<hbm>>
    tpu.wait_dma2 semaphore(%arg16 : memref<!tpu.dma_semaphore, #tpu.memory_space<semaphore_mem>>) src(%dma_wait3A_265 : memref<80x128xf32, #tpu.memory_space<hbm>>) dst(%dma_wait3A_262 : memref<80x128xf32, #tpu.memory_space<vmem>>)
    %dma_wait3A_266 = arith.constant 0 : i32
    %dma_wait3A_267 = arith.constant 0 : i32
    %dma_wait3A_268 = arith.constant 0 : i32
    %dma_wait3A_269 = tpu.memref_slice %arg10[%dma_wait3A_266, %dma_wait3A_267, %dma_wait3A_268] : memref<4x80x128xf32, #tpu.memory_space<vmem>> -> memref<1x80x128xf32, #tpu.memory_space<vmem>>
    %dma_wait3A_270 = tpu.memref_squeeze %dma_wait3A_269 : memref<1x80x128xf32, #tpu.memory_space<vmem>> -> memref<80x128xf32, #tpu.memory_space<vmem>>
    %dma_wait3A_271 = arith.constant 0 : i32
    %dma_wait3A_272 = arith.constant 0 : i32
    %dma_wait3A_273 = tpu.memref_slice %arg2[%dma_wait3A_271, %dma_wait3A_272] : memref<10000x128xf32, #tpu.memory_space<hbm>> -> memref<80x128xf32, #tpu.memory_space<hbm>>
    %dma_wait3A_274 = arith.constant 0 : i32
    %dma_wait3A_275 = arith.constant 0 : i32
    %dma_wait3A_276 = tpu.memref_slice %arg10[%dma_wait3A_266, %dma_wait3A_274, %dma_wait3A_275] : memref<4x80x128xf32, #tpu.memory_space<vmem>> -> memref<1x80x128xf32, #tpu.memory_space<vmem>>
    %dma_wait3A_277 = tpu.memref_squeeze %dma_wait3A_276 : memref<1x80x128xf32, #tpu.memory_space<vmem>> -> memref<80x128xf32, #tpu.memory_space<vmem>>
    %dma_wait3A_278 = arith.constant 0 : i32
    %dma_wait3A_279 = arith.constant 0 : i32
    %dma_wait3A_280 = tpu.memref_slice %arg2[%dma_wait3A_278, %dma_wait3A_279] : memref<10000x128xf32, #tpu.memory_space<hbm>> -> memref<80x128xf32, #tpu.memory_space<hbm>>
    tpu.wait_dma2 semaphore(%arg16 : memref<!tpu.dma_semaphore, #tpu.memory_space<semaphore_mem>>) src(%dma_wait3A_280 : memref<80x128xf32, #tpu.memory_space<hbm>>) dst(%dma_wait3A_277 : memref<80x128xf32, #tpu.memory_space<vmem>>)
    %dma_wait3A_281 = arith.constant 0 : i32
    %dma_wait3A_282 = arith.constant 0 : i32
    %dma_wait3A_283 = arith.constant 0 : i32
    %dma_wait3A_284 = tpu.memref_slice %arg11[%dma_wait3A_281, %dma_wait3A_282, %dma_wait3A_283] : memref<4x80x16xf32, #tpu.memory_space<vmem>> -> memref<1x80x16xf32, #tpu.memory_space<vmem>>
    %dma_wait3A_285 = tpu.memref_squeeze %dma_wait3A_284 : memref<1x80x16xf32, #tpu.memory_space<vmem>> -> memref<80x16xf32, #tpu.memory_space<vmem>>
    %dma_wait3A_286 = arith.constant 0 : i32
    %dma_wait3A_287 = arith.constant 0 : i32
    %dma_wait3A_288 = tpu.memref_slice %arg3[%dma_wait3A_286, %dma_wait3A_287] : memref<320000x16xf32, #tpu.memory_space<hbm>> -> memref<80x16xf32, #tpu.memory_space<hbm>>
    %dma_wait3A_289 = arith.constant 0 : i32
    %dma_wait3A_290 = arith.constant 0 : i32
    %dma_wait3A_291 = tpu.memref_slice %arg11[%dma_wait3A_281, %dma_wait3A_289, %dma_wait3A_290] : memref<4x80x16xf32, #tpu.memory_space<vmem>> -> memref<1x80x16xf32, #tpu.memory_space<vmem>>
    %dma_wait3A_292 = tpu.memref_squeeze %dma_wait3A_291 : memref<1x80x16xf32, #tpu.memory_space<vmem>> -> memref<80x16xf32, #tpu.memory_space<vmem>>
    %dma_wait3A_293 = arith.constant 0 : i32
    %dma_wait3A_294 = arith.constant 0 : i32
    %dma_wait3A_295 = tpu.memref_slice %arg3[%dma_wait3A_293, %dma_wait3A_294] : memref<320000x16xf32, #tpu.memory_space<hbm>> -> memref<80x16xf32, #tpu.memory_space<hbm>>
    tpu.wait_dma2 semaphore(%arg16 : memref<!tpu.dma_semaphore, #tpu.memory_space<semaphore_mem>>) src(%dma_wait3A_295 : memref<80x16xf32, #tpu.memory_space<hbm>>) dst(%dma_wait3A_292 : memref<80x16xf32, #tpu.memory_space<vmem>>)
    %add3A_296 = arith.constant 0 : i32
    %add3A_297 = arith.addi %mul3A_2, %add3A_296 : i32
    %mul3A_298 = arith.constant 80 : i32
    %mul3A_299 = arith.muli %add3A_297, %mul3A_298 : i32
    %dma_start3A_300 = arith.constant 0 : i32
    %dma_start3A_301 = arith.constant 0 : i32
    %dma_start3A_302 = arith.constant 0 : i32
    %dma_start3A_303 = tpu.memref_slice %arg9[%dma_start3A_300, %dma_start3A_301, %dma_start3A_302] : memref<4x80x128xf32, #tpu.memory_space<vmem>> -> memref<1x80x128xf32, #tpu.memory_space<vmem>>
    %dma_start3A_304 = tpu.memref_squeeze %dma_start3A_303 : memref<1x80x128xf32, #tpu.memory_space<vmem>> -> memref<80x128xf32, #tpu.memory_space<vmem>>
    %dma_start3A_305 = arith.constant 0 : i32
    %dma_start3A_306 = tpu.memref_slice %arg6[%mul3A_299, %dma_start3A_305] : memref<320000x272xf32, #tpu.memory_space<hbm>> -> memref<80x128xf32, #tpu.memory_space<hbm>>
    %dma_start3A_307 = arith.constant 0 : i32
    %dma_start3A_308 = tpu.memref_slice %arg6[%mul3A_299, %dma_start3A_307] : memref<320000x272xf32, #tpu.memory_space<hbm>> -> memref<80x128xf32, #tpu.memory_space<hbm>>
    %dma_start3A_309 = arith.constant 0 : i32
    %dma_start3A_310 = arith.constant 0 : i32
    %dma_start3A_311 = tpu.memref_slice %arg9[%dma_start3A_300, %dma_start3A_309, %dma_start3A_310] : memref<4x80x128xf32, #tpu.memory_space<vmem>> -> memref<1x80x128xf32, #tpu.memory_space<vmem>>
    %dma_start3A_312 = tpu.memref_squeeze %dma_start3A_311 : memref<1x80x128xf32, #tpu.memory_space<vmem>> -> memref<80x128xf32, #tpu.memory_space<vmem>>
    tpu.enqueue_dma source(%dma_start3A_312 : memref<80x128xf32, #tpu.memory_space<vmem>>) target(%dma_start3A_308 : memref<80x128xf32, #tpu.memory_space<hbm>>) target_semaphore(%arg20 : memref<!tpu.dma_semaphore, #tpu.memory_space<semaphore_mem>>)
    %dma_start3A_313 = arith.constant 0 : i32
    %dma_start3A_314 = arith.constant 0 : i32
    %dma_start3A_315 = arith.constant 0 : i32
    %dma_start3A_316 = tpu.memref_slice %arg10[%dma_start3A_313, %dma_start3A_314, %dma_start3A_315] : memref<4x80x128xf32, #tpu.memory_space<vmem>> -> memref<1x80x128xf32, #tpu.memory_space<vmem>>
    %dma_start3A_317 = tpu.memref_squeeze %dma_start3A_316 : memref<1x80x128xf32, #tpu.memory_space<vmem>> -> memref<80x128xf32, #tpu.memory_space<vmem>>
    %dma_start3A_318 = arith.constant 128 : i32
    %dma_start3A_319 = tpu.memref_slice %arg6[%mul3A_299, %dma_start3A_318] : memref<320000x272xf32, #tpu.memory_space<hbm>> -> memref<80x128xf32, #tpu.memory_space<hbm>>
    %dma_start3A_320 = arith.constant 128 : i32
    %dma_start3A_321 = tpu.memref_slice %arg6[%mul3A_299, %dma_start3A_320] : memref<320000x272xf32, #tpu.memory_space<hbm>> -> memref<80x128xf32, #tpu.memory_space<hbm>>
    %dma_start3A_322 = arith.constant 0 : i32
    %dma_start3A_323 = arith.constant 0 : i32
    %dma_start3A_324 = tpu.memref_slice %arg10[%dma_start3A_313, %dma_start3A_322, %dma_start3A_323] : memref<4x80x128xf32, #tpu.memory_space<vmem>> -> memref<1x80x128xf32, #tpu.memory_space<vmem>>
    %dma_start3A_325 = tpu.memref_squeeze %dma_start3A_324 : memref<1x80x128xf32, #tpu.memory_space<vmem>> -> memref<80x128xf32, #tpu.memory_space<vmem>>
    tpu.enqueue_dma source(%dma_start3A_325 : memref<80x128xf32, #tpu.memory_space<vmem>>) target(%dma_start3A_321 : memref<80x128xf32, #tpu.memory_space<hbm>>) target_semaphore(%arg20 : memref<!tpu.dma_semaphore, #tpu.memory_space<semaphore_mem>>)
    %dma_start3A_326 = arith.constant 0 : i32
    %dma_start3A_327 = arith.constant 0 : i32
    %dma_start3A_328 = arith.constant 0 : i32
    %dma_start3A_329 = tpu.memref_slice %arg11[%dma_start3A_326, %dma_start3A_327, %dma_start3A_328] : memref<4x80x16xf32, #tpu.memory_space<vmem>> -> memref<1x80x16xf32, #tpu.memory_space<vmem>>
    %dma_start3A_330 = tpu.memref_squeeze %dma_start3A_329 : memref<1x80x16xf32, #tpu.memory_space<vmem>> -> memref<80x16xf32, #tpu.memory_space<vmem>>
    %dma_start3A_331 = arith.constant 256 : i32
    %dma_start3A_332 = tpu.memref_slice %arg6[%mul3A_299, %dma_start3A_331] : memref<320000x272xf32, #tpu.memory_space<hbm>> -> memref<80x16xf32, #tpu.memory_space<hbm>>
    %dma_start3A_333 = arith.constant 256 : i32
    %dma_start3A_334 = tpu.memref_slice %arg6[%mul3A_299, %dma_start3A_333] : memref<320000x272xf32, #tpu.memory_space<hbm>> -> memref<80x16xf32, #tpu.memory_space<hbm>>
    %dma_start3A_335 = arith.constant 0 : i32
    %dma_start3A_336 = arith.constant 0 : i32
    %dma_start3A_337 = tpu.memref_slice %arg11[%dma_start3A_326, %dma_start3A_335, %dma_start3A_336] : memref<4x80x16xf32, #tpu.memory_space<vmem>> -> memref<1x80x16xf32, #tpu.memory_space<vmem>>
    %dma_start3A_338 = tpu.memref_squeeze %dma_start3A_337 : memref<1x80x16xf32, #tpu.memory_space<vmem>> -> memref<80x16xf32, #tpu.memory_space<vmem>>
    tpu.enqueue_dma source(%dma_start3A_338 : memref<80x16xf32, #tpu.memory_space<vmem>>) target(%dma_start3A_334 : memref<80x16xf32, #tpu.memory_space<hbm>>) target_semaphore(%arg20 : memref<!tpu.dma_semaphore, #tpu.memory_space<semaphore_mem>>)
    %dma_wait3A_339 = arith.constant 2 : i32
    %dma_wait3A_340 = arith.constant 0 : i32
    %dma_wait3A_341 = tpu.memref_slice %arg7[%dma_wait3A_339, %dma_wait3A_340] : memref<4x80xi32, #tpu.memory_space<vmem>> -> memref<1x80xi32, #tpu.memory_space<vmem>>
    %dma_wait3A_342 = tpu.memref_squeeze %dma_wait3A_341 : memref<1x80xi32, #tpu.memory_space<vmem>> -> memref<80xi32, #tpu.memory_space<vmem>>
    %dma_wait3A_343 = arith.constant 0 : i32
    %dma_wait3A_344 = tpu.memref_slice %arg4[%dma_wait3A_343] : memref<320000xi32, #tpu.memory_space<hbm>> -> memref<80xi32, #tpu.memory_space<hbm>>
    %dma_wait3A_345 = arith.constant 0 : i32
    %dma_wait3A_346 = tpu.memref_slice %arg7[%dma_wait3A_339, %dma_wait3A_345] : memref<4x80xi32, #tpu.memory_space<vmem>> -> memref<1x80xi32, #tpu.memory_space<vmem>>
    %dma_wait3A_347 = tpu.memref_squeeze %dma_wait3A_346 : memref<1x80xi32, #tpu.memory_space<vmem>> -> memref<80xi32, #tpu.memory_space<vmem>>
    %dma_wait3A_348 = arith.constant 0 : i32
    %dma_wait3A_349 = tpu.memref_slice %arg4[%dma_wait3A_348] : memref<320000xi32, #tpu.memory_space<hbm>> -> memref<80xi32, #tpu.memory_space<hbm>>
    tpu.wait_dma2 semaphore(%arg14 : memref<!tpu.dma_semaphore, #tpu.memory_space<semaphore_mem>>) src(%dma_wait3A_349 : memref<80xi32, #tpu.memory_space<hbm>>) dst(%dma_wait3A_347 : memref<80xi32, #tpu.memory_space<vmem>>)
    %dma_wait3A_350 = arith.constant 2 : i32
    %dma_wait3A_351 = arith.constant 0 : i32
    %dma_wait3A_352 = tpu.memref_slice %arg8[%dma_wait3A_350, %dma_wait3A_351] : memref<4x80xi32, #tpu.memory_space<vmem>> -> memref<1x80xi32, #tpu.memory_space<vmem>>
    %dma_wait3A_353 = tpu.memref_squeeze %dma_wait3A_352 : memref<1x80xi32, #tpu.memory_space<vmem>> -> memref<80xi32, #tpu.memory_space<vmem>>
    %dma_wait3A_354 = arith.constant 0 : i32
    %dma_wait3A_355 = tpu.memref_slice %arg5[%dma_wait3A_354] : memref<320000xi32, #tpu.memory_space<hbm>> -> memref<80xi32, #tpu.memory_space<hbm>>
    %dma_wait3A_356 = arith.constant 0 : i32
    %dma_wait3A_357 = tpu.memref_slice %arg8[%dma_wait3A_350, %dma_wait3A_356] : memref<4x80xi32, #tpu.memory_space<vmem>> -> memref<1x80xi32, #tpu.memory_space<vmem>>
    %dma_wait3A_358 = tpu.memref_squeeze %dma_wait3A_357 : memref<1x80xi32, #tpu.memory_space<vmem>> -> memref<80xi32, #tpu.memory_space<vmem>>
    %dma_wait3A_359 = arith.constant 0 : i32
    %dma_wait3A_360 = tpu.memref_slice %arg5[%dma_wait3A_359] : memref<320000xi32, #tpu.memory_space<hbm>> -> memref<80xi32, #tpu.memory_space<hbm>>
    tpu.wait_dma2 semaphore(%arg14 : memref<!tpu.dma_semaphore, #tpu.memory_space<semaphore_mem>>) src(%dma_wait3A_360 : memref<80xi32, #tpu.memory_space<hbm>>) dst(%dma_wait3A_358 : memref<80xi32, #tpu.memory_space<vmem>>)
    %dma_start3A_361 = arith.constant 2 : i32
    %dma_start3A_362 = arith.constant 2 : i32
    %dma_start3A_363 = arith.constant 0 : i32
    %dma_start3A_364 = arith.constant 0 : i32
    %dma_start3A_365 = tpu.memref_slice %arg9[%dma_start3A_362, %dma_start3A_363, %dma_start3A_364] : memref<4x80x128xf32, #tpu.memory_space<vmem>> -> memref<1x80x128xf32, #tpu.memory_space<vmem>>
    %dma_start3A_366 = tpu.memref_squeeze %dma_start3A_365 : memref<1x80x128xf32, #tpu.memory_space<vmem>> -> memref<80x128xf32, #tpu.memory_space<vmem>>
    %dma_start3A_367 = arith.constant 0 : i32
    %dma_start3A_368 = tpu.memref_slice %arg7[%dma_start3A_361, %dma_start3A_367] : memref<4x80xi32, #tpu.memory_space<vmem>> -> memref<1x80xi32, #tpu.memory_space<vmem>>
    %dma_start3A_369 = tpu.memref_squeeze %dma_start3A_368 : memref<1x80xi32, #tpu.memory_space<vmem>> -> memref<80xi32, #tpu.memory_space<vmem>>
    %dma_start3A_370 = arith.constant 0 : i32
    %dma_start3A_371 = arith.constant 0 : i32
    %dma_start3A_372 = tpu.memref_slice %arg2[%dma_start3A_370, %dma_start3A_371] : memref<10000x128xf32, #tpu.memory_space<hbm>> -> memref<10000x128xf32, #tpu.memory_space<hbm>>
    tpu.enqueue_indirect_dma source(%dma_start3A_372 : memref<10000x128xf32, #tpu.memory_space<hbm>>) target(%dma_start3A_366 : memref<80x128xf32, #tpu.memory_space<vmem>>) offsets(%dma_start3A_369 : memref<80xi32, #tpu.memory_space<vmem>>) semaphore(%arg18 : memref<!tpu.dma_semaphore, #tpu.memory_space<semaphore_mem>>)
    %dma_start3A_373 = arith.constant 2 : i32
    %dma_start3A_374 = arith.constant 2 : i32
    %dma_start3A_375 = arith.constant 0 : i32
    %dma_start3A_376 = arith.constant 0 : i32
    %dma_start3A_377 = tpu.memref_slice %arg10[%dma_start3A_374, %dma_start3A_375, %dma_start3A_376] : memref<4x80x128xf32, #tpu.memory_space<vmem>> -> memref<1x80x128xf32, #tpu.memory_space<vmem>>
    %dma_start3A_378 = tpu.memref_squeeze %dma_start3A_377 : memref<1x80x128xf32, #tpu.memory_space<vmem>> -> memref<80x128xf32, #tpu.memory_space<vmem>>
    %dma_start3A_379 = arith.constant 0 : i32
    %dma_start3A_380 = tpu.memref_slice %arg8[%dma_start3A_373, %dma_start3A_379] : memref<4x80xi32, #tpu.memory_space<vmem>> -> memref<1x80xi32, #tpu.memory_space<vmem>>
    %dma_start3A_381 = tpu.memref_squeeze %dma_start3A_380 : memref<1x80xi32, #tpu.memory_space<vmem>> -> memref<80xi32, #tpu.memory_space<vmem>>
    %dma_start3A_382 = arith.constant 0 : i32
    %dma_start3A_383 = arith.constant 0 : i32
    %dma_start3A_384 = tpu.memref_slice %arg2[%dma_start3A_382, %dma_start3A_383] : memref<10000x128xf32, #tpu.memory_space<hbm>> -> memref<10000x128xf32, #tpu.memory_space<hbm>>
    tpu.enqueue_indirect_dma source(%dma_start3A_384 : memref<10000x128xf32, #tpu.memory_space<hbm>>) target(%dma_start3A_378 : memref<80x128xf32, #tpu.memory_space<vmem>>) offsets(%dma_start3A_381 : memref<80xi32, #tpu.memory_space<vmem>>) semaphore(%arg18 : memref<!tpu.dma_semaphore, #tpu.memory_space<semaphore_mem>>)
    %add3A_385 = arith.constant 0 : i32
    %add3A_386 = arith.addi %add3A_385, %mul3A_2 : i32
    %add3A_387 = arith.constant 2 : i32
    %add3A_388 = arith.addi %add3A_386, %add3A_387 : i32
    %mul3A_389 = arith.constant 80 : i32
    %mul3A_390 = arith.muli %add3A_388, %mul3A_389 : i32
    %dma_start3A_391 = arith.constant 2 : i32
    %dma_start3A_392 = arith.constant 0 : i32
    %dma_start3A_393 = arith.constant 0 : i32
    %dma_start3A_394 = tpu.memref_slice %arg11[%dma_start3A_391, %dma_start3A_392, %dma_start3A_393] : memref<4x80x16xf32, #tpu.memory_space<vmem>> -> memref<1x80x16xf32, #tpu.memory_space<vmem>>
    %dma_start3A_395 = tpu.memref_squeeze %dma_start3A_394 : memref<1x80x16xf32, #tpu.memory_space<vmem>> -> memref<80x16xf32, #tpu.memory_space<vmem>>
    %dma_start3A_396 = arith.constant 0 : i32
    %dma_start3A_397 = tpu.memref_slice %arg3[%mul3A_390, %dma_start3A_396] : memref<320000x16xf32, #tpu.memory_space<hbm>> -> memref<80x16xf32, #tpu.memory_space<hbm>>
    %dma_start3A_398 = arith.constant 0 : i32
    %dma_start3A_399 = arith.constant 0 : i32
    %dma_start3A_400 = tpu.memref_slice %arg11[%dma_start3A_391, %dma_start3A_398, %dma_start3A_399] : memref<4x80x16xf32, #tpu.memory_space<vmem>> -> memref<1x80x16xf32, #tpu.memory_space<vmem>>
    %dma_start3A_401 = tpu.memref_squeeze %dma_start3A_400 : memref<1x80x16xf32, #tpu.memory_space<vmem>> -> memref<80x16xf32, #tpu.memory_space<vmem>>
    %dma_start3A_402 = arith.constant 0 : i32
    %dma_start3A_403 = tpu.memref_slice %arg3[%mul3A_390, %dma_start3A_402] : memref<320000x16xf32, #tpu.memory_space<hbm>> -> memref<80x16xf32, #tpu.memory_space<hbm>>
    tpu.enqueue_dma source(%dma_start3A_403 : memref<80x16xf32, #tpu.memory_space<hbm>>) target(%dma_start3A_401 : memref<80x16xf32, #tpu.memory_space<vmem>>) target_semaphore(%arg18 : memref<!tpu.dma_semaphore, #tpu.memory_space<semaphore_mem>>)
    %add3A_404 = arith.constant 0 : i32
    %add3A_405 = arith.addi %add3A_404, %mul3A_2 : i32
    %add3A_406 = arith.constant 4 : i32
    %add3A_407 = arith.addi %add3A_405, %add3A_406 : i32
    %mul3A_408 = arith.constant 80 : i32
    %mul3A_409 = arith.muli %add3A_407, %mul3A_408 : i32
    %dma_start3A_410 = arith.constant 0 : i32
    %dma_start3A_411 = arith.constant 0 : i32
    %dma_start3A_412 = tpu.memref_slice %arg7[%dma_start3A_410, %dma_start3A_411] : memref<4x80xi32, #tpu.memory_space<vmem>> -> memref<1x80xi32, #tpu.memory_space<vmem>>
    %dma_start3A_413 = tpu.memref_squeeze %dma_start3A_412 : memref<1x80xi32, #tpu.memory_space<vmem>> -> memref<80xi32, #tpu.memory_space<vmem>>
    %dma_start3A_414 = tpu.memref_slice %arg4[%mul3A_409] : memref<320000xi32, #tpu.memory_space<hbm>> -> memref<80xi32, #tpu.memory_space<hbm>>
    %dma_start3A_415 = arith.constant 0 : i32
    %dma_start3A_416 = tpu.memref_slice %arg7[%dma_start3A_410, %dma_start3A_415] : memref<4x80xi32, #tpu.memory_space<vmem>> -> memref<1x80xi32, #tpu.memory_space<vmem>>
    %dma_start3A_417 = tpu.memref_squeeze %dma_start3A_416 : memref<1x80xi32, #tpu.memory_space<vmem>> -> memref<80xi32, #tpu.memory_space<vmem>>
    %dma_start3A_418 = tpu.memref_slice %arg4[%mul3A_409] : memref<320000xi32, #tpu.memory_space<hbm>> -> memref<80xi32, #tpu.memory_space<hbm>>
    tpu.enqueue_dma source(%dma_start3A_418 : memref<80xi32, #tpu.memory_space<hbm>>) target(%dma_start3A_417 : memref<80xi32, #tpu.memory_space<vmem>>) target_semaphore(%arg12 : memref<!tpu.dma_semaphore, #tpu.memory_space<semaphore_mem>>)
    %add3A_419 = arith.constant 0 : i32
    %add3A_420 = arith.addi %add3A_419, %mul3A_2 : i32
    %add3A_421 = arith.constant 4 : i32
    %add3A_422 = arith.addi %add3A_420, %add3A_421 : i32
    %mul3A_423 = arith.constant 80 : i32
    %mul3A_424 = arith.muli %add3A_422, %mul3A_423 : i32
    %dma_start3A_425 = arith.constant 0 : i32
    %dma_start3A_426 = arith.constant 0 : i32
    %dma_start3A_427 = tpu.memref_slice %arg8[%dma_start3A_425, %dma_start3A_426] : memref<4x80xi32, #tpu.memory_space<vmem>> -> memref<1x80xi32, #tpu.memory_space<vmem>>
    %dma_start3A_428 = tpu.memref_squeeze %dma_start3A_427 : memref<1x80xi32, #tpu.memory_space<vmem>> -> memref<80xi32, #tpu.memory_space<vmem>>
    %dma_start3A_429 = tpu.memref_slice %arg5[%mul3A_424] : memref<320000xi32, #tpu.memory_space<hbm>> -> memref<80xi32, #tpu.memory_space<hbm>>
    %dma_start3A_430 = arith.constant 0 : i32
    %dma_start3A_431 = tpu.memref_slice %arg8[%dma_start3A_425, %dma_start3A_430] : memref<4x80xi32, #tpu.memory_space<vmem>> -> memref<1x80xi32, #tpu.memory_space<vmem>>
    %dma_start3A_432 = tpu.memref_squeeze %dma_start3A_431 : memref<1x80xi32, #tpu.memory_space<vmem>> -> memref<80xi32, #tpu.memory_space<vmem>>
    %dma_start3A_433 = tpu.memref_slice %arg5[%mul3A_424] : memref<320000xi32, #tpu.memory_space<hbm>> -> memref<80xi32, #tpu.memory_space<hbm>>
    tpu.enqueue_dma source(%dma_start3A_433 : memref<80xi32, #tpu.memory_space<hbm>>) target(%dma_start3A_432 : memref<80xi32, #tpu.memory_space<vmem>>) target_semaphore(%arg12 : memref<!tpu.dma_semaphore, #tpu.memory_space<semaphore_mem>>)
    %dma_wait3A_434 = arith.constant 1 : i32
    %dma_wait3A_435 = arith.constant 0 : i32
    %dma_wait3A_436 = arith.constant 0 : i32
    %dma_wait3A_437 = tpu.memref_slice %arg9[%dma_wait3A_434, %dma_wait3A_435, %dma_wait3A_436] : memref<4x80x128xf32, #tpu.memory_space<vmem>> -> memref<1x80x128xf32, #tpu.memory_space<vmem>>
    %dma_wait3A_438 = tpu.memref_squeeze %dma_wait3A_437 : memref<1x80x128xf32, #tpu.memory_space<vmem>> -> memref<80x128xf32, #tpu.memory_space<vmem>>
    %dma_wait3A_439 = arith.constant 0 : i32
    %dma_wait3A_440 = arith.constant 0 : i32
    %dma_wait3A_441 = tpu.memref_slice %arg2[%dma_wait3A_439, %dma_wait3A_440] : memref<10000x128xf32, #tpu.memory_space<hbm>> -> memref<80x128xf32, #tpu.memory_space<hbm>>
    %dma_wait3A_442 = arith.constant 0 : i32
    %dma_wait3A_443 = arith.constant 0 : i32
    %dma_wait3A_444 = tpu.memref_slice %arg9[%dma_wait3A_434, %dma_wait3A_442, %dma_wait3A_443] : memref<4x80x128xf32, #tpu.memory_space<vmem>> -> memref<1x80x128xf32, #tpu.memory_space<vmem>>
    %dma_wait3A_445 = tpu.memref_squeeze %dma_wait3A_444 : memref<1x80x128xf32, #tpu.memory_space<vmem>> -> memref<80x128xf32, #tpu.memory_space<vmem>>
    %dma_wait3A_446 = arith.constant 0 : i32
    %dma_wait3A_447 = arith.constant 0 : i32
    %dma_wait3A_448 = tpu.memref_slice %arg2[%dma_wait3A_446, %dma_wait3A_447] : memref<10000x128xf32, #tpu.memory_space<hbm>> -> memref<80x128xf32, #tpu.memory_space<hbm>>
    tpu.wait_dma2 semaphore(%arg17 : memref<!tpu.dma_semaphore, #tpu.memory_space<semaphore_mem>>) src(%dma_wait3A_448 : memref<80x128xf32, #tpu.memory_space<hbm>>) dst(%dma_wait3A_445 : memref<80x128xf32, #tpu.memory_space<vmem>>)
    %dma_wait3A_449 = arith.constant 1 : i32
    %dma_wait3A_450 = arith.constant 0 : i32
    %dma_wait3A_451 = arith.constant 0 : i32
    %dma_wait3A_452 = tpu.memref_slice %arg10[%dma_wait3A_449, %dma_wait3A_450, %dma_wait3A_451] : memref<4x80x128xf32, #tpu.memory_space<vmem>> -> memref<1x80x128xf32, #tpu.memory_space<vmem>>
    %dma_wait3A_453 = tpu.memref_squeeze %dma_wait3A_452 : memref<1x80x128xf32, #tpu.memory_space<vmem>> -> memref<80x128xf32, #tpu.memory_space<vmem>>
    %dma_wait3A_454 = arith.constant 0 : i32
    %dma_wait3A_455 = arith.constant 0 : i32
    %dma_wait3A_456 = tpu.memref_slice %arg2[%dma_wait3A_454, %dma_wait3A_455] : memref<10000x128xf32, #tpu.memory_space<hbm>> -> memref<80x128xf32, #tpu.memory_space<hbm>>
    %dma_wait3A_457 = arith.constant 0 : i32
    %dma_wait3A_458 = arith.constant 0 : i32
    %dma_wait3A_459 = tpu.memref_slice %arg10[%dma_wait3A_449, %dma_wait3A_457, %dma_wait3A_458] : memref<4x80x128xf32, #tpu.memory_space<vmem>> -> memref<1x80x128xf32, #tpu.memory_space<vmem>>
    %dma_wait3A_460 = tpu.memref_squeeze %dma_wait3A_459 : memref<1x80x128xf32, #tpu.memory_space<vmem>> -> memref<80x128xf32, #tpu.memory_space<vmem>>
    %dma_wait3A_461 = arith.constant 0 : i32
    %dma_wait3A_462 = arith.constant 0 : i32
    %dma_wait3A_463 = tpu.memref_slice %arg2[%dma_wait3A_461, %dma_wait3A_462] : memref<10000x128xf32, #tpu.memory_space<hbm>> -> memref<80x128xf32, #tpu.memory_space<hbm>>
    tpu.wait_dma2 semaphore(%arg17 : memref<!tpu.dma_semaphore, #tpu.memory_space<semaphore_mem>>) src(%dma_wait3A_463 : memref<80x128xf32, #tpu.memory_space<hbm>>) dst(%dma_wait3A_460 : memref<80x128xf32, #tpu.memory_space<vmem>>)
    %dma_wait3A_464 = arith.constant 1 : i32
    %dma_wait3A_465 = arith.constant 0 : i32
    %dma_wait3A_466 = arith.constant 0 : i32
    %dma_wait3A_467 = tpu.memref_slice %arg11[%dma_wait3A_464, %dma_wait3A_465, %dma_wait3A_466] : memref<4x80x16xf32, #tpu.memory_space<vmem>> -> memref<1x80x16xf32, #tpu.memory_space<vmem>>
    %dma_wait3A_468 = tpu.memref_squeeze %dma_wait3A_467 : memref<1x80x16xf32, #tpu.memory_space<vmem>> -> memref<80x16xf32, #tpu.memory_space<vmem>>
    %dma_wait3A_469 = arith.constant 0 : i32
    %dma_wait3A_470 = arith.constant 0 : i32
    %dma_wait3A_471 = tpu.memref_slice %arg3[%dma_wait3A_469, %dma_wait3A_470] : memref<320000x16xf32, #tpu.memory_space<hbm>> -> memref<80x16xf32, #tpu.memory_space<hbm>>
    %dma_wait3A_472 = arith.constant 0 : i32
    %dma_wait3A_473 = arith.constant 0 : i32
    %dma_wait3A_474 = tpu.memref_slice %arg11[%dma_wait3A_464, %dma_wait3A_472, %dma_wait3A_473] : memref<4x80x16xf32, #tpu.memory_space<vmem>> -> memref<1x80x16xf32, #tpu.memory_space<vmem>>
    %dma_wait3A_475 = tpu.memref_squeeze %dma_wait3A_474 : memref<1x80x16xf32, #tpu.memory_space<vmem>> -> memref<80x16xf32, #tpu.memory_space<vmem>>
    %dma_wait3A_476 = arith.constant 0 : i32
    %dma_wait3A_477 = arith.constant 0 : i32
    %dma_wait3A_478 = tpu.memref_slice %arg3[%dma_wait3A_476, %dma_wait3A_477] : memref<320000x16xf32, #tpu.memory_space<hbm>> -> memref<80x16xf32, #tpu.memory_space<hbm>>
    tpu.wait_dma2 semaphore(%arg17 : memref<!tpu.dma_semaphore, #tpu.memory_space<semaphore_mem>>) src(%dma_wait3A_478 : memref<80x16xf32, #tpu.memory_space<hbm>>) dst(%dma_wait3A_475 : memref<80x16xf32, #tpu.memory_space<vmem>>)
    %add3A_479 = arith.constant 1 : i32
    %add3A_480 = arith.addi %mul3A_2, %add3A_479 : i32
    %mul3A_481 = arith.constant 80 : i32
    %mul3A_482 = arith.muli %add3A_480, %mul3A_481 : i32
    %dma_start3A_483 = arith.constant 1 : i32
    %dma_start3A_484 = arith.constant 0 : i32
    %dma_start3A_485 = arith.constant 0 : i32
    %dma_start3A_486 = tpu.memref_slice %arg9[%dma_start3A_483, %dma_start3A_484, %dma_start3A_485] : memref<4x80x128xf32, #tpu.memory_space<vmem>> -> memref<1x80x128xf32, #tpu.memory_space<vmem>>
    %dma_start3A_487 = tpu.memref_squeeze %dma_start3A_486 : memref<1x80x128xf32, #tpu.memory_space<vmem>> -> memref<80x128xf32, #tpu.memory_space<vmem>>
    %dma_start3A_488 = arith.constant 0 : i32
    %dma_start3A_489 = tpu.memref_slice %arg6[%mul3A_482, %dma_start3A_488] : memref<320000x272xf32, #tpu.memory_space<hbm>> -> memref<80x128xf32, #tpu.memory_space<hbm>>
    %dma_start3A_490 = arith.constant 0 : i32
    %dma_start3A_491 = tpu.memref_slice %arg6[%mul3A_482, %dma_start3A_490] : memref<320000x272xf32, #tpu.memory_space<hbm>> -> memref<80x128xf32, #tpu.memory_space<hbm>>
    %dma_start3A_492 = arith.constant 0 : i32
    %dma_start3A_493 = arith.constant 0 : i32
    %dma_start3A_494 = tpu.memref_slice %arg9[%dma_start3A_483, %dma_start3A_492, %dma_start3A_493] : memref<4x80x128xf32, #tpu.memory_space<vmem>> -> memref<1x80x128xf32, #tpu.memory_space<vmem>>
    %dma_start3A_495 = tpu.memref_squeeze %dma_start3A_494 : memref<1x80x128xf32, #tpu.memory_space<vmem>> -> memref<80x128xf32, #tpu.memory_space<vmem>>
    tpu.enqueue_dma source(%dma_start3A_495 : memref<80x128xf32, #tpu.memory_space<vmem>>) target(%dma_start3A_491 : memref<80x128xf32, #tpu.memory_space<hbm>>) target_semaphore(%arg21 : memref<!tpu.dma_semaphore, #tpu.memory_space<semaphore_mem>>)
    %dma_start3A_496 = arith.constant 1 : i32
    %dma_start3A_497 = arith.constant 0 : i32
    %dma_start3A_498 = arith.constant 0 : i32
    %dma_start3A_499 = tpu.memref_slice %arg10[%dma_start3A_496, %dma_start3A_497, %dma_start3A_498] : memref<4x80x128xf32, #tpu.memory_space<vmem>> -> memref<1x80x128xf32, #tpu.memory_space<vmem>>
    %dma_start3A_500 = tpu.memref_squeeze %dma_start3A_499 : memref<1x80x128xf32, #tpu.memory_space<vmem>> -> memref<80x128xf32, #tpu.memory_space<vmem>>
    %dma_start3A_501 = arith.constant 128 : i32
    %dma_start3A_502 = tpu.memref_slice %arg6[%mul3A_482, %dma_start3A_501] : memref<320000x272xf32, #tpu.memory_space<hbm>> -> memref<80x128xf32, #tpu.memory_space<hbm>>
    %dma_start3A_503 = arith.constant 128 : i32
    %dma_start3A_504 = tpu.memref_slice %arg6[%mul3A_482, %dma_start3A_503] : memref<320000x272xf32, #tpu.memory_space<hbm>> -> memref<80x128xf32, #tpu.memory_space<hbm>>
    %dma_start3A_505 = arith.constant 0 : i32
    %dma_start3A_506 = arith.constant 0 : i32
    %dma_start3A_507 = tpu.memref_slice %arg10[%dma_start3A_496, %dma_start3A_505, %dma_start3A_506] : memref<4x80x128xf32, #tpu.memory_space<vmem>> -> memref<1x80x128xf32, #tpu.memory_space<vmem>>
    %dma_start3A_508 = tpu.memref_squeeze %dma_start3A_507 : memref<1x80x128xf32, #tpu.memory_space<vmem>> -> memref<80x128xf32, #tpu.memory_space<vmem>>
    tpu.enqueue_dma source(%dma_start3A_508 : memref<80x128xf32, #tpu.memory_space<vmem>>) target(%dma_start3A_504 : memref<80x128xf32, #tpu.memory_space<hbm>>) target_semaphore(%arg21 : memref<!tpu.dma_semaphore, #tpu.memory_space<semaphore_mem>>)
    %dma_start3A_509 = arith.constant 1 : i32
    %dma_start3A_510 = arith.constant 0 : i32
    %dma_start3A_511 = arith.constant 0 : i32
    %dma_start3A_512 = tpu.memref_slice %arg11[%dma_start3A_509, %dma_start3A_510, %dma_start3A_511] : memref<4x80x16xf32, #tpu.memory_space<vmem>> -> memref<1x80x16xf32, #tpu.memory_space<vmem>>
    %dma_start3A_513 = tpu.memref_squeeze %dma_start3A_512 : memref<1x80x16xf32, #tpu.memory_space<vmem>> -> memref<80x16xf32, #tpu.memory_space<vmem>>
    %dma_start3A_514 = arith.constant 256 : i32
    %dma_start3A_515 = tpu.memref_slice %arg6[%mul3A_482, %dma_start3A_514] : memref<320000x272xf32, #tpu.memory_space<hbm>> -> memref<80x16xf32, #tpu.memory_space<hbm>>
    %dma_start3A_516 = arith.constant 256 : i32
    %dma_start3A_517 = tpu.memref_slice %arg6[%mul3A_482, %dma_start3A_516] : memref<320000x272xf32, #tpu.memory_space<hbm>> -> memref<80x16xf32, #tpu.memory_space<hbm>>
    %dma_start3A_518 = arith.constant 0 : i32
    %dma_start3A_519 = arith.constant 0 : i32
    %dma_start3A_520 = tpu.memref_slice %arg11[%dma_start3A_509, %dma_start3A_518, %dma_start3A_519] : memref<4x80x16xf32, #tpu.memory_space<vmem>> -> memref<1x80x16xf32, #tpu.memory_space<vmem>>
    %dma_start3A_521 = tpu.memref_squeeze %dma_start3A_520 : memref<1x80x16xf32, #tpu.memory_space<vmem>> -> memref<80x16xf32, #tpu.memory_space<vmem>>
    tpu.enqueue_dma source(%dma_start3A_521 : memref<80x16xf32, #tpu.memory_space<vmem>>) target(%dma_start3A_517 : memref<80x16xf32, #tpu.memory_space<hbm>>) target_semaphore(%arg21 : memref<!tpu.dma_semaphore, #tpu.memory_space<semaphore_mem>>)
    %dma_wait3A_522 = arith.constant 3 : i32
    %dma_wait3A_523 = arith.constant 0 : i32
    %dma_wait3A_524 = tpu.memref_slice %arg7[%dma_wait3A_522, %dma_wait3A_523] : memref<4x80xi32, #tpu.memory_space<vmem>> -> memref<1x80xi32, #tpu.memory_space<vmem>>
    %dma_wait3A_525 = tpu.memref_squeeze %dma_wait3A_524 : memref<1x80xi32, #tpu.memory_space<vmem>> -> memref<80xi32, #tpu.memory_space<vmem>>
    %dma_wait3A_526 = arith.constant 0 : i32
    %dma_wait3A_527 = tpu.memref_slice %arg4[%dma_wait3A_526] : memref<320000xi32, #tpu.memory_space<hbm>> -> memref<80xi32, #tpu.memory_space<hbm>>
    %dma_wait3A_528 = arith.constant 0 : i32
    %dma_wait3A_529 = tpu.memref_slice %arg7[%dma_wait3A_522, %dma_wait3A_528] : memref<4x80xi32, #tpu.memory_space<vmem>> -> memref<1x80xi32, #tpu.memory_space<vmem>>
    %dma_wait3A_530 = tpu.memref_squeeze %dma_wait3A_529 : memref<1x80xi32, #tpu.memory_space<vmem>> -> memref<80xi32, #tpu.memory_space<vmem>>
    %dma_wait3A_531 = arith.constant 0 : i32
    %dma_wait3A_532 = tpu.memref_slice %arg4[%dma_wait3A_531] : memref<320000xi32, #tpu.memory_space<hbm>> -> memref<80xi32, #tpu.memory_space<hbm>>
    tpu.wait_dma2 semaphore(%arg15 : memref<!tpu.dma_semaphore, #tpu.memory_space<semaphore_mem>>) src(%dma_wait3A_532 : memref<80xi32, #tpu.memory_space<hbm>>) dst(%dma_wait3A_530 : memref<80xi32, #tpu.memory_space<vmem>>)
    %dma_wait3A_533 = arith.constant 3 : i32
    %dma_wait3A_534 = arith.constant 0 : i32
    %dma_wait3A_535 = tpu.memref_slice %arg8[%dma_wait3A_533, %dma_wait3A_534] : memref<4x80xi32, #tpu.memory_space<vmem>> -> memref<1x80xi32, #tpu.memory_space<vmem>>
    %dma_wait3A_536 = tpu.memref_squeeze %dma_wait3A_535 : memref<1x80xi32, #tpu.memory_space<vmem>> -> memref<80xi32, #tpu.memory_space<vmem>>
    %dma_wait3A_537 = arith.constant 0 : i32
    %dma_wait3A_538 = tpu.memref_slice %arg5[%dma_wait3A_537] : memref<320000xi32, #tpu.memory_space<hbm>> -> memref<80xi32, #tpu.memory_space<hbm>>
    %dma_wait3A_539 = arith.constant 0 : i32
    %dma_wait3A_540 = tpu.memref_slice %arg8[%dma_wait3A_533, %dma_wait3A_539] : memref<4x80xi32, #tpu.memory_space<vmem>> -> memref<1x80xi32, #tpu.memory_space<vmem>>
    %dma_wait3A_541 = tpu.memref_squeeze %dma_wait3A_540 : memref<1x80xi32, #tpu.memory_space<vmem>> -> memref<80xi32, #tpu.memory_space<vmem>>
    %dma_wait3A_542 = arith.constant 0 : i32
    %dma_wait3A_543 = tpu.memref_slice %arg5[%dma_wait3A_542] : memref<320000xi32, #tpu.memory_space<hbm>> -> memref<80xi32, #tpu.memory_space<hbm>>
    tpu.wait_dma2 semaphore(%arg15 : memref<!tpu.dma_semaphore, #tpu.memory_space<semaphore_mem>>) src(%dma_wait3A_543 : memref<80xi32, #tpu.memory_space<hbm>>) dst(%dma_wait3A_541 : memref<80xi32, #tpu.memory_space<vmem>>)
    %dma_start3A_544 = arith.constant 3 : i32
    %dma_start3A_545 = arith.constant 3 : i32
    %dma_start3A_546 = arith.constant 0 : i32
    %dma_start3A_547 = arith.constant 0 : i32
    %dma_start3A_548 = tpu.memref_slice %arg9[%dma_start3A_545, %dma_start3A_546, %dma_start3A_547] : memref<4x80x128xf32, #tpu.memory_space<vmem>> -> memref<1x80x128xf32, #tpu.memory_space<vmem>>
    %dma_start3A_549 = tpu.memref_squeeze %dma_start3A_548 : memref<1x80x128xf32, #tpu.memory_space<vmem>> -> memref<80x128xf32, #tpu.memory_space<vmem>>
    %dma_start3A_550 = arith.constant 0 : i32
    %dma_start3A_551 = tpu.memref_slice %arg7[%dma_start3A_544, %dma_start3A_550] : memref<4x80xi32, #tpu.memory_space<vmem>> -> memref<1x80xi32, #tpu.memory_space<vmem>>
    %dma_start3A_552 = tpu.memref_squeeze %dma_start3A_551 : memref<1x80xi32, #tpu.memory_space<vmem>> -> memref<80xi32, #tpu.memory_space<vmem>>
    %dma_start3A_553 = arith.constant 0 : i32
    %dma_start3A_554 = arith.constant 0 : i32
    %dma_start3A_555 = tpu.memref_slice %arg2[%dma_start3A_553, %dma_start3A_554] : memref<10000x128xf32, #tpu.memory_space<hbm>> -> memref<10000x128xf32, #tpu.memory_space<hbm>>
    tpu.enqueue_indirect_dma source(%dma_start3A_555 : memref<10000x128xf32, #tpu.memory_space<hbm>>) target(%dma_start3A_549 : memref<80x128xf32, #tpu.memory_space<vmem>>) offsets(%dma_start3A_552 : memref<80xi32, #tpu.memory_space<vmem>>) semaphore(%arg19 : memref<!tpu.dma_semaphore, #tpu.memory_space<semaphore_mem>>)
    %dma_start3A_556 = arith.constant 3 : i32
    %dma_start3A_557 = arith.constant 3 : i32
    %dma_start3A_558 = arith.constant 0 : i32
    %dma_start3A_559 = arith.constant 0 : i32
    %dma_start3A_560 = tpu.memref_slice %arg10[%dma_start3A_557, %dma_start3A_558, %dma_start3A_559] : memref<4x80x128xf32, #tpu.memory_space<vmem>> -> memref<1x80x128xf32, #tpu.memory_space<vmem>>
    %dma_start3A_561 = tpu.memref_squeeze %dma_start3A_560 : memref<1x80x128xf32, #tpu.memory_space<vmem>> -> memref<80x128xf32, #tpu.memory_space<vmem>>
    %dma_start3A_562 = arith.constant 0 : i32
    %dma_start3A_563 = tpu.memref_slice %arg8[%dma_start3A_556, %dma_start3A_562] : memref<4x80xi32, #tpu.memory_space<vmem>> -> memref<1x80xi32, #tpu.memory_space<vmem>>
    %dma_start3A_564 = tpu.memref_squeeze %dma_start3A_563 : memref<1x80xi32, #tpu.memory_space<vmem>> -> memref<80xi32, #tpu.memory_space<vmem>>
    %dma_start3A_565 = arith.constant 0 : i32
    %dma_start3A_566 = arith.constant 0 : i32
    %dma_start3A_567 = tpu.memref_slice %arg2[%dma_start3A_565, %dma_start3A_566] : memref<10000x128xf32, #tpu.memory_space<hbm>> -> memref<10000x128xf32, #tpu.memory_space<hbm>>
    tpu.enqueue_indirect_dma source(%dma_start3A_567 : memref<10000x128xf32, #tpu.memory_space<hbm>>) target(%dma_start3A_561 : memref<80x128xf32, #tpu.memory_space<vmem>>) offsets(%dma_start3A_564 : memref<80xi32, #tpu.memory_space<vmem>>) semaphore(%arg19 : memref<!tpu.dma_semaphore, #tpu.memory_space<semaphore_mem>>)
    %add3A_568 = arith.constant 0 : i32
    %add3A_569 = arith.addi %add3A_568, %mul3A_2 : i32
    %add3A_570 = arith.constant 3 : i32
    %add3A_571 = arith.addi %add3A_569, %add3A_570 : i32
    %mul3A_572 = arith.constant 80 : i32
    %mul3A_573 = arith.muli %add3A_571, %mul3A_572 : i32
    %dma_start3A_574 = arith.constant 3 : i32
    %dma_start3A_575 = arith.constant 0 : i32
    %dma_start3A_576 = arith.constant 0 : i32
    %dma_start3A_577 = tpu.memref_slice %arg11[%dma_start3A_574, %dma_start3A_575, %dma_start3A_576] : memref<4x80x16xf32, #tpu.memory_space<vmem>> -> memref<1x80x16xf32, #tpu.memory_space<vmem>>
    %dma_start3A_578 = tpu.memref_squeeze %dma_start3A_577 : memref<1x80x16xf32, #tpu.memory_space<vmem>> -> memref<80x16xf32, #tpu.memory_space<vmem>>
    %dma_start3A_579 = arith.constant 0 : i32
    %dma_start3A_580 = tpu.memref_slice %arg3[%mul3A_573, %dma_start3A_579] : memref<320000x16xf32, #tpu.memory_space<hbm>> -> memref<80x16xf32, #tpu.memory_space<hbm>>
    %dma_start3A_581 = arith.constant 0 : i32
    %dma_start3A_582 = arith.constant 0 : i32
    %dma_start3A_583 = tpu.memref_slice %arg11[%dma_start3A_574, %dma_start3A_581, %dma_start3A_582] : memref<4x80x16xf32, #tpu.memory_space<vmem>> -> memref<1x80x16xf32, #tpu.memory_space<vmem>>
    %dma_start3A_584 = tpu.memref_squeeze %dma_start3A_583 : memref<1x80x16xf32, #tpu.memory_space<vmem>> -> memref<80x16xf32, #tpu.memory_space<vmem>>
    %dma_start3A_585 = arith.constant 0 : i32
    %dma_start3A_586 = tpu.memref_slice %arg3[%mul3A_573, %dma_start3A_585] : memref<320000x16xf32, #tpu.memory_space<hbm>> -> memref<80x16xf32, #tpu.memory_space<hbm>>
    tpu.enqueue_dma source(%dma_start3A_586 : memref<80x16xf32, #tpu.memory_space<hbm>>) target(%dma_start3A_584 : memref<80x16xf32, #tpu.memory_space<vmem>>) target_semaphore(%arg19 : memref<!tpu.dma_semaphore, #tpu.memory_space<semaphore_mem>>)
    %add3A_587 = arith.constant 0 : i32
    %add3A_588 = arith.addi %add3A_587, %mul3A_2 : i32
    %add3A_589 = arith.constant 5 : i32
    %add3A_590 = arith.addi %add3A_588, %add3A_589 : i32
    %mul3A_591 = arith.constant 80 : i32
    %mul3A_592 = arith.muli %add3A_590, %mul3A_591 : i32
    %dma_start3A_593 = arith.constant 1 : i32
    %dma_start3A_594 = arith.constant 0 : i32
    %dma_start3A_595 = tpu.memref_slice %arg7[%dma_start3A_593, %dma_start3A_594] : memref<4x80xi32, #tpu.memory_space<vmem>> -> memref<1x80xi32, #tpu.memory_space<vmem>>
    %dma_start3A_596 = tpu.memref_squeeze %dma_start3A_595 : memref<1x80xi32, #tpu.memory_space<vmem>> -> memref<80xi32, #tpu.memory_space<vmem>>
    %dma_start3A_597 = tpu.memref_slice %arg4[%mul3A_592] : memref<320000xi32, #tpu.memory_space<hbm>> -> memref<80xi32, #tpu.memory_space<hbm>>
    %dma_start3A_598 = arith.constant 0 : i32
    %dma_start3A_599 = tpu.memref_slice %arg7[%dma_start3A_593, %dma_start3A_598] : memref<4x80xi32, #tpu.memory_space<vmem>> -> memref<1x80xi32, #tpu.memory_space<vmem>>
    %dma_start3A_600 = tpu.memref_squeeze %dma_start3A_599 : memref<1x80xi32, #tpu.memory_space<vmem>> -> memref<80xi32, #tpu.memory_space<vmem>>
    %dma_start3A_601 = tpu.memref_slice %arg4[%mul3A_592] : memref<320000xi32, #tpu.memory_space<hbm>> -> memref<80xi32, #tpu.memory_space<hbm>>
    tpu.enqueue_dma source(%dma_start3A_601 : memref<80xi32, #tpu.memory_space<hbm>>) target(%dma_start3A_600 : memref<80xi32, #tpu.memory_space<vmem>>) target_semaphore(%arg13 : memref<!tpu.dma_semaphore, #tpu.memory_space<semaphore_mem>>)
    %add3A_602 = arith.constant 0 : i32
    %add3A_603 = arith.addi %add3A_602, %mul3A_2 : i32
    %add3A_604 = arith.constant 5 : i32
    %add3A_605 = arith.addi %add3A_603, %add3A_604 : i32
    %mul3A_606 = arith.constant 80 : i32
    %mul3A_607 = arith.muli %add3A_605, %mul3A_606 : i32
    %dma_start3A_608 = arith.constant 1 : i32
    %dma_start3A_609 = arith.constant 0 : i32
    %dma_start3A_610 = tpu.memref_slice %arg8[%dma_start3A_608, %dma_start3A_609] : memref<4x80xi32, #tpu.memory_space<vmem>> -> memref<1x80xi32, #tpu.memory_space<vmem>>
    %dma_start3A_611 = tpu.memref_squeeze %dma_start3A_610 : memref<1x80xi32, #tpu.memory_space<vmem>> -> memref<80xi32, #tpu.memory_space<vmem>>
    %dma_start3A_612 = tpu.memref_slice %arg5[%mul3A_607] : memref<320000xi32, #tpu.memory_space<hbm>> -> memref<80xi32, #tpu.memory_space<hbm>>
    %dma_start3A_613 = arith.constant 0 : i32
    %dma_start3A_614 = tpu.memref_slice %arg8[%dma_start3A_608, %dma_start3A_613] : memref<4x80xi32, #tpu.memory_space<vmem>> -> memref<1x80xi32, #tpu.memory_space<vmem>>
    %dma_start3A_615 = tpu.memref_squeeze %dma_start3A_614 : memref<1x80xi32, #tpu.memory_space<vmem>> -> memref<80xi32, #tpu.memory_space<vmem>>
    %dma_start3A_616 = tpu.memref_slice %arg5[%mul3A_607] : memref<320000xi32, #tpu.memory_space<hbm>> -> memref<80xi32, #tpu.memory_space<hbm>>
    tpu.enqueue_dma source(%dma_start3A_616 : memref<80xi32, #tpu.memory_space<hbm>>) target(%dma_start3A_615 : memref<80xi32, #tpu.memory_space<vmem>>) target_semaphore(%arg13 : memref<!tpu.dma_semaphore, #tpu.memory_space<semaphore_mem>>)
    %scan3A = arith.constant 0 : i32
    %scan3A_617 = arith.constant 29 : i32
    %scan3A_618 = arith.addi %scan3A, %scan3A_617 : i32
    %scan3A_619 = arith.constant 1 : i32
    scf.for %scan3A_1890 = %scan3A to %scan3A_618 step %scan3A_619  : i32 {
      %mul3A_1891 = arith.constant 4 : i32
      %mul3A_1892 = arith.muli %scan3A_1890, %mul3A_1891 : i32
      %add3A_1893 = arith.constant 2 : i32
      %add3A_1894 = arith.addi %add3A_1893, %mul3A_1892 : i32
      %add3A_1895 = arith.constant 0 : i32
      %add3A_1896 = arith.addi %add3A_1894, %add3A_1895 : i32
      %dma_wait3A_1897 = arith.constant 2 : i32
      %dma_wait3A_1898 = arith.constant 0 : i32
      %dma_wait3A_1899 = arith.constant 0 : i32
      %dma_wait3A_1900 = tpu.memref_slice %arg9[%dma_wait3A_1897, %dma_wait3A_1898, %dma_wait3A_1899] : memref<4x80x128xf32, #tpu.memory_space<vmem>> -> memref<1x80x128xf32, #tpu.memory_space<vmem>>
      %dma_wait3A_1901 = tpu.memref_squeeze %dma_wait3A_1900 : memref<1x80x128xf32, #tpu.memory_space<vmem>> -> memref<80x128xf32, #tpu.memory_space<vmem>>
      %dma_wait3A_1902 = arith.constant 0 : i32
      %dma_wait3A_1903 = arith.constant 0 : i32
      %dma_wait3A_1904 = tpu.memref_slice %arg2[%dma_wait3A_1902, %dma_wait3A_1903] : memref<10000x128xf32, #tpu.memory_space<hbm>> -> memref<80x128xf32, #tpu.memory_space<hbm>>
      %dma_wait3A_1905 = arith.constant 0 : i32
      %dma_wait3A_1906 = arith.constant 0 : i32
      %dma_wait3A_1907 = tpu.memref_slice %arg9[%dma_wait3A_1897, %dma_wait3A_1905, %dma_wait3A_1906] : memref<4x80x128xf32, #tpu.memory_space<vmem>> -> memref<1x80x128xf32, #tpu.memory_space<vmem>>
      %dma_wait3A_1908 = tpu.memref_squeeze %dma_wait3A_1907 : memref<1x80x128xf32, #tpu.memory_space<vmem>> -> memref<80x128xf32, #tpu.memory_space<vmem>>
      %dma_wait3A_1909 = arith.constant 0 : i32
      %dma_wait3A_1910 = arith.constant 0 : i32
      %dma_wait3A_1911 = tpu.memref_slice %arg2[%dma_wait3A_1909, %dma_wait3A_1910] : memref<10000x128xf32, #tpu.memory_space<hbm>> -> memref<80x128xf32, #tpu.memory_space<hbm>>
      tpu.wait_dma2 semaphore(%arg18 : memref<!tpu.dma_semaphore, #tpu.memory_space<semaphore_mem>>) src(%dma_wait3A_1911 : memref<80x128xf32, #tpu.memory_space<hbm>>) dst(%dma_wait3A_1908 : memref<80x128xf32, #tpu.memory_space<vmem>>)
      %dma_wait3A_1912 = arith.constant 2 : i32
      %dma_wait3A_1913 = arith.constant 0 : i32
      %dma_wait3A_1914 = arith.constant 0 : i32
      %dma_wait3A_1915 = tpu.memref_slice %arg10[%dma_wait3A_1912, %dma_wait3A_1913, %dma_wait3A_1914] : memref<4x80x128xf32, #tpu.memory_space<vmem>> -> memref<1x80x128xf32, #tpu.memory_space<vmem>>
      %dma_wait3A_1916 = tpu.memref_squeeze %dma_wait3A_1915 : memref<1x80x128xf32, #tpu.memory_space<vmem>> -> memref<80x128xf32, #tpu.memory_space<vmem>>
      %dma_wait3A_1917 = arith.constant 0 : i32
      %dma_wait3A_1918 = arith.constant 0 : i32
      %dma_wait3A_1919 = tpu.memref_slice %arg2[%dma_wait3A_1917, %dma_wait3A_1918] : memref<10000x128xf32, #tpu.memory_space<hbm>> -> memref<80x128xf32, #tpu.memory_space<hbm>>
      %dma_wait3A_1920 = arith.constant 0 : i32
      %dma_wait3A_1921 = arith.constant 0 : i32
      %dma_wait3A_1922 = tpu.memref_slice %arg10[%dma_wait3A_1912, %dma_wait3A_1920, %dma_wait3A_1921] : memref<4x80x128xf32, #tpu.memory_space<vmem>> -> memref<1x80x128xf32, #tpu.memory_space<vmem>>
      %dma_wait3A_1923 = tpu.memref_squeeze %dma_wait3A_1922 : memref<1x80x128xf32, #tpu.memory_space<vmem>> -> memref<80x128xf32, #tpu.memory_space<vmem>>
      %dma_wait3A_1924 = arith.constant 0 : i32
      %dma_wait3A_1925 = arith.constant 0 : i32
      %dma_wait3A_1926 = tpu.memref_slice %arg2[%dma_wait3A_1924, %dma_wait3A_1925] : memref<10000x128xf32, #tpu.memory_space<hbm>> -> memref<80x128xf32, #tpu.memory_space<hbm>>
      tpu.wait_dma2 semaphore(%arg18 : memref<!tpu.dma_semaphore, #tpu.memory_space<semaphore_mem>>) src(%dma_wait3A_1926 : memref<80x128xf32, #tpu.memory_space<hbm>>) dst(%dma_wait3A_1923 : memref<80x128xf32, #tpu.memory_space<vmem>>)
      %dma_wait3A_1927 = arith.constant 2 : i32
      %dma_wait3A_1928 = arith.constant 0 : i32
      %dma_wait3A_1929 = arith.constant 0 : i32
      %dma_wait3A_1930 = tpu.memref_slice %arg11[%dma_wait3A_1927, %dma_wait3A_1928, %dma_wait3A_1929] : memref<4x80x16xf32, #tpu.memory_space<vmem>> -> memref<1x80x16xf32, #tpu.memory_space<vmem>>
      %dma_wait3A_1931 = tpu.memref_squeeze %dma_wait3A_1930 : memref<1x80x16xf32, #tpu.memory_space<vmem>> -> memref<80x16xf32, #tpu.memory_space<vmem>>
      %dma_wait3A_1932 = arith.constant 0 : i32
      %dma_wait3A_1933 = arith.constant 0 : i32
      %dma_wait3A_1934 = tpu.memref_slice %arg3[%dma_wait3A_1932, %dma_wait3A_1933] : memref<320000x16xf32, #tpu.memory_space<hbm>> -> memref<80x16xf32, #tpu.memory_space<hbm>>
      %dma_wait3A_1935 = arith.constant 0 : i32
      %dma_wait3A_1936 = arith.constant 0 : i32
      %dma_wait3A_1937 = tpu.memref_slice %arg11[%dma_wait3A_1927, %dma_wait3A_1935, %dma_wait3A_1936] : memref<4x80x16xf32, #tpu.memory_space<vmem>> -> memref<1x80x16xf32, #tpu.memory_space<vmem>>
      %dma_wait3A_1938 = tpu.memref_squeeze %dma_wait3A_1937 : memref<1x80x16xf32, #tpu.memory_space<vmem>> -> memref<80x16xf32, #tpu.memory_space<vmem>>
      %dma_wait3A_1939 = arith.constant 0 : i32
      %dma_wait3A_1940 = arith.constant 0 : i32
      %dma_wait3A_1941 = tpu.memref_slice %arg3[%dma_wait3A_1939, %dma_wait3A_1940] : memref<320000x16xf32, #tpu.memory_space<hbm>> -> memref<80x16xf32, #tpu.memory_space<hbm>>
      tpu.wait_dma2 semaphore(%arg18 : memref<!tpu.dma_semaphore, #tpu.memory_space<semaphore_mem>>) src(%dma_wait3A_1941 : memref<80x16xf32, #tpu.memory_space<hbm>>) dst(%dma_wait3A_1938 : memref<80x16xf32, #tpu.memory_space<vmem>>)
      %add3A_1942 = arith.addi %mul3A_2, %add3A_1896 : i32
      %mul3A_1943 = arith.constant 80 : i32
      %mul3A_1944 = arith.muli %add3A_1942, %mul3A_1943 : i32
      %dma_start3A_1945 = arith.constant 2 : i32
      %dma_start3A_1946 = arith.constant 0 : i32
      %dma_start3A_1947 = arith.constant 0 : i32
      %dma_start3A_1948 = tpu.memref_slice %arg9[%dma_start3A_1945, %dma_start3A_1946, %dma_start3A_1947] : memref<4x80x128xf32, #tpu.memory_space<vmem>> -> memref<1x80x128xf32, #tpu.memory_space<vmem>>
      %dma_start3A_1949 = tpu.memref_squeeze %dma_start3A_1948 : memref<1x80x128xf32, #tpu.memory_space<vmem>> -> memref<80x128xf32, #tpu.memory_space<vmem>>
      %dma_start3A_1950 = arith.constant 0 : i32
      %dma_start3A_1951 = tpu.memref_slice %arg6[%mul3A_1944, %dma_start3A_1950] : memref<320000x272xf32, #tpu.memory_space<hbm>> -> memref<80x128xf32, #tpu.memory_space<hbm>>
      %dma_start3A_1952 = arith.constant 0 : i32
      %dma_start3A_1953 = tpu.memref_slice %arg6[%mul3A_1944, %dma_start3A_1952] : memref<320000x272xf32, #tpu.memory_space<hbm>> -> memref<80x128xf32, #tpu.memory_space<hbm>>
      %dma_start3A_1954 = arith.constant 0 : i32
      %dma_start3A_1955 = arith.constant 0 : i32
      %dma_start3A_1956 = tpu.memref_slice %arg9[%dma_start3A_1945, %dma_start3A_1954, %dma_start3A_1955] : memref<4x80x128xf32, #tpu.memory_space<vmem>> -> memref<1x80x128xf32, #tpu.memory_space<vmem>>
      %dma_start3A_1957 = tpu.memref_squeeze %dma_start3A_1956 : memref<1x80x128xf32, #tpu.memory_space<vmem>> -> memref<80x128xf32, #tpu.memory_space<vmem>>
      tpu.enqueue_dma source(%dma_start3A_1957 : memref<80x128xf32, #tpu.memory_space<vmem>>) target(%dma_start3A_1953 : memref<80x128xf32, #tpu.memory_space<hbm>>) target_semaphore(%arg22 : memref<!tpu.dma_semaphore, #tpu.memory_space<semaphore_mem>>)
      %dma_start3A_1958 = arith.constant 2 : i32
      %dma_start3A_1959 = arith.constant 0 : i32
      %dma_start3A_1960 = arith.constant 0 : i32
      %dma_start3A_1961 = tpu.memref_slice %arg10[%dma_start3A_1958, %dma_start3A_1959, %dma_start3A_1960] : memref<4x80x128xf32, #tpu.memory_space<vmem>> -> memref<1x80x128xf32, #tpu.memory_space<vmem>>
      %dma_start3A_1962 = tpu.memref_squeeze %dma_start3A_1961 : memref<1x80x128xf32, #tpu.memory_space<vmem>> -> memref<80x128xf32, #tpu.memory_space<vmem>>
      %dma_start3A_1963 = arith.constant 128 : i32
      %dma_start3A_1964 = tpu.memref_slice %arg6[%mul3A_1944, %dma_start3A_1963] : memref<320000x272xf32, #tpu.memory_space<hbm>> -> memref<80x128xf32, #tpu.memory_space<hbm>>
      %dma_start3A_1965 = arith.constant 128 : i32
      %dma_start3A_1966 = tpu.memref_slice %arg6[%mul3A_1944, %dma_start3A_1965] : memref<320000x272xf32, #tpu.memory_space<hbm>> -> memref<80x128xf32, #tpu.memory_space<hbm>>
      %dma_start3A_1967 = arith.constant 0 : i32
      %dma_start3A_1968 = arith.constant 0 : i32
      %dma_start3A_1969 = tpu.memref_slice %arg10[%dma_start3A_1958, %dma_start3A_1967, %dma_start3A_1968] : memref<4x80x128xf32, #tpu.memory_space<vmem>> -> memref<1x80x128xf32, #tpu.memory_space<vmem>>
      %dma_start3A_1970 = tpu.memref_squeeze %dma_start3A_1969 : memref<1x80x128xf32, #tpu.memory_space<vmem>> -> memref<80x128xf32, #tpu.memory_space<vmem>>
      tpu.enqueue_dma source(%dma_start3A_1970 : memref<80x128xf32, #tpu.memory_space<vmem>>) target(%dma_start3A_1966 : memref<80x128xf32, #tpu.memory_space<hbm>>) target_semaphore(%arg22 : memref<!tpu.dma_semaphore, #tpu.memory_space<semaphore_mem>>)
      %dma_start3A_1971 = arith.constant 2 : i32
      %dma_start3A_1972 = arith.constant 0 : i32
      %dma_start3A_1973 = arith.constant 0 : i32
      %dma_start3A_1974 = tpu.memref_slice %arg11[%dma_start3A_1971, %dma_start3A_1972, %dma_start3A_1973] : memref<4x80x16xf32, #tpu.memory_space<vmem>> -> memref<1x80x16xf32, #tpu.memory_space<vmem>>
      %dma_start3A_1975 = tpu.memref_squeeze %dma_start3A_1974 : memref<1x80x16xf32, #tpu.memory_space<vmem>> -> memref<80x16xf32, #tpu.memory_space<vmem>>
      %dma_start3A_1976 = arith.constant 256 : i32
      %dma_start3A_1977 = tpu.memref_slice %arg6[%mul3A_1944, %dma_start3A_1976] : memref<320000x272xf32, #tpu.memory_space<hbm>> -> memref<80x16xf32, #tpu.memory_space<hbm>>
      %dma_start3A_1978 = arith.constant 256 : i32
      %dma_start3A_1979 = tpu.memref_slice %arg6[%mul3A_1944, %dma_start3A_1978] : memref<320000x272xf32, #tpu.memory_space<hbm>> -> memref<80x16xf32, #tpu.memory_space<hbm>>
      %dma_start3A_1980 = arith.constant 0 : i32
      %dma_start3A_1981 = arith.constant 0 : i32
      %dma_start3A_1982 = tpu.memref_slice %arg11[%dma_start3A_1971, %dma_start3A_1980, %dma_start3A_1981] : memref<4x80x16xf32, #tpu.memory_space<vmem>> -> memref<1x80x16xf32, #tpu.memory_space<vmem>>
      %dma_start3A_1983 = tpu.memref_squeeze %dma_start3A_1982 : memref<1x80x16xf32, #tpu.memory_space<vmem>> -> memref<80x16xf32, #tpu.memory_space<vmem>>
      tpu.enqueue_dma source(%dma_start3A_1983 : memref<80x16xf32, #tpu.memory_space<vmem>>) target(%dma_start3A_1979 : memref<80x16xf32, #tpu.memory_space<hbm>>) target_semaphore(%arg22 : memref<!tpu.dma_semaphore, #tpu.memory_space<semaphore_mem>>)
      %dma_wait3A_1984 = arith.constant 0 : i32
      %dma_wait3A_1985 = arith.constant 0 : i32
      %dma_wait3A_1986 = tpu.memref_slice %arg7[%dma_wait3A_1984, %dma_wait3A_1985] : memref<4x80xi32, #tpu.memory_space<vmem>> -> memref<1x80xi32, #tpu.memory_space<vmem>>
      %dma_wait3A_1987 = tpu.memref_squeeze %dma_wait3A_1986 : memref<1x80xi32, #tpu.memory_space<vmem>> -> memref<80xi32, #tpu.memory_space<vmem>>
      %dma_wait3A_1988 = arith.constant 0 : i32
      %dma_wait3A_1989 = tpu.memref_slice %arg4[%dma_wait3A_1988] : memref<320000xi32, #tpu.memory_space<hbm>> -> memref<80xi32, #tpu.memory_space<hbm>>
      %dma_wait3A_1990 = arith.constant 0 : i32
      %dma_wait3A_1991 = tpu.memref_slice %arg7[%dma_wait3A_1984, %dma_wait3A_1990] : memref<4x80xi32, #tpu.memory_space<vmem>> -> memref<1x80xi32, #tpu.memory_space<vmem>>
      %dma_wait3A_1992 = tpu.memref_squeeze %dma_wait3A_1991 : memref<1x80xi32, #tpu.memory_space<vmem>> -> memref<80xi32, #tpu.memory_space<vmem>>
      %dma_wait3A_1993 = arith.constant 0 : i32
      %dma_wait3A_1994 = tpu.memref_slice %arg4[%dma_wait3A_1993] : memref<320000xi32, #tpu.memory_space<hbm>> -> memref<80xi32, #tpu.memory_space<hbm>>
      tpu.wait_dma2 semaphore(%arg12 : memref<!tpu.dma_semaphore, #tpu.memory_space<semaphore_mem>>) src(%dma_wait3A_1994 : memref<80xi32, #tpu.memory_space<hbm>>) dst(%dma_wait3A_1992 : memref<80xi32, #tpu.memory_space<vmem>>)
      %dma_wait3A_1995 = arith.constant 0 : i32
      %dma_wait3A_1996 = arith.constant 0 : i32
      %dma_wait3A_1997 = tpu.memref_slice %arg8[%dma_wait3A_1995, %dma_wait3A_1996] : memref<4x80xi32, #tpu.memory_space<vmem>> -> memref<1x80xi32, #tpu.memory_space<vmem>>
      %dma_wait3A_1998 = tpu.memref_squeeze %dma_wait3A_1997 : memref<1x80xi32, #tpu.memory_space<vmem>> -> memref<80xi32, #tpu.memory_space<vmem>>
      %dma_wait3A_1999 = arith.constant 0 : i32
      %dma_wait3A_2000 = tpu.memref_slice %arg5[%dma_wait3A_1999] : memref<320000xi32, #tpu.memory_space<hbm>> -> memref<80xi32, #tpu.memory_space<hbm>>
      %dma_wait3A_2001 = arith.constant 0 : i32
      %dma_wait3A_2002 = tpu.memref_slice %arg8[%dma_wait3A_1995, %dma_wait3A_2001] : memref<4x80xi32, #tpu.memory_space<vmem>> -> memref<1x80xi32, #tpu.memory_space<vmem>>
      %dma_wait3A_2003 = tpu.memref_squeeze %dma_wait3A_2002 : memref<1x80xi32, #tpu.memory_space<vmem>> -> memref<80xi32, #tpu.memory_space<vmem>>
      %dma_wait3A_2004 = arith.constant 0 : i32
      %dma_wait3A_2005 = tpu.memref_slice %arg5[%dma_wait3A_2004] : memref<320000xi32, #tpu.memory_space<hbm>> -> memref<80xi32, #tpu.memory_space<hbm>>
      tpu.wait_dma2 semaphore(%arg12 : memref<!tpu.dma_semaphore, #tpu.memory_space<semaphore_mem>>) src(%dma_wait3A_2005 : memref<80xi32, #tpu.memory_space<hbm>>) dst(%dma_wait3A_2003 : memref<80xi32, #tpu.memory_space<vmem>>)
      %dma_wait3A_2006 = arith.constant 0 : i32
      %dma_wait3A_2007 = arith.constant 0 : i32
      %dma_wait3A_2008 = arith.constant 0 : i32
      %dma_wait3A_2009 = tpu.memref_slice %arg9[%dma_wait3A_2006, %dma_wait3A_2007, %dma_wait3A_2008] : memref<4x80x128xf32, #tpu.memory_space<vmem>> -> memref<1x80x128xf32, #tpu.memory_space<vmem>>
      %dma_wait3A_2010 = tpu.memref_squeeze %dma_wait3A_2009 : memref<1x80x128xf32, #tpu.memory_space<vmem>> -> memref<80x128xf32, #tpu.memory_space<vmem>>
      %dma_wait3A_2011 = arith.constant 0 : i32
      %dma_wait3A_2012 = arith.constant 0 : i32
      %dma_wait3A_2013 = tpu.memref_slice %arg6[%dma_wait3A_2011, %dma_wait3A_2012] : memref<320000x272xf32, #tpu.memory_space<hbm>> -> memref<80x128xf32, #tpu.memory_space<hbm>>
      %dma_wait3A_2014 = arith.constant 0 : i32
      %dma_wait3A_2015 = arith.constant 0 : i32
      %dma_wait3A_2016 = tpu.memref_slice %arg6[%dma_wait3A_2014, %dma_wait3A_2015] : memref<320000x272xf32, #tpu.memory_space<hbm>> -> memref<80x128xf32, #tpu.memory_space<hbm>>
      %dma_wait3A_2017 = arith.constant 0 : i32
      %dma_wait3A_2018 = arith.constant 0 : i32
      %dma_wait3A_2019 = tpu.memref_slice %arg9[%dma_wait3A_2006, %dma_wait3A_2017, %dma_wait3A_2018] : memref<4x80x128xf32, #tpu.memory_space<vmem>> -> memref<1x80x128xf32, #tpu.memory_space<vmem>>
      %dma_wait3A_2020 = tpu.memref_squeeze %dma_wait3A_2019 : memref<1x80x128xf32, #tpu.memory_space<vmem>> -> memref<80x128xf32, #tpu.memory_space<vmem>>
      tpu.wait_dma2 semaphore(%arg20 : memref<!tpu.dma_semaphore, #tpu.memory_space<semaphore_mem>>) src(%dma_wait3A_2020 : memref<80x128xf32, #tpu.memory_space<vmem>>) dst(%dma_wait3A_2016 : memref<80x128xf32, #tpu.memory_space<hbm>>)
      %dma_wait3A_2021 = arith.constant 0 : i32
      %dma_wait3A_2022 = arith.constant 0 : i32
      %dma_wait3A_2023 = arith.constant 0 : i32
      %dma_wait3A_2024 = tpu.memref_slice %arg10[%dma_wait3A_2021, %dma_wait3A_2022, %dma_wait3A_2023] : memref<4x80x128xf32, #tpu.memory_space<vmem>> -> memref<1x80x128xf32, #tpu.memory_space<vmem>>
      %dma_wait3A_2025 = tpu.memref_squeeze %dma_wait3A_2024 : memref<1x80x128xf32, #tpu.memory_space<vmem>> -> memref<80x128xf32, #tpu.memory_space<vmem>>
      %dma_wait3A_2026 = arith.constant 0 : i32
      %dma_wait3A_2027 = arith.constant 128 : i32
      %dma_wait3A_2028 = tpu.memref_slice %arg6[%dma_wait3A_2026, %dma_wait3A_2027] : memref<320000x272xf32, #tpu.memory_space<hbm>> -> memref<80x128xf32, #tpu.memory_space<hbm>>
      %dma_wait3A_2029 = arith.constant 0 : i32
      %dma_wait3A_2030 = arith.constant 128 : i32
      %dma_wait3A_2031 = tpu.memref_slice %arg6[%dma_wait3A_2029, %dma_wait3A_2030] : memref<320000x272xf32, #tpu.memory_space<hbm>> -> memref<80x128xf32, #tpu.memory_space<hbm>>
      %dma_wait3A_2032 = arith.constant 0 : i32
      %dma_wait3A_2033 = arith.constant 0 : i32
      %dma_wait3A_2034 = tpu.memref_slice %arg10[%dma_wait3A_2021, %dma_wait3A_2032, %dma_wait3A_2033] : memref<4x80x128xf32, #tpu.memory_space<vmem>> -> memref<1x80x128xf32, #tpu.memory_space<vmem>>
      %dma_wait3A_2035 = tpu.memref_squeeze %dma_wait3A_2034 : memref<1x80x128xf32, #tpu.memory_space<vmem>> -> memref<80x128xf32, #tpu.memory_space<vmem>>
      tpu.wait_dma2 semaphore(%arg20 : memref<!tpu.dma_semaphore, #tpu.memory_space<semaphore_mem>>) src(%dma_wait3A_2035 : memref<80x128xf32, #tpu.memory_space<vmem>>) dst(%dma_wait3A_2031 : memref<80x128xf32, #tpu.memory_space<hbm>>)
      %dma_wait3A_2036 = arith.constant 0 : i32
      %dma_wait3A_2037 = arith.constant 0 : i32
      %dma_wait3A_2038 = arith.constant 0 : i32
      %dma_wait3A_2039 = tpu.memref_slice %arg11[%dma_wait3A_2036, %dma_wait3A_2037, %dma_wait3A_2038] : memref<4x80x16xf32, #tpu.memory_space<vmem>> -> memref<1x80x16xf32, #tpu.memory_space<vmem>>
      %dma_wait3A_2040 = tpu.memref_squeeze %dma_wait3A_2039 : memref<1x80x16xf32, #tpu.memory_space<vmem>> -> memref<80x16xf32, #tpu.memory_space<vmem>>
      %dma_wait3A_2041 = arith.constant 0 : i32
      %dma_wait3A_2042 = arith.constant 256 : i32
      %dma_wait3A_2043 = tpu.memref_slice %arg6[%dma_wait3A_2041, %dma_wait3A_2042] : memref<320000x272xf32, #tpu.memory_space<hbm>> -> memref<80x16xf32, #tpu.memory_space<hbm>>
      %dma_wait3A_2044 = arith.constant 0 : i32
      %dma_wait3A_2045 = arith.constant 256 : i32
      %dma_wait3A_2046 = tpu.memref_slice %arg6[%dma_wait3A_2044, %dma_wait3A_2045] : memref<320000x272xf32, #tpu.memory_space<hbm>> -> memref<80x16xf32, #tpu.memory_space<hbm>>
      %dma_wait3A_2047 = arith.constant 0 : i32
      %dma_wait3A_2048 = arith.constant 0 : i32
      %dma_wait3A_2049 = tpu.memref_slice %arg11[%dma_wait3A_2036, %dma_wait3A_2047, %dma_wait3A_2048] : memref<4x80x16xf32, #tpu.memory_space<vmem>> -> memref<1x80x16xf32, #tpu.memory_space<vmem>>
      %dma_wait3A_2050 = tpu.memref_squeeze %dma_wait3A_2049 : memref<1x80x16xf32, #tpu.memory_space<vmem>> -> memref<80x16xf32, #tpu.memory_space<vmem>>
      tpu.wait_dma2 semaphore(%arg20 : memref<!tpu.dma_semaphore, #tpu.memory_space<semaphore_mem>>) src(%dma_wait3A_2050 : memref<80x16xf32, #tpu.memory_space<vmem>>) dst(%dma_wait3A_2046 : memref<80x16xf32, #tpu.memory_space<hbm>>)
      %add3A_2051 = arith.constant 2 : i32
      %add3A_2052 = arith.addi %add3A_1896, %add3A_2051 : i32
      %dma_start3A_2053 = arith.constant 0 : i32
      %dma_start3A_2054 = arith.constant 0 : i32
      %dma_start3A_2055 = arith.constant 0 : i32
      %dma_start3A_2056 = arith.constant 0 : i32
      %dma_start3A_2057 = tpu.memref_slice %arg9[%dma_start3A_2054, %dma_start3A_2055, %dma_start3A_2056] : memref<4x80x128xf32, #tpu.memory_space<vmem>> -> memref<1x80x128xf32, #tpu.memory_space<vmem>>
      %dma_start3A_2058 = tpu.memref_squeeze %dma_start3A_2057 : memref<1x80x128xf32, #tpu.memory_space<vmem>> -> memref<80x128xf32, #tpu.memory_space<vmem>>
      %dma_start3A_2059 = arith.constant 0 : i32
      %dma_start3A_2060 = tpu.memref_slice %arg7[%dma_start3A_2053, %dma_start3A_2059] : memref<4x80xi32, #tpu.memory_space<vmem>> -> memref<1x80xi32, #tpu.memory_space<vmem>>
      %dma_start3A_2061 = tpu.memref_squeeze %dma_start3A_2060 : memref<1x80xi32, #tpu.memory_space<vmem>> -> memref<80xi32, #tpu.memory_space<vmem>>
      %dma_start3A_2062 = arith.constant 0 : i32
      %dma_start3A_2063 = arith.constant 0 : i32
      %dma_start3A_2064 = tpu.memref_slice %arg2[%dma_start3A_2062, %dma_start3A_2063] : memref<10000x128xf32, #tpu.memory_space<hbm>> -> memref<10000x128xf32, #tpu.memory_space<hbm>>
      tpu.enqueue_indirect_dma source(%dma_start3A_2064 : memref<10000x128xf32, #tpu.memory_space<hbm>>) target(%dma_start3A_2058 : memref<80x128xf32, #tpu.memory_space<vmem>>) offsets(%dma_start3A_2061 : memref<80xi32, #tpu.memory_space<vmem>>) semaphore(%arg16 : memref<!tpu.dma_semaphore, #tpu.memory_space<semaphore_mem>>)
      %dma_start3A_2065 = arith.constant 0 : i32
      %dma_start3A_2066 = arith.constant 0 : i32
      %dma_start3A_2067 = arith.constant 0 : i32
      %dma_start3A_2068 = arith.constant 0 : i32
      %dma_start3A_2069 = tpu.memref_slice %arg10[%dma_start3A_2066, %dma_start3A_2067, %dma_start3A_2068] : memref<4x80x128xf32, #tpu.memory_space<vmem>> -> memref<1x80x128xf32, #tpu.memory_space<vmem>>
      %dma_start3A_2070 = tpu.memref_squeeze %dma_start3A_2069 : memref<1x80x128xf32, #tpu.memory_space<vmem>> -> memref<80x128xf32, #tpu.memory_space<vmem>>
      %dma_start3A_2071 = arith.constant 0 : i32
      %dma_start3A_2072 = tpu.memref_slice %arg8[%dma_start3A_2065, %dma_start3A_2071] : memref<4x80xi32, #tpu.memory_space<vmem>> -> memref<1x80xi32, #tpu.memory_space<vmem>>
      %dma_start3A_2073 = tpu.memref_squeeze %dma_start3A_2072 : memref<1x80xi32, #tpu.memory_space<vmem>> -> memref<80xi32, #tpu.memory_space<vmem>>
      %dma_start3A_2074 = arith.constant 0 : i32
      %dma_start3A_2075 = arith.constant 0 : i32
      %dma_start3A_2076 = tpu.memref_slice %arg2[%dma_start3A_2074, %dma_start3A_2075] : memref<10000x128xf32, #tpu.memory_space<hbm>> -> memref<10000x128xf32, #tpu.memory_space<hbm>>
      tpu.enqueue_indirect_dma source(%dma_start3A_2076 : memref<10000x128xf32, #tpu.memory_space<hbm>>) target(%dma_start3A_2070 : memref<80x128xf32, #tpu.memory_space<vmem>>) offsets(%dma_start3A_2073 : memref<80xi32, #tpu.memory_space<vmem>>) semaphore(%arg16 : memref<!tpu.dma_semaphore, #tpu.memory_space<semaphore_mem>>)
      %add3A_2077 = arith.constant 0 : i32
      %add3A_2078 = arith.addi %add3A_2077, %mul3A_2 : i32
      %add3A_2079 = arith.addi %add3A_2078, %add3A_2052 : i32
      %mul3A_2080 = arith.constant 80 : i32
      %mul3A_2081 = arith.muli %add3A_2079, %mul3A_2080 : i32
      %dma_start3A_2082 = arith.constant 0 : i32
      %dma_start3A_2083 = arith.constant 0 : i32
      %dma_start3A_2084 = arith.constant 0 : i32
      %dma_start3A_2085 = tpu.memref_slice %arg11[%dma_start3A_2082, %dma_start3A_2083, %dma_start3A_2084] : memref<4x80x16xf32, #tpu.memory_space<vmem>> -> memref<1x80x16xf32, #tpu.memory_space<vmem>>
      %dma_start3A_2086 = tpu.memref_squeeze %dma_start3A_2085 : memref<1x80x16xf32, #tpu.memory_space<vmem>> -> memref<80x16xf32, #tpu.memory_space<vmem>>
      %dma_start3A_2087 = arith.constant 0 : i32
      %dma_start3A_2088 = tpu.memref_slice %arg3[%mul3A_2081, %dma_start3A_2087] : memref<320000x16xf32, #tpu.memory_space<hbm>> -> memref<80x16xf32, #tpu.memory_space<hbm>>
      %dma_start3A_2089 = arith.constant 0 : i32
      %dma_start3A_2090 = arith.constant 0 : i32
      %dma_start3A_2091 = tpu.memref_slice %arg11[%dma_start3A_2082, %dma_start3A_2089, %dma_start3A_2090] : memref<4x80x16xf32, #tpu.memory_space<vmem>> -> memref<1x80x16xf32, #tpu.memory_space<vmem>>
      %dma_start3A_2092 = tpu.memref_squeeze %dma_start3A_2091 : memref<1x80x16xf32, #tpu.memory_space<vmem>> -> memref<80x16xf32, #tpu.memory_space<vmem>>
      %dma_start3A_2093 = arith.constant 0 : i32
      %dma_start3A_2094 = tpu.memref_slice %arg3[%mul3A_2081, %dma_start3A_2093] : memref<320000x16xf32, #tpu.memory_space<hbm>> -> memref<80x16xf32, #tpu.memory_space<hbm>>
      tpu.enqueue_dma source(%dma_start3A_2094 : memref<80x16xf32, #tpu.memory_space<hbm>>) target(%dma_start3A_2092 : memref<80x16xf32, #tpu.memory_space<vmem>>) target_semaphore(%arg16 : memref<!tpu.dma_semaphore, #tpu.memory_space<semaphore_mem>>)
      %add3A_2095 = arith.constant 4 : i32
      %add3A_2096 = arith.addi %add3A_1896, %add3A_2095 : i32
      %add3A_2097 = arith.constant 0 : i32
      %add3A_2098 = arith.addi %add3A_2097, %mul3A_2 : i32
      %add3A_2099 = arith.addi %add3A_2098, %add3A_2096 : i32
      %mul3A_2100 = arith.constant 80 : i32
      %mul3A_2101 = arith.muli %add3A_2099, %mul3A_2100 : i32
      %dma_start3A_2102 = arith.constant 2 : i32
      %dma_start3A_2103 = arith.constant 0 : i32
      %dma_start3A_2104 = tpu.memref_slice %arg7[%dma_start3A_2102, %dma_start3A_2103] : memref<4x80xi32, #tpu.memory_space<vmem>> -> memref<1x80xi32, #tpu.memory_space<vmem>>
      %dma_start3A_2105 = tpu.memref_squeeze %dma_start3A_2104 : memref<1x80xi32, #tpu.memory_space<vmem>> -> memref<80xi32, #tpu.memory_space<vmem>>
      %dma_start3A_2106 = tpu.memref_slice %arg4[%mul3A_2101] : memref<320000xi32, #tpu.memory_space<hbm>> -> memref<80xi32, #tpu.memory_space<hbm>>
      %dma_start3A_2107 = arith.constant 0 : i32
      %dma_start3A_2108 = tpu.memref_slice %arg7[%dma_start3A_2102, %dma_start3A_2107] : memref<4x80xi32, #tpu.memory_space<vmem>> -> memref<1x80xi32, #tpu.memory_space<vmem>>
      %dma_start3A_2109 = tpu.memref_squeeze %dma_start3A_2108 : memref<1x80xi32, #tpu.memory_space<vmem>> -> memref<80xi32, #tpu.memory_space<vmem>>
      %dma_start3A_2110 = tpu.memref_slice %arg4[%mul3A_2101] : memref<320000xi32, #tpu.memory_space<hbm>> -> memref<80xi32, #tpu.memory_space<hbm>>
      tpu.enqueue_dma source(%dma_start3A_2110 : memref<80xi32, #tpu.memory_space<hbm>>) target(%dma_start3A_2109 : memref<80xi32, #tpu.memory_space<vmem>>) target_semaphore(%arg14 : memref<!tpu.dma_semaphore, #tpu.memory_space<semaphore_mem>>)
      %add3A_2111 = arith.constant 0 : i32
      %add3A_2112 = arith.addi %add3A_2111, %mul3A_2 : i32
      %add3A_2113 = arith.addi %add3A_2112, %add3A_2096 : i32
      %mul3A_2114 = arith.constant 80 : i32
      %mul3A_2115 = arith.muli %add3A_2113, %mul3A_2114 : i32
      %dma_start3A_2116 = arith.constant 2 : i32
      %dma_start3A_2117 = arith.constant 0 : i32
      %dma_start3A_2118 = tpu.memref_slice %arg8[%dma_start3A_2116, %dma_start3A_2117] : memref<4x80xi32, #tpu.memory_space<vmem>> -> memref<1x80xi32, #tpu.memory_space<vmem>>
      %dma_start3A_2119 = tpu.memref_squeeze %dma_start3A_2118 : memref<1x80xi32, #tpu.memory_space<vmem>> -> memref<80xi32, #tpu.memory_space<vmem>>
      %dma_start3A_2120 = tpu.memref_slice %arg5[%mul3A_2115] : memref<320000xi32, #tpu.memory_space<hbm>> -> memref<80xi32, #tpu.memory_space<hbm>>
      %dma_start3A_2121 = arith.constant 0 : i32
      %dma_start3A_2122 = tpu.memref_slice %arg8[%dma_start3A_2116, %dma_start3A_2121] : memref<4x80xi32, #tpu.memory_space<vmem>> -> memref<1x80xi32, #tpu.memory_space<vmem>>
      %dma_start3A_2123 = tpu.memref_squeeze %dma_start3A_2122 : memref<1x80xi32, #tpu.memory_space<vmem>> -> memref<80xi32, #tpu.memory_space<vmem>>
      %dma_start3A_2124 = tpu.memref_slice %arg5[%mul3A_2115] : memref<320000xi32, #tpu.memory_space<hbm>> -> memref<80xi32, #tpu.memory_space<hbm>>
      tpu.enqueue_dma source(%dma_start3A_2124 : memref<80xi32, #tpu.memory_space<hbm>>) target(%dma_start3A_2123 : memref<80xi32, #tpu.memory_space<vmem>>) target_semaphore(%arg14 : memref<!tpu.dma_semaphore, #tpu.memory_space<semaphore_mem>>)
      %add3A_2125 = arith.constant 1 : i32
      %add3A_2126 = arith.addi %add3A_1894, %add3A_2125 : i32
      %dma_wait3A_2127 = arith.constant 3 : i32
      %dma_wait3A_2128 = arith.constant 0 : i32
      %dma_wait3A_2129 = arith.constant 0 : i32
      %dma_wait3A_2130 = tpu.memref_slice %arg9[%dma_wait3A_2127, %dma_wait3A_2128, %dma_wait3A_2129] : memref<4x80x128xf32, #tpu.memory_space<vmem>> -> memref<1x80x128xf32, #tpu.memory_space<vmem>>
      %dma_wait3A_2131 = tpu.memref_squeeze %dma_wait3A_2130 : memref<1x80x128xf32, #tpu.memory_space<vmem>> -> memref<80x128xf32, #tpu.memory_space<vmem>>
      %dma_wait3A_2132 = arith.constant 0 : i32
      %dma_wait3A_2133 = arith.constant 0 : i32
      %dma_wait3A_2134 = tpu.memref_slice %arg2[%dma_wait3A_2132, %dma_wait3A_2133] : memref<10000x128xf32, #tpu.memory_space<hbm>> -> memref<80x128xf32, #tpu.memory_space<hbm>>
      %dma_wait3A_2135 = arith.constant 0 : i32
      %dma_wait3A_2136 = arith.constant 0 : i32
      %dma_wait3A_2137 = tpu.memref_slice %arg9[%dma_wait3A_2127, %dma_wait3A_2135, %dma_wait3A_2136] : memref<4x80x128xf32, #tpu.memory_space<vmem>> -> memref<1x80x128xf32, #tpu.memory_space<vmem>>
      %dma_wait3A_2138 = tpu.memref_squeeze %dma_wait3A_2137 : memref<1x80x128xf32, #tpu.memory_space<vmem>> -> memref<80x128xf32, #tpu.memory_space<vmem>>
      %dma_wait3A_2139 = arith.constant 0 : i32
      %dma_wait3A_2140 = arith.constant 0 : i32
      %dma_wait3A_2141 = tpu.memref_slice %arg2[%dma_wait3A_2139, %dma_wait3A_2140] : memref<10000x128xf32, #tpu.memory_space<hbm>> -> memref<80x128xf32, #tpu.memory_space<hbm>>
      tpu.wait_dma2 semaphore(%arg19 : memref<!tpu.dma_semaphore, #tpu.memory_space<semaphore_mem>>) src(%dma_wait3A_2141 : memref<80x128xf32, #tpu.memory_space<hbm>>) dst(%dma_wait3A_2138 : memref<80x128xf32, #tpu.memory_space<vmem>>)
      %dma_wait3A_2142 = arith.constant 3 : i32
      %dma_wait3A_2143 = arith.constant 0 : i32
      %dma_wait3A_2144 = arith.constant 0 : i32
      %dma_wait3A_2145 = tpu.memref_slice %arg10[%dma_wait3A_2142, %dma_wait3A_2143, %dma_wait3A_2144] : memref<4x80x128xf32, #tpu.memory_space<vmem>> -> memref<1x80x128xf32, #tpu.memory_space<vmem>>
      %dma_wait3A_2146 = tpu.memref_squeeze %dma_wait3A_2145 : memref<1x80x128xf32, #tpu.memory_space<vmem>> -> memref<80x128xf32, #tpu.memory_space<vmem>>
      %dma_wait3A_2147 = arith.constant 0 : i32
      %dma_wait3A_2148 = arith.constant 0 : i32
      %dma_wait3A_2149 = tpu.memref_slice %arg2[%dma_wait3A_2147, %dma_wait3A_2148] : memref<10000x128xf32, #tpu.memory_space<hbm>> -> memref<80x128xf32, #tpu.memory_space<hbm>>
      %dma_wait3A_2150 = arith.constant 0 : i32
      %dma_wait3A_2151 = arith.constant 0 : i32
      %dma_wait3A_2152 = tpu.memref_slice %arg10[%dma_wait3A_2142, %dma_wait3A_2150, %dma_wait3A_2151] : memref<4x80x128xf32, #tpu.memory_space<vmem>> -> memref<1x80x128xf32, #tpu.memory_space<vmem>>
      %dma_wait3A_2153 = tpu.memref_squeeze %dma_wait3A_2152 : memref<1x80x128xf32, #tpu.memory_space<vmem>> -> memref<80x128xf32, #tpu.memory_space<vmem>>
      %dma_wait3A_2154 = arith.constant 0 : i32
      %dma_wait3A_2155 = arith.constant 0 : i32
      %dma_wait3A_2156 = tpu.memref_slice %arg2[%dma_wait3A_2154, %dma_wait3A_2155] : memref<10000x128xf32, #tpu.memory_space<hbm>> -> memref<80x128xf32, #tpu.memory_space<hbm>>
      tpu.wait_dma2 semaphore(%arg19 : memref<!tpu.dma_semaphore, #tpu.memory_space<semaphore_mem>>) src(%dma_wait3A_2156 : memref<80x128xf32, #tpu.memory_space<hbm>>) dst(%dma_wait3A_2153 : memref<80x128xf32, #tpu.memory_space<vmem>>)
      %dma_wait3A_2157 = arith.constant 3 : i32
      %dma_wait3A_2158 = arith.constant 0 : i32
      %dma_wait3A_2159 = arith.constant 0 : i32
      %dma_wait3A_2160 = tpu.memref_slice %arg11[%dma_wait3A_2157, %dma_wait3A_2158, %dma_wait3A_2159] : memref<4x80x16xf32, #tpu.memory_space<vmem>> -> memref<1x80x16xf32, #tpu.memory_space<vmem>>
      %dma_wait3A_2161 = tpu.memref_squeeze %dma_wait3A_2160 : memref<1x80x16xf32, #tpu.memory_space<vmem>> -> memref<80x16xf32, #tpu.memory_space<vmem>>
      %dma_wait3A_2162 = arith.constant 0 : i32
      %dma_wait3A_2163 = arith.constant 0 : i32
      %dma_wait3A_2164 = tpu.memref_slice %arg3[%dma_wait3A_2162, %dma_wait3A_2163] : memref<320000x16xf32, #tpu.memory_space<hbm>> -> memref<80x16xf32, #tpu.memory_space<hbm>>
      %dma_wait3A_2165 = arith.constant 0 : i32
      %dma_wait3A_2166 = arith.constant 0 : i32
      %dma_wait3A_2167 = tpu.memref_slice %arg11[%dma_wait3A_2157, %dma_wait3A_2165, %dma_wait3A_2166] : memref<4x80x16xf32, #tpu.memory_space<vmem>> -> memref<1x80x16xf32, #tpu.memory_space<vmem>>
      %dma_wait3A_2168 = tpu.memref_squeeze %dma_wait3A_2167 : memref<1x80x16xf32, #tpu.memory_space<vmem>> -> memref<80x16xf32, #tpu.memory_space<vmem>>
      %dma_wait3A_2169 = arith.constant 0 : i32
      %dma_wait3A_2170 = arith.constant 0 : i32
      %dma_wait3A_2171 = tpu.memref_slice %arg3[%dma_wait3A_2169, %dma_wait3A_2170] : memref<320000x16xf32, #tpu.memory_space<hbm>> -> memref<80x16xf32, #tpu.memory_space<hbm>>
      tpu.wait_dma2 semaphore(%arg19 : memref<!tpu.dma_semaphore, #tpu.memory_space<semaphore_mem>>) src(%dma_wait3A_2171 : memref<80x16xf32, #tpu.memory_space<hbm>>) dst(%dma_wait3A_2168 : memref<80x16xf32, #tpu.memory_space<vmem>>)
      %add3A_2172 = arith.addi %mul3A_2, %add3A_2126 : i32
      %mul3A_2173 = arith.constant 80 : i32
      %mul3A_2174 = arith.muli %add3A_2172, %mul3A_2173 : i32
      %dma_start3A_2175 = arith.constant 3 : i32
      %dma_start3A_2176 = arith.constant 0 : i32
      %dma_start3A_2177 = arith.constant 0 : i32
      %dma_start3A_2178 = tpu.memref_slice %arg9[%dma_start3A_2175, %dma_start3A_2176, %dma_start3A_2177] : memref<4x80x128xf32, #tpu.memory_space<vmem>> -> memref<1x80x128xf32, #tpu.memory_space<vmem>>
      %dma_start3A_2179 = tpu.memref_squeeze %dma_start3A_2178 : memref<1x80x128xf32, #tpu.memory_space<vmem>> -> memref<80x128xf32, #tpu.memory_space<vmem>>
      %dma_start3A_2180 = arith.constant 0 : i32
      %dma_start3A_2181 = tpu.memref_slice %arg6[%mul3A_2174, %dma_start3A_2180] : memref<320000x272xf32, #tpu.memory_space<hbm>> -> memref<80x128xf32, #tpu.memory_space<hbm>>
      %dma_start3A_2182 = arith.constant 0 : i32
      %dma_start3A_2183 = tpu.memref_slice %arg6[%mul3A_2174, %dma_start3A_2182] : memref<320000x272xf32, #tpu.memory_space<hbm>> -> memref<80x128xf32, #tpu.memory_space<hbm>>
      %dma_start3A_2184 = arith.constant 0 : i32
      %dma_start3A_2185 = arith.constant 0 : i32
      %dma_start3A_2186 = tpu.memref_slice %arg9[%dma_start3A_2175, %dma_start3A_2184, %dma_start3A_2185] : memref<4x80x128xf32, #tpu.memory_space<vmem>> -> memref<1x80x128xf32, #tpu.memory_space<vmem>>
      %dma_start3A_2187 = tpu.memref_squeeze %dma_start3A_2186 : memref<1x80x128xf32, #tpu.memory_space<vmem>> -> memref<80x128xf32, #tpu.memory_space<vmem>>
      tpu.enqueue_dma source(%dma_start3A_2187 : memref<80x128xf32, #tpu.memory_space<vmem>>) target(%dma_start3A_2183 : memref<80x128xf32, #tpu.memory_space<hbm>>) target_semaphore(%arg23 : memref<!tpu.dma_semaphore, #tpu.memory_space<semaphore_mem>>)
      %dma_start3A_2188 = arith.constant 3 : i32
      %dma_start3A_2189 = arith.constant 0 : i32
      %dma_start3A_2190 = arith.constant 0 : i32
      %dma_start3A_2191 = tpu.memref_slice %arg10[%dma_start3A_2188, %dma_start3A_2189, %dma_start3A_2190] : memref<4x80x128xf32, #tpu.memory_space<vmem>> -> memref<1x80x128xf32, #tpu.memory_space<vmem>>
      %dma_start3A_2192 = tpu.memref_squeeze %dma_start3A_2191 : memref<1x80x128xf32, #tpu.memory_space<vmem>> -> memref<80x128xf32, #tpu.memory_space<vmem>>
      %dma_start3A_2193 = arith.constant 128 : i32
      %dma_start3A_2194 = tpu.memref_slice %arg6[%mul3A_2174, %dma_start3A_2193] : memref<320000x272xf32, #tpu.memory_space<hbm>> -> memref<80x128xf32, #tpu.memory_space<hbm>>
      %dma_start3A_2195 = arith.constant 128 : i32
      %dma_start3A_2196 = tpu.memref_slice %arg6[%mul3A_2174, %dma_start3A_2195] : memref<320000x272xf32, #tpu.memory_space<hbm>> -> memref<80x128xf32, #tpu.memory_space<hbm>>
      %dma_start3A_2197 = arith.constant 0 : i32
      %dma_start3A_2198 = arith.constant 0 : i32
      %dma_start3A_2199 = tpu.memref_slice %arg10[%dma_start3A_2188, %dma_start3A_2197, %dma_start3A_2198] : memref<4x80x128xf32, #tpu.memory_space<vmem>> -> memref<1x80x128xf32, #tpu.memory_space<vmem>>
      %dma_start3A_2200 = tpu.memref_squeeze %dma_start3A_2199 : memref<1x80x128xf32, #tpu.memory_space<vmem>> -> memref<80x128xf32, #tpu.memory_space<vmem>>
      tpu.enqueue_dma source(%dma_start3A_2200 : memref<80x128xf32, #tpu.memory_space<vmem>>) target(%dma_start3A_2196 : memref<80x128xf32, #tpu.memory_space<hbm>>) target_semaphore(%arg23 : memref<!tpu.dma_semaphore, #tpu.memory_space<semaphore_mem>>)
      %dma_start3A_2201 = arith.constant 3 : i32
      %dma_start3A_2202 = arith.constant 0 : i32
      %dma_start3A_2203 = arith.constant 0 : i32
      %dma_start3A_2204 = tpu.memref_slice %arg11[%dma_start3A_2201, %dma_start3A_2202, %dma_start3A_2203] : memref<4x80x16xf32, #tpu.memory_space<vmem>> -> memref<1x80x16xf32, #tpu.memory_space<vmem>>
      %dma_start3A_2205 = tpu.memref_squeeze %dma_start3A_2204 : memref<1x80x16xf32, #tpu.memory_space<vmem>> -> memref<80x16xf32, #tpu.memory_space<vmem>>
      %dma_start3A_2206 = arith.constant 256 : i32
      %dma_start3A_2207 = tpu.memref_slice %arg6[%mul3A_2174, %dma_start3A_2206] : memref<320000x272xf32, #tpu.memory_space<hbm>> -> memref<80x16xf32, #tpu.memory_space<hbm>>
      %dma_start3A_2208 = arith.constant 256 : i32
      %dma_start3A_2209 = tpu.memref_slice %arg6[%mul3A_2174, %dma_start3A_2208] : memref<320000x272xf32, #tpu.memory_space<hbm>> -> memref<80x16xf32, #tpu.memory_space<hbm>>
      %dma_start3A_2210 = arith.constant 0 : i32
      %dma_start3A_2211 = arith.constant 0 : i32
      %dma_start3A_2212 = tpu.memref_slice %arg11[%dma_start3A_2201, %dma_start3A_2210, %dma_start3A_2211] : memref<4x80x16xf32, #tpu.memory_space<vmem>> -> memref<1x80x16xf32, #tpu.memory_space<vmem>>
      %dma_start3A_2213 = tpu.memref_squeeze %dma_start3A_2212 : memref<1x80x16xf32, #tpu.memory_space<vmem>> -> memref<80x16xf32, #tpu.memory_space<vmem>>
      tpu.enqueue_dma source(%dma_start3A_2213 : memref<80x16xf32, #tpu.memory_space<vmem>>) target(%dma_start3A_2209 : memref<80x16xf32, #tpu.memory_space<hbm>>) target_semaphore(%arg23 : memref<!tpu.dma_semaphore, #tpu.memory_space<semaphore_mem>>)
      %dma_wait3A_2214 = arith.constant 1 : i32
      %dma_wait3A_2215 = arith.constant 0 : i32
      %dma_wait3A_2216 = tpu.memref_slice %arg7[%dma_wait3A_2214, %dma_wait3A_2215] : memref<4x80xi32, #tpu.memory_space<vmem>> -> memref<1x80xi32, #tpu.memory_space<vmem>>
      %dma_wait3A_2217 = tpu.memref_squeeze %dma_wait3A_2216 : memref<1x80xi32, #tpu.memory_space<vmem>> -> memref<80xi32, #tpu.memory_space<vmem>>
      %dma_wait3A_2218 = arith.constant 0 : i32
      %dma_wait3A_2219 = tpu.memref_slice %arg4[%dma_wait3A_2218] : memref<320000xi32, #tpu.memory_space<hbm>> -> memref<80xi32, #tpu.memory_space<hbm>>
      %dma_wait3A_2220 = arith.constant 0 : i32
      %dma_wait3A_2221 = tpu.memref_slice %arg7[%dma_wait3A_2214, %dma_wait3A_2220] : memref<4x80xi32, #tpu.memory_space<vmem>> -> memref<1x80xi32, #tpu.memory_space<vmem>>
      %dma_wait3A_2222 = tpu.memref_squeeze %dma_wait3A_2221 : memref<1x80xi32, #tpu.memory_space<vmem>> -> memref<80xi32, #tpu.memory_space<vmem>>
      %dma_wait3A_2223 = arith.constant 0 : i32
      %dma_wait3A_2224 = tpu.memref_slice %arg4[%dma_wait3A_2223] : memref<320000xi32, #tpu.memory_space<hbm>> -> memref<80xi32, #tpu.memory_space<hbm>>
      tpu.wait_dma2 semaphore(%arg13 : memref<!tpu.dma_semaphore, #tpu.memory_space<semaphore_mem>>) src(%dma_wait3A_2224 : memref<80xi32, #tpu.memory_space<hbm>>) dst(%dma_wait3A_2222 : memref<80xi32, #tpu.memory_space<vmem>>)
      %dma_wait3A_2225 = arith.constant 1 : i32
      %dma_wait3A_2226 = arith.constant 0 : i32
      %dma_wait3A_2227 = tpu.memref_slice %arg8[%dma_wait3A_2225, %dma_wait3A_2226] : memref<4x80xi32, #tpu.memory_space<vmem>> -> memref<1x80xi32, #tpu.memory_space<vmem>>
      %dma_wait3A_2228 = tpu.memref_squeeze %dma_wait3A_2227 : memref<1x80xi32, #tpu.memory_space<vmem>> -> memref<80xi32, #tpu.memory_space<vmem>>
      %dma_wait3A_2229 = arith.constant 0 : i32
      %dma_wait3A_2230 = tpu.memref_slice %arg5[%dma_wait3A_2229] : memref<320000xi32, #tpu.memory_space<hbm>> -> memref<80xi32, #tpu.memory_space<hbm>>
      %dma_wait3A_2231 = arith.constant 0 : i32
      %dma_wait3A_2232 = tpu.memref_slice %arg8[%dma_wait3A_2225, %dma_wait3A_2231] : memref<4x80xi32, #tpu.memory_space<vmem>> -> memref<1x80xi32, #tpu.memory_space<vmem>>
      %dma_wait3A_2233 = tpu.memref_squeeze %dma_wait3A_2232 : memref<1x80xi32, #tpu.memory_space<vmem>> -> memref<80xi32, #tpu.memory_space<vmem>>
      %dma_wait3A_2234 = arith.constant 0 : i32
      %dma_wait3A_2235 = tpu.memref_slice %arg5[%dma_wait3A_2234] : memref<320000xi32, #tpu.memory_space<hbm>> -> memref<80xi32, #tpu.memory_space<hbm>>
      tpu.wait_dma2 semaphore(%arg13 : memref<!tpu.dma_semaphore, #tpu.memory_space<semaphore_mem>>) src(%dma_wait3A_2235 : memref<80xi32, #tpu.memory_space<hbm>>) dst(%dma_wait3A_2233 : memref<80xi32, #tpu.memory_space<vmem>>)
      %dma_wait3A_2236 = arith.constant 1 : i32
      %dma_wait3A_2237 = arith.constant 0 : i32
      %dma_wait3A_2238 = arith.constant 0 : i32
      %dma_wait3A_2239 = tpu.memref_slice %arg9[%dma_wait3A_2236, %dma_wait3A_2237, %dma_wait3A_2238] : memref<4x80x128xf32, #tpu.memory_space<vmem>> -> memref<1x80x128xf32, #tpu.memory_space<vmem>>
      %dma_wait3A_2240 = tpu.memref_squeeze %dma_wait3A_2239 : memref<1x80x128xf32, #tpu.memory_space<vmem>> -> memref<80x128xf32, #tpu.memory_space<vmem>>
      %dma_wait3A_2241 = arith.constant 0 : i32
      %dma_wait3A_2242 = arith.constant 0 : i32
      %dma_wait3A_2243 = tpu.memref_slice %arg6[%dma_wait3A_2241, %dma_wait3A_2242] : memref<320000x272xf32, #tpu.memory_space<hbm>> -> memref<80x128xf32, #tpu.memory_space<hbm>>
      %dma_wait3A_2244 = arith.constant 0 : i32
      %dma_wait3A_2245 = arith.constant 0 : i32
      %dma_wait3A_2246 = tpu.memref_slice %arg6[%dma_wait3A_2244, %dma_wait3A_2245] : memref<320000x272xf32, #tpu.memory_space<hbm>> -> memref<80x128xf32, #tpu.memory_space<hbm>>
      %dma_wait3A_2247 = arith.constant 0 : i32
      %dma_wait3A_2248 = arith.constant 0 : i32
      %dma_wait3A_2249 = tpu.memref_slice %arg9[%dma_wait3A_2236, %dma_wait3A_2247, %dma_wait3A_2248] : memref<4x80x128xf32, #tpu.memory_space<vmem>> -> memref<1x80x128xf32, #tpu.memory_space<vmem>>
      %dma_wait3A_2250 = tpu.memref_squeeze %dma_wait3A_2249 : memref<1x80x128xf32, #tpu.memory_space<vmem>> -> memref<80x128xf32, #tpu.memory_space<vmem>>
      tpu.wait_dma2 semaphore(%arg21 : memref<!tpu.dma_semaphore, #tpu.memory_space<semaphore_mem>>) src(%dma_wait3A_2250 : memref<80x128xf32, #tpu.memory_space<vmem>>) dst(%dma_wait3A_2246 : memref<80x128xf32, #tpu.memory_space<hbm>>)
      %dma_wait3A_2251 = arith.constant 1 : i32
      %dma_wait3A_2252 = arith.constant 0 : i32
      %dma_wait3A_2253 = arith.constant 0 : i32
      %dma_wait3A_2254 = tpu.memref_slice %arg10[%dma_wait3A_2251, %dma_wait3A_2252, %dma_wait3A_2253] : memref<4x80x128xf32, #tpu.memory_space<vmem>> -> memref<1x80x128xf32, #tpu.memory_space<vmem>>
      %dma_wait3A_2255 = tpu.memref_squeeze %dma_wait3A_2254 : memref<1x80x128xf32, #tpu.memory_space<vmem>> -> memref<80x128xf32, #tpu.memory_space<vmem>>
      %dma_wait3A_2256 = arith.constant 0 : i32
      %dma_wait3A_2257 = arith.constant 128 : i32
      %dma_wait3A_2258 = tpu.memref_slice %arg6[%dma_wait3A_2256, %dma_wait3A_2257] : memref<320000x272xf32, #tpu.memory_space<hbm>> -> memref<80x128xf32, #tpu.memory_space<hbm>>
      %dma_wait3A_2259 = arith.constant 0 : i32
      %dma_wait3A_2260 = arith.constant 128 : i32
      %dma_wait3A_2261 = tpu.memref_slice %arg6[%dma_wait3A_2259, %dma_wait3A_2260] : memref<320000x272xf32, #tpu.memory_space<hbm>> -> memref<80x128xf32, #tpu.memory_space<hbm>>
      %dma_wait3A_2262 = arith.constant 0 : i32
      %dma_wait3A_2263 = arith.constant 0 : i32
      %dma_wait3A_2264 = tpu.memref_slice %arg10[%dma_wait3A_2251, %dma_wait3A_2262, %dma_wait3A_2263] : memref<4x80x128xf32, #tpu.memory_space<vmem>> -> memref<1x80x128xf32, #tpu.memory_space<vmem>>
      %dma_wait3A_2265 = tpu.memref_squeeze %dma_wait3A_2264 : memref<1x80x128xf32, #tpu.memory_space<vmem>> -> memref<80x128xf32, #tpu.memory_space<vmem>>
      tpu.wait_dma2 semaphore(%arg21 : memref<!tpu.dma_semaphore, #tpu.memory_space<semaphore_mem>>) src(%dma_wait3A_2265 : memref<80x128xf32, #tpu.memory_space<vmem>>) dst(%dma_wait3A_2261 : memref<80x128xf32, #tpu.memory_space<hbm>>)
      %dma_wait3A_2266 = arith.constant 1 : i32
      %dma_wait3A_2267 = arith.constant 0 : i32
      %dma_wait3A_2268 = arith.constant 0 : i32
      %dma_wait3A_2269 = tpu.memref_slice %arg11[%dma_wait3A_2266, %dma_wait3A_2267, %dma_wait3A_2268] : memref<4x80x16xf32, #tpu.memory_space<vmem>> -> memref<1x80x16xf32, #tpu.memory_space<vmem>>
      %dma_wait3A_2270 = tpu.memref_squeeze %dma_wait3A_2269 : memref<1x80x16xf32, #tpu.memory_space<vmem>> -> memref<80x16xf32, #tpu.memory_space<vmem>>
      %dma_wait3A_2271 = arith.constant 0 : i32
      %dma_wait3A_2272 = arith.constant 256 : i32
      %dma_wait3A_2273 = tpu.memref_slice %arg6[%dma_wait3A_2271, %dma_wait3A_2272] : memref<320000x272xf32, #tpu.memory_space<hbm>> -> memref<80x16xf32, #tpu.memory_space<hbm>>
      %dma_wait3A_2274 = arith.constant 0 : i32
      %dma_wait3A_2275 = arith.constant 256 : i32
      %dma_wait3A_2276 = tpu.memref_slice %arg6[%dma_wait3A_2274, %dma_wait3A_2275] : memref<320000x272xf32, #tpu.memory_space<hbm>> -> memref<80x16xf32, #tpu.memory_space<hbm>>
      %dma_wait3A_2277 = arith.constant 0 : i32
      %dma_wait3A_2278 = arith.constant 0 : i32
      %dma_wait3A_2279 = tpu.memref_slice %arg11[%dma_wait3A_2266, %dma_wait3A_2277, %dma_wait3A_2278] : memref<4x80x16xf32, #tpu.memory_space<vmem>> -> memref<1x80x16xf32, #tpu.memory_space<vmem>>
      %dma_wait3A_2280 = tpu.memref_squeeze %dma_wait3A_2279 : memref<1x80x16xf32, #tpu.memory_space<vmem>> -> memref<80x16xf32, #tpu.memory_space<vmem>>
      tpu.wait_dma2 semaphore(%arg21 : memref<!tpu.dma_semaphore, #tpu.memory_space<semaphore_mem>>) src(%dma_wait3A_2280 : memref<80x16xf32, #tpu.memory_space<vmem>>) dst(%dma_wait3A_2276 : memref<80x16xf32, #tpu.memory_space<hbm>>)
      %add3A_2281 = arith.constant 2 : i32
      %add3A_2282 = arith.addi %add3A_2126, %add3A_2281 : i32
      %dma_start3A_2283 = arith.constant 1 : i32
      %dma_start3A_2284 = arith.constant 1 : i32
      %dma_start3A_2285 = arith.constant 0 : i32
      %dma_start3A_2286 = arith.constant 0 : i32
      %dma_start3A_2287 = tpu.memref_slice %arg9[%dma_start3A_2284, %dma_start3A_2285, %dma_start3A_2286] : memref<4x80x128xf32, #tpu.memory_space<vmem>> -> memref<1x80x128xf32, #tpu.memory_space<vmem>>
      %dma_start3A_2288 = tpu.memref_squeeze %dma_start3A_2287 : memref<1x80x128xf32, #tpu.memory_space<vmem>> -> memref<80x128xf32, #tpu.memory_space<vmem>>
      %dma_start3A_2289 = arith.constant 0 : i32
      %dma_start3A_2290 = tpu.memref_slice %arg7[%dma_start3A_2283, %dma_start3A_2289] : memref<4x80xi32, #tpu.memory_space<vmem>> -> memref<1x80xi32, #tpu.memory_space<vmem>>
      %dma_start3A_2291 = tpu.memref_squeeze %dma_start3A_2290 : memref<1x80xi32, #tpu.memory_space<vmem>> -> memref<80xi32, #tpu.memory_space<vmem>>
      %dma_start3A_2292 = arith.constant 0 : i32
      %dma_start3A_2293 = arith.constant 0 : i32
      %dma_start3A_2294 = tpu.memref_slice %arg2[%dma_start3A_2292, %dma_start3A_2293] : memref<10000x128xf32, #tpu.memory_space<hbm>> -> memref<10000x128xf32, #tpu.memory_space<hbm>>
      tpu.enqueue_indirect_dma source(%dma_start3A_2294 : memref<10000x128xf32, #tpu.memory_space<hbm>>) target(%dma_start3A_2288 : memref<80x128xf32, #tpu.memory_space<vmem>>) offsets(%dma_start3A_2291 : memref<80xi32, #tpu.memory_space<vmem>>) semaphore(%arg17 : memref<!tpu.dma_semaphore, #tpu.memory_space<semaphore_mem>>)
      %dma_start3A_2295 = arith.constant 1 : i32
      %dma_start3A_2296 = arith.constant 1 : i32
      %dma_start3A_2297 = arith.constant 0 : i32
      %dma_start3A_2298 = arith.constant 0 : i32
      %dma_start3A_2299 = tpu.memref_slice %arg10[%dma_start3A_2296, %dma_start3A_2297, %dma_start3A_2298] : memref<4x80x128xf32, #tpu.memory_space<vmem>> -> memref<1x80x128xf32, #tpu.memory_space<vmem>>
      %dma_start3A_2300 = tpu.memref_squeeze %dma_start3A_2299 : memref<1x80x128xf32, #tpu.memory_space<vmem>> -> memref<80x128xf32, #tpu.memory_space<vmem>>
      %dma_start3A_2301 = arith.constant 0 : i32
      %dma_start3A_2302 = tpu.memref_slice %arg8[%dma_start3A_2295, %dma_start3A_2301] : memref<4x80xi32, #tpu.memory_space<vmem>> -> memref<1x80xi32, #tpu.memory_space<vmem>>
      %dma_start3A_2303 = tpu.memref_squeeze %dma_start3A_2302 : memref<1x80xi32, #tpu.memory_space<vmem>> -> memref<80xi32, #tpu.memory_space<vmem>>
      %dma_start3A_2304 = arith.constant 0 : i32
      %dma_start3A_2305 = arith.constant 0 : i32
      %dma_start3A_2306 = tpu.memref_slice %arg2[%dma_start3A_2304, %dma_start3A_2305] : memref<10000x128xf32, #tpu.memory_space<hbm>> -> memref<10000x128xf32, #tpu.memory_space<hbm>>
      tpu.enqueue_indirect_dma source(%dma_start3A_2306 : memref<10000x128xf32, #tpu.memory_space<hbm>>) target(%dma_start3A_2300 : memref<80x128xf32, #tpu.memory_space<vmem>>) offsets(%dma_start3A_2303 : memref<80xi32, #tpu.memory_space<vmem>>) semaphore(%arg17 : memref<!tpu.dma_semaphore, #tpu.memory_space<semaphore_mem>>)
      %add3A_2307 = arith.constant 0 : i32
      %add3A_2308 = arith.addi %add3A_2307, %mul3A_2 : i32
      %add3A_2309 = arith.addi %add3A_2308, %add3A_2282 : i32
      %mul3A_2310 = arith.constant 80 : i32
      %mul3A_2311 = arith.muli %add3A_2309, %mul3A_2310 : i32
      %dma_start3A_2312 = arith.constant 1 : i32
      %dma_start3A_2313 = arith.constant 0 : i32
      %dma_start3A_2314 = arith.constant 0 : i32
      %dma_start3A_2315 = tpu.memref_slice %arg11[%dma_start3A_2312, %dma_start3A_2313, %dma_start3A_2314] : memref<4x80x16xf32, #tpu.memory_space<vmem>> -> memref<1x80x16xf32, #tpu.memory_space<vmem>>
      %dma_start3A_2316 = tpu.memref_squeeze %dma_start3A_2315 : memref<1x80x16xf32, #tpu.memory_space<vmem>> -> memref<80x16xf32, #tpu.memory_space<vmem>>
      %dma_start3A_2317 = arith.constant 0 : i32
      %dma_start3A_2318 = tpu.memref_slice %arg3[%mul3A_2311, %dma_start3A_2317] : memref<320000x16xf32, #tpu.memory_space<hbm>> -> memref<80x16xf32, #tpu.memory_space<hbm>>
      %dma_start3A_2319 = arith.constant 0 : i32
      %dma_start3A_2320 = arith.constant 0 : i32
      %dma_start3A_2321 = tpu.memref_slice %arg11[%dma_start3A_2312, %dma_start3A_2319, %dma_start3A_2320] : memref<4x80x16xf32, #tpu.memory_space<vmem>> -> memref<1x80x16xf32, #tpu.memory_space<vmem>>
      %dma_start3A_2322 = tpu.memref_squeeze %dma_start3A_2321 : memref<1x80x16xf32, #tpu.memory_space<vmem>> -> memref<80x16xf32, #tpu.memory_space<vmem>>
      %dma_start3A_2323 = arith.constant 0 : i32
      %dma_start3A_2324 = tpu.memref_slice %arg3[%mul3A_2311, %dma_start3A_2323] : memref<320000x16xf32, #tpu.memory_space<hbm>> -> memref<80x16xf32, #tpu.memory_space<hbm>>
      tpu.enqueue_dma source(%dma_start3A_2324 : memref<80x16xf32, #tpu.memory_space<hbm>>) target(%dma_start3A_2322 : memref<80x16xf32, #tpu.memory_space<vmem>>) target_semaphore(%arg17 : memref<!tpu.dma_semaphore, #tpu.memory_space<semaphore_mem>>)
      %add3A_2325 = arith.constant 4 : i32
      %add3A_2326 = arith.addi %add3A_2126, %add3A_2325 : i32
      %add3A_2327 = arith.constant 0 : i32
      %add3A_2328 = arith.addi %add3A_2327, %mul3A_2 : i32
      %add3A_2329 = arith.addi %add3A_2328, %add3A_2326 : i32
      %mul3A_2330 = arith.constant 80 : i32
      %mul3A_2331 = arith.muli %add3A_2329, %mul3A_2330 : i32
      %dma_start3A_2332 = arith.constant 3 : i32
      %dma_start3A_2333 = arith.constant 0 : i32
      %dma_start3A_2334 = tpu.memref_slice %arg7[%dma_start3A_2332, %dma_start3A_2333] : memref<4x80xi32, #tpu.memory_space<vmem>> -> memref<1x80xi32, #tpu.memory_space<vmem>>
      %dma_start3A_2335 = tpu.memref_squeeze %dma_start3A_2334 : memref<1x80xi32, #tpu.memory_space<vmem>> -> memref<80xi32, #tpu.memory_space<vmem>>
      %dma_start3A_2336 = tpu.memref_slice %arg4[%mul3A_2331] : memref<320000xi32, #tpu.memory_space<hbm>> -> memref<80xi32, #tpu.memory_space<hbm>>
      %dma_start3A_2337 = arith.constant 0 : i32
      %dma_start3A_2338 = tpu.memref_slice %arg7[%dma_start3A_2332, %dma_start3A_2337] : memref<4x80xi32, #tpu.memory_space<vmem>> -> memref<1x80xi32, #tpu.memory_space<vmem>>
      %dma_start3A_2339 = tpu.memref_squeeze %dma_start3A_2338 : memref<1x80xi32, #tpu.memory_space<vmem>> -> memref<80xi32, #tpu.memory_space<vmem>>
      %dma_start3A_2340 = tpu.memref_slice %arg4[%mul3A_2331] : memref<320000xi32, #tpu.memory_space<hbm>> -> memref<80xi32, #tpu.memory_space<hbm>>
      tpu.enqueue_dma source(%dma_start3A_2340 : memref<80xi32, #tpu.memory_space<hbm>>) target(%dma_start3A_2339 : memref<80xi32, #tpu.memory_space<vmem>>) target_semaphore(%arg15 : memref<!tpu.dma_semaphore, #tpu.memory_space<semaphore_mem>>)
      %add3A_2341 = arith.constant 0 : i32
      %add3A_2342 = arith.addi %add3A_2341, %mul3A_2 : i32
      %add3A_2343 = arith.addi %add3A_2342, %add3A_2326 : i32
      %mul3A_2344 = arith.constant 80 : i32
      %mul3A_2345 = arith.muli %add3A_2343, %mul3A_2344 : i32
      %dma_start3A_2346 = arith.constant 3 : i32
      %dma_start3A_2347 = arith.constant 0 : i32
      %dma_start3A_2348 = tpu.memref_slice %arg8[%dma_start3A_2346, %dma_start3A_2347] : memref<4x80xi32, #tpu.memory_space<vmem>> -> memref<1x80xi32, #tpu.memory_space<vmem>>
      %dma_start3A_2349 = tpu.memref_squeeze %dma_start3A_2348 : memref<1x80xi32, #tpu.memory_space<vmem>> -> memref<80xi32, #tpu.memory_space<vmem>>
      %dma_start3A_2350 = tpu.memref_slice %arg5[%mul3A_2345] : memref<320000xi32, #tpu.memory_space<hbm>> -> memref<80xi32, #tpu.memory_space<hbm>>
      %dma_start3A_2351 = arith.constant 0 : i32
      %dma_start3A_2352 = tpu.memref_slice %arg8[%dma_start3A_2346, %dma_start3A_2351] : memref<4x80xi32, #tpu.memory_space<vmem>> -> memref<1x80xi32, #tpu.memory_space<vmem>>
      %dma_start3A_2353 = tpu.memref_squeeze %dma_start3A_2352 : memref<1x80xi32, #tpu.memory_space<vmem>> -> memref<80xi32, #tpu.memory_space<vmem>>
      %dma_start3A_2354 = tpu.memref_slice %arg5[%mul3A_2345] : memref<320000xi32, #tpu.memory_space<hbm>> -> memref<80xi32, #tpu.memory_space<hbm>>
      tpu.enqueue_dma source(%dma_start3A_2354 : memref<80xi32, #tpu.memory_space<hbm>>) target(%dma_start3A_2353 : memref<80xi32, #tpu.memory_space<vmem>>) target_semaphore(%arg15 : memref<!tpu.dma_semaphore, #tpu.memory_space<semaphore_mem>>)
      %add3A_2355 = arith.constant 2 : i32
      %add3A_2356 = arith.addi %add3A_1894, %add3A_2355 : i32
      %dma_wait3A_2357 = arith.constant 0 : i32
      %dma_wait3A_2358 = arith.constant 0 : i32
      %dma_wait3A_2359 = arith.constant 0 : i32
      %dma_wait3A_2360 = tpu.memref_slice %arg9[%dma_wait3A_2357, %dma_wait3A_2358, %dma_wait3A_2359] : memref<4x80x128xf32, #tpu.memory_space<vmem>> -> memref<1x80x128xf32, #tpu.memory_space<vmem>>
      %dma_wait3A_2361 = tpu.memref_squeeze %dma_wait3A_2360 : memref<1x80x128xf32, #tpu.memory_space<vmem>> -> memref<80x128xf32, #tpu.memory_space<vmem>>
      %dma_wait3A_2362 = arith.constant 0 : i32
      %dma_wait3A_2363 = arith.constant 0 : i32
      %dma_wait3A_2364 = tpu.memref_slice %arg2[%dma_wait3A_2362, %dma_wait3A_2363] : memref<10000x128xf32, #tpu.memory_space<hbm>> -> memref<80x128xf32, #tpu.memory_space<hbm>>
      %dma_wait3A_2365 = arith.constant 0 : i32
      %dma_wait3A_2366 = arith.constant 0 : i32
      %dma_wait3A_2367 = tpu.memref_slice %arg9[%dma_wait3A_2357, %dma_wait3A_2365, %dma_wait3A_2366] : memref<4x80x128xf32, #tpu.memory_space<vmem>> -> memref<1x80x128xf32, #tpu.memory_space<vmem>>
      %dma_wait3A_2368 = tpu.memref_squeeze %dma_wait3A_2367 : memref<1x80x128xf32, #tpu.memory_space<vmem>> -> memref<80x128xf32, #tpu.memory_space<vmem>>
      %dma_wait3A_2369 = arith.constant 0 : i32
      %dma_wait3A_2370 = arith.constant 0 : i32
      %dma_wait3A_2371 = tpu.memref_slice %arg2[%dma_wait3A_2369, %dma_wait3A_2370] : memref<10000x128xf32, #tpu.memory_space<hbm>> -> memref<80x128xf32, #tpu.memory_space<hbm>>
      tpu.wait_dma2 semaphore(%arg16 : memref<!tpu.dma_semaphore, #tpu.memory_space<semaphore_mem>>) src(%dma_wait3A_2371 : memref<80x128xf32, #tpu.memory_space<hbm>>) dst(%dma_wait3A_2368 : memref<80x128xf32, #tpu.memory_space<vmem>>)
      %dma_wait3A_2372 = arith.constant 0 : i32
      %dma_wait3A_2373 = arith.constant 0 : i32
      %dma_wait3A_2374 = arith.constant 0 : i32
      %dma_wait3A_2375 = tpu.memref_slice %arg10[%dma_wait3A_2372, %dma_wait3A_2373, %dma_wait3A_2374] : memref<4x80x128xf32, #tpu.memory_space<vmem>> -> memref<1x80x128xf32, #tpu.memory_space<vmem>>
      %dma_wait3A_2376 = tpu.memref_squeeze %dma_wait3A_2375 : memref<1x80x128xf32, #tpu.memory_space<vmem>> -> memref<80x128xf32, #tpu.memory_space<vmem>>
      %dma_wait3A_2377 = arith.constant 0 : i32
      %dma_wait3A_2378 = arith.constant 0 : i32
      %dma_wait3A_2379 = tpu.memref_slice %arg2[%dma_wait3A_2377, %dma_wait3A_2378] : memref<10000x128xf32, #tpu.memory_space<hbm>> -> memref<80x128xf32, #tpu.memory_space<hbm>>
      %dma_wait3A_2380 = arith.constant 0 : i32
      %dma_wait3A_2381 = arith.constant 0 : i32
      %dma_wait3A_2382 = tpu.memref_slice %arg10[%dma_wait3A_2372, %dma_wait3A_2380, %dma_wait3A_2381] : memref<4x80x128xf32, #tpu.memory_space<vmem>> -> memref<1x80x128xf32, #tpu.memory_space<vmem>>
      %dma_wait3A_2383 = tpu.memref_squeeze %dma_wait3A_2382 : memref<1x80x128xf32, #tpu.memory_space<vmem>> -> memref<80x128xf32, #tpu.memory_space<vmem>>
      %dma_wait3A_2384 = arith.constant 0 : i32
      %dma_wait3A_2385 = arith.constant 0 : i32
      %dma_wait3A_2386 = tpu.memref_slice %arg2[%dma_wait3A_2384, %dma_wait3A_2385] : memref<10000x128xf32, #tpu.memory_space<hbm>> -> memref<80x128xf32, #tpu.memory_space<hbm>>
      tpu.wait_dma2 semaphore(%arg16 : memref<!tpu.dma_semaphore, #tpu.memory_space<semaphore_mem>>) src(%dma_wait3A_2386 : memref<80x128xf32, #tpu.memory_space<hbm>>) dst(%dma_wait3A_2383 : memref<80x128xf32, #tpu.memory_space<vmem>>)
      %dma_wait3A_2387 = arith.constant 0 : i32
      %dma_wait3A_2388 = arith.constant 0 : i32
      %dma_wait3A_2389 = arith.constant 0 : i32
      %dma_wait3A_2390 = tpu.memref_slice %arg11[%dma_wait3A_2387, %dma_wait3A_2388, %dma_wait3A_2389] : memref<4x80x16xf32, #tpu.memory_space<vmem>> -> memref<1x80x16xf32, #tpu.memory_space<vmem>>
      %dma_wait3A_2391 = tpu.memref_squeeze %dma_wait3A_2390 : memref<1x80x16xf32, #tpu.memory_space<vmem>> -> memref<80x16xf32, #tpu.memory_space<vmem>>
      %dma_wait3A_2392 = arith.constant 0 : i32
      %dma_wait3A_2393 = arith.constant 0 : i32
      %dma_wait3A_2394 = tpu.memref_slice %arg3[%dma_wait3A_2392, %dma_wait3A_2393] : memref<320000x16xf32, #tpu.memory_space<hbm>> -> memref<80x16xf32, #tpu.memory_space<hbm>>
      %dma_wait3A_2395 = arith.constant 0 : i32
      %dma_wait3A_2396 = arith.constant 0 : i32
      %dma_wait3A_2397 = tpu.memref_slice %arg11[%dma_wait3A_2387, %dma_wait3A_2395, %dma_wait3A_2396] : memref<4x80x16xf32, #tpu.memory_space<vmem>> -> memref<1x80x16xf32, #tpu.memory_space<vmem>>
      %dma_wait3A_2398 = tpu.memref_squeeze %dma_wait3A_2397 : memref<1x80x16xf32, #tpu.memory_space<vmem>> -> memref<80x16xf32, #tpu.memory_space<vmem>>
      %dma_wait3A_2399 = arith.constant 0 : i32
      %dma_wait3A_2400 = arith.constant 0 : i32
      %dma_wait3A_2401 = tpu.memref_slice %arg3[%dma_wait3A_2399, %dma_wait3A_2400] : memref<320000x16xf32, #tpu.memory_space<hbm>> -> memref<80x16xf32, #tpu.memory_space<hbm>>
      tpu.wait_dma2 semaphore(%arg16 : memref<!tpu.dma_semaphore, #tpu.memory_space<semaphore_mem>>) src(%dma_wait3A_2401 : memref<80x16xf32, #tpu.memory_space<hbm>>) dst(%dma_wait3A_2398 : memref<80x16xf32, #tpu.memory_space<vmem>>)
      %add3A_2402 = arith.addi %mul3A_2, %add3A_2356 : i32
      %mul3A_2403 = arith.constant 80 : i32
      %mul3A_2404 = arith.muli %add3A_2402, %mul3A_2403 : i32
      %dma_start3A_2405 = arith.constant 0 : i32
      %dma_start3A_2406 = arith.constant 0 : i32
      %dma_start3A_2407 = arith.constant 0 : i32
      %dma_start3A_2408 = tpu.memref_slice %arg9[%dma_start3A_2405, %dma_start3A_2406, %dma_start3A_2407] : memref<4x80x128xf32, #tpu.memory_space<vmem>> -> memref<1x80x128xf32, #tpu.memory_space<vmem>>
      %dma_start3A_2409 = tpu.memref_squeeze %dma_start3A_2408 : memref<1x80x128xf32, #tpu.memory_space<vmem>> -> memref<80x128xf32, #tpu.memory_space<vmem>>
      %dma_start3A_2410 = arith.constant 0 : i32
      %dma_start3A_2411 = tpu.memref_slice %arg6[%mul3A_2404, %dma_start3A_2410] : memref<320000x272xf32, #tpu.memory_space<hbm>> -> memref<80x128xf32, #tpu.memory_space<hbm>>
      %dma_start3A_2412 = arith.constant 0 : i32
      %dma_start3A_2413 = tpu.memref_slice %arg6[%mul3A_2404, %dma_start3A_2412] : memref<320000x272xf32, #tpu.memory_space<hbm>> -> memref<80x128xf32, #tpu.memory_space<hbm>>
      %dma_start3A_2414 = arith.constant 0 : i32
      %dma_start3A_2415 = arith.constant 0 : i32
      %dma_start3A_2416 = tpu.memref_slice %arg9[%dma_start3A_2405, %dma_start3A_2414, %dma_start3A_2415] : memref<4x80x128xf32, #tpu.memory_space<vmem>> -> memref<1x80x128xf32, #tpu.memory_space<vmem>>
      %dma_start3A_2417 = tpu.memref_squeeze %dma_start3A_2416 : memref<1x80x128xf32, #tpu.memory_space<vmem>> -> memref<80x128xf32, #tpu.memory_space<vmem>>
      tpu.enqueue_dma source(%dma_start3A_2417 : memref<80x128xf32, #tpu.memory_space<vmem>>) target(%dma_start3A_2413 : memref<80x128xf32, #tpu.memory_space<hbm>>) target_semaphore(%arg20 : memref<!tpu.dma_semaphore, #tpu.memory_space<semaphore_mem>>)
      %dma_start3A_2418 = arith.constant 0 : i32
      %dma_start3A_2419 = arith.constant 0 : i32
      %dma_start3A_2420 = arith.constant 0 : i32
      %dma_start3A_2421 = tpu.memref_slice %arg10[%dma_start3A_2418, %dma_start3A_2419, %dma_start3A_2420] : memref<4x80x128xf32, #tpu.memory_space<vmem>> -> memref<1x80x128xf32, #tpu.memory_space<vmem>>
      %dma_start3A_2422 = tpu.memref_squeeze %dma_start3A_2421 : memref<1x80x128xf32, #tpu.memory_space<vmem>> -> memref<80x128xf32, #tpu.memory_space<vmem>>
      %dma_start3A_2423 = arith.constant 128 : i32
      %dma_start3A_2424 = tpu.memref_slice %arg6[%mul3A_2404, %dma_start3A_2423] : memref<320000x272xf32, #tpu.memory_space<hbm>> -> memref<80x128xf32, #tpu.memory_space<hbm>>
      %dma_start3A_2425 = arith.constant 128 : i32
      %dma_start3A_2426 = tpu.memref_slice %arg6[%mul3A_2404, %dma_start3A_2425] : memref<320000x272xf32, #tpu.memory_space<hbm>> -> memref<80x128xf32, #tpu.memory_space<hbm>>
      %dma_start3A_2427 = arith.constant 0 : i32
      %dma_start3A_2428 = arith.constant 0 : i32
      %dma_start3A_2429 = tpu.memref_slice %arg10[%dma_start3A_2418, %dma_start3A_2427, %dma_start3A_2428] : memref<4x80x128xf32, #tpu.memory_space<vmem>> -> memref<1x80x128xf32, #tpu.memory_space<vmem>>
      %dma_start3A_2430 = tpu.memref_squeeze %dma_start3A_2429 : memref<1x80x128xf32, #tpu.memory_space<vmem>> -> memref<80x128xf32, #tpu.memory_space<vmem>>
      tpu.enqueue_dma source(%dma_start3A_2430 : memref<80x128xf32, #tpu.memory_space<vmem>>) target(%dma_start3A_2426 : memref<80x128xf32, #tpu.memory_space<hbm>>) target_semaphore(%arg20 : memref<!tpu.dma_semaphore, #tpu.memory_space<semaphore_mem>>)
      %dma_start3A_2431 = arith.constant 0 : i32
      %dma_start3A_2432 = arith.constant 0 : i32
      %dma_start3A_2433 = arith.constant 0 : i32
      %dma_start3A_2434 = tpu.memref_slice %arg11[%dma_start3A_2431, %dma_start3A_2432, %dma_start3A_2433] : memref<4x80x16xf32, #tpu.memory_space<vmem>> -> memref<1x80x16xf32, #tpu.memory_space<vmem>>
      %dma_start3A_2435 = tpu.memref_squeeze %dma_start3A_2434 : memref<1x80x16xf32, #tpu.memory_space<vmem>> -> memref<80x16xf32, #tpu.memory_space<vmem>>
      %dma_start3A_2436 = arith.constant 256 : i32
      %dma_start3A_2437 = tpu.memref_slice %arg6[%mul3A_2404, %dma_start3A_2436] : memref<320000x272xf32, #tpu.memory_space<hbm>> -> memref<80x16xf32, #tpu.memory_space<hbm>>
      %dma_start3A_2438 = arith.constant 256 : i32
      %dma_start3A_2439 = tpu.memref_slice %arg6[%mul3A_2404, %dma_start3A_2438] : memref<320000x272xf32, #tpu.memory_space<hbm>> -> memref<80x16xf32, #tpu.memory_space<hbm>>
      %dma_start3A_2440 = arith.constant 0 : i32
      %dma_start3A_2441 = arith.constant 0 : i32
      %dma_start3A_2442 = tpu.memref_slice %arg11[%dma_start3A_2431, %dma_start3A_2440, %dma_start3A_2441] : memref<4x80x16xf32, #tpu.memory_space<vmem>> -> memref<1x80x16xf32, #tpu.memory_space<vmem>>
      %dma_start3A_2443 = tpu.memref_squeeze %dma_start3A_2442 : memref<1x80x16xf32, #tpu.memory_space<vmem>> -> memref<80x16xf32, #tpu.memory_space<vmem>>
      tpu.enqueue_dma source(%dma_start3A_2443 : memref<80x16xf32, #tpu.memory_space<vmem>>) target(%dma_start3A_2439 : memref<80x16xf32, #tpu.memory_space<hbm>>) target_semaphore(%arg20 : memref<!tpu.dma_semaphore, #tpu.memory_space<semaphore_mem>>)
      %dma_wait3A_2444 = arith.constant 2 : i32
      %dma_wait3A_2445 = arith.constant 0 : i32
      %dma_wait3A_2446 = tpu.memref_slice %arg7[%dma_wait3A_2444, %dma_wait3A_2445] : memref<4x80xi32, #tpu.memory_space<vmem>> -> memref<1x80xi32, #tpu.memory_space<vmem>>
      %dma_wait3A_2447 = tpu.memref_squeeze %dma_wait3A_2446 : memref<1x80xi32, #tpu.memory_space<vmem>> -> memref<80xi32, #tpu.memory_space<vmem>>
      %dma_wait3A_2448 = arith.constant 0 : i32
      %dma_wait3A_2449 = tpu.memref_slice %arg4[%dma_wait3A_2448] : memref<320000xi32, #tpu.memory_space<hbm>> -> memref<80xi32, #tpu.memory_space<hbm>>
      %dma_wait3A_2450 = arith.constant 0 : i32
      %dma_wait3A_2451 = tpu.memref_slice %arg7[%dma_wait3A_2444, %dma_wait3A_2450] : memref<4x80xi32, #tpu.memory_space<vmem>> -> memref<1x80xi32, #tpu.memory_space<vmem>>
      %dma_wait3A_2452 = tpu.memref_squeeze %dma_wait3A_2451 : memref<1x80xi32, #tpu.memory_space<vmem>> -> memref<80xi32, #tpu.memory_space<vmem>>
      %dma_wait3A_2453 = arith.constant 0 : i32
      %dma_wait3A_2454 = tpu.memref_slice %arg4[%dma_wait3A_2453] : memref<320000xi32, #tpu.memory_space<hbm>> -> memref<80xi32, #tpu.memory_space<hbm>>
      tpu.wait_dma2 semaphore(%arg14 : memref<!tpu.dma_semaphore, #tpu.memory_space<semaphore_mem>>) src(%dma_wait3A_2454 : memref<80xi32, #tpu.memory_space<hbm>>) dst(%dma_wait3A_2452 : memref<80xi32, #tpu.memory_space<vmem>>)
      %dma_wait3A_2455 = arith.constant 2 : i32
      %dma_wait3A_2456 = arith.constant 0 : i32
      %dma_wait3A_2457 = tpu.memref_slice %arg8[%dma_wait3A_2455, %dma_wait3A_2456] : memref<4x80xi32, #tpu.memory_space<vmem>> -> memref<1x80xi32, #tpu.memory_space<vmem>>
      %dma_wait3A_2458 = tpu.memref_squeeze %dma_wait3A_2457 : memref<1x80xi32, #tpu.memory_space<vmem>> -> memref<80xi32, #tpu.memory_space<vmem>>
      %dma_wait3A_2459 = arith.constant 0 : i32
      %dma_wait3A_2460 = tpu.memref_slice %arg5[%dma_wait3A_2459] : memref<320000xi32, #tpu.memory_space<hbm>> -> memref<80xi32, #tpu.memory_space<hbm>>
      %dma_wait3A_2461 = arith.constant 0 : i32
      %dma_wait3A_2462 = tpu.memref_slice %arg8[%dma_wait3A_2455, %dma_wait3A_2461] : memref<4x80xi32, #tpu.memory_space<vmem>> -> memref<1x80xi32, #tpu.memory_space<vmem>>
      %dma_wait3A_2463 = tpu.memref_squeeze %dma_wait3A_2462 : memref<1x80xi32, #tpu.memory_space<vmem>> -> memref<80xi32, #tpu.memory_space<vmem>>
      %dma_wait3A_2464 = arith.constant 0 : i32
      %dma_wait3A_2465 = tpu.memref_slice %arg5[%dma_wait3A_2464] : memref<320000xi32, #tpu.memory_space<hbm>> -> memref<80xi32, #tpu.memory_space<hbm>>
      tpu.wait_dma2 semaphore(%arg14 : memref<!tpu.dma_semaphore, #tpu.memory_space<semaphore_mem>>) src(%dma_wait3A_2465 : memref<80xi32, #tpu.memory_space<hbm>>) dst(%dma_wait3A_2463 : memref<80xi32, #tpu.memory_space<vmem>>)
      %dma_wait3A_2466 = arith.constant 2 : i32
      %dma_wait3A_2467 = arith.constant 0 : i32
      %dma_wait3A_2468 = arith.constant 0 : i32
      %dma_wait3A_2469 = tpu.memref_slice %arg9[%dma_wait3A_2466, %dma_wait3A_2467, %dma_wait3A_2468] : memref<4x80x128xf32, #tpu.memory_space<vmem>> -> memref<1x80x128xf32, #tpu.memory_space<vmem>>
      %dma_wait3A_2470 = tpu.memref_squeeze %dma_wait3A_2469 : memref<1x80x128xf32, #tpu.memory_space<vmem>> -> memref<80x128xf32, #tpu.memory_space<vmem>>
      %dma_wait3A_2471 = arith.constant 0 : i32
      %dma_wait3A_2472 = arith.constant 0 : i32
      %dma_wait3A_2473 = tpu.memref_slice %arg6[%dma_wait3A_2471, %dma_wait3A_2472] : memref<320000x272xf32, #tpu.memory_space<hbm>> -> memref<80x128xf32, #tpu.memory_space<hbm>>
      %dma_wait3A_2474 = arith.constant 0 : i32
      %dma_wait3A_2475 = arith.constant 0 : i32
      %dma_wait3A_2476 = tpu.memref_slice %arg6[%dma_wait3A_2474, %dma_wait3A_2475] : memref<320000x272xf32, #tpu.memory_space<hbm>> -> memref<80x128xf32, #tpu.memory_space<hbm>>
      %dma_wait3A_2477 = arith.constant 0 : i32
      %dma_wait3A_2478 = arith.constant 0 : i32
      %dma_wait3A_2479 = tpu.memref_slice %arg9[%dma_wait3A_2466, %dma_wait3A_2477, %dma_wait3A_2478] : memref<4x80x128xf32, #tpu.memory_space<vmem>> -> memref<1x80x128xf32, #tpu.memory_space<vmem>>
      %dma_wait3A_2480 = tpu.memref_squeeze %dma_wait3A_2479 : memref<1x80x128xf32, #tpu.memory_space<vmem>> -> memref<80x128xf32, #tpu.memory_space<vmem>>
      tpu.wait_dma2 semaphore(%arg22 : memref<!tpu.dma_semaphore, #tpu.memory_space<semaphore_mem>>) src(%dma_wait3A_2480 : memref<80x128xf32, #tpu.memory_space<vmem>>) dst(%dma_wait3A_2476 : memref<80x128xf32, #tpu.memory_space<hbm>>)
      %dma_wait3A_2481 = arith.constant 2 : i32
      %dma_wait3A_2482 = arith.constant 0 : i32
      %dma_wait3A_2483 = arith.constant 0 : i32
      %dma_wait3A_2484 = tpu.memref_slice %arg10[%dma_wait3A_2481, %dma_wait3A_2482, %dma_wait3A_2483] : memref<4x80x128xf32, #tpu.memory_space<vmem>> -> memref<1x80x128xf32, #tpu.memory_space<vmem>>
      %dma_wait3A_2485 = tpu.memref_squeeze %dma_wait3A_2484 : memref<1x80x128xf32, #tpu.memory_space<vmem>> -> memref<80x128xf32, #tpu.memory_space<vmem>>
      %dma_wait3A_2486 = arith.constant 0 : i32
      %dma_wait3A_2487 = arith.constant 128 : i32
      %dma_wait3A_2488 = tpu.memref_slice %arg6[%dma_wait3A_2486, %dma_wait3A_2487] : memref<320000x272xf32, #tpu.memory_space<hbm>> -> memref<80x128xf32, #tpu.memory_space<hbm>>
      %dma_wait3A_2489 = arith.constant 0 : i32
      %dma_wait3A_2490 = arith.constant 128 : i32
      %dma_wait3A_2491 = tpu.memref_slice %arg6[%dma_wait3A_2489, %dma_wait3A_2490] : memref<320000x272xf32, #tpu.memory_space<hbm>> -> memref<80x128xf32, #tpu.memory_space<hbm>>
      %dma_wait3A_2492 = arith.constant 0 : i32
      %dma_wait3A_2493 = arith.constant 0 : i32
      %dma_wait3A_2494 = tpu.memref_slice %arg10[%dma_wait3A_2481, %dma_wait3A_2492, %dma_wait3A_2493] : memref<4x80x128xf32, #tpu.memory_space<vmem>> -> memref<1x80x128xf32, #tpu.memory_space<vmem>>
      %dma_wait3A_2495 = tpu.memref_squeeze %dma_wait3A_2494 : memref<1x80x128xf32, #tpu.memory_space<vmem>> -> memref<80x128xf32, #tpu.memory_space<vmem>>
      tpu.wait_dma2 semaphore(%arg22 : memref<!tpu.dma_semaphore, #tpu.memory_space<semaphore_mem>>) src(%dma_wait3A_2495 : memref<80x128xf32, #tpu.memory_space<vmem>>) dst(%dma_wait3A_2491 : memref<80x128xf32, #tpu.memory_space<hbm>>)
      %dma_wait3A_2496 = arith.constant 2 : i32
      %dma_wait3A_2497 = arith.constant 0 : i32
      %dma_wait3A_2498 = arith.constant 0 : i32
      %dma_wait3A_2499 = tpu.memref_slice %arg11[%dma_wait3A_2496, %dma_wait3A_2497, %dma_wait3A_2498] : memref<4x80x16xf32, #tpu.memory_space<vmem>> -> memref<1x80x16xf32, #tpu.memory_space<vmem>>
      %dma_wait3A_2500 = tpu.memref_squeeze %dma_wait3A_2499 : memref<1x80x16xf32, #tpu.memory_space<vmem>> -> memref<80x16xf32, #tpu.memory_space<vmem>>
      %dma_wait3A_2501 = arith.constant 0 : i32
      %dma_wait3A_2502 = arith.constant 256 : i32
      %dma_wait3A_2503 = tpu.memref_slice %arg6[%dma_wait3A_2501, %dma_wait3A_2502] : memref<320000x272xf32, #tpu.memory_space<hbm>> -> memref<80x16xf32, #tpu.memory_space<hbm>>
      %dma_wait3A_2504 = arith.constant 0 : i32
      %dma_wait3A_2505 = arith.constant 256 : i32
      %dma_wait3A_2506 = tpu.memref_slice %arg6[%dma_wait3A_2504, %dma_wait3A_2505] : memref<320000x272xf32, #tpu.memory_space<hbm>> -> memref<80x16xf32, #tpu.memory_space<hbm>>
      %dma_wait3A_2507 = arith.constant 0 : i32
      %dma_wait3A_2508 = arith.constant 0 : i32
      %dma_wait3A_2509 = tpu.memref_slice %arg11[%dma_wait3A_2496, %dma_wait3A_2507, %dma_wait3A_2508] : memref<4x80x16xf32, #tpu.memory_space<vmem>> -> memref<1x80x16xf32, #tpu.memory_space<vmem>>
      %dma_wait3A_2510 = tpu.memref_squeeze %dma_wait3A_2509 : memref<1x80x16xf32, #tpu.memory_space<vmem>> -> memref<80x16xf32, #tpu.memory_space<vmem>>
      tpu.wait_dma2 semaphore(%arg22 : memref<!tpu.dma_semaphore, #tpu.memory_space<semaphore_mem>>) src(%dma_wait3A_2510 : memref<80x16xf32, #tpu.memory_space<vmem>>) dst(%dma_wait3A_2506 : memref<80x16xf32, #tpu.memory_space<hbm>>)
      %add3A_2511 = arith.constant 2 : i32
      %add3A_2512 = arith.addi %add3A_2356, %add3A_2511 : i32
      %dma_start3A_2513 = arith.constant 2 : i32
      %dma_start3A_2514 = arith.constant 2 : i32
      %dma_start3A_2515 = arith.constant 0 : i32
      %dma_start3A_2516 = arith.constant 0 : i32
      %dma_start3A_2517 = tpu.memref_slice %arg9[%dma_start3A_2514, %dma_start3A_2515, %dma_start3A_2516] : memref<4x80x128xf32, #tpu.memory_space<vmem>> -> memref<1x80x128xf32, #tpu.memory_space<vmem>>
      %dma_start3A_2518 = tpu.memref_squeeze %dma_start3A_2517 : memref<1x80x128xf32, #tpu.memory_space<vmem>> -> memref<80x128xf32, #tpu.memory_space<vmem>>
      %dma_start3A_2519 = arith.constant 0 : i32
      %dma_start3A_2520 = tpu.memref_slice %arg7[%dma_start3A_2513, %dma_start3A_2519] : memref<4x80xi32, #tpu.memory_space<vmem>> -> memref<1x80xi32, #tpu.memory_space<vmem>>
      %dma_start3A_2521 = tpu.memref_squeeze %dma_start3A_2520 : memref<1x80xi32, #tpu.memory_space<vmem>> -> memref<80xi32, #tpu.memory_space<vmem>>
      %dma_start3A_2522 = arith.constant 0 : i32
      %dma_start3A_2523 = arith.constant 0 : i32
      %dma_start3A_2524 = tpu.memref_slice %arg2[%dma_start3A_2522, %dma_start3A_2523] : memref<10000x128xf32, #tpu.memory_space<hbm>> -> memref<10000x128xf32, #tpu.memory_space<hbm>>
      tpu.enqueue_indirect_dma source(%dma_start3A_2524 : memref<10000x128xf32, #tpu.memory_space<hbm>>) target(%dma_start3A_2518 : memref<80x128xf32, #tpu.memory_space<vmem>>) offsets(%dma_start3A_2521 : memref<80xi32, #tpu.memory_space<vmem>>) semaphore(%arg18 : memref<!tpu.dma_semaphore, #tpu.memory_space<semaphore_mem>>)
      %dma_start3A_2525 = arith.constant 2 : i32
      %dma_start3A_2526 = arith.constant 2 : i32
      %dma_start3A_2527 = arith.constant 0 : i32
      %dma_start3A_2528 = arith.constant 0 : i32
      %dma_start3A_2529 = tpu.memref_slice %arg10[%dma_start3A_2526, %dma_start3A_2527, %dma_start3A_2528] : memref<4x80x128xf32, #tpu.memory_space<vmem>> -> memref<1x80x128xf32, #tpu.memory_space<vmem>>
      %dma_start3A_2530 = tpu.memref_squeeze %dma_start3A_2529 : memref<1x80x128xf32, #tpu.memory_space<vmem>> -> memref<80x128xf32, #tpu.memory_space<vmem>>
      %dma_start3A_2531 = arith.constant 0 : i32
      %dma_start3A_2532 = tpu.memref_slice %arg8[%dma_start3A_2525, %dma_start3A_2531] : memref<4x80xi32, #tpu.memory_space<vmem>> -> memref<1x80xi32, #tpu.memory_space<vmem>>
      %dma_start3A_2533 = tpu.memref_squeeze %dma_start3A_2532 : memref<1x80xi32, #tpu.memory_space<vmem>> -> memref<80xi32, #tpu.memory_space<vmem>>
      %dma_start3A_2534 = arith.constant 0 : i32
      %dma_start3A_2535 = arith.constant 0 : i32
      %dma_start3A_2536 = tpu.memref_slice %arg2[%dma_start3A_2534, %dma_start3A_2535] : memref<10000x128xf32, #tpu.memory_space<hbm>> -> memref<10000x128xf32, #tpu.memory_space<hbm>>
      tpu.enqueue_indirect_dma source(%dma_start3A_2536 : memref<10000x128xf32, #tpu.memory_space<hbm>>) target(%dma_start3A_2530 : memref<80x128xf32, #tpu.memory_space<vmem>>) offsets(%dma_start3A_2533 : memref<80xi32, #tpu.memory_space<vmem>>) semaphore(%arg18 : memref<!tpu.dma_semaphore, #tpu.memory_space<semaphore_mem>>)
      %add3A_2537 = arith.constant 0 : i32
      %add3A_2538 = arith.addi %add3A_2537, %mul3A_2 : i32
      %add3A_2539 = arith.addi %add3A_2538, %add3A_2512 : i32
      %mul3A_2540 = arith.constant 80 : i32
      %mul3A_2541 = arith.muli %add3A_2539, %mul3A_2540 : i32
      %dma_start3A_2542 = arith.constant 2 : i32
      %dma_start3A_2543 = arith.constant 0 : i32
      %dma_start3A_2544 = arith.constant 0 : i32
      %dma_start3A_2545 = tpu.memref_slice %arg11[%dma_start3A_2542, %dma_start3A_2543, %dma_start3A_2544] : memref<4x80x16xf32, #tpu.memory_space<vmem>> -> memref<1x80x16xf32, #tpu.memory_space<vmem>>
      %dma_start3A_2546 = tpu.memref_squeeze %dma_start3A_2545 : memref<1x80x16xf32, #tpu.memory_space<vmem>> -> memref<80x16xf32, #tpu.memory_space<vmem>>
      %dma_start3A_2547 = arith.constant 0 : i32
      %dma_start3A_2548 = tpu.memref_slice %arg3[%mul3A_2541, %dma_start3A_2547] : memref<320000x16xf32, #tpu.memory_space<hbm>> -> memref<80x16xf32, #tpu.memory_space<hbm>>
      %dma_start3A_2549 = arith.constant 0 : i32
      %dma_start3A_2550 = arith.constant 0 : i32
      %dma_start3A_2551 = tpu.memref_slice %arg11[%dma_start3A_2542, %dma_start3A_2549, %dma_start3A_2550] : memref<4x80x16xf32, #tpu.memory_space<vmem>> -> memref<1x80x16xf32, #tpu.memory_space<vmem>>
      %dma_start3A_2552 = tpu.memref_squeeze %dma_start3A_2551 : memref<1x80x16xf32, #tpu.memory_space<vmem>> -> memref<80x16xf32, #tpu.memory_space<vmem>>
      %dma_start3A_2553 = arith.constant 0 : i32
      %dma_start3A_2554 = tpu.memref_slice %arg3[%mul3A_2541, %dma_start3A_2553] : memref<320000x16xf32, #tpu.memory_space<hbm>> -> memref<80x16xf32, #tpu.memory_space<hbm>>
      tpu.enqueue_dma source(%dma_start3A_2554 : memref<80x16xf32, #tpu.memory_space<hbm>>) target(%dma_start3A_2552 : memref<80x16xf32, #tpu.memory_space<vmem>>) target_semaphore(%arg18 : memref<!tpu.dma_semaphore, #tpu.memory_space<semaphore_mem>>)
      %add3A_2555 = arith.constant 4 : i32
      %add3A_2556 = arith.addi %add3A_2356, %add3A_2555 : i32
      %add3A_2557 = arith.constant 0 : i32
      %add3A_2558 = arith.addi %add3A_2557, %mul3A_2 : i32
      %add3A_2559 = arith.addi %add3A_2558, %add3A_2556 : i32
      %mul3A_2560 = arith.constant 80 : i32
      %mul3A_2561 = arith.muli %add3A_2559, %mul3A_2560 : i32
      %dma_start3A_2562 = arith.constant 0 : i32
      %dma_start3A_2563 = arith.constant 0 : i32
      %dma_start3A_2564 = tpu.memref_slice %arg7[%dma_start3A_2562, %dma_start3A_2563] : memref<4x80xi32, #tpu.memory_space<vmem>> -> memref<1x80xi32, #tpu.memory_space<vmem>>
      %dma_start3A_2565 = tpu.memref_squeeze %dma_start3A_2564 : memref<1x80xi32, #tpu.memory_space<vmem>> -> memref<80xi32, #tpu.memory_space<vmem>>
      %dma_start3A_2566 = tpu.memref_slice %arg4[%mul3A_2561] : memref<320000xi32, #tpu.memory_space<hbm>> -> memref<80xi32, #tpu.memory_space<hbm>>
      %dma_start3A_2567 = arith.constant 0 : i32
      %dma_start3A_2568 = tpu.memref_slice %arg7[%dma_start3A_2562, %dma_start3A_2567] : memref<4x80xi32, #tpu.memory_space<vmem>> -> memref<1x80xi32, #tpu.memory_space<vmem>>
      %dma_start3A_2569 = tpu.memref_squeeze %dma_start3A_2568 : memref<1x80xi32, #tpu.memory_space<vmem>> -> memref<80xi32, #tpu.memory_space<vmem>>
      %dma_start3A_2570 = tpu.memref_slice %arg4[%mul3A_2561] : memref<320000xi32, #tpu.memory_space<hbm>> -> memref<80xi32, #tpu.memory_space<hbm>>
      tpu.enqueue_dma source(%dma_start3A_2570 : memref<80xi32, #tpu.memory_space<hbm>>) target(%dma_start3A_2569 : memref<80xi32, #tpu.memory_space<vmem>>) target_semaphore(%arg12 : memref<!tpu.dma_semaphore, #tpu.memory_space<semaphore_mem>>)
      %add3A_2571 = arith.constant 0 : i32
      %add3A_2572 = arith.addi %add3A_2571, %mul3A_2 : i32
      %add3A_2573 = arith.addi %add3A_2572, %add3A_2556 : i32
      %mul3A_2574 = arith.constant 80 : i32
      %mul3A_2575 = arith.muli %add3A_2573, %mul3A_2574 : i32
      %dma_start3A_2576 = arith.constant 0 : i32
      %dma_start3A_2577 = arith.constant 0 : i32
      %dma_start3A_2578 = tpu.memref_slice %arg8[%dma_start3A_2576, %dma_start3A_2577] : memref<4x80xi32, #tpu.memory_space<vmem>> -> memref<1x80xi32, #tpu.memory_space<vmem>>
      %dma_start3A_2579 = tpu.memref_squeeze %dma_start3A_2578 : memref<1x80xi32, #tpu.memory_space<vmem>> -> memref<80xi32, #tpu.memory_space<vmem>>
      %dma_start3A_2580 = tpu.memref_slice %arg5[%mul3A_2575] : memref<320000xi32, #tpu.memory_space<hbm>> -> memref<80xi32, #tpu.memory_space<hbm>>
      %dma_start3A_2581 = arith.constant 0 : i32
      %dma_start3A_2582 = tpu.memref_slice %arg8[%dma_start3A_2576, %dma_start3A_2581] : memref<4x80xi32, #tpu.memory_space<vmem>> -> memref<1x80xi32, #tpu.memory_space<vmem>>
      %dma_start3A_2583 = tpu.memref_squeeze %dma_start3A_2582 : memref<1x80xi32, #tpu.memory_space<vmem>> -> memref<80xi32, #tpu.memory_space<vmem>>
      %dma_start3A_2584 = tpu.memref_slice %arg5[%mul3A_2575] : memref<320000xi32, #tpu.memory_space<hbm>> -> memref<80xi32, #tpu.memory_space<hbm>>
      tpu.enqueue_dma source(%dma_start3A_2584 : memref<80xi32, #tpu.memory_space<hbm>>) target(%dma_start3A_2583 : memref<80xi32, #tpu.memory_space<vmem>>) target_semaphore(%arg12 : memref<!tpu.dma_semaphore, #tpu.memory_space<semaphore_mem>>)
      %add3A_2585 = arith.constant 3 : i32
      %add3A_2586 = arith.addi %add3A_1894, %add3A_2585 : i32
      %dma_wait3A_2587 = arith.constant 1 : i32
      %dma_wait3A_2588 = arith.constant 0 : i32
      %dma_wait3A_2589 = arith.constant 0 : i32
      %dma_wait3A_2590 = tpu.memref_slice %arg9[%dma_wait3A_2587, %dma_wait3A_2588, %dma_wait3A_2589] : memref<4x80x128xf32, #tpu.memory_space<vmem>> -> memref<1x80x128xf32, #tpu.memory_space<vmem>>
      %dma_wait3A_2591 = tpu.memref_squeeze %dma_wait3A_2590 : memref<1x80x128xf32, #tpu.memory_space<vmem>> -> memref<80x128xf32, #tpu.memory_space<vmem>>
      %dma_wait3A_2592 = arith.constant 0 : i32
      %dma_wait3A_2593 = arith.constant 0 : i32
      %dma_wait3A_2594 = tpu.memref_slice %arg2[%dma_wait3A_2592, %dma_wait3A_2593] : memref<10000x128xf32, #tpu.memory_space<hbm>> -> memref<80x128xf32, #tpu.memory_space<hbm>>
      %dma_wait3A_2595 = arith.constant 0 : i32
      %dma_wait3A_2596 = arith.constant 0 : i32
      %dma_wait3A_2597 = tpu.memref_slice %arg9[%dma_wait3A_2587, %dma_wait3A_2595, %dma_wait3A_2596] : memref<4x80x128xf32, #tpu.memory_space<vmem>> -> memref<1x80x128xf32, #tpu.memory_space<vmem>>
      %dma_wait3A_2598 = tpu.memref_squeeze %dma_wait3A_2597 : memref<1x80x128xf32, #tpu.memory_space<vmem>> -> memref<80x128xf32, #tpu.memory_space<vmem>>
      %dma_wait3A_2599 = arith.constant 0 : i32
      %dma_wait3A_2600 = arith.constant 0 : i32
      %dma_wait3A_2601 = tpu.memref_slice %arg2[%dma_wait3A_2599, %dma_wait3A_2600] : memref<10000x128xf32, #tpu.memory_space<hbm>> -> memref<80x128xf32, #tpu.memory_space<hbm>>
      tpu.wait_dma2 semaphore(%arg17 : memref<!tpu.dma_semaphore, #tpu.memory_space<semaphore_mem>>) src(%dma_wait3A_2601 : memref<80x128xf32, #tpu.memory_space<hbm>>) dst(%dma_wait3A_2598 : memref<80x128xf32, #tpu.memory_space<vmem>>)
      %dma_wait3A_2602 = arith.constant 1 : i32
      %dma_wait3A_2603 = arith.constant 0 : i32
      %dma_wait3A_2604 = arith.constant 0 : i32
      %dma_wait3A_2605 = tpu.memref_slice %arg10[%dma_wait3A_2602, %dma_wait3A_2603, %dma_wait3A_2604] : memref<4x80x128xf32, #tpu.memory_space<vmem>> -> memref<1x80x128xf32, #tpu.memory_space<vmem>>
      %dma_wait3A_2606 = tpu.memref_squeeze %dma_wait3A_2605 : memref<1x80x128xf32, #tpu.memory_space<vmem>> -> memref<80x128xf32, #tpu.memory_space<vmem>>
      %dma_wait3A_2607 = arith.constant 0 : i32
      %dma_wait3A_2608 = arith.constant 0 : i32
      %dma_wait3A_2609 = tpu.memref_slice %arg2[%dma_wait3A_2607, %dma_wait3A_2608] : memref<10000x128xf32, #tpu.memory_space<hbm>> -> memref<80x128xf32, #tpu.memory_space<hbm>>
      %dma_wait3A_2610 = arith.constant 0 : i32
      %dma_wait3A_2611 = arith.constant 0 : i32
      %dma_wait3A_2612 = tpu.memref_slice %arg10[%dma_wait3A_2602, %dma_wait3A_2610, %dma_wait3A_2611] : memref<4x80x128xf32, #tpu.memory_space<vmem>> -> memref<1x80x128xf32, #tpu.memory_space<vmem>>
      %dma_wait3A_2613 = tpu.memref_squeeze %dma_wait3A_2612 : memref<1x80x128xf32, #tpu.memory_space<vmem>> -> memref<80x128xf32, #tpu.memory_space<vmem>>
      %dma_wait3A_2614 = arith.constant 0 : i32
      %dma_wait3A_2615 = arith.constant 0 : i32
      %dma_wait3A_2616 = tpu.memref_slice %arg2[%dma_wait3A_2614, %dma_wait3A_2615] : memref<10000x128xf32, #tpu.memory_space<hbm>> -> memref<80x128xf32, #tpu.memory_space<hbm>>
      tpu.wait_dma2 semaphore(%arg17 : memref<!tpu.dma_semaphore, #tpu.memory_space<semaphore_mem>>) src(%dma_wait3A_2616 : memref<80x128xf32, #tpu.memory_space<hbm>>) dst(%dma_wait3A_2613 : memref<80x128xf32, #tpu.memory_space<vmem>>)
      %dma_wait3A_2617 = arith.constant 1 : i32
      %dma_wait3A_2618 = arith.constant 0 : i32
      %dma_wait3A_2619 = arith.constant 0 : i32
      %dma_wait3A_2620 = tpu.memref_slice %arg11[%dma_wait3A_2617, %dma_wait3A_2618, %dma_wait3A_2619] : memref<4x80x16xf32, #tpu.memory_space<vmem>> -> memref<1x80x16xf32, #tpu.memory_space<vmem>>
      %dma_wait3A_2621 = tpu.memref_squeeze %dma_wait3A_2620 : memref<1x80x16xf32, #tpu.memory_space<vmem>> -> memref<80x16xf32, #tpu.memory_space<vmem>>
      %dma_wait3A_2622 = arith.constant 0 : i32
      %dma_wait3A_2623 = arith.constant 0 : i32
      %dma_wait3A_2624 = tpu.memref_slice %arg3[%dma_wait3A_2622, %dma_wait3A_2623] : memref<320000x16xf32, #tpu.memory_space<hbm>> -> memref<80x16xf32, #tpu.memory_space<hbm>>
      %dma_wait3A_2625 = arith.constant 0 : i32
      %dma_wait3A_2626 = arith.constant 0 : i32
      %dma_wait3A_2627 = tpu.memref_slice %arg11[%dma_wait3A_2617, %dma_wait3A_2625, %dma_wait3A_2626] : memref<4x80x16xf32, #tpu.memory_space<vmem>> -> memref<1x80x16xf32, #tpu.memory_space<vmem>>
      %dma_wait3A_2628 = tpu.memref_squeeze %dma_wait3A_2627 : memref<1x80x16xf32, #tpu.memory_space<vmem>> -> memref<80x16xf32, #tpu.memory_space<vmem>>
      %dma_wait3A_2629 = arith.constant 0 : i32
      %dma_wait3A_2630 = arith.constant 0 : i32
      %dma_wait3A_2631 = tpu.memref_slice %arg3[%dma_wait3A_2629, %dma_wait3A_2630] : memref<320000x16xf32, #tpu.memory_space<hbm>> -> memref<80x16xf32, #tpu.memory_space<hbm>>
      tpu.wait_dma2 semaphore(%arg17 : memref<!tpu.dma_semaphore, #tpu.memory_space<semaphore_mem>>) src(%dma_wait3A_2631 : memref<80x16xf32, #tpu.memory_space<hbm>>) dst(%dma_wait3A_2628 : memref<80x16xf32, #tpu.memory_space<vmem>>)
      %add3A_2632 = arith.addi %mul3A_2, %add3A_2586 : i32
      %mul3A_2633 = arith.constant 80 : i32
      %mul3A_2634 = arith.muli %add3A_2632, %mul3A_2633 : i32
      %dma_start3A_2635 = arith.constant 1 : i32
      %dma_start3A_2636 = arith.constant 0 : i32
      %dma_start3A_2637 = arith.constant 0 : i32
      %dma_start3A_2638 = tpu.memref_slice %arg9[%dma_start3A_2635, %dma_start3A_2636, %dma_start3A_2637] : memref<4x80x128xf32, #tpu.memory_space<vmem>> -> memref<1x80x128xf32, #tpu.memory_space<vmem>>
      %dma_start3A_2639 = tpu.memref_squeeze %dma_start3A_2638 : memref<1x80x128xf32, #tpu.memory_space<vmem>> -> memref<80x128xf32, #tpu.memory_space<vmem>>
      %dma_start3A_2640 = arith.constant 0 : i32
      %dma_start3A_2641 = tpu.memref_slice %arg6[%mul3A_2634, %dma_start3A_2640] : memref<320000x272xf32, #tpu.memory_space<hbm>> -> memref<80x128xf32, #tpu.memory_space<hbm>>
      %dma_start3A_2642 = arith.constant 0 : i32
      %dma_start3A_2643 = tpu.memref_slice %arg6[%mul3A_2634, %dma_start3A_2642] : memref<320000x272xf32, #tpu.memory_space<hbm>> -> memref<80x128xf32, #tpu.memory_space<hbm>>
      %dma_start3A_2644 = arith.constant 0 : i32
      %dma_start3A_2645 = arith.constant 0 : i32
      %dma_start3A_2646 = tpu.memref_slice %arg9[%dma_start3A_2635, %dma_start3A_2644, %dma_start3A_2645] : memref<4x80x128xf32, #tpu.memory_space<vmem>> -> memref<1x80x128xf32, #tpu.memory_space<vmem>>
      %dma_start3A_2647 = tpu.memref_squeeze %dma_start3A_2646 : memref<1x80x128xf32, #tpu.memory_space<vmem>> -> memref<80x128xf32, #tpu.memory_space<vmem>>
      tpu.enqueue_dma source(%dma_start3A_2647 : memref<80x128xf32, #tpu.memory_space<vmem>>) target(%dma_start3A_2643 : memref<80x128xf32, #tpu.memory_space<hbm>>) target_semaphore(%arg21 : memref<!tpu.dma_semaphore, #tpu.memory_space<semaphore_mem>>)
      %dma_start3A_2648 = arith.constant 1 : i32
      %dma_start3A_2649 = arith.constant 0 : i32
      %dma_start3A_2650 = arith.constant 0 : i32
      %dma_start3A_2651 = tpu.memref_slice %arg10[%dma_start3A_2648, %dma_start3A_2649, %dma_start3A_2650] : memref<4x80x128xf32, #tpu.memory_space<vmem>> -> memref<1x80x128xf32, #tpu.memory_space<vmem>>
      %dma_start3A_2652 = tpu.memref_squeeze %dma_start3A_2651 : memref<1x80x128xf32, #tpu.memory_space<vmem>> -> memref<80x128xf32, #tpu.memory_space<vmem>>
      %dma_start3A_2653 = arith.constant 128 : i32
      %dma_start3A_2654 = tpu.memref_slice %arg6[%mul3A_2634, %dma_start3A_2653] : memref<320000x272xf32, #tpu.memory_space<hbm>> -> memref<80x128xf32, #tpu.memory_space<hbm>>
      %dma_start3A_2655 = arith.constant 128 : i32
      %dma_start3A_2656 = tpu.memref_slice %arg6[%mul3A_2634, %dma_start3A_2655] : memref<320000x272xf32, #tpu.memory_space<hbm>> -> memref<80x128xf32, #tpu.memory_space<hbm>>
      %dma_start3A_2657 = arith.constant 0 : i32
      %dma_start3A_2658 = arith.constant 0 : i32
      %dma_start3A_2659 = tpu.memref_slice %arg10[%dma_start3A_2648, %dma_start3A_2657, %dma_start3A_2658] : memref<4x80x128xf32, #tpu.memory_space<vmem>> -> memref<1x80x128xf32, #tpu.memory_space<vmem>>
      %dma_start3A_2660 = tpu.memref_squeeze %dma_start3A_2659 : memref<1x80x128xf32, #tpu.memory_space<vmem>> -> memref<80x128xf32, #tpu.memory_space<vmem>>
      tpu.enqueue_dma source(%dma_start3A_2660 : memref<80x128xf32, #tpu.memory_space<vmem>>) target(%dma_start3A_2656 : memref<80x128xf32, #tpu.memory_space<hbm>>) target_semaphore(%arg21 : memref<!tpu.dma_semaphore, #tpu.memory_space<semaphore_mem>>)
      %dma_start3A_2661 = arith.constant 1 : i32
      %dma_start3A_2662 = arith.constant 0 : i32
      %dma_start3A_2663 = arith.constant 0 : i32
      %dma_start3A_2664 = tpu.memref_slice %arg11[%dma_start3A_2661, %dma_start3A_2662, %dma_start3A_2663] : memref<4x80x16xf32, #tpu.memory_space<vmem>> -> memref<1x80x16xf32, #tpu.memory_space<vmem>>
      %dma_start3A_2665 = tpu.memref_squeeze %dma_start3A_2664 : memref<1x80x16xf32, #tpu.memory_space<vmem>> -> memref<80x16xf32, #tpu.memory_space<vmem>>
      %dma_start3A_2666 = arith.constant 256 : i32
      %dma_start3A_2667 = tpu.memref_slice %arg6[%mul3A_2634, %dma_start3A_2666] : memref<320000x272xf32, #tpu.memory_space<hbm>> -> memref<80x16xf32, #tpu.memory_space<hbm>>
      %dma_start3A_2668 = arith.constant 256 : i32
      %dma_start3A_2669 = tpu.memref_slice %arg6[%mul3A_2634, %dma_start3A_2668] : memref<320000x272xf32, #tpu.memory_space<hbm>> -> memref<80x16xf32, #tpu.memory_space<hbm>>
      %dma_start3A_2670 = arith.constant 0 : i32
      %dma_start3A_2671 = arith.constant 0 : i32
      %dma_start3A_2672 = tpu.memref_slice %arg11[%dma_start3A_2661, %dma_start3A_2670, %dma_start3A_2671] : memref<4x80x16xf32, #tpu.memory_space<vmem>> -> memref<1x80x16xf32, #tpu.memory_space<vmem>>
      %dma_start3A_2673 = tpu.memref_squeeze %dma_start3A_2672 : memref<1x80x16xf32, #tpu.memory_space<vmem>> -> memref<80x16xf32, #tpu.memory_space<vmem>>
      tpu.enqueue_dma source(%dma_start3A_2673 : memref<80x16xf32, #tpu.memory_space<vmem>>) target(%dma_start3A_2669 : memref<80x16xf32, #tpu.memory_space<hbm>>) target_semaphore(%arg21 : memref<!tpu.dma_semaphore, #tpu.memory_space<semaphore_mem>>)
      %dma_wait3A_2674 = arith.constant 3 : i32
      %dma_wait3A_2675 = arith.constant 0 : i32
      %dma_wait3A_2676 = tpu.memref_slice %arg7[%dma_wait3A_2674, %dma_wait3A_2675] : memref<4x80xi32, #tpu.memory_space<vmem>> -> memref<1x80xi32, #tpu.memory_space<vmem>>
      %dma_wait3A_2677 = tpu.memref_squeeze %dma_wait3A_2676 : memref<1x80xi32, #tpu.memory_space<vmem>> -> memref<80xi32, #tpu.memory_space<vmem>>
      %dma_wait3A_2678 = arith.constant 0 : i32
      %dma_wait3A_2679 = tpu.memref_slice %arg4[%dma_wait3A_2678] : memref<320000xi32, #tpu.memory_space<hbm>> -> memref<80xi32, #tpu.memory_space<hbm>>
      %dma_wait3A_2680 = arith.constant 0 : i32
      %dma_wait3A_2681 = tpu.memref_slice %arg7[%dma_wait3A_2674, %dma_wait3A_2680] : memref<4x80xi32, #tpu.memory_space<vmem>> -> memref<1x80xi32, #tpu.memory_space<vmem>>
      %dma_wait3A_2682 = tpu.memref_squeeze %dma_wait3A_2681 : memref<1x80xi32, #tpu.memory_space<vmem>> -> memref<80xi32, #tpu.memory_space<vmem>>
      %dma_wait3A_2683 = arith.constant 0 : i32
      %dma_wait3A_2684 = tpu.memref_slice %arg4[%dma_wait3A_2683] : memref<320000xi32, #tpu.memory_space<hbm>> -> memref<80xi32, #tpu.memory_space<hbm>>
      tpu.wait_dma2 semaphore(%arg15 : memref<!tpu.dma_semaphore, #tpu.memory_space<semaphore_mem>>) src(%dma_wait3A_2684 : memref<80xi32, #tpu.memory_space<hbm>>) dst(%dma_wait3A_2682 : memref<80xi32, #tpu.memory_space<vmem>>)
      %dma_wait3A_2685 = arith.constant 3 : i32
      %dma_wait3A_2686 = arith.constant 0 : i32
      %dma_wait3A_2687 = tpu.memref_slice %arg8[%dma_wait3A_2685, %dma_wait3A_2686] : memref<4x80xi32, #tpu.memory_space<vmem>> -> memref<1x80xi32, #tpu.memory_space<vmem>>
      %dma_wait3A_2688 = tpu.memref_squeeze %dma_wait3A_2687 : memref<1x80xi32, #tpu.memory_space<vmem>> -> memref<80xi32, #tpu.memory_space<vmem>>
      %dma_wait3A_2689 = arith.constant 0 : i32
      %dma_wait3A_2690 = tpu.memref_slice %arg5[%dma_wait3A_2689] : memref<320000xi32, #tpu.memory_space<hbm>> -> memref<80xi32, #tpu.memory_space<hbm>>
      %dma_wait3A_2691 = arith.constant 0 : i32
      %dma_wait3A_2692 = tpu.memref_slice %arg8[%dma_wait3A_2685, %dma_wait3A_2691] : memref<4x80xi32, #tpu.memory_space<vmem>> -> memref<1x80xi32, #tpu.memory_space<vmem>>
      %dma_wait3A_2693 = tpu.memref_squeeze %dma_wait3A_2692 : memref<1x80xi32, #tpu.memory_space<vmem>> -> memref<80xi32, #tpu.memory_space<vmem>>
      %dma_wait3A_2694 = arith.constant 0 : i32
      %dma_wait3A_2695 = tpu.memref_slice %arg5[%dma_wait3A_2694] : memref<320000xi32, #tpu.memory_space<hbm>> -> memref<80xi32, #tpu.memory_space<hbm>>
      tpu.wait_dma2 semaphore(%arg15 : memref<!tpu.dma_semaphore, #tpu.memory_space<semaphore_mem>>) src(%dma_wait3A_2695 : memref<80xi32, #tpu.memory_space<hbm>>) dst(%dma_wait3A_2693 : memref<80xi32, #tpu.memory_space<vmem>>)
      %dma_wait3A_2696 = arith.constant 3 : i32
      %dma_wait3A_2697 = arith.constant 0 : i32
      %dma_wait3A_2698 = arith.constant 0 : i32
      %dma_wait3A_2699 = tpu.memref_slice %arg9[%dma_wait3A_2696, %dma_wait3A_2697, %dma_wait3A_2698] : memref<4x80x128xf32, #tpu.memory_space<vmem>> -> memref<1x80x128xf32, #tpu.memory_space<vmem>>
      %dma_wait3A_2700 = tpu.memref_squeeze %dma_wait3A_2699 : memref<1x80x128xf32, #tpu.memory_space<vmem>> -> memref<80x128xf32, #tpu.memory_space<vmem>>
      %dma_wait3A_2701 = arith.constant 0 : i32
      %dma_wait3A_2702 = arith.constant 0 : i32
      %dma_wait3A_2703 = tpu.memref_slice %arg6[%dma_wait3A_2701, %dma_wait3A_2702] : memref<320000x272xf32, #tpu.memory_space<hbm>> -> memref<80x128xf32, #tpu.memory_space<hbm>>
      %dma_wait3A_2704 = arith.constant 0 : i32
      %dma_wait3A_2705 = arith.constant 0 : i32
      %dma_wait3A_2706 = tpu.memref_slice %arg6[%dma_wait3A_2704, %dma_wait3A_2705] : memref<320000x272xf32, #tpu.memory_space<hbm>> -> memref<80x128xf32, #tpu.memory_space<hbm>>
      %dma_wait3A_2707 = arith.constant 0 : i32
      %dma_wait3A_2708 = arith.constant 0 : i32
      %dma_wait3A_2709 = tpu.memref_slice %arg9[%dma_wait3A_2696, %dma_wait3A_2707, %dma_wait3A_2708] : memref<4x80x128xf32, #tpu.memory_space<vmem>> -> memref<1x80x128xf32, #tpu.memory_space<vmem>>
      %dma_wait3A_2710 = tpu.memref_squeeze %dma_wait3A_2709 : memref<1x80x128xf32, #tpu.memory_space<vmem>> -> memref<80x128xf32, #tpu.memory_space<vmem>>
      tpu.wait_dma2 semaphore(%arg23 : memref<!tpu.dma_semaphore, #tpu.memory_space<semaphore_mem>>) src(%dma_wait3A_2710 : memref<80x128xf32, #tpu.memory_space<vmem>>) dst(%dma_wait3A_2706 : memref<80x128xf32, #tpu.memory_space<hbm>>)
      %dma_wait3A_2711 = arith.constant 3 : i32
      %dma_wait3A_2712 = arith.constant 0 : i32
      %dma_wait3A_2713 = arith.constant 0 : i32
      %dma_wait3A_2714 = tpu.memref_slice %arg10[%dma_wait3A_2711, %dma_wait3A_2712, %dma_wait3A_2713] : memref<4x80x128xf32, #tpu.memory_space<vmem>> -> memref<1x80x128xf32, #tpu.memory_space<vmem>>
      %dma_wait3A_2715 = tpu.memref_squeeze %dma_wait3A_2714 : memref<1x80x128xf32, #tpu.memory_space<vmem>> -> memref<80x128xf32, #tpu.memory_space<vmem>>
      %dma_wait3A_2716 = arith.constant 0 : i32
      %dma_wait3A_2717 = arith.constant 128 : i32
      %dma_wait3A_2718 = tpu.memref_slice %arg6[%dma_wait3A_2716, %dma_wait3A_2717] : memref<320000x272xf32, #tpu.memory_space<hbm>> -> memref<80x128xf32, #tpu.memory_space<hbm>>
      %dma_wait3A_2719 = arith.constant 0 : i32
      %dma_wait3A_2720 = arith.constant 128 : i32
      %dma_wait3A_2721 = tpu.memref_slice %arg6[%dma_wait3A_2719, %dma_wait3A_2720] : memref<320000x272xf32, #tpu.memory_space<hbm>> -> memref<80x128xf32, #tpu.memory_space<hbm>>
      %dma_wait3A_2722 = arith.constant 0 : i32
      %dma_wait3A_2723 = arith.constant 0 : i32
      %dma_wait3A_2724 = tpu.memref_slice %arg10[%dma_wait3A_2711, %dma_wait3A_2722, %dma_wait3A_2723] : memref<4x80x128xf32, #tpu.memory_space<vmem>> -> memref<1x80x128xf32, #tpu.memory_space<vmem>>
      %dma_wait3A_2725 = tpu.memref_squeeze %dma_wait3A_2724 : memref<1x80x128xf32, #tpu.memory_space<vmem>> -> memref<80x128xf32, #tpu.memory_space<vmem>>
      tpu.wait_dma2 semaphore(%arg23 : memref<!tpu.dma_semaphore, #tpu.memory_space<semaphore_mem>>) src(%dma_wait3A_2725 : memref<80x128xf32, #tpu.memory_space<vmem>>) dst(%dma_wait3A_2721 : memref<80x128xf32, #tpu.memory_space<hbm>>)
      %dma_wait3A_2726 = arith.constant 3 : i32
      %dma_wait3A_2727 = arith.constant 0 : i32
      %dma_wait3A_2728 = arith.constant 0 : i32
      %dma_wait3A_2729 = tpu.memref_slice %arg11[%dma_wait3A_2726, %dma_wait3A_2727, %dma_wait3A_2728] : memref<4x80x16xf32, #tpu.memory_space<vmem>> -> memref<1x80x16xf32, #tpu.memory_space<vmem>>
      %dma_wait3A_2730 = tpu.memref_squeeze %dma_wait3A_2729 : memref<1x80x16xf32, #tpu.memory_space<vmem>> -> memref<80x16xf32, #tpu.memory_space<vmem>>
      %dma_wait3A_2731 = arith.constant 0 : i32
      %dma_wait3A_2732 = arith.constant 256 : i32
      %dma_wait3A_2733 = tpu.memref_slice %arg6[%dma_wait3A_2731, %dma_wait3A_2732] : memref<320000x272xf32, #tpu.memory_space<hbm>> -> memref<80x16xf32, #tpu.memory_space<hbm>>
      %dma_wait3A_2734 = arith.constant 0 : i32
      %dma_wait3A_2735 = arith.constant 256 : i32
      %dma_wait3A_2736 = tpu.memref_slice %arg6[%dma_wait3A_2734, %dma_wait3A_2735] : memref<320000x272xf32, #tpu.memory_space<hbm>> -> memref<80x16xf32, #tpu.memory_space<hbm>>
      %dma_wait3A_2737 = arith.constant 0 : i32
      %dma_wait3A_2738 = arith.constant 0 : i32
      %dma_wait3A_2739 = tpu.memref_slice %arg11[%dma_wait3A_2726, %dma_wait3A_2737, %dma_wait3A_2738] : memref<4x80x16xf32, #tpu.memory_space<vmem>> -> memref<1x80x16xf32, #tpu.memory_space<vmem>>
      %dma_wait3A_2740 = tpu.memref_squeeze %dma_wait3A_2739 : memref<1x80x16xf32, #tpu.memory_space<vmem>> -> memref<80x16xf32, #tpu.memory_space<vmem>>
      tpu.wait_dma2 semaphore(%arg23 : memref<!tpu.dma_semaphore, #tpu.memory_space<semaphore_mem>>) src(%dma_wait3A_2740 : memref<80x16xf32, #tpu.memory_space<vmem>>) dst(%dma_wait3A_2736 : memref<80x16xf32, #tpu.memory_space<hbm>>)
      %add3A_2741 = arith.constant 2 : i32
      %add3A_2742 = arith.addi %add3A_2586, %add3A_2741 : i32
      %dma_start3A_2743 = arith.constant 3 : i32
      %dma_start3A_2744 = arith.constant 3 : i32
      %dma_start3A_2745 = arith.constant 0 : i32
      %dma_start3A_2746 = arith.constant 0 : i32
      %dma_start3A_2747 = tpu.memref_slice %arg9[%dma_start3A_2744, %dma_start3A_2745, %dma_start3A_2746] : memref<4x80x128xf32, #tpu.memory_space<vmem>> -> memref<1x80x128xf32, #tpu.memory_space<vmem>>
      %dma_start3A_2748 = tpu.memref_squeeze %dma_start3A_2747 : memref<1x80x128xf32, #tpu.memory_space<vmem>> -> memref<80x128xf32, #tpu.memory_space<vmem>>
      %dma_start3A_2749 = arith.constant 0 : i32
      %dma_start3A_2750 = tpu.memref_slice %arg7[%dma_start3A_2743, %dma_start3A_2749] : memref<4x80xi32, #tpu.memory_space<vmem>> -> memref<1x80xi32, #tpu.memory_space<vmem>>
      %dma_start3A_2751 = tpu.memref_squeeze %dma_start3A_2750 : memref<1x80xi32, #tpu.memory_space<vmem>> -> memref<80xi32, #tpu.memory_space<vmem>>
      %dma_start3A_2752 = arith.constant 0 : i32
      %dma_start3A_2753 = arith.constant 0 : i32
      %dma_start3A_2754 = tpu.memref_slice %arg2[%dma_start3A_2752, %dma_start3A_2753] : memref<10000x128xf32, #tpu.memory_space<hbm>> -> memref<10000x128xf32, #tpu.memory_space<hbm>>
      tpu.enqueue_indirect_dma source(%dma_start3A_2754 : memref<10000x128xf32, #tpu.memory_space<hbm>>) target(%dma_start3A_2748 : memref<80x128xf32, #tpu.memory_space<vmem>>) offsets(%dma_start3A_2751 : memref<80xi32, #tpu.memory_space<vmem>>) semaphore(%arg19 : memref<!tpu.dma_semaphore, #tpu.memory_space<semaphore_mem>>)
      %dma_start3A_2755 = arith.constant 3 : i32
      %dma_start3A_2756 = arith.constant 3 : i32
      %dma_start3A_2757 = arith.constant 0 : i32
      %dma_start3A_2758 = arith.constant 0 : i32
      %dma_start3A_2759 = tpu.memref_slice %arg10[%dma_start3A_2756, %dma_start3A_2757, %dma_start3A_2758] : memref<4x80x128xf32, #tpu.memory_space<vmem>> -> memref<1x80x128xf32, #tpu.memory_space<vmem>>
      %dma_start3A_2760 = tpu.memref_squeeze %dma_start3A_2759 : memref<1x80x128xf32, #tpu.memory_space<vmem>> -> memref<80x128xf32, #tpu.memory_space<vmem>>
      %dma_start3A_2761 = arith.constant 0 : i32
      %dma_start3A_2762 = tpu.memref_slice %arg8[%dma_start3A_2755, %dma_start3A_2761] : memref<4x80xi32, #tpu.memory_space<vmem>> -> memref<1x80xi32, #tpu.memory_space<vmem>>
      %dma_start3A_2763 = tpu.memref_squeeze %dma_start3A_2762 : memref<1x80xi32, #tpu.memory_space<vmem>> -> memref<80xi32, #tpu.memory_space<vmem>>
      %dma_start3A_2764 = arith.constant 0 : i32
      %dma_start3A_2765 = arith.constant 0 : i32
      %dma_start3A_2766 = tpu.memref_slice %arg2[%dma_start3A_2764, %dma_start3A_2765] : memref<10000x128xf32, #tpu.memory_space<hbm>> -> memref<10000x128xf32, #tpu.memory_space<hbm>>
      tpu.enqueue_indirect_dma source(%dma_start3A_2766 : memref<10000x128xf32, #tpu.memory_space<hbm>>) target(%dma_start3A_2760 : memref<80x128xf32, #tpu.memory_space<vmem>>) offsets(%dma_start3A_2763 : memref<80xi32, #tpu.memory_space<vmem>>) semaphore(%arg19 : memref<!tpu.dma_semaphore, #tpu.memory_space<semaphore_mem>>)
      %add3A_2767 = arith.constant 0 : i32
      %add3A_2768 = arith.addi %add3A_2767, %mul3A_2 : i32
      %add3A_2769 = arith.addi %add3A_2768, %add3A_2742 : i32
      %mul3A_2770 = arith.constant 80 : i32
      %mul3A_2771 = arith.muli %add3A_2769, %mul3A_2770 : i32
      %dma_start3A_2772 = arith.constant 3 : i32
      %dma_start3A_2773 = arith.constant 0 : i32
      %dma_start3A_2774 = arith.constant 0 : i32
      %dma_start3A_2775 = tpu.memref_slice %arg11[%dma_start3A_2772, %dma_start3A_2773, %dma_start3A_2774] : memref<4x80x16xf32, #tpu.memory_space<vmem>> -> memref<1x80x16xf32, #tpu.memory_space<vmem>>
      %dma_start3A_2776 = tpu.memref_squeeze %dma_start3A_2775 : memref<1x80x16xf32, #tpu.memory_space<vmem>> -> memref<80x16xf32, #tpu.memory_space<vmem>>
      %dma_start3A_2777 = arith.constant 0 : i32
      %dma_start3A_2778 = tpu.memref_slice %arg3[%mul3A_2771, %dma_start3A_2777] : memref<320000x16xf32, #tpu.memory_space<hbm>> -> memref<80x16xf32, #tpu.memory_space<hbm>>
      %dma_start3A_2779 = arith.constant 0 : i32
      %dma_start3A_2780 = arith.constant 0 : i32
      %dma_start3A_2781 = tpu.memref_slice %arg11[%dma_start3A_2772, %dma_start3A_2779, %dma_start3A_2780] : memref<4x80x16xf32, #tpu.memory_space<vmem>> -> memref<1x80x16xf32, #tpu.memory_space<vmem>>
      %dma_start3A_2782 = tpu.memref_squeeze %dma_start3A_2781 : memref<1x80x16xf32, #tpu.memory_space<vmem>> -> memref<80x16xf32, #tpu.memory_space<vmem>>
      %dma_start3A_2783 = arith.constant 0 : i32
      %dma_start3A_2784 = tpu.memref_slice %arg3[%mul3A_2771, %dma_start3A_2783] : memref<320000x16xf32, #tpu.memory_space<hbm>> -> memref<80x16xf32, #tpu.memory_space<hbm>>
      tpu.enqueue_dma source(%dma_start3A_2784 : memref<80x16xf32, #tpu.memory_space<hbm>>) target(%dma_start3A_2782 : memref<80x16xf32, #tpu.memory_space<vmem>>) target_semaphore(%arg19 : memref<!tpu.dma_semaphore, #tpu.memory_space<semaphore_mem>>)
      %add3A_2785 = arith.constant 4 : i32
      %add3A_2786 = arith.addi %add3A_2586, %add3A_2785 : i32
      %add3A_2787 = arith.constant 0 : i32
      %add3A_2788 = arith.addi %add3A_2787, %mul3A_2 : i32
      %add3A_2789 = arith.addi %add3A_2788, %add3A_2786 : i32
      %mul3A_2790 = arith.constant 80 : i32
      %mul3A_2791 = arith.muli %add3A_2789, %mul3A_2790 : i32
      %dma_start3A_2792 = arith.constant 1 : i32
      %dma_start3A_2793 = arith.constant 0 : i32
      %dma_start3A_2794 = tpu.memref_slice %arg7[%dma_start3A_2792, %dma_start3A_2793] : memref<4x80xi32, #tpu.memory_space<vmem>> -> memref<1x80xi32, #tpu.memory_space<vmem>>
      %dma_start3A_2795 = tpu.memref_squeeze %dma_start3A_2794 : memref<1x80xi32, #tpu.memory_space<vmem>> -> memref<80xi32, #tpu.memory_space<vmem>>
      %dma_start3A_2796 = tpu.memref_slice %arg4[%mul3A_2791] : memref<320000xi32, #tpu.memory_space<hbm>> -> memref<80xi32, #tpu.memory_space<hbm>>
      %dma_start3A_2797 = arith.constant 0 : i32
      %dma_start3A_2798 = tpu.memref_slice %arg7[%dma_start3A_2792, %dma_start3A_2797] : memref<4x80xi32, #tpu.memory_space<vmem>> -> memref<1x80xi32, #tpu.memory_space<vmem>>
      %dma_start3A_2799 = tpu.memref_squeeze %dma_start3A_2798 : memref<1x80xi32, #tpu.memory_space<vmem>> -> memref<80xi32, #tpu.memory_space<vmem>>
      %dma_start3A_2800 = tpu.memref_slice %arg4[%mul3A_2791] : memref<320000xi32, #tpu.memory_space<hbm>> -> memref<80xi32, #tpu.memory_space<hbm>>
      tpu.enqueue_dma source(%dma_start3A_2800 : memref<80xi32, #tpu.memory_space<hbm>>) target(%dma_start3A_2799 : memref<80xi32, #tpu.memory_space<vmem>>) target_semaphore(%arg13 : memref<!tpu.dma_semaphore, #tpu.memory_space<semaphore_mem>>)
      %add3A_2801 = arith.constant 0 : i32
      %add3A_2802 = arith.addi %add3A_2801, %mul3A_2 : i32
      %add3A_2803 = arith.addi %add3A_2802, %add3A_2786 : i32
      %mul3A_2804 = arith.constant 80 : i32
      %mul3A_2805 = arith.muli %add3A_2803, %mul3A_2804 : i32
      %dma_start3A_2806 = arith.constant 1 : i32
      %dma_start3A_2807 = arith.constant 0 : i32
      %dma_start3A_2808 = tpu.memref_slice %arg8[%dma_start3A_2806, %dma_start3A_2807] : memref<4x80xi32, #tpu.memory_space<vmem>> -> memref<1x80xi32, #tpu.memory_space<vmem>>
      %dma_start3A_2809 = tpu.memref_squeeze %dma_start3A_2808 : memref<1x80xi32, #tpu.memory_space<vmem>> -> memref<80xi32, #tpu.memory_space<vmem>>
      %dma_start3A_2810 = tpu.memref_slice %arg5[%mul3A_2805] : memref<320000xi32, #tpu.memory_space<hbm>> -> memref<80xi32, #tpu.memory_space<hbm>>
      %dma_start3A_2811 = arith.constant 0 : i32
      %dma_start3A_2812 = tpu.memref_slice %arg8[%dma_start3A_2806, %dma_start3A_2811] : memref<4x80xi32, #tpu.memory_space<vmem>> -> memref<1x80xi32, #tpu.memory_space<vmem>>
      %dma_start3A_2813 = tpu.memref_squeeze %dma_start3A_2812 : memref<1x80xi32, #tpu.memory_space<vmem>> -> memref<80xi32, #tpu.memory_space<vmem>>
      %dma_start3A_2814 = tpu.memref_slice %arg5[%mul3A_2805] : memref<320000xi32, #tpu.memory_space<hbm>> -> memref<80xi32, #tpu.memory_space<hbm>>
      tpu.enqueue_dma source(%dma_start3A_2814 : memref<80xi32, #tpu.memory_space<hbm>>) target(%dma_start3A_2813 : memref<80xi32, #tpu.memory_space<vmem>>) target_semaphore(%arg13 : memref<!tpu.dma_semaphore, #tpu.memory_space<semaphore_mem>>)
    }
    %scan3A_620 = arith.constant 29 : i32
    %dma_wait3A_621 = arith.constant 2 : i32
    %dma_wait3A_622 = arith.constant 0 : i32
    %dma_wait3A_623 = arith.constant 0 : i32
    %dma_wait3A_624 = tpu.memref_slice %arg9[%dma_wait3A_621, %dma_wait3A_622, %dma_wait3A_623] : memref<4x80x128xf32, #tpu.memory_space<vmem>> -> memref<1x80x128xf32, #tpu.memory_space<vmem>>
    %dma_wait3A_625 = tpu.memref_squeeze %dma_wait3A_624 : memref<1x80x128xf32, #tpu.memory_space<vmem>> -> memref<80x128xf32, #tpu.memory_space<vmem>>
    %dma_wait3A_626 = arith.constant 0 : i32
    %dma_wait3A_627 = arith.constant 0 : i32
    %dma_wait3A_628 = tpu.memref_slice %arg2[%dma_wait3A_626, %dma_wait3A_627] : memref<10000x128xf32, #tpu.memory_space<hbm>> -> memref<80x128xf32, #tpu.memory_space<hbm>>
    %dma_wait3A_629 = arith.constant 0 : i32
    %dma_wait3A_630 = arith.constant 0 : i32
    %dma_wait3A_631 = tpu.memref_slice %arg9[%dma_wait3A_621, %dma_wait3A_629, %dma_wait3A_630] : memref<4x80x128xf32, #tpu.memory_space<vmem>> -> memref<1x80x128xf32, #tpu.memory_space<vmem>>
    %dma_wait3A_632 = tpu.memref_squeeze %dma_wait3A_631 : memref<1x80x128xf32, #tpu.memory_space<vmem>> -> memref<80x128xf32, #tpu.memory_space<vmem>>
    %dma_wait3A_633 = arith.constant 0 : i32
    %dma_wait3A_634 = arith.constant 0 : i32
    %dma_wait3A_635 = tpu.memref_slice %arg2[%dma_wait3A_633, %dma_wait3A_634] : memref<10000x128xf32, #tpu.memory_space<hbm>> -> memref<80x128xf32, #tpu.memory_space<hbm>>
    tpu.wait_dma2 semaphore(%arg18 : memref<!tpu.dma_semaphore, #tpu.memory_space<semaphore_mem>>) src(%dma_wait3A_635 : memref<80x128xf32, #tpu.memory_space<hbm>>) dst(%dma_wait3A_632 : memref<80x128xf32, #tpu.memory_space<vmem>>)
    %dma_wait3A_636 = arith.constant 2 : i32
    %dma_wait3A_637 = arith.constant 0 : i32
    %dma_wait3A_638 = arith.constant 0 : i32
    %dma_wait3A_639 = tpu.memref_slice %arg10[%dma_wait3A_636, %dma_wait3A_637, %dma_wait3A_638] : memref<4x80x128xf32, #tpu.memory_space<vmem>> -> memref<1x80x128xf32, #tpu.memory_space<vmem>>
    %dma_wait3A_640 = tpu.memref_squeeze %dma_wait3A_639 : memref<1x80x128xf32, #tpu.memory_space<vmem>> -> memref<80x128xf32, #tpu.memory_space<vmem>>
    %dma_wait3A_641 = arith.constant 0 : i32
    %dma_wait3A_642 = arith.constant 0 : i32
    %dma_wait3A_643 = tpu.memref_slice %arg2[%dma_wait3A_641, %dma_wait3A_642] : memref<10000x128xf32, #tpu.memory_space<hbm>> -> memref<80x128xf32, #tpu.memory_space<hbm>>
    %dma_wait3A_644 = arith.constant 0 : i32
    %dma_wait3A_645 = arith.constant 0 : i32
    %dma_wait3A_646 = tpu.memref_slice %arg10[%dma_wait3A_636, %dma_wait3A_644, %dma_wait3A_645] : memref<4x80x128xf32, #tpu.memory_space<vmem>> -> memref<1x80x128xf32, #tpu.memory_space<vmem>>
    %dma_wait3A_647 = tpu.memref_squeeze %dma_wait3A_646 : memref<1x80x128xf32, #tpu.memory_space<vmem>> -> memref<80x128xf32, #tpu.memory_space<vmem>>
    %dma_wait3A_648 = arith.constant 0 : i32
    %dma_wait3A_649 = arith.constant 0 : i32
    %dma_wait3A_650 = tpu.memref_slice %arg2[%dma_wait3A_648, %dma_wait3A_649] : memref<10000x128xf32, #tpu.memory_space<hbm>> -> memref<80x128xf32, #tpu.memory_space<hbm>>
    tpu.wait_dma2 semaphore(%arg18 : memref<!tpu.dma_semaphore, #tpu.memory_space<semaphore_mem>>) src(%dma_wait3A_650 : memref<80x128xf32, #tpu.memory_space<hbm>>) dst(%dma_wait3A_647 : memref<80x128xf32, #tpu.memory_space<vmem>>)
    %dma_wait3A_651 = arith.constant 2 : i32
    %dma_wait3A_652 = arith.constant 0 : i32
    %dma_wait3A_653 = arith.constant 0 : i32
    %dma_wait3A_654 = tpu.memref_slice %arg11[%dma_wait3A_651, %dma_wait3A_652, %dma_wait3A_653] : memref<4x80x16xf32, #tpu.memory_space<vmem>> -> memref<1x80x16xf32, #tpu.memory_space<vmem>>
    %dma_wait3A_655 = tpu.memref_squeeze %dma_wait3A_654 : memref<1x80x16xf32, #tpu.memory_space<vmem>> -> memref<80x16xf32, #tpu.memory_space<vmem>>
    %dma_wait3A_656 = arith.constant 0 : i32
    %dma_wait3A_657 = arith.constant 0 : i32
    %dma_wait3A_658 = tpu.memref_slice %arg3[%dma_wait3A_656, %dma_wait3A_657] : memref<320000x16xf32, #tpu.memory_space<hbm>> -> memref<80x16xf32, #tpu.memory_space<hbm>>
    %dma_wait3A_659 = arith.constant 0 : i32
    %dma_wait3A_660 = arith.constant 0 : i32
    %dma_wait3A_661 = tpu.memref_slice %arg11[%dma_wait3A_651, %dma_wait3A_659, %dma_wait3A_660] : memref<4x80x16xf32, #tpu.memory_space<vmem>> -> memref<1x80x16xf32, #tpu.memory_space<vmem>>
    %dma_wait3A_662 = tpu.memref_squeeze %dma_wait3A_661 : memref<1x80x16xf32, #tpu.memory_space<vmem>> -> memref<80x16xf32, #tpu.memory_space<vmem>>
    %dma_wait3A_663 = arith.constant 0 : i32
    %dma_wait3A_664 = arith.constant 0 : i32
    %dma_wait3A_665 = tpu.memref_slice %arg3[%dma_wait3A_663, %dma_wait3A_664] : memref<320000x16xf32, #tpu.memory_space<hbm>> -> memref<80x16xf32, #tpu.memory_space<hbm>>
    tpu.wait_dma2 semaphore(%arg18 : memref<!tpu.dma_semaphore, #tpu.memory_space<semaphore_mem>>) src(%dma_wait3A_665 : memref<80x16xf32, #tpu.memory_space<hbm>>) dst(%dma_wait3A_662 : memref<80x16xf32, #tpu.memory_space<vmem>>)
    %add3A_666 = arith.constant 118 : i32
    %add3A_667 = arith.addi %mul3A_2, %add3A_666 : i32
    %mul3A_668 = arith.constant 80 : i32
    %mul3A_669 = arith.muli %add3A_667, %mul3A_668 : i32
    %dma_start3A_670 = arith.constant 2 : i32
    %dma_start3A_671 = arith.constant 0 : i32
    %dma_start3A_672 = arith.constant 0 : i32
    %dma_start3A_673 = tpu.memref_slice %arg9[%dma_start3A_670, %dma_start3A_671, %dma_start3A_672] : memref<4x80x128xf32, #tpu.memory_space<vmem>> -> memref<1x80x128xf32, #tpu.memory_space<vmem>>
    %dma_start3A_674 = tpu.memref_squeeze %dma_start3A_673 : memref<1x80x128xf32, #tpu.memory_space<vmem>> -> memref<80x128xf32, #tpu.memory_space<vmem>>
    %dma_start3A_675 = arith.constant 0 : i32
    %dma_start3A_676 = tpu.memref_slice %arg6[%mul3A_669, %dma_start3A_675] : memref<320000x272xf32, #tpu.memory_space<hbm>> -> memref<80x128xf32, #tpu.memory_space<hbm>>
    %dma_start3A_677 = arith.constant 0 : i32
    %dma_start3A_678 = tpu.memref_slice %arg6[%mul3A_669, %dma_start3A_677] : memref<320000x272xf32, #tpu.memory_space<hbm>> -> memref<80x128xf32, #tpu.memory_space<hbm>>
    %dma_start3A_679 = arith.constant 0 : i32
    %dma_start3A_680 = arith.constant 0 : i32
    %dma_start3A_681 = tpu.memref_slice %arg9[%dma_start3A_670, %dma_start3A_679, %dma_start3A_680] : memref<4x80x128xf32, #tpu.memory_space<vmem>> -> memref<1x80x128xf32, #tpu.memory_space<vmem>>
    %dma_start3A_682 = tpu.memref_squeeze %dma_start3A_681 : memref<1x80x128xf32, #tpu.memory_space<vmem>> -> memref<80x128xf32, #tpu.memory_space<vmem>>
    tpu.enqueue_dma source(%dma_start3A_682 : memref<80x128xf32, #tpu.memory_space<vmem>>) target(%dma_start3A_678 : memref<80x128xf32, #tpu.memory_space<hbm>>) target_semaphore(%arg22 : memref<!tpu.dma_semaphore, #tpu.memory_space<semaphore_mem>>)
    %dma_start3A_683 = arith.constant 2 : i32
    %dma_start3A_684 = arith.constant 0 : i32
    %dma_start3A_685 = arith.constant 0 : i32
    %dma_start3A_686 = tpu.memref_slice %arg10[%dma_start3A_683, %dma_start3A_684, %dma_start3A_685] : memref<4x80x128xf32, #tpu.memory_space<vmem>> -> memref<1x80x128xf32, #tpu.memory_space<vmem>>
    %dma_start3A_687 = tpu.memref_squeeze %dma_start3A_686 : memref<1x80x128xf32, #tpu.memory_space<vmem>> -> memref<80x128xf32, #tpu.memory_space<vmem>>
    %dma_start3A_688 = arith.constant 128 : i32
    %dma_start3A_689 = tpu.memref_slice %arg6[%mul3A_669, %dma_start3A_688] : memref<320000x272xf32, #tpu.memory_space<hbm>> -> memref<80x128xf32, #tpu.memory_space<hbm>>
    %dma_start3A_690 = arith.constant 128 : i32
    %dma_start3A_691 = tpu.memref_slice %arg6[%mul3A_669, %dma_start3A_690] : memref<320000x272xf32, #tpu.memory_space<hbm>> -> memref<80x128xf32, #tpu.memory_space<hbm>>
    %dma_start3A_692 = arith.constant 0 : i32
    %dma_start3A_693 = arith.constant 0 : i32
    %dma_start3A_694 = tpu.memref_slice %arg10[%dma_start3A_683, %dma_start3A_692, %dma_start3A_693] : memref<4x80x128xf32, #tpu.memory_space<vmem>> -> memref<1x80x128xf32, #tpu.memory_space<vmem>>
    %dma_start3A_695 = tpu.memref_squeeze %dma_start3A_694 : memref<1x80x128xf32, #tpu.memory_space<vmem>> -> memref<80x128xf32, #tpu.memory_space<vmem>>
    tpu.enqueue_dma source(%dma_start3A_695 : memref<80x128xf32, #tpu.memory_space<vmem>>) target(%dma_start3A_691 : memref<80x128xf32, #tpu.memory_space<hbm>>) target_semaphore(%arg22 : memref<!tpu.dma_semaphore, #tpu.memory_space<semaphore_mem>>)
    %dma_start3A_696 = arith.constant 2 : i32
    %dma_start3A_697 = arith.constant 0 : i32
    %dma_start3A_698 = arith.constant 0 : i32
    %dma_start3A_699 = tpu.memref_slice %arg11[%dma_start3A_696, %dma_start3A_697, %dma_start3A_698] : memref<4x80x16xf32, #tpu.memory_space<vmem>> -> memref<1x80x16xf32, #tpu.memory_space<vmem>>
    %dma_start3A_700 = tpu.memref_squeeze %dma_start3A_699 : memref<1x80x16xf32, #tpu.memory_space<vmem>> -> memref<80x16xf32, #tpu.memory_space<vmem>>
    %dma_start3A_701 = arith.constant 256 : i32
    %dma_start3A_702 = tpu.memref_slice %arg6[%mul3A_669, %dma_start3A_701] : memref<320000x272xf32, #tpu.memory_space<hbm>> -> memref<80x16xf32, #tpu.memory_space<hbm>>
    %dma_start3A_703 = arith.constant 256 : i32
    %dma_start3A_704 = tpu.memref_slice %arg6[%mul3A_669, %dma_start3A_703] : memref<320000x272xf32, #tpu.memory_space<hbm>> -> memref<80x16xf32, #tpu.memory_space<hbm>>
    %dma_start3A_705 = arith.constant 0 : i32
    %dma_start3A_706 = arith.constant 0 : i32
    %dma_start3A_707 = tpu.memref_slice %arg11[%dma_start3A_696, %dma_start3A_705, %dma_start3A_706] : memref<4x80x16xf32, #tpu.memory_space<vmem>> -> memref<1x80x16xf32, #tpu.memory_space<vmem>>
    %dma_start3A_708 = tpu.memref_squeeze %dma_start3A_707 : memref<1x80x16xf32, #tpu.memory_space<vmem>> -> memref<80x16xf32, #tpu.memory_space<vmem>>
    tpu.enqueue_dma source(%dma_start3A_708 : memref<80x16xf32, #tpu.memory_space<vmem>>) target(%dma_start3A_704 : memref<80x16xf32, #tpu.memory_space<hbm>>) target_semaphore(%arg22 : memref<!tpu.dma_semaphore, #tpu.memory_space<semaphore_mem>>)
    %dma_wait3A_709 = arith.constant 0 : i32
    %dma_wait3A_710 = arith.constant 0 : i32
    %dma_wait3A_711 = tpu.memref_slice %arg7[%dma_wait3A_709, %dma_wait3A_710] : memref<4x80xi32, #tpu.memory_space<vmem>> -> memref<1x80xi32, #tpu.memory_space<vmem>>
    %dma_wait3A_712 = tpu.memref_squeeze %dma_wait3A_711 : memref<1x80xi32, #tpu.memory_space<vmem>> -> memref<80xi32, #tpu.memory_space<vmem>>
    %dma_wait3A_713 = arith.constant 0 : i32
    %dma_wait3A_714 = tpu.memref_slice %arg4[%dma_wait3A_713] : memref<320000xi32, #tpu.memory_space<hbm>> -> memref<80xi32, #tpu.memory_space<hbm>>
    %dma_wait3A_715 = arith.constant 0 : i32
    %dma_wait3A_716 = tpu.memref_slice %arg7[%dma_wait3A_709, %dma_wait3A_715] : memref<4x80xi32, #tpu.memory_space<vmem>> -> memref<1x80xi32, #tpu.memory_space<vmem>>
    %dma_wait3A_717 = tpu.memref_squeeze %dma_wait3A_716 : memref<1x80xi32, #tpu.memory_space<vmem>> -> memref<80xi32, #tpu.memory_space<vmem>>
    %dma_wait3A_718 = arith.constant 0 : i32
    %dma_wait3A_719 = tpu.memref_slice %arg4[%dma_wait3A_718] : memref<320000xi32, #tpu.memory_space<hbm>> -> memref<80xi32, #tpu.memory_space<hbm>>
    tpu.wait_dma2 semaphore(%arg12 : memref<!tpu.dma_semaphore, #tpu.memory_space<semaphore_mem>>) src(%dma_wait3A_719 : memref<80xi32, #tpu.memory_space<hbm>>) dst(%dma_wait3A_717 : memref<80xi32, #tpu.memory_space<vmem>>)
    %dma_wait3A_720 = arith.constant 0 : i32
    %dma_wait3A_721 = arith.constant 0 : i32
    %dma_wait3A_722 = tpu.memref_slice %arg8[%dma_wait3A_720, %dma_wait3A_721] : memref<4x80xi32, #tpu.memory_space<vmem>> -> memref<1x80xi32, #tpu.memory_space<vmem>>
    %dma_wait3A_723 = tpu.memref_squeeze %dma_wait3A_722 : memref<1x80xi32, #tpu.memory_space<vmem>> -> memref<80xi32, #tpu.memory_space<vmem>>
    %dma_wait3A_724 = arith.constant 0 : i32
    %dma_wait3A_725 = tpu.memref_slice %arg5[%dma_wait3A_724] : memref<320000xi32, #tpu.memory_space<hbm>> -> memref<80xi32, #tpu.memory_space<hbm>>
    %dma_wait3A_726 = arith.constant 0 : i32
    %dma_wait3A_727 = tpu.memref_slice %arg8[%dma_wait3A_720, %dma_wait3A_726] : memref<4x80xi32, #tpu.memory_space<vmem>> -> memref<1x80xi32, #tpu.memory_space<vmem>>
    %dma_wait3A_728 = tpu.memref_squeeze %dma_wait3A_727 : memref<1x80xi32, #tpu.memory_space<vmem>> -> memref<80xi32, #tpu.memory_space<vmem>>
    %dma_wait3A_729 = arith.constant 0 : i32
    %dma_wait3A_730 = tpu.memref_slice %arg5[%dma_wait3A_729] : memref<320000xi32, #tpu.memory_space<hbm>> -> memref<80xi32, #tpu.memory_space<hbm>>
    tpu.wait_dma2 semaphore(%arg12 : memref<!tpu.dma_semaphore, #tpu.memory_space<semaphore_mem>>) src(%dma_wait3A_730 : memref<80xi32, #tpu.memory_space<hbm>>) dst(%dma_wait3A_728 : memref<80xi32, #tpu.memory_space<vmem>>)
    %dma_wait3A_731 = arith.constant 0 : i32
    %dma_wait3A_732 = arith.constant 0 : i32
    %dma_wait3A_733 = arith.constant 0 : i32
    %dma_wait3A_734 = tpu.memref_slice %arg9[%dma_wait3A_731, %dma_wait3A_732, %dma_wait3A_733] : memref<4x80x128xf32, #tpu.memory_space<vmem>> -> memref<1x80x128xf32, #tpu.memory_space<vmem>>
    %dma_wait3A_735 = tpu.memref_squeeze %dma_wait3A_734 : memref<1x80x128xf32, #tpu.memory_space<vmem>> -> memref<80x128xf32, #tpu.memory_space<vmem>>
    %dma_wait3A_736 = arith.constant 0 : i32
    %dma_wait3A_737 = arith.constant 0 : i32
    %dma_wait3A_738 = tpu.memref_slice %arg6[%dma_wait3A_736, %dma_wait3A_737] : memref<320000x272xf32, #tpu.memory_space<hbm>> -> memref<80x128xf32, #tpu.memory_space<hbm>>
    %dma_wait3A_739 = arith.constant 0 : i32
    %dma_wait3A_740 = arith.constant 0 : i32
    %dma_wait3A_741 = tpu.memref_slice %arg6[%dma_wait3A_739, %dma_wait3A_740] : memref<320000x272xf32, #tpu.memory_space<hbm>> -> memref<80x128xf32, #tpu.memory_space<hbm>>
    %dma_wait3A_742 = arith.constant 0 : i32
    %dma_wait3A_743 = arith.constant 0 : i32
    %dma_wait3A_744 = tpu.memref_slice %arg9[%dma_wait3A_731, %dma_wait3A_742, %dma_wait3A_743] : memref<4x80x128xf32, #tpu.memory_space<vmem>> -> memref<1x80x128xf32, #tpu.memory_space<vmem>>
    %dma_wait3A_745 = tpu.memref_squeeze %dma_wait3A_744 : memref<1x80x128xf32, #tpu.memory_space<vmem>> -> memref<80x128xf32, #tpu.memory_space<vmem>>
    tpu.wait_dma2 semaphore(%arg20 : memref<!tpu.dma_semaphore, #tpu.memory_space<semaphore_mem>>) src(%dma_wait3A_745 : memref<80x128xf32, #tpu.memory_space<vmem>>) dst(%dma_wait3A_741 : memref<80x128xf32, #tpu.memory_space<hbm>>)
    %dma_wait3A_746 = arith.constant 0 : i32
    %dma_wait3A_747 = arith.constant 0 : i32
    %dma_wait3A_748 = arith.constant 0 : i32
    %dma_wait3A_749 = tpu.memref_slice %arg10[%dma_wait3A_746, %dma_wait3A_747, %dma_wait3A_748] : memref<4x80x128xf32, #tpu.memory_space<vmem>> -> memref<1x80x128xf32, #tpu.memory_space<vmem>>
    %dma_wait3A_750 = tpu.memref_squeeze %dma_wait3A_749 : memref<1x80x128xf32, #tpu.memory_space<vmem>> -> memref<80x128xf32, #tpu.memory_space<vmem>>
    %dma_wait3A_751 = arith.constant 0 : i32
    %dma_wait3A_752 = arith.constant 128 : i32
    %dma_wait3A_753 = tpu.memref_slice %arg6[%dma_wait3A_751, %dma_wait3A_752] : memref<320000x272xf32, #tpu.memory_space<hbm>> -> memref<80x128xf32, #tpu.memory_space<hbm>>
    %dma_wait3A_754 = arith.constant 0 : i32
    %dma_wait3A_755 = arith.constant 128 : i32
    %dma_wait3A_756 = tpu.memref_slice %arg6[%dma_wait3A_754, %dma_wait3A_755] : memref<320000x272xf32, #tpu.memory_space<hbm>> -> memref<80x128xf32, #tpu.memory_space<hbm>>
    %dma_wait3A_757 = arith.constant 0 : i32
    %dma_wait3A_758 = arith.constant 0 : i32
    %dma_wait3A_759 = tpu.memref_slice %arg10[%dma_wait3A_746, %dma_wait3A_757, %dma_wait3A_758] : memref<4x80x128xf32, #tpu.memory_space<vmem>> -> memref<1x80x128xf32, #tpu.memory_space<vmem>>
    %dma_wait3A_760 = tpu.memref_squeeze %dma_wait3A_759 : memref<1x80x128xf32, #tpu.memory_space<vmem>> -> memref<80x128xf32, #tpu.memory_space<vmem>>
    tpu.wait_dma2 semaphore(%arg20 : memref<!tpu.dma_semaphore, #tpu.memory_space<semaphore_mem>>) src(%dma_wait3A_760 : memref<80x128xf32, #tpu.memory_space<vmem>>) dst(%dma_wait3A_756 : memref<80x128xf32, #tpu.memory_space<hbm>>)
    %dma_wait3A_761 = arith.constant 0 : i32
    %dma_wait3A_762 = arith.constant 0 : i32
    %dma_wait3A_763 = arith.constant 0 : i32
    %dma_wait3A_764 = tpu.memref_slice %arg11[%dma_wait3A_761, %dma_wait3A_762, %dma_wait3A_763] : memref<4x80x16xf32, #tpu.memory_space<vmem>> -> memref<1x80x16xf32, #tpu.memory_space<vmem>>
    %dma_wait3A_765 = tpu.memref_squeeze %dma_wait3A_764 : memref<1x80x16xf32, #tpu.memory_space<vmem>> -> memref<80x16xf32, #tpu.memory_space<vmem>>
    %dma_wait3A_766 = arith.constant 0 : i32
    %dma_wait3A_767 = arith.constant 256 : i32
    %dma_wait3A_768 = tpu.memref_slice %arg6[%dma_wait3A_766, %dma_wait3A_767] : memref<320000x272xf32, #tpu.memory_space<hbm>> -> memref<80x16xf32, #tpu.memory_space<hbm>>
    %dma_wait3A_769 = arith.constant 0 : i32
    %dma_wait3A_770 = arith.constant 256 : i32
    %dma_wait3A_771 = tpu.memref_slice %arg6[%dma_wait3A_769, %dma_wait3A_770] : memref<320000x272xf32, #tpu.memory_space<hbm>> -> memref<80x16xf32, #tpu.memory_space<hbm>>
    %dma_wait3A_772 = arith.constant 0 : i32
    %dma_wait3A_773 = arith.constant 0 : i32
    %dma_wait3A_774 = tpu.memref_slice %arg11[%dma_wait3A_761, %dma_wait3A_772, %dma_wait3A_773] : memref<4x80x16xf32, #tpu.memory_space<vmem>> -> memref<1x80x16xf32, #tpu.memory_space<vmem>>
    %dma_wait3A_775 = tpu.memref_squeeze %dma_wait3A_774 : memref<1x80x16xf32, #tpu.memory_space<vmem>> -> memref<80x16xf32, #tpu.memory_space<vmem>>
    tpu.wait_dma2 semaphore(%arg20 : memref<!tpu.dma_semaphore, #tpu.memory_space<semaphore_mem>>) src(%dma_wait3A_775 : memref<80x16xf32, #tpu.memory_space<vmem>>) dst(%dma_wait3A_771 : memref<80x16xf32, #tpu.memory_space<hbm>>)
    %dma_start3A_776 = arith.constant 0 : i32
    %dma_start3A_777 = arith.constant 0 : i32
    %dma_start3A_778 = arith.constant 0 : i32
    %dma_start3A_779 = arith.constant 0 : i32
    %dma_start3A_780 = tpu.memref_slice %arg9[%dma_start3A_777, %dma_start3A_778, %dma_start3A_779] : memref<4x80x128xf32, #tpu.memory_space<vmem>> -> memref<1x80x128xf32, #tpu.memory_space<vmem>>
    %dma_start3A_781 = tpu.memref_squeeze %dma_start3A_780 : memref<1x80x128xf32, #tpu.memory_space<vmem>> -> memref<80x128xf32, #tpu.memory_space<vmem>>
    %dma_start3A_782 = arith.constant 0 : i32
    %dma_start3A_783 = tpu.memref_slice %arg7[%dma_start3A_776, %dma_start3A_782] : memref<4x80xi32, #tpu.memory_space<vmem>> -> memref<1x80xi32, #tpu.memory_space<vmem>>
    %dma_start3A_784 = tpu.memref_squeeze %dma_start3A_783 : memref<1x80xi32, #tpu.memory_space<vmem>> -> memref<80xi32, #tpu.memory_space<vmem>>
    %dma_start3A_785 = arith.constant 0 : i32
    %dma_start3A_786 = arith.constant 0 : i32
    %dma_start3A_787 = tpu.memref_slice %arg2[%dma_start3A_785, %dma_start3A_786] : memref<10000x128xf32, #tpu.memory_space<hbm>> -> memref<10000x128xf32, #tpu.memory_space<hbm>>
    tpu.enqueue_indirect_dma source(%dma_start3A_787 : memref<10000x128xf32, #tpu.memory_space<hbm>>) target(%dma_start3A_781 : memref<80x128xf32, #tpu.memory_space<vmem>>) offsets(%dma_start3A_784 : memref<80xi32, #tpu.memory_space<vmem>>) semaphore(%arg16 : memref<!tpu.dma_semaphore, #tpu.memory_space<semaphore_mem>>)
    %dma_start3A_788 = arith.constant 0 : i32
    %dma_start3A_789 = arith.constant 0 : i32
    %dma_start3A_790 = arith.constant 0 : i32
    %dma_start3A_791 = arith.constant 0 : i32
    %dma_start3A_792 = tpu.memref_slice %arg10[%dma_start3A_789, %dma_start3A_790, %dma_start3A_791] : memref<4x80x128xf32, #tpu.memory_space<vmem>> -> memref<1x80x128xf32, #tpu.memory_space<vmem>>
    %dma_start3A_793 = tpu.memref_squeeze %dma_start3A_792 : memref<1x80x128xf32, #tpu.memory_space<vmem>> -> memref<80x128xf32, #tpu.memory_space<vmem>>
    %dma_start3A_794 = arith.constant 0 : i32
    %dma_start3A_795 = tpu.memref_slice %arg8[%dma_start3A_788, %dma_start3A_794] : memref<4x80xi32, #tpu.memory_space<vmem>> -> memref<1x80xi32, #tpu.memory_space<vmem>>
    %dma_start3A_796 = tpu.memref_squeeze %dma_start3A_795 : memref<1x80xi32, #tpu.memory_space<vmem>> -> memref<80xi32, #tpu.memory_space<vmem>>
    %dma_start3A_797 = arith.constant 0 : i32
    %dma_start3A_798 = arith.constant 0 : i32
    %dma_start3A_799 = tpu.memref_slice %arg2[%dma_start3A_797, %dma_start3A_798] : memref<10000x128xf32, #tpu.memory_space<hbm>> -> memref<10000x128xf32, #tpu.memory_space<hbm>>
    tpu.enqueue_indirect_dma source(%dma_start3A_799 : memref<10000x128xf32, #tpu.memory_space<hbm>>) target(%dma_start3A_793 : memref<80x128xf32, #tpu.memory_space<vmem>>) offsets(%dma_start3A_796 : memref<80xi32, #tpu.memory_space<vmem>>) semaphore(%arg16 : memref<!tpu.dma_semaphore, #tpu.memory_space<semaphore_mem>>)
    %add3A_800 = arith.constant 0 : i32
    %add3A_801 = arith.addi %add3A_800, %mul3A_2 : i32
    %add3A_802 = arith.constant 120 : i32
    %add3A_803 = arith.addi %add3A_801, %add3A_802 : i32
    %mul3A_804 = arith.constant 80 : i32
    %mul3A_805 = arith.muli %add3A_803, %mul3A_804 : i32
    %dma_start3A_806 = arith.constant 0 : i32
    %dma_start3A_807 = arith.constant 0 : i32
    %dma_start3A_808 = arith.constant 0 : i32
    %dma_start3A_809 = tpu.memref_slice %arg11[%dma_start3A_806, %dma_start3A_807, %dma_start3A_808] : memref<4x80x16xf32, #tpu.memory_space<vmem>> -> memref<1x80x16xf32, #tpu.memory_space<vmem>>
    %dma_start3A_810 = tpu.memref_squeeze %dma_start3A_809 : memref<1x80x16xf32, #tpu.memory_space<vmem>> -> memref<80x16xf32, #tpu.memory_space<vmem>>
    %dma_start3A_811 = arith.constant 0 : i32
    %dma_start3A_812 = tpu.memref_slice %arg3[%mul3A_805, %dma_start3A_811] : memref<320000x16xf32, #tpu.memory_space<hbm>> -> memref<80x16xf32, #tpu.memory_space<hbm>>
    %dma_start3A_813 = arith.constant 0 : i32
    %dma_start3A_814 = arith.constant 0 : i32
    %dma_start3A_815 = tpu.memref_slice %arg11[%dma_start3A_806, %dma_start3A_813, %dma_start3A_814] : memref<4x80x16xf32, #tpu.memory_space<vmem>> -> memref<1x80x16xf32, #tpu.memory_space<vmem>>
    %dma_start3A_816 = tpu.memref_squeeze %dma_start3A_815 : memref<1x80x16xf32, #tpu.memory_space<vmem>> -> memref<80x16xf32, #tpu.memory_space<vmem>>
    %dma_start3A_817 = arith.constant 0 : i32
    %dma_start3A_818 = tpu.memref_slice %arg3[%mul3A_805, %dma_start3A_817] : memref<320000x16xf32, #tpu.memory_space<hbm>> -> memref<80x16xf32, #tpu.memory_space<hbm>>
    tpu.enqueue_dma source(%dma_start3A_818 : memref<80x16xf32, #tpu.memory_space<hbm>>) target(%dma_start3A_816 : memref<80x16xf32, #tpu.memory_space<vmem>>) target_semaphore(%arg16 : memref<!tpu.dma_semaphore, #tpu.memory_space<semaphore_mem>>)
    %add3A_819 = arith.constant 0 : i32
    %add3A_820 = arith.addi %add3A_819, %mul3A_2 : i32
    %add3A_821 = arith.constant 122 : i32
    %add3A_822 = arith.addi %add3A_820, %add3A_821 : i32
    %mul3A_823 = arith.constant 80 : i32
    %mul3A_824 = arith.muli %add3A_822, %mul3A_823 : i32
    %dma_start3A_825 = arith.constant 2 : i32
    %dma_start3A_826 = arith.constant 0 : i32
    %dma_start3A_827 = tpu.memref_slice %arg7[%dma_start3A_825, %dma_start3A_826] : memref<4x80xi32, #tpu.memory_space<vmem>> -> memref<1x80xi32, #tpu.memory_space<vmem>>
    %dma_start3A_828 = tpu.memref_squeeze %dma_start3A_827 : memref<1x80xi32, #tpu.memory_space<vmem>> -> memref<80xi32, #tpu.memory_space<vmem>>
    %dma_start3A_829 = tpu.memref_slice %arg4[%mul3A_824] : memref<320000xi32, #tpu.memory_space<hbm>> -> memref<80xi32, #tpu.memory_space<hbm>>
    %dma_start3A_830 = arith.constant 0 : i32
    %dma_start3A_831 = tpu.memref_slice %arg7[%dma_start3A_825, %dma_start3A_830] : memref<4x80xi32, #tpu.memory_space<vmem>> -> memref<1x80xi32, #tpu.memory_space<vmem>>
    %dma_start3A_832 = tpu.memref_squeeze %dma_start3A_831 : memref<1x80xi32, #tpu.memory_space<vmem>> -> memref<80xi32, #tpu.memory_space<vmem>>
    %dma_start3A_833 = tpu.memref_slice %arg4[%mul3A_824] : memref<320000xi32, #tpu.memory_space<hbm>> -> memref<80xi32, #tpu.memory_space<hbm>>
    tpu.enqueue_dma source(%dma_start3A_833 : memref<80xi32, #tpu.memory_space<hbm>>) target(%dma_start3A_832 : memref<80xi32, #tpu.memory_space<vmem>>) target_semaphore(%arg14 : memref<!tpu.dma_semaphore, #tpu.memory_space<semaphore_mem>>)
    %add3A_834 = arith.constant 0 : i32
    %add3A_835 = arith.addi %add3A_834, %mul3A_2 : i32
    %add3A_836 = arith.constant 122 : i32
    %add3A_837 = arith.addi %add3A_835, %add3A_836 : i32
    %mul3A_838 = arith.constant 80 : i32
    %mul3A_839 = arith.muli %add3A_837, %mul3A_838 : i32
    %dma_start3A_840 = arith.constant 2 : i32
    %dma_start3A_841 = arith.constant 0 : i32
    %dma_start3A_842 = tpu.memref_slice %arg8[%dma_start3A_840, %dma_start3A_841] : memref<4x80xi32, #tpu.memory_space<vmem>> -> memref<1x80xi32, #tpu.memory_space<vmem>>
    %dma_start3A_843 = tpu.memref_squeeze %dma_start3A_842 : memref<1x80xi32, #tpu.memory_space<vmem>> -> memref<80xi32, #tpu.memory_space<vmem>>
    %dma_start3A_844 = tpu.memref_slice %arg5[%mul3A_839] : memref<320000xi32, #tpu.memory_space<hbm>> -> memref<80xi32, #tpu.memory_space<hbm>>
    %dma_start3A_845 = arith.constant 0 : i32
    %dma_start3A_846 = tpu.memref_slice %arg8[%dma_start3A_840, %dma_start3A_845] : memref<4x80xi32, #tpu.memory_space<vmem>> -> memref<1x80xi32, #tpu.memory_space<vmem>>
    %dma_start3A_847 = tpu.memref_squeeze %dma_start3A_846 : memref<1x80xi32, #tpu.memory_space<vmem>> -> memref<80xi32, #tpu.memory_space<vmem>>
    %dma_start3A_848 = tpu.memref_slice %arg5[%mul3A_839] : memref<320000xi32, #tpu.memory_space<hbm>> -> memref<80xi32, #tpu.memory_space<hbm>>
    tpu.enqueue_dma source(%dma_start3A_848 : memref<80xi32, #tpu.memory_space<hbm>>) target(%dma_start3A_847 : memref<80xi32, #tpu.memory_space<vmem>>) target_semaphore(%arg14 : memref<!tpu.dma_semaphore, #tpu.memory_space<semaphore_mem>>)
    %dma_wait3A_849 = arith.constant 3 : i32
    %dma_wait3A_850 = arith.constant 0 : i32
    %dma_wait3A_851 = arith.constant 0 : i32
    %dma_wait3A_852 = tpu.memref_slice %arg9[%dma_wait3A_849, %dma_wait3A_850, %dma_wait3A_851] : memref<4x80x128xf32, #tpu.memory_space<vmem>> -> memref<1x80x128xf32, #tpu.memory_space<vmem>>
    %dma_wait3A_853 = tpu.memref_squeeze %dma_wait3A_852 : memref<1x80x128xf32, #tpu.memory_space<vmem>> -> memref<80x128xf32, #tpu.memory_space<vmem>>
    %dma_wait3A_854 = arith.constant 0 : i32
    %dma_wait3A_855 = arith.constant 0 : i32
    %dma_wait3A_856 = tpu.memref_slice %arg2[%dma_wait3A_854, %dma_wait3A_855] : memref<10000x128xf32, #tpu.memory_space<hbm>> -> memref<80x128xf32, #tpu.memory_space<hbm>>
    %dma_wait3A_857 = arith.constant 0 : i32
    %dma_wait3A_858 = arith.constant 0 : i32
    %dma_wait3A_859 = tpu.memref_slice %arg9[%dma_wait3A_849, %dma_wait3A_857, %dma_wait3A_858] : memref<4x80x128xf32, #tpu.memory_space<vmem>> -> memref<1x80x128xf32, #tpu.memory_space<vmem>>
    %dma_wait3A_860 = tpu.memref_squeeze %dma_wait3A_859 : memref<1x80x128xf32, #tpu.memory_space<vmem>> -> memref<80x128xf32, #tpu.memory_space<vmem>>
    %dma_wait3A_861 = arith.constant 0 : i32
    %dma_wait3A_862 = arith.constant 0 : i32
    %dma_wait3A_863 = tpu.memref_slice %arg2[%dma_wait3A_861, %dma_wait3A_862] : memref<10000x128xf32, #tpu.memory_space<hbm>> -> memref<80x128xf32, #tpu.memory_space<hbm>>
    tpu.wait_dma2 semaphore(%arg19 : memref<!tpu.dma_semaphore, #tpu.memory_space<semaphore_mem>>) src(%dma_wait3A_863 : memref<80x128xf32, #tpu.memory_space<hbm>>) dst(%dma_wait3A_860 : memref<80x128xf32, #tpu.memory_space<vmem>>)
    %dma_wait3A_864 = arith.constant 3 : i32
    %dma_wait3A_865 = arith.constant 0 : i32
    %dma_wait3A_866 = arith.constant 0 : i32
    %dma_wait3A_867 = tpu.memref_slice %arg10[%dma_wait3A_864, %dma_wait3A_865, %dma_wait3A_866] : memref<4x80x128xf32, #tpu.memory_space<vmem>> -> memref<1x80x128xf32, #tpu.memory_space<vmem>>
    %dma_wait3A_868 = tpu.memref_squeeze %dma_wait3A_867 : memref<1x80x128xf32, #tpu.memory_space<vmem>> -> memref<80x128xf32, #tpu.memory_space<vmem>>
    %dma_wait3A_869 = arith.constant 0 : i32
    %dma_wait3A_870 = arith.constant 0 : i32
    %dma_wait3A_871 = tpu.memref_slice %arg2[%dma_wait3A_869, %dma_wait3A_870] : memref<10000x128xf32, #tpu.memory_space<hbm>> -> memref<80x128xf32, #tpu.memory_space<hbm>>
    %dma_wait3A_872 = arith.constant 0 : i32
    %dma_wait3A_873 = arith.constant 0 : i32
    %dma_wait3A_874 = tpu.memref_slice %arg10[%dma_wait3A_864, %dma_wait3A_872, %dma_wait3A_873] : memref<4x80x128xf32, #tpu.memory_space<vmem>> -> memref<1x80x128xf32, #tpu.memory_space<vmem>>
    %dma_wait3A_875 = tpu.memref_squeeze %dma_wait3A_874 : memref<1x80x128xf32, #tpu.memory_space<vmem>> -> memref<80x128xf32, #tpu.memory_space<vmem>>
    %dma_wait3A_876 = arith.constant 0 : i32
    %dma_wait3A_877 = arith.constant 0 : i32
    %dma_wait3A_878 = tpu.memref_slice %arg2[%dma_wait3A_876, %dma_wait3A_877] : memref<10000x128xf32, #tpu.memory_space<hbm>> -> memref<80x128xf32, #tpu.memory_space<hbm>>
    tpu.wait_dma2 semaphore(%arg19 : memref<!tpu.dma_semaphore, #tpu.memory_space<semaphore_mem>>) src(%dma_wait3A_878 : memref<80x128xf32, #tpu.memory_space<hbm>>) dst(%dma_wait3A_875 : memref<80x128xf32, #tpu.memory_space<vmem>>)
    %dma_wait3A_879 = arith.constant 3 : i32
    %dma_wait3A_880 = arith.constant 0 : i32
    %dma_wait3A_881 = arith.constant 0 : i32
    %dma_wait3A_882 = tpu.memref_slice %arg11[%dma_wait3A_879, %dma_wait3A_880, %dma_wait3A_881] : memref<4x80x16xf32, #tpu.memory_space<vmem>> -> memref<1x80x16xf32, #tpu.memory_space<vmem>>
    %dma_wait3A_883 = tpu.memref_squeeze %dma_wait3A_882 : memref<1x80x16xf32, #tpu.memory_space<vmem>> -> memref<80x16xf32, #tpu.memory_space<vmem>>
    %dma_wait3A_884 = arith.constant 0 : i32
    %dma_wait3A_885 = arith.constant 0 : i32
    %dma_wait3A_886 = tpu.memref_slice %arg3[%dma_wait3A_884, %dma_wait3A_885] : memref<320000x16xf32, #tpu.memory_space<hbm>> -> memref<80x16xf32, #tpu.memory_space<hbm>>
    %dma_wait3A_887 = arith.constant 0 : i32
    %dma_wait3A_888 = arith.constant 0 : i32
    %dma_wait3A_889 = tpu.memref_slice %arg11[%dma_wait3A_879, %dma_wait3A_887, %dma_wait3A_888] : memref<4x80x16xf32, #tpu.memory_space<vmem>> -> memref<1x80x16xf32, #tpu.memory_space<vmem>>
    %dma_wait3A_890 = tpu.memref_squeeze %dma_wait3A_889 : memref<1x80x16xf32, #tpu.memory_space<vmem>> -> memref<80x16xf32, #tpu.memory_space<vmem>>
    %dma_wait3A_891 = arith.constant 0 : i32
    %dma_wait3A_892 = arith.constant 0 : i32
    %dma_wait3A_893 = tpu.memref_slice %arg3[%dma_wait3A_891, %dma_wait3A_892] : memref<320000x16xf32, #tpu.memory_space<hbm>> -> memref<80x16xf32, #tpu.memory_space<hbm>>
    tpu.wait_dma2 semaphore(%arg19 : memref<!tpu.dma_semaphore, #tpu.memory_space<semaphore_mem>>) src(%dma_wait3A_893 : memref<80x16xf32, #tpu.memory_space<hbm>>) dst(%dma_wait3A_890 : memref<80x16xf32, #tpu.memory_space<vmem>>)
    %add3A_894 = arith.constant 119 : i32
    %add3A_895 = arith.addi %mul3A_2, %add3A_894 : i32
    %mul3A_896 = arith.constant 80 : i32
    %mul3A_897 = arith.muli %add3A_895, %mul3A_896 : i32
    %dma_start3A_898 = arith.constant 3 : i32
    %dma_start3A_899 = arith.constant 0 : i32
    %dma_start3A_900 = arith.constant 0 : i32
    %dma_start3A_901 = tpu.memref_slice %arg9[%dma_start3A_898, %dma_start3A_899, %dma_start3A_900] : memref<4x80x128xf32, #tpu.memory_space<vmem>> -> memref<1x80x128xf32, #tpu.memory_space<vmem>>
    %dma_start3A_902 = tpu.memref_squeeze %dma_start3A_901 : memref<1x80x128xf32, #tpu.memory_space<vmem>> -> memref<80x128xf32, #tpu.memory_space<vmem>>
    %dma_start3A_903 = arith.constant 0 : i32
    %dma_start3A_904 = tpu.memref_slice %arg6[%mul3A_897, %dma_start3A_903] : memref<320000x272xf32, #tpu.memory_space<hbm>> -> memref<80x128xf32, #tpu.memory_space<hbm>>
    %dma_start3A_905 = arith.constant 0 : i32
    %dma_start3A_906 = tpu.memref_slice %arg6[%mul3A_897, %dma_start3A_905] : memref<320000x272xf32, #tpu.memory_space<hbm>> -> memref<80x128xf32, #tpu.memory_space<hbm>>
    %dma_start3A_907 = arith.constant 0 : i32
    %dma_start3A_908 = arith.constant 0 : i32
    %dma_start3A_909 = tpu.memref_slice %arg9[%dma_start3A_898, %dma_start3A_907, %dma_start3A_908] : memref<4x80x128xf32, #tpu.memory_space<vmem>> -> memref<1x80x128xf32, #tpu.memory_space<vmem>>
    %dma_start3A_910 = tpu.memref_squeeze %dma_start3A_909 : memref<1x80x128xf32, #tpu.memory_space<vmem>> -> memref<80x128xf32, #tpu.memory_space<vmem>>
    tpu.enqueue_dma source(%dma_start3A_910 : memref<80x128xf32, #tpu.memory_space<vmem>>) target(%dma_start3A_906 : memref<80x128xf32, #tpu.memory_space<hbm>>) target_semaphore(%arg23 : memref<!tpu.dma_semaphore, #tpu.memory_space<semaphore_mem>>)
    %dma_start3A_911 = arith.constant 3 : i32
    %dma_start3A_912 = arith.constant 0 : i32
    %dma_start3A_913 = arith.constant 0 : i32
    %dma_start3A_914 = tpu.memref_slice %arg10[%dma_start3A_911, %dma_start3A_912, %dma_start3A_913] : memref<4x80x128xf32, #tpu.memory_space<vmem>> -> memref<1x80x128xf32, #tpu.memory_space<vmem>>
    %dma_start3A_915 = tpu.memref_squeeze %dma_start3A_914 : memref<1x80x128xf32, #tpu.memory_space<vmem>> -> memref<80x128xf32, #tpu.memory_space<vmem>>
    %dma_start3A_916 = arith.constant 128 : i32
    %dma_start3A_917 = tpu.memref_slice %arg6[%mul3A_897, %dma_start3A_916] : memref<320000x272xf32, #tpu.memory_space<hbm>> -> memref<80x128xf32, #tpu.memory_space<hbm>>
    %dma_start3A_918 = arith.constant 128 : i32
    %dma_start3A_919 = tpu.memref_slice %arg6[%mul3A_897, %dma_start3A_918] : memref<320000x272xf32, #tpu.memory_space<hbm>> -> memref<80x128xf32, #tpu.memory_space<hbm>>
    %dma_start3A_920 = arith.constant 0 : i32
    %dma_start3A_921 = arith.constant 0 : i32
    %dma_start3A_922 = tpu.memref_slice %arg10[%dma_start3A_911, %dma_start3A_920, %dma_start3A_921] : memref<4x80x128xf32, #tpu.memory_space<vmem>> -> memref<1x80x128xf32, #tpu.memory_space<vmem>>
    %dma_start3A_923 = tpu.memref_squeeze %dma_start3A_922 : memref<1x80x128xf32, #tpu.memory_space<vmem>> -> memref<80x128xf32, #tpu.memory_space<vmem>>
    tpu.enqueue_dma source(%dma_start3A_923 : memref<80x128xf32, #tpu.memory_space<vmem>>) target(%dma_start3A_919 : memref<80x128xf32, #tpu.memory_space<hbm>>) target_semaphore(%arg23 : memref<!tpu.dma_semaphore, #tpu.memory_space<semaphore_mem>>)
    %dma_start3A_924 = arith.constant 3 : i32
    %dma_start3A_925 = arith.constant 0 : i32
    %dma_start3A_926 = arith.constant 0 : i32
    %dma_start3A_927 = tpu.memref_slice %arg11[%dma_start3A_924, %dma_start3A_925, %dma_start3A_926] : memref<4x80x16xf32, #tpu.memory_space<vmem>> -> memref<1x80x16xf32, #tpu.memory_space<vmem>>
    %dma_start3A_928 = tpu.memref_squeeze %dma_start3A_927 : memref<1x80x16xf32, #tpu.memory_space<vmem>> -> memref<80x16xf32, #tpu.memory_space<vmem>>
    %dma_start3A_929 = arith.constant 256 : i32
    %dma_start3A_930 = tpu.memref_slice %arg6[%mul3A_897, %dma_start3A_929] : memref<320000x272xf32, #tpu.memory_space<hbm>> -> memref<80x16xf32, #tpu.memory_space<hbm>>
    %dma_start3A_931 = arith.constant 256 : i32
    %dma_start3A_932 = tpu.memref_slice %arg6[%mul3A_897, %dma_start3A_931] : memref<320000x272xf32, #tpu.memory_space<hbm>> -> memref<80x16xf32, #tpu.memory_space<hbm>>
    %dma_start3A_933 = arith.constant 0 : i32
    %dma_start3A_934 = arith.constant 0 : i32
    %dma_start3A_935 = tpu.memref_slice %arg11[%dma_start3A_924, %dma_start3A_933, %dma_start3A_934] : memref<4x80x16xf32, #tpu.memory_space<vmem>> -> memref<1x80x16xf32, #tpu.memory_space<vmem>>
    %dma_start3A_936 = tpu.memref_squeeze %dma_start3A_935 : memref<1x80x16xf32, #tpu.memory_space<vmem>> -> memref<80x16xf32, #tpu.memory_space<vmem>>
    tpu.enqueue_dma source(%dma_start3A_936 : memref<80x16xf32, #tpu.memory_space<vmem>>) target(%dma_start3A_932 : memref<80x16xf32, #tpu.memory_space<hbm>>) target_semaphore(%arg23 : memref<!tpu.dma_semaphore, #tpu.memory_space<semaphore_mem>>)
    %dma_wait3A_937 = arith.constant 1 : i32
    %dma_wait3A_938 = arith.constant 0 : i32
    %dma_wait3A_939 = tpu.memref_slice %arg7[%dma_wait3A_937, %dma_wait3A_938] : memref<4x80xi32, #tpu.memory_space<vmem>> -> memref<1x80xi32, #tpu.memory_space<vmem>>
    %dma_wait3A_940 = tpu.memref_squeeze %dma_wait3A_939 : memref<1x80xi32, #tpu.memory_space<vmem>> -> memref<80xi32, #tpu.memory_space<vmem>>
    %dma_wait3A_941 = arith.constant 0 : i32
    %dma_wait3A_942 = tpu.memref_slice %arg4[%dma_wait3A_941] : memref<320000xi32, #tpu.memory_space<hbm>> -> memref<80xi32, #tpu.memory_space<hbm>>
    %dma_wait3A_943 = arith.constant 0 : i32
    %dma_wait3A_944 = tpu.memref_slice %arg7[%dma_wait3A_937, %dma_wait3A_943] : memref<4x80xi32, #tpu.memory_space<vmem>> -> memref<1x80xi32, #tpu.memory_space<vmem>>
    %dma_wait3A_945 = tpu.memref_squeeze %dma_wait3A_944 : memref<1x80xi32, #tpu.memory_space<vmem>> -> memref<80xi32, #tpu.memory_space<vmem>>
    %dma_wait3A_946 = arith.constant 0 : i32
    %dma_wait3A_947 = tpu.memref_slice %arg4[%dma_wait3A_946] : memref<320000xi32, #tpu.memory_space<hbm>> -> memref<80xi32, #tpu.memory_space<hbm>>
    tpu.wait_dma2 semaphore(%arg13 : memref<!tpu.dma_semaphore, #tpu.memory_space<semaphore_mem>>) src(%dma_wait3A_947 : memref<80xi32, #tpu.memory_space<hbm>>) dst(%dma_wait3A_945 : memref<80xi32, #tpu.memory_space<vmem>>)
    %dma_wait3A_948 = arith.constant 1 : i32
    %dma_wait3A_949 = arith.constant 0 : i32
    %dma_wait3A_950 = tpu.memref_slice %arg8[%dma_wait3A_948, %dma_wait3A_949] : memref<4x80xi32, #tpu.memory_space<vmem>> -> memref<1x80xi32, #tpu.memory_space<vmem>>
    %dma_wait3A_951 = tpu.memref_squeeze %dma_wait3A_950 : memref<1x80xi32, #tpu.memory_space<vmem>> -> memref<80xi32, #tpu.memory_space<vmem>>
    %dma_wait3A_952 = arith.constant 0 : i32
    %dma_wait3A_953 = tpu.memref_slice %arg5[%dma_wait3A_952] : memref<320000xi32, #tpu.memory_space<hbm>> -> memref<80xi32, #tpu.memory_space<hbm>>
    %dma_wait3A_954 = arith.constant 0 : i32
    %dma_wait3A_955 = tpu.memref_slice %arg8[%dma_wait3A_948, %dma_wait3A_954] : memref<4x80xi32, #tpu.memory_space<vmem>> -> memref<1x80xi32, #tpu.memory_space<vmem>>
    %dma_wait3A_956 = tpu.memref_squeeze %dma_wait3A_955 : memref<1x80xi32, #tpu.memory_space<vmem>> -> memref<80xi32, #tpu.memory_space<vmem>>
    %dma_wait3A_957 = arith.constant 0 : i32
    %dma_wait3A_958 = tpu.memref_slice %arg5[%dma_wait3A_957] : memref<320000xi32, #tpu.memory_space<hbm>> -> memref<80xi32, #tpu.memory_space<hbm>>
    tpu.wait_dma2 semaphore(%arg13 : memref<!tpu.dma_semaphore, #tpu.memory_space<semaphore_mem>>) src(%dma_wait3A_958 : memref<80xi32, #tpu.memory_space<hbm>>) dst(%dma_wait3A_956 : memref<80xi32, #tpu.memory_space<vmem>>)
    %dma_wait3A_959 = arith.constant 1 : i32
    %dma_wait3A_960 = arith.constant 0 : i32
    %dma_wait3A_961 = arith.constant 0 : i32
    %dma_wait3A_962 = tpu.memref_slice %arg9[%dma_wait3A_959, %dma_wait3A_960, %dma_wait3A_961] : memref<4x80x128xf32, #tpu.memory_space<vmem>> -> memref<1x80x128xf32, #tpu.memory_space<vmem>>
    %dma_wait3A_963 = tpu.memref_squeeze %dma_wait3A_962 : memref<1x80x128xf32, #tpu.memory_space<vmem>> -> memref<80x128xf32, #tpu.memory_space<vmem>>
    %dma_wait3A_964 = arith.constant 0 : i32
    %dma_wait3A_965 = arith.constant 0 : i32
    %dma_wait3A_966 = tpu.memref_slice %arg6[%dma_wait3A_964, %dma_wait3A_965] : memref<320000x272xf32, #tpu.memory_space<hbm>> -> memref<80x128xf32, #tpu.memory_space<hbm>>
    %dma_wait3A_967 = arith.constant 0 : i32
    %dma_wait3A_968 = arith.constant 0 : i32
    %dma_wait3A_969 = tpu.memref_slice %arg6[%dma_wait3A_967, %dma_wait3A_968] : memref<320000x272xf32, #tpu.memory_space<hbm>> -> memref<80x128xf32, #tpu.memory_space<hbm>>
    %dma_wait3A_970 = arith.constant 0 : i32
    %dma_wait3A_971 = arith.constant 0 : i32
    %dma_wait3A_972 = tpu.memref_slice %arg9[%dma_wait3A_959, %dma_wait3A_970, %dma_wait3A_971] : memref<4x80x128xf32, #tpu.memory_space<vmem>> -> memref<1x80x128xf32, #tpu.memory_space<vmem>>
    %dma_wait3A_973 = tpu.memref_squeeze %dma_wait3A_972 : memref<1x80x128xf32, #tpu.memory_space<vmem>> -> memref<80x128xf32, #tpu.memory_space<vmem>>
    tpu.wait_dma2 semaphore(%arg21 : memref<!tpu.dma_semaphore, #tpu.memory_space<semaphore_mem>>) src(%dma_wait3A_973 : memref<80x128xf32, #tpu.memory_space<vmem>>) dst(%dma_wait3A_969 : memref<80x128xf32, #tpu.memory_space<hbm>>)
    %dma_wait3A_974 = arith.constant 1 : i32
    %dma_wait3A_975 = arith.constant 0 : i32
    %dma_wait3A_976 = arith.constant 0 : i32
    %dma_wait3A_977 = tpu.memref_slice %arg10[%dma_wait3A_974, %dma_wait3A_975, %dma_wait3A_976] : memref<4x80x128xf32, #tpu.memory_space<vmem>> -> memref<1x80x128xf32, #tpu.memory_space<vmem>>
    %dma_wait3A_978 = tpu.memref_squeeze %dma_wait3A_977 : memref<1x80x128xf32, #tpu.memory_space<vmem>> -> memref<80x128xf32, #tpu.memory_space<vmem>>
    %dma_wait3A_979 = arith.constant 0 : i32
    %dma_wait3A_980 = arith.constant 128 : i32
    %dma_wait3A_981 = tpu.memref_slice %arg6[%dma_wait3A_979, %dma_wait3A_980] : memref<320000x272xf32, #tpu.memory_space<hbm>> -> memref<80x128xf32, #tpu.memory_space<hbm>>
    %dma_wait3A_982 = arith.constant 0 : i32
    %dma_wait3A_983 = arith.constant 128 : i32
    %dma_wait3A_984 = tpu.memref_slice %arg6[%dma_wait3A_982, %dma_wait3A_983] : memref<320000x272xf32, #tpu.memory_space<hbm>> -> memref<80x128xf32, #tpu.memory_space<hbm>>
    %dma_wait3A_985 = arith.constant 0 : i32
    %dma_wait3A_986 = arith.constant 0 : i32
    %dma_wait3A_987 = tpu.memref_slice %arg10[%dma_wait3A_974, %dma_wait3A_985, %dma_wait3A_986] : memref<4x80x128xf32, #tpu.memory_space<vmem>> -> memref<1x80x128xf32, #tpu.memory_space<vmem>>
    %dma_wait3A_988 = tpu.memref_squeeze %dma_wait3A_987 : memref<1x80x128xf32, #tpu.memory_space<vmem>> -> memref<80x128xf32, #tpu.memory_space<vmem>>
    tpu.wait_dma2 semaphore(%arg21 : memref<!tpu.dma_semaphore, #tpu.memory_space<semaphore_mem>>) src(%dma_wait3A_988 : memref<80x128xf32, #tpu.memory_space<vmem>>) dst(%dma_wait3A_984 : memref<80x128xf32, #tpu.memory_space<hbm>>)
    %dma_wait3A_989 = arith.constant 1 : i32
    %dma_wait3A_990 = arith.constant 0 : i32
    %dma_wait3A_991 = arith.constant 0 : i32
    %dma_wait3A_992 = tpu.memref_slice %arg11[%dma_wait3A_989, %dma_wait3A_990, %dma_wait3A_991] : memref<4x80x16xf32, #tpu.memory_space<vmem>> -> memref<1x80x16xf32, #tpu.memory_space<vmem>>
    %dma_wait3A_993 = tpu.memref_squeeze %dma_wait3A_992 : memref<1x80x16xf32, #tpu.memory_space<vmem>> -> memref<80x16xf32, #tpu.memory_space<vmem>>
    %dma_wait3A_994 = arith.constant 0 : i32
    %dma_wait3A_995 = arith.constant 256 : i32
    %dma_wait3A_996 = tpu.memref_slice %arg6[%dma_wait3A_994, %dma_wait3A_995] : memref<320000x272xf32, #tpu.memory_space<hbm>> -> memref<80x16xf32, #tpu.memory_space<hbm>>
    %dma_wait3A_997 = arith.constant 0 : i32
    %dma_wait3A_998 = arith.constant 256 : i32
    %dma_wait3A_999 = tpu.memref_slice %arg6[%dma_wait3A_997, %dma_wait3A_998] : memref<320000x272xf32, #tpu.memory_space<hbm>> -> memref<80x16xf32, #tpu.memory_space<hbm>>
    %dma_wait3A_1000 = arith.constant 0 : i32
    %dma_wait3A_1001 = arith.constant 0 : i32
    %dma_wait3A_1002 = tpu.memref_slice %arg11[%dma_wait3A_989, %dma_wait3A_1000, %dma_wait3A_1001] : memref<4x80x16xf32, #tpu.memory_space<vmem>> -> memref<1x80x16xf32, #tpu.memory_space<vmem>>
    %dma_wait3A_1003 = tpu.memref_squeeze %dma_wait3A_1002 : memref<1x80x16xf32, #tpu.memory_space<vmem>> -> memref<80x16xf32, #tpu.memory_space<vmem>>
    tpu.wait_dma2 semaphore(%arg21 : memref<!tpu.dma_semaphore, #tpu.memory_space<semaphore_mem>>) src(%dma_wait3A_1003 : memref<80x16xf32, #tpu.memory_space<vmem>>) dst(%dma_wait3A_999 : memref<80x16xf32, #tpu.memory_space<hbm>>)
    %dma_start3A_1004 = arith.constant 1 : i32
    %dma_start3A_1005 = arith.constant 1 : i32
    %dma_start3A_1006 = arith.constant 0 : i32
    %dma_start3A_1007 = arith.constant 0 : i32
    %dma_start3A_1008 = tpu.memref_slice %arg9[%dma_start3A_1005, %dma_start3A_1006, %dma_start3A_1007] : memref<4x80x128xf32, #tpu.memory_space<vmem>> -> memref<1x80x128xf32, #tpu.memory_space<vmem>>
    %dma_start3A_1009 = tpu.memref_squeeze %dma_start3A_1008 : memref<1x80x128xf32, #tpu.memory_space<vmem>> -> memref<80x128xf32, #tpu.memory_space<vmem>>
    %dma_start3A_1010 = arith.constant 0 : i32
    %dma_start3A_1011 = tpu.memref_slice %arg7[%dma_start3A_1004, %dma_start3A_1010] : memref<4x80xi32, #tpu.memory_space<vmem>> -> memref<1x80xi32, #tpu.memory_space<vmem>>
    %dma_start3A_1012 = tpu.memref_squeeze %dma_start3A_1011 : memref<1x80xi32, #tpu.memory_space<vmem>> -> memref<80xi32, #tpu.memory_space<vmem>>
    %dma_start3A_1013 = arith.constant 0 : i32
    %dma_start3A_1014 = arith.constant 0 : i32
    %dma_start3A_1015 = tpu.memref_slice %arg2[%dma_start3A_1013, %dma_start3A_1014] : memref<10000x128xf32, #tpu.memory_space<hbm>> -> memref<10000x128xf32, #tpu.memory_space<hbm>>
    tpu.enqueue_indirect_dma source(%dma_start3A_1015 : memref<10000x128xf32, #tpu.memory_space<hbm>>) target(%dma_start3A_1009 : memref<80x128xf32, #tpu.memory_space<vmem>>) offsets(%dma_start3A_1012 : memref<80xi32, #tpu.memory_space<vmem>>) semaphore(%arg17 : memref<!tpu.dma_semaphore, #tpu.memory_space<semaphore_mem>>)
    %dma_start3A_1016 = arith.constant 1 : i32
    %dma_start3A_1017 = arith.constant 1 : i32
    %dma_start3A_1018 = arith.constant 0 : i32
    %dma_start3A_1019 = arith.constant 0 : i32
    %dma_start3A_1020 = tpu.memref_slice %arg10[%dma_start3A_1017, %dma_start3A_1018, %dma_start3A_1019] : memref<4x80x128xf32, #tpu.memory_space<vmem>> -> memref<1x80x128xf32, #tpu.memory_space<vmem>>
    %dma_start3A_1021 = tpu.memref_squeeze %dma_start3A_1020 : memref<1x80x128xf32, #tpu.memory_space<vmem>> -> memref<80x128xf32, #tpu.memory_space<vmem>>
    %dma_start3A_1022 = arith.constant 0 : i32
    %dma_start3A_1023 = tpu.memref_slice %arg8[%dma_start3A_1016, %dma_start3A_1022] : memref<4x80xi32, #tpu.memory_space<vmem>> -> memref<1x80xi32, #tpu.memory_space<vmem>>
    %dma_start3A_1024 = tpu.memref_squeeze %dma_start3A_1023 : memref<1x80xi32, #tpu.memory_space<vmem>> -> memref<80xi32, #tpu.memory_space<vmem>>
    %dma_start3A_1025 = arith.constant 0 : i32
    %dma_start3A_1026 = arith.constant 0 : i32
    %dma_start3A_1027 = tpu.memref_slice %arg2[%dma_start3A_1025, %dma_start3A_1026] : memref<10000x128xf32, #tpu.memory_space<hbm>> -> memref<10000x128xf32, #tpu.memory_space<hbm>>
    tpu.enqueue_indirect_dma source(%dma_start3A_1027 : memref<10000x128xf32, #tpu.memory_space<hbm>>) target(%dma_start3A_1021 : memref<80x128xf32, #tpu.memory_space<vmem>>) offsets(%dma_start3A_1024 : memref<80xi32, #tpu.memory_space<vmem>>) semaphore(%arg17 : memref<!tpu.dma_semaphore, #tpu.memory_space<semaphore_mem>>)
    %add3A_1028 = arith.constant 0 : i32
    %add3A_1029 = arith.addi %add3A_1028, %mul3A_2 : i32
    %add3A_1030 = arith.constant 121 : i32
    %add3A_1031 = arith.addi %add3A_1029, %add3A_1030 : i32
    %mul3A_1032 = arith.constant 80 : i32
    %mul3A_1033 = arith.muli %add3A_1031, %mul3A_1032 : i32
    %dma_start3A_1034 = arith.constant 1 : i32
    %dma_start3A_1035 = arith.constant 0 : i32
    %dma_start3A_1036 = arith.constant 0 : i32
    %dma_start3A_1037 = tpu.memref_slice %arg11[%dma_start3A_1034, %dma_start3A_1035, %dma_start3A_1036] : memref<4x80x16xf32, #tpu.memory_space<vmem>> -> memref<1x80x16xf32, #tpu.memory_space<vmem>>
    %dma_start3A_1038 = tpu.memref_squeeze %dma_start3A_1037 : memref<1x80x16xf32, #tpu.memory_space<vmem>> -> memref<80x16xf32, #tpu.memory_space<vmem>>
    %dma_start3A_1039 = arith.constant 0 : i32
    %dma_start3A_1040 = tpu.memref_slice %arg3[%mul3A_1033, %dma_start3A_1039] : memref<320000x16xf32, #tpu.memory_space<hbm>> -> memref<80x16xf32, #tpu.memory_space<hbm>>
    %dma_start3A_1041 = arith.constant 0 : i32
    %dma_start3A_1042 = arith.constant 0 : i32
    %dma_start3A_1043 = tpu.memref_slice %arg11[%dma_start3A_1034, %dma_start3A_1041, %dma_start3A_1042] : memref<4x80x16xf32, #tpu.memory_space<vmem>> -> memref<1x80x16xf32, #tpu.memory_space<vmem>>
    %dma_start3A_1044 = tpu.memref_squeeze %dma_start3A_1043 : memref<1x80x16xf32, #tpu.memory_space<vmem>> -> memref<80x16xf32, #tpu.memory_space<vmem>>
    %dma_start3A_1045 = arith.constant 0 : i32
    %dma_start3A_1046 = tpu.memref_slice %arg3[%mul3A_1033, %dma_start3A_1045] : memref<320000x16xf32, #tpu.memory_space<hbm>> -> memref<80x16xf32, #tpu.memory_space<hbm>>
    tpu.enqueue_dma source(%dma_start3A_1046 : memref<80x16xf32, #tpu.memory_space<hbm>>) target(%dma_start3A_1044 : memref<80x16xf32, #tpu.memory_space<vmem>>) target_semaphore(%arg17 : memref<!tpu.dma_semaphore, #tpu.memory_space<semaphore_mem>>)
    %add3A_1047 = arith.constant 0 : i32
    %add3A_1048 = arith.addi %add3A_1047, %mul3A_2 : i32
    %add3A_1049 = arith.constant 123 : i32
    %add3A_1050 = arith.addi %add3A_1048, %add3A_1049 : i32
    %mul3A_1051 = arith.constant 80 : i32
    %mul3A_1052 = arith.muli %add3A_1050, %mul3A_1051 : i32
    %dma_start3A_1053 = arith.constant 3 : i32
    %dma_start3A_1054 = arith.constant 0 : i32
    %dma_start3A_1055 = tpu.memref_slice %arg7[%dma_start3A_1053, %dma_start3A_1054] : memref<4x80xi32, #tpu.memory_space<vmem>> -> memref<1x80xi32, #tpu.memory_space<vmem>>
    %dma_start3A_1056 = tpu.memref_squeeze %dma_start3A_1055 : memref<1x80xi32, #tpu.memory_space<vmem>> -> memref<80xi32, #tpu.memory_space<vmem>>
    %dma_start3A_1057 = tpu.memref_slice %arg4[%mul3A_1052] : memref<320000xi32, #tpu.memory_space<hbm>> -> memref<80xi32, #tpu.memory_space<hbm>>
    %dma_start3A_1058 = arith.constant 0 : i32
    %dma_start3A_1059 = tpu.memref_slice %arg7[%dma_start3A_1053, %dma_start3A_1058] : memref<4x80xi32, #tpu.memory_space<vmem>> -> memref<1x80xi32, #tpu.memory_space<vmem>>
    %dma_start3A_1060 = tpu.memref_squeeze %dma_start3A_1059 : memref<1x80xi32, #tpu.memory_space<vmem>> -> memref<80xi32, #tpu.memory_space<vmem>>
    %dma_start3A_1061 = tpu.memref_slice %arg4[%mul3A_1052] : memref<320000xi32, #tpu.memory_space<hbm>> -> memref<80xi32, #tpu.memory_space<hbm>>
    tpu.enqueue_dma source(%dma_start3A_1061 : memref<80xi32, #tpu.memory_space<hbm>>) target(%dma_start3A_1060 : memref<80xi32, #tpu.memory_space<vmem>>) target_semaphore(%arg15 : memref<!tpu.dma_semaphore, #tpu.memory_space<semaphore_mem>>)
    %add3A_1062 = arith.constant 0 : i32
    %add3A_1063 = arith.addi %add3A_1062, %mul3A_2 : i32
    %add3A_1064 = arith.constant 123 : i32
    %add3A_1065 = arith.addi %add3A_1063, %add3A_1064 : i32
    %mul3A_1066 = arith.constant 80 : i32
    %mul3A_1067 = arith.muli %add3A_1065, %mul3A_1066 : i32
    %dma_start3A_1068 = arith.constant 3 : i32
    %dma_start3A_1069 = arith.constant 0 : i32
    %dma_start3A_1070 = tpu.memref_slice %arg8[%dma_start3A_1068, %dma_start3A_1069] : memref<4x80xi32, #tpu.memory_space<vmem>> -> memref<1x80xi32, #tpu.memory_space<vmem>>
    %dma_start3A_1071 = tpu.memref_squeeze %dma_start3A_1070 : memref<1x80xi32, #tpu.memory_space<vmem>> -> memref<80xi32, #tpu.memory_space<vmem>>
    %dma_start3A_1072 = tpu.memref_slice %arg5[%mul3A_1067] : memref<320000xi32, #tpu.memory_space<hbm>> -> memref<80xi32, #tpu.memory_space<hbm>>
    %dma_start3A_1073 = arith.constant 0 : i32
    %dma_start3A_1074 = tpu.memref_slice %arg8[%dma_start3A_1068, %dma_start3A_1073] : memref<4x80xi32, #tpu.memory_space<vmem>> -> memref<1x80xi32, #tpu.memory_space<vmem>>
    %dma_start3A_1075 = tpu.memref_squeeze %dma_start3A_1074 : memref<1x80xi32, #tpu.memory_space<vmem>> -> memref<80xi32, #tpu.memory_space<vmem>>
    %dma_start3A_1076 = tpu.memref_slice %arg5[%mul3A_1067] : memref<320000xi32, #tpu.memory_space<hbm>> -> memref<80xi32, #tpu.memory_space<hbm>>
    tpu.enqueue_dma source(%dma_start3A_1076 : memref<80xi32, #tpu.memory_space<hbm>>) target(%dma_start3A_1075 : memref<80xi32, #tpu.memory_space<vmem>>) target_semaphore(%arg15 : memref<!tpu.dma_semaphore, #tpu.memory_space<semaphore_mem>>)
    %dma_wait3A_1077 = arith.constant 0 : i32
    %dma_wait3A_1078 = arith.constant 0 : i32
    %dma_wait3A_1079 = arith.constant 0 : i32
    %dma_wait3A_1080 = tpu.memref_slice %arg9[%dma_wait3A_1077, %dma_wait3A_1078, %dma_wait3A_1079] : memref<4x80x128xf32, #tpu.memory_space<vmem>> -> memref<1x80x128xf32, #tpu.memory_space<vmem>>
    %dma_wait3A_1081 = tpu.memref_squeeze %dma_wait3A_1080 : memref<1x80x128xf32, #tpu.memory_space<vmem>> -> memref<80x128xf32, #tpu.memory_space<vmem>>
    %dma_wait3A_1082 = arith.constant 0 : i32
    %dma_wait3A_1083 = arith.constant 0 : i32
    %dma_wait3A_1084 = tpu.memref_slice %arg2[%dma_wait3A_1082, %dma_wait3A_1083] : memref<10000x128xf32, #tpu.memory_space<hbm>> -> memref<80x128xf32, #tpu.memory_space<hbm>>
    %dma_wait3A_1085 = arith.constant 0 : i32
    %dma_wait3A_1086 = arith.constant 0 : i32
    %dma_wait3A_1087 = tpu.memref_slice %arg9[%dma_wait3A_1077, %dma_wait3A_1085, %dma_wait3A_1086] : memref<4x80x128xf32, #tpu.memory_space<vmem>> -> memref<1x80x128xf32, #tpu.memory_space<vmem>>
    %dma_wait3A_1088 = tpu.memref_squeeze %dma_wait3A_1087 : memref<1x80x128xf32, #tpu.memory_space<vmem>> -> memref<80x128xf32, #tpu.memory_space<vmem>>
    %dma_wait3A_1089 = arith.constant 0 : i32
    %dma_wait3A_1090 = arith.constant 0 : i32
    %dma_wait3A_1091 = tpu.memref_slice %arg2[%dma_wait3A_1089, %dma_wait3A_1090] : memref<10000x128xf32, #tpu.memory_space<hbm>> -> memref<80x128xf32, #tpu.memory_space<hbm>>
    tpu.wait_dma2 semaphore(%arg16 : memref<!tpu.dma_semaphore, #tpu.memory_space<semaphore_mem>>) src(%dma_wait3A_1091 : memref<80x128xf32, #tpu.memory_space<hbm>>) dst(%dma_wait3A_1088 : memref<80x128xf32, #tpu.memory_space<vmem>>)
    %dma_wait3A_1092 = arith.constant 0 : i32
    %dma_wait3A_1093 = arith.constant 0 : i32
    %dma_wait3A_1094 = arith.constant 0 : i32
    %dma_wait3A_1095 = tpu.memref_slice %arg10[%dma_wait3A_1092, %dma_wait3A_1093, %dma_wait3A_1094] : memref<4x80x128xf32, #tpu.memory_space<vmem>> -> memref<1x80x128xf32, #tpu.memory_space<vmem>>
    %dma_wait3A_1096 = tpu.memref_squeeze %dma_wait3A_1095 : memref<1x80x128xf32, #tpu.memory_space<vmem>> -> memref<80x128xf32, #tpu.memory_space<vmem>>
    %dma_wait3A_1097 = arith.constant 0 : i32
    %dma_wait3A_1098 = arith.constant 0 : i32
    %dma_wait3A_1099 = tpu.memref_slice %arg2[%dma_wait3A_1097, %dma_wait3A_1098] : memref<10000x128xf32, #tpu.memory_space<hbm>> -> memref<80x128xf32, #tpu.memory_space<hbm>>
    %dma_wait3A_1100 = arith.constant 0 : i32
    %dma_wait3A_1101 = arith.constant 0 : i32
    %dma_wait3A_1102 = tpu.memref_slice %arg10[%dma_wait3A_1092, %dma_wait3A_1100, %dma_wait3A_1101] : memref<4x80x128xf32, #tpu.memory_space<vmem>> -> memref<1x80x128xf32, #tpu.memory_space<vmem>>
    %dma_wait3A_1103 = tpu.memref_squeeze %dma_wait3A_1102 : memref<1x80x128xf32, #tpu.memory_space<vmem>> -> memref<80x128xf32, #tpu.memory_space<vmem>>
    %dma_wait3A_1104 = arith.constant 0 : i32
    %dma_wait3A_1105 = arith.constant 0 : i32
    %dma_wait3A_1106 = tpu.memref_slice %arg2[%dma_wait3A_1104, %dma_wait3A_1105] : memref<10000x128xf32, #tpu.memory_space<hbm>> -> memref<80x128xf32, #tpu.memory_space<hbm>>
    tpu.wait_dma2 semaphore(%arg16 : memref<!tpu.dma_semaphore, #tpu.memory_space<semaphore_mem>>) src(%dma_wait3A_1106 : memref<80x128xf32, #tpu.memory_space<hbm>>) dst(%dma_wait3A_1103 : memref<80x128xf32, #tpu.memory_space<vmem>>)
    %dma_wait3A_1107 = arith.constant 0 : i32
    %dma_wait3A_1108 = arith.constant 0 : i32
    %dma_wait3A_1109 = arith.constant 0 : i32
    %dma_wait3A_1110 = tpu.memref_slice %arg11[%dma_wait3A_1107, %dma_wait3A_1108, %dma_wait3A_1109] : memref<4x80x16xf32, #tpu.memory_space<vmem>> -> memref<1x80x16xf32, #tpu.memory_space<vmem>>
    %dma_wait3A_1111 = tpu.memref_squeeze %dma_wait3A_1110 : memref<1x80x16xf32, #tpu.memory_space<vmem>> -> memref<80x16xf32, #tpu.memory_space<vmem>>
    %dma_wait3A_1112 = arith.constant 0 : i32
    %dma_wait3A_1113 = arith.constant 0 : i32
    %dma_wait3A_1114 = tpu.memref_slice %arg3[%dma_wait3A_1112, %dma_wait3A_1113] : memref<320000x16xf32, #tpu.memory_space<hbm>> -> memref<80x16xf32, #tpu.memory_space<hbm>>
    %dma_wait3A_1115 = arith.constant 0 : i32
    %dma_wait3A_1116 = arith.constant 0 : i32
    %dma_wait3A_1117 = tpu.memref_slice %arg11[%dma_wait3A_1107, %dma_wait3A_1115, %dma_wait3A_1116] : memref<4x80x16xf32, #tpu.memory_space<vmem>> -> memref<1x80x16xf32, #tpu.memory_space<vmem>>
    %dma_wait3A_1118 = tpu.memref_squeeze %dma_wait3A_1117 : memref<1x80x16xf32, #tpu.memory_space<vmem>> -> memref<80x16xf32, #tpu.memory_space<vmem>>
    %dma_wait3A_1119 = arith.constant 0 : i32
    %dma_wait3A_1120 = arith.constant 0 : i32
    %dma_wait3A_1121 = tpu.memref_slice %arg3[%dma_wait3A_1119, %dma_wait3A_1120] : memref<320000x16xf32, #tpu.memory_space<hbm>> -> memref<80x16xf32, #tpu.memory_space<hbm>>
    tpu.wait_dma2 semaphore(%arg16 : memref<!tpu.dma_semaphore, #tpu.memory_space<semaphore_mem>>) src(%dma_wait3A_1121 : memref<80x16xf32, #tpu.memory_space<hbm>>) dst(%dma_wait3A_1118 : memref<80x16xf32, #tpu.memory_space<vmem>>)
    %add3A_1122 = arith.constant 120 : i32
    %add3A_1123 = arith.addi %mul3A_2, %add3A_1122 : i32
    %mul3A_1124 = arith.constant 80 : i32
    %mul3A_1125 = arith.muli %add3A_1123, %mul3A_1124 : i32
    %dma_start3A_1126 = arith.constant 0 : i32
    %dma_start3A_1127 = arith.constant 0 : i32
    %dma_start3A_1128 = arith.constant 0 : i32
    %dma_start3A_1129 = tpu.memref_slice %arg9[%dma_start3A_1126, %dma_start3A_1127, %dma_start3A_1128] : memref<4x80x128xf32, #tpu.memory_space<vmem>> -> memref<1x80x128xf32, #tpu.memory_space<vmem>>
    %dma_start3A_1130 = tpu.memref_squeeze %dma_start3A_1129 : memref<1x80x128xf32, #tpu.memory_space<vmem>> -> memref<80x128xf32, #tpu.memory_space<vmem>>
    %dma_start3A_1131 = arith.constant 0 : i32
    %dma_start3A_1132 = tpu.memref_slice %arg6[%mul3A_1125, %dma_start3A_1131] : memref<320000x272xf32, #tpu.memory_space<hbm>> -> memref<80x128xf32, #tpu.memory_space<hbm>>
    %dma_start3A_1133 = arith.constant 0 : i32
    %dma_start3A_1134 = tpu.memref_slice %arg6[%mul3A_1125, %dma_start3A_1133] : memref<320000x272xf32, #tpu.memory_space<hbm>> -> memref<80x128xf32, #tpu.memory_space<hbm>>
    %dma_start3A_1135 = arith.constant 0 : i32
    %dma_start3A_1136 = arith.constant 0 : i32
    %dma_start3A_1137 = tpu.memref_slice %arg9[%dma_start3A_1126, %dma_start3A_1135, %dma_start3A_1136] : memref<4x80x128xf32, #tpu.memory_space<vmem>> -> memref<1x80x128xf32, #tpu.memory_space<vmem>>
    %dma_start3A_1138 = tpu.memref_squeeze %dma_start3A_1137 : memref<1x80x128xf32, #tpu.memory_space<vmem>> -> memref<80x128xf32, #tpu.memory_space<vmem>>
    tpu.enqueue_dma source(%dma_start3A_1138 : memref<80x128xf32, #tpu.memory_space<vmem>>) target(%dma_start3A_1134 : memref<80x128xf32, #tpu.memory_space<hbm>>) target_semaphore(%arg20 : memref<!tpu.dma_semaphore, #tpu.memory_space<semaphore_mem>>)
    %dma_start3A_1139 = arith.constant 0 : i32
    %dma_start3A_1140 = arith.constant 0 : i32
    %dma_start3A_1141 = arith.constant 0 : i32
    %dma_start3A_1142 = tpu.memref_slice %arg10[%dma_start3A_1139, %dma_start3A_1140, %dma_start3A_1141] : memref<4x80x128xf32, #tpu.memory_space<vmem>> -> memref<1x80x128xf32, #tpu.memory_space<vmem>>
    %dma_start3A_1143 = tpu.memref_squeeze %dma_start3A_1142 : memref<1x80x128xf32, #tpu.memory_space<vmem>> -> memref<80x128xf32, #tpu.memory_space<vmem>>
    %dma_start3A_1144 = arith.constant 128 : i32
    %dma_start3A_1145 = tpu.memref_slice %arg6[%mul3A_1125, %dma_start3A_1144] : memref<320000x272xf32, #tpu.memory_space<hbm>> -> memref<80x128xf32, #tpu.memory_space<hbm>>
    %dma_start3A_1146 = arith.constant 128 : i32
    %dma_start3A_1147 = tpu.memref_slice %arg6[%mul3A_1125, %dma_start3A_1146] : memref<320000x272xf32, #tpu.memory_space<hbm>> -> memref<80x128xf32, #tpu.memory_space<hbm>>
    %dma_start3A_1148 = arith.constant 0 : i32
    %dma_start3A_1149 = arith.constant 0 : i32
    %dma_start3A_1150 = tpu.memref_slice %arg10[%dma_start3A_1139, %dma_start3A_1148, %dma_start3A_1149] : memref<4x80x128xf32, #tpu.memory_space<vmem>> -> memref<1x80x128xf32, #tpu.memory_space<vmem>>
    %dma_start3A_1151 = tpu.memref_squeeze %dma_start3A_1150 : memref<1x80x128xf32, #tpu.memory_space<vmem>> -> memref<80x128xf32, #tpu.memory_space<vmem>>
    tpu.enqueue_dma source(%dma_start3A_1151 : memref<80x128xf32, #tpu.memory_space<vmem>>) target(%dma_start3A_1147 : memref<80x128xf32, #tpu.memory_space<hbm>>) target_semaphore(%arg20 : memref<!tpu.dma_semaphore, #tpu.memory_space<semaphore_mem>>)
    %dma_start3A_1152 = arith.constant 0 : i32
    %dma_start3A_1153 = arith.constant 0 : i32
    %dma_start3A_1154 = arith.constant 0 : i32
    %dma_start3A_1155 = tpu.memref_slice %arg11[%dma_start3A_1152, %dma_start3A_1153, %dma_start3A_1154] : memref<4x80x16xf32, #tpu.memory_space<vmem>> -> memref<1x80x16xf32, #tpu.memory_space<vmem>>
    %dma_start3A_1156 = tpu.memref_squeeze %dma_start3A_1155 : memref<1x80x16xf32, #tpu.memory_space<vmem>> -> memref<80x16xf32, #tpu.memory_space<vmem>>
    %dma_start3A_1157 = arith.constant 256 : i32
    %dma_start3A_1158 = tpu.memref_slice %arg6[%mul3A_1125, %dma_start3A_1157] : memref<320000x272xf32, #tpu.memory_space<hbm>> -> memref<80x16xf32, #tpu.memory_space<hbm>>
    %dma_start3A_1159 = arith.constant 256 : i32
    %dma_start3A_1160 = tpu.memref_slice %arg6[%mul3A_1125, %dma_start3A_1159] : memref<320000x272xf32, #tpu.memory_space<hbm>> -> memref<80x16xf32, #tpu.memory_space<hbm>>
    %dma_start3A_1161 = arith.constant 0 : i32
    %dma_start3A_1162 = arith.constant 0 : i32
    %dma_start3A_1163 = tpu.memref_slice %arg11[%dma_start3A_1152, %dma_start3A_1161, %dma_start3A_1162] : memref<4x80x16xf32, #tpu.memory_space<vmem>> -> memref<1x80x16xf32, #tpu.memory_space<vmem>>
    %dma_start3A_1164 = tpu.memref_squeeze %dma_start3A_1163 : memref<1x80x16xf32, #tpu.memory_space<vmem>> -> memref<80x16xf32, #tpu.memory_space<vmem>>
    tpu.enqueue_dma source(%dma_start3A_1164 : memref<80x16xf32, #tpu.memory_space<vmem>>) target(%dma_start3A_1160 : memref<80x16xf32, #tpu.memory_space<hbm>>) target_semaphore(%arg20 : memref<!tpu.dma_semaphore, #tpu.memory_space<semaphore_mem>>)
    %dma_wait3A_1165 = arith.constant 2 : i32
    %dma_wait3A_1166 = arith.constant 0 : i32
    %dma_wait3A_1167 = tpu.memref_slice %arg7[%dma_wait3A_1165, %dma_wait3A_1166] : memref<4x80xi32, #tpu.memory_space<vmem>> -> memref<1x80xi32, #tpu.memory_space<vmem>>
    %dma_wait3A_1168 = tpu.memref_squeeze %dma_wait3A_1167 : memref<1x80xi32, #tpu.memory_space<vmem>> -> memref<80xi32, #tpu.memory_space<vmem>>
    %dma_wait3A_1169 = arith.constant 0 : i32
    %dma_wait3A_1170 = tpu.memref_slice %arg4[%dma_wait3A_1169] : memref<320000xi32, #tpu.memory_space<hbm>> -> memref<80xi32, #tpu.memory_space<hbm>>
    %dma_wait3A_1171 = arith.constant 0 : i32
    %dma_wait3A_1172 = tpu.memref_slice %arg7[%dma_wait3A_1165, %dma_wait3A_1171] : memref<4x80xi32, #tpu.memory_space<vmem>> -> memref<1x80xi32, #tpu.memory_space<vmem>>
    %dma_wait3A_1173 = tpu.memref_squeeze %dma_wait3A_1172 : memref<1x80xi32, #tpu.memory_space<vmem>> -> memref<80xi32, #tpu.memory_space<vmem>>
    %dma_wait3A_1174 = arith.constant 0 : i32
    %dma_wait3A_1175 = tpu.memref_slice %arg4[%dma_wait3A_1174] : memref<320000xi32, #tpu.memory_space<hbm>> -> memref<80xi32, #tpu.memory_space<hbm>>
    tpu.wait_dma2 semaphore(%arg14 : memref<!tpu.dma_semaphore, #tpu.memory_space<semaphore_mem>>) src(%dma_wait3A_1175 : memref<80xi32, #tpu.memory_space<hbm>>) dst(%dma_wait3A_1173 : memref<80xi32, #tpu.memory_space<vmem>>)
    %dma_wait3A_1176 = arith.constant 2 : i32
    %dma_wait3A_1177 = arith.constant 0 : i32
    %dma_wait3A_1178 = tpu.memref_slice %arg8[%dma_wait3A_1176, %dma_wait3A_1177] : memref<4x80xi32, #tpu.memory_space<vmem>> -> memref<1x80xi32, #tpu.memory_space<vmem>>
    %dma_wait3A_1179 = tpu.memref_squeeze %dma_wait3A_1178 : memref<1x80xi32, #tpu.memory_space<vmem>> -> memref<80xi32, #tpu.memory_space<vmem>>
    %dma_wait3A_1180 = arith.constant 0 : i32
    %dma_wait3A_1181 = tpu.memref_slice %arg5[%dma_wait3A_1180] : memref<320000xi32, #tpu.memory_space<hbm>> -> memref<80xi32, #tpu.memory_space<hbm>>
    %dma_wait3A_1182 = arith.constant 0 : i32
    %dma_wait3A_1183 = tpu.memref_slice %arg8[%dma_wait3A_1176, %dma_wait3A_1182] : memref<4x80xi32, #tpu.memory_space<vmem>> -> memref<1x80xi32, #tpu.memory_space<vmem>>
    %dma_wait3A_1184 = tpu.memref_squeeze %dma_wait3A_1183 : memref<1x80xi32, #tpu.memory_space<vmem>> -> memref<80xi32, #tpu.memory_space<vmem>>
    %dma_wait3A_1185 = arith.constant 0 : i32
    %dma_wait3A_1186 = tpu.memref_slice %arg5[%dma_wait3A_1185] : memref<320000xi32, #tpu.memory_space<hbm>> -> memref<80xi32, #tpu.memory_space<hbm>>
    tpu.wait_dma2 semaphore(%arg14 : memref<!tpu.dma_semaphore, #tpu.memory_space<semaphore_mem>>) src(%dma_wait3A_1186 : memref<80xi32, #tpu.memory_space<hbm>>) dst(%dma_wait3A_1184 : memref<80xi32, #tpu.memory_space<vmem>>)
    %dma_wait3A_1187 = arith.constant 2 : i32
    %dma_wait3A_1188 = arith.constant 0 : i32
    %dma_wait3A_1189 = arith.constant 0 : i32
    %dma_wait3A_1190 = tpu.memref_slice %arg9[%dma_wait3A_1187, %dma_wait3A_1188, %dma_wait3A_1189] : memref<4x80x128xf32, #tpu.memory_space<vmem>> -> memref<1x80x128xf32, #tpu.memory_space<vmem>>
    %dma_wait3A_1191 = tpu.memref_squeeze %dma_wait3A_1190 : memref<1x80x128xf32, #tpu.memory_space<vmem>> -> memref<80x128xf32, #tpu.memory_space<vmem>>
    %dma_wait3A_1192 = arith.constant 0 : i32
    %dma_wait3A_1193 = arith.constant 0 : i32
    %dma_wait3A_1194 = tpu.memref_slice %arg6[%dma_wait3A_1192, %dma_wait3A_1193] : memref<320000x272xf32, #tpu.memory_space<hbm>> -> memref<80x128xf32, #tpu.memory_space<hbm>>
    %dma_wait3A_1195 = arith.constant 0 : i32
    %dma_wait3A_1196 = arith.constant 0 : i32
    %dma_wait3A_1197 = tpu.memref_slice %arg6[%dma_wait3A_1195, %dma_wait3A_1196] : memref<320000x272xf32, #tpu.memory_space<hbm>> -> memref<80x128xf32, #tpu.memory_space<hbm>>
    %dma_wait3A_1198 = arith.constant 0 : i32
    %dma_wait3A_1199 = arith.constant 0 : i32
    %dma_wait3A_1200 = tpu.memref_slice %arg9[%dma_wait3A_1187, %dma_wait3A_1198, %dma_wait3A_1199] : memref<4x80x128xf32, #tpu.memory_space<vmem>> -> memref<1x80x128xf32, #tpu.memory_space<vmem>>
    %dma_wait3A_1201 = tpu.memref_squeeze %dma_wait3A_1200 : memref<1x80x128xf32, #tpu.memory_space<vmem>> -> memref<80x128xf32, #tpu.memory_space<vmem>>
    tpu.wait_dma2 semaphore(%arg22 : memref<!tpu.dma_semaphore, #tpu.memory_space<semaphore_mem>>) src(%dma_wait3A_1201 : memref<80x128xf32, #tpu.memory_space<vmem>>) dst(%dma_wait3A_1197 : memref<80x128xf32, #tpu.memory_space<hbm>>)
    %dma_wait3A_1202 = arith.constant 2 : i32
    %dma_wait3A_1203 = arith.constant 0 : i32
    %dma_wait3A_1204 = arith.constant 0 : i32
    %dma_wait3A_1205 = tpu.memref_slice %arg10[%dma_wait3A_1202, %dma_wait3A_1203, %dma_wait3A_1204] : memref<4x80x128xf32, #tpu.memory_space<vmem>> -> memref<1x80x128xf32, #tpu.memory_space<vmem>>
    %dma_wait3A_1206 = tpu.memref_squeeze %dma_wait3A_1205 : memref<1x80x128xf32, #tpu.memory_space<vmem>> -> memref<80x128xf32, #tpu.memory_space<vmem>>
    %dma_wait3A_1207 = arith.constant 0 : i32
    %dma_wait3A_1208 = arith.constant 128 : i32
    %dma_wait3A_1209 = tpu.memref_slice %arg6[%dma_wait3A_1207, %dma_wait3A_1208] : memref<320000x272xf32, #tpu.memory_space<hbm>> -> memref<80x128xf32, #tpu.memory_space<hbm>>
    %dma_wait3A_1210 = arith.constant 0 : i32
    %dma_wait3A_1211 = arith.constant 128 : i32
    %dma_wait3A_1212 = tpu.memref_slice %arg6[%dma_wait3A_1210, %dma_wait3A_1211] : memref<320000x272xf32, #tpu.memory_space<hbm>> -> memref<80x128xf32, #tpu.memory_space<hbm>>
    %dma_wait3A_1213 = arith.constant 0 : i32
    %dma_wait3A_1214 = arith.constant 0 : i32
    %dma_wait3A_1215 = tpu.memref_slice %arg10[%dma_wait3A_1202, %dma_wait3A_1213, %dma_wait3A_1214] : memref<4x80x128xf32, #tpu.memory_space<vmem>> -> memref<1x80x128xf32, #tpu.memory_space<vmem>>
    %dma_wait3A_1216 = tpu.memref_squeeze %dma_wait3A_1215 : memref<1x80x128xf32, #tpu.memory_space<vmem>> -> memref<80x128xf32, #tpu.memory_space<vmem>>
    tpu.wait_dma2 semaphore(%arg22 : memref<!tpu.dma_semaphore, #tpu.memory_space<semaphore_mem>>) src(%dma_wait3A_1216 : memref<80x128xf32, #tpu.memory_space<vmem>>) dst(%dma_wait3A_1212 : memref<80x128xf32, #tpu.memory_space<hbm>>)
    %dma_wait3A_1217 = arith.constant 2 : i32
    %dma_wait3A_1218 = arith.constant 0 : i32
    %dma_wait3A_1219 = arith.constant 0 : i32
    %dma_wait3A_1220 = tpu.memref_slice %arg11[%dma_wait3A_1217, %dma_wait3A_1218, %dma_wait3A_1219] : memref<4x80x16xf32, #tpu.memory_space<vmem>> -> memref<1x80x16xf32, #tpu.memory_space<vmem>>
    %dma_wait3A_1221 = tpu.memref_squeeze %dma_wait3A_1220 : memref<1x80x16xf32, #tpu.memory_space<vmem>> -> memref<80x16xf32, #tpu.memory_space<vmem>>
    %dma_wait3A_1222 = arith.constant 0 : i32
    %dma_wait3A_1223 = arith.constant 256 : i32
    %dma_wait3A_1224 = tpu.memref_slice %arg6[%dma_wait3A_1222, %dma_wait3A_1223] : memref<320000x272xf32, #tpu.memory_space<hbm>> -> memref<80x16xf32, #tpu.memory_space<hbm>>
    %dma_wait3A_1225 = arith.constant 0 : i32
    %dma_wait3A_1226 = arith.constant 256 : i32
    %dma_wait3A_1227 = tpu.memref_slice %arg6[%dma_wait3A_1225, %dma_wait3A_1226] : memref<320000x272xf32, #tpu.memory_space<hbm>> -> memref<80x16xf32, #tpu.memory_space<hbm>>
    %dma_wait3A_1228 = arith.constant 0 : i32
    %dma_wait3A_1229 = arith.constant 0 : i32
    %dma_wait3A_1230 = tpu.memref_slice %arg11[%dma_wait3A_1217, %dma_wait3A_1228, %dma_wait3A_1229] : memref<4x80x16xf32, #tpu.memory_space<vmem>> -> memref<1x80x16xf32, #tpu.memory_space<vmem>>
    %dma_wait3A_1231 = tpu.memref_squeeze %dma_wait3A_1230 : memref<1x80x16xf32, #tpu.memory_space<vmem>> -> memref<80x16xf32, #tpu.memory_space<vmem>>
    tpu.wait_dma2 semaphore(%arg22 : memref<!tpu.dma_semaphore, #tpu.memory_space<semaphore_mem>>) src(%dma_wait3A_1231 : memref<80x16xf32, #tpu.memory_space<vmem>>) dst(%dma_wait3A_1227 : memref<80x16xf32, #tpu.memory_space<hbm>>)
    %dma_start3A_1232 = arith.constant 2 : i32
    %dma_start3A_1233 = arith.constant 2 : i32
    %dma_start3A_1234 = arith.constant 0 : i32
    %dma_start3A_1235 = arith.constant 0 : i32
    %dma_start3A_1236 = tpu.memref_slice %arg9[%dma_start3A_1233, %dma_start3A_1234, %dma_start3A_1235] : memref<4x80x128xf32, #tpu.memory_space<vmem>> -> memref<1x80x128xf32, #tpu.memory_space<vmem>>
    %dma_start3A_1237 = tpu.memref_squeeze %dma_start3A_1236 : memref<1x80x128xf32, #tpu.memory_space<vmem>> -> memref<80x128xf32, #tpu.memory_space<vmem>>
    %dma_start3A_1238 = arith.constant 0 : i32
    %dma_start3A_1239 = tpu.memref_slice %arg7[%dma_start3A_1232, %dma_start3A_1238] : memref<4x80xi32, #tpu.memory_space<vmem>> -> memref<1x80xi32, #tpu.memory_space<vmem>>
    %dma_start3A_1240 = tpu.memref_squeeze %dma_start3A_1239 : memref<1x80xi32, #tpu.memory_space<vmem>> -> memref<80xi32, #tpu.memory_space<vmem>>
    %dma_start3A_1241 = arith.constant 0 : i32
    %dma_start3A_1242 = arith.constant 0 : i32
    %dma_start3A_1243 = tpu.memref_slice %arg2[%dma_start3A_1241, %dma_start3A_1242] : memref<10000x128xf32, #tpu.memory_space<hbm>> -> memref<10000x128xf32, #tpu.memory_space<hbm>>
    tpu.enqueue_indirect_dma source(%dma_start3A_1243 : memref<10000x128xf32, #tpu.memory_space<hbm>>) target(%dma_start3A_1237 : memref<80x128xf32, #tpu.memory_space<vmem>>) offsets(%dma_start3A_1240 : memref<80xi32, #tpu.memory_space<vmem>>) semaphore(%arg18 : memref<!tpu.dma_semaphore, #tpu.memory_space<semaphore_mem>>)
    %dma_start3A_1244 = arith.constant 2 : i32
    %dma_start3A_1245 = arith.constant 2 : i32
    %dma_start3A_1246 = arith.constant 0 : i32
    %dma_start3A_1247 = arith.constant 0 : i32
    %dma_start3A_1248 = tpu.memref_slice %arg10[%dma_start3A_1245, %dma_start3A_1246, %dma_start3A_1247] : memref<4x80x128xf32, #tpu.memory_space<vmem>> -> memref<1x80x128xf32, #tpu.memory_space<vmem>>
    %dma_start3A_1249 = tpu.memref_squeeze %dma_start3A_1248 : memref<1x80x128xf32, #tpu.memory_space<vmem>> -> memref<80x128xf32, #tpu.memory_space<vmem>>
    %dma_start3A_1250 = arith.constant 0 : i32
    %dma_start3A_1251 = tpu.memref_slice %arg8[%dma_start3A_1244, %dma_start3A_1250] : memref<4x80xi32, #tpu.memory_space<vmem>> -> memref<1x80xi32, #tpu.memory_space<vmem>>
    %dma_start3A_1252 = tpu.memref_squeeze %dma_start3A_1251 : memref<1x80xi32, #tpu.memory_space<vmem>> -> memref<80xi32, #tpu.memory_space<vmem>>
    %dma_start3A_1253 = arith.constant 0 : i32
    %dma_start3A_1254 = arith.constant 0 : i32
    %dma_start3A_1255 = tpu.memref_slice %arg2[%dma_start3A_1253, %dma_start3A_1254] : memref<10000x128xf32, #tpu.memory_space<hbm>> -> memref<10000x128xf32, #tpu.memory_space<hbm>>
    tpu.enqueue_indirect_dma source(%dma_start3A_1255 : memref<10000x128xf32, #tpu.memory_space<hbm>>) target(%dma_start3A_1249 : memref<80x128xf32, #tpu.memory_space<vmem>>) offsets(%dma_start3A_1252 : memref<80xi32, #tpu.memory_space<vmem>>) semaphore(%arg18 : memref<!tpu.dma_semaphore, #tpu.memory_space<semaphore_mem>>)
    %add3A_1256 = arith.constant 0 : i32
    %add3A_1257 = arith.addi %add3A_1256, %mul3A_2 : i32
    %add3A_1258 = arith.constant 122 : i32
    %add3A_1259 = arith.addi %add3A_1257, %add3A_1258 : i32
    %mul3A_1260 = arith.constant 80 : i32
    %mul3A_1261 = arith.muli %add3A_1259, %mul3A_1260 : i32
    %dma_start3A_1262 = arith.constant 2 : i32
    %dma_start3A_1263 = arith.constant 0 : i32
    %dma_start3A_1264 = arith.constant 0 : i32
    %dma_start3A_1265 = tpu.memref_slice %arg11[%dma_start3A_1262, %dma_start3A_1263, %dma_start3A_1264] : memref<4x80x16xf32, #tpu.memory_space<vmem>> -> memref<1x80x16xf32, #tpu.memory_space<vmem>>
    %dma_start3A_1266 = tpu.memref_squeeze %dma_start3A_1265 : memref<1x80x16xf32, #tpu.memory_space<vmem>> -> memref<80x16xf32, #tpu.memory_space<vmem>>
    %dma_start3A_1267 = arith.constant 0 : i32
    %dma_start3A_1268 = tpu.memref_slice %arg3[%mul3A_1261, %dma_start3A_1267] : memref<320000x16xf32, #tpu.memory_space<hbm>> -> memref<80x16xf32, #tpu.memory_space<hbm>>
    %dma_start3A_1269 = arith.constant 0 : i32
    %dma_start3A_1270 = arith.constant 0 : i32
    %dma_start3A_1271 = tpu.memref_slice %arg11[%dma_start3A_1262, %dma_start3A_1269, %dma_start3A_1270] : memref<4x80x16xf32, #tpu.memory_space<vmem>> -> memref<1x80x16xf32, #tpu.memory_space<vmem>>
    %dma_start3A_1272 = tpu.memref_squeeze %dma_start3A_1271 : memref<1x80x16xf32, #tpu.memory_space<vmem>> -> memref<80x16xf32, #tpu.memory_space<vmem>>
    %dma_start3A_1273 = arith.constant 0 : i32
    %dma_start3A_1274 = tpu.memref_slice %arg3[%mul3A_1261, %dma_start3A_1273] : memref<320000x16xf32, #tpu.memory_space<hbm>> -> memref<80x16xf32, #tpu.memory_space<hbm>>
    tpu.enqueue_dma source(%dma_start3A_1274 : memref<80x16xf32, #tpu.memory_space<hbm>>) target(%dma_start3A_1272 : memref<80x16xf32, #tpu.memory_space<vmem>>) target_semaphore(%arg18 : memref<!tpu.dma_semaphore, #tpu.memory_space<semaphore_mem>>)
    %dma_wait3A_1275 = arith.constant 1 : i32
    %dma_wait3A_1276 = arith.constant 0 : i32
    %dma_wait3A_1277 = arith.constant 0 : i32
    %dma_wait3A_1278 = tpu.memref_slice %arg9[%dma_wait3A_1275, %dma_wait3A_1276, %dma_wait3A_1277] : memref<4x80x128xf32, #tpu.memory_space<vmem>> -> memref<1x80x128xf32, #tpu.memory_space<vmem>>
    %dma_wait3A_1279 = tpu.memref_squeeze %dma_wait3A_1278 : memref<1x80x128xf32, #tpu.memory_space<vmem>> -> memref<80x128xf32, #tpu.memory_space<vmem>>
    %dma_wait3A_1280 = arith.constant 0 : i32
    %dma_wait3A_1281 = arith.constant 0 : i32
    %dma_wait3A_1282 = tpu.memref_slice %arg2[%dma_wait3A_1280, %dma_wait3A_1281] : memref<10000x128xf32, #tpu.memory_space<hbm>> -> memref<80x128xf32, #tpu.memory_space<hbm>>
    %dma_wait3A_1283 = arith.constant 0 : i32
    %dma_wait3A_1284 = arith.constant 0 : i32
    %dma_wait3A_1285 = tpu.memref_slice %arg9[%dma_wait3A_1275, %dma_wait3A_1283, %dma_wait3A_1284] : memref<4x80x128xf32, #tpu.memory_space<vmem>> -> memref<1x80x128xf32, #tpu.memory_space<vmem>>
    %dma_wait3A_1286 = tpu.memref_squeeze %dma_wait3A_1285 : memref<1x80x128xf32, #tpu.memory_space<vmem>> -> memref<80x128xf32, #tpu.memory_space<vmem>>
    %dma_wait3A_1287 = arith.constant 0 : i32
    %dma_wait3A_1288 = arith.constant 0 : i32
    %dma_wait3A_1289 = tpu.memref_slice %arg2[%dma_wait3A_1287, %dma_wait3A_1288] : memref<10000x128xf32, #tpu.memory_space<hbm>> -> memref<80x128xf32, #tpu.memory_space<hbm>>
    tpu.wait_dma2 semaphore(%arg17 : memref<!tpu.dma_semaphore, #tpu.memory_space<semaphore_mem>>) src(%dma_wait3A_1289 : memref<80x128xf32, #tpu.memory_space<hbm>>) dst(%dma_wait3A_1286 : memref<80x128xf32, #tpu.memory_space<vmem>>)
    %dma_wait3A_1290 = arith.constant 1 : i32
    %dma_wait3A_1291 = arith.constant 0 : i32
    %dma_wait3A_1292 = arith.constant 0 : i32
    %dma_wait3A_1293 = tpu.memref_slice %arg10[%dma_wait3A_1290, %dma_wait3A_1291, %dma_wait3A_1292] : memref<4x80x128xf32, #tpu.memory_space<vmem>> -> memref<1x80x128xf32, #tpu.memory_space<vmem>>
    %dma_wait3A_1294 = tpu.memref_squeeze %dma_wait3A_1293 : memref<1x80x128xf32, #tpu.memory_space<vmem>> -> memref<80x128xf32, #tpu.memory_space<vmem>>
    %dma_wait3A_1295 = arith.constant 0 : i32
    %dma_wait3A_1296 = arith.constant 0 : i32
    %dma_wait3A_1297 = tpu.memref_slice %arg2[%dma_wait3A_1295, %dma_wait3A_1296] : memref<10000x128xf32, #tpu.memory_space<hbm>> -> memref<80x128xf32, #tpu.memory_space<hbm>>
    %dma_wait3A_1298 = arith.constant 0 : i32
    %dma_wait3A_1299 = arith.constant 0 : i32
    %dma_wait3A_1300 = tpu.memref_slice %arg10[%dma_wait3A_1290, %dma_wait3A_1298, %dma_wait3A_1299] : memref<4x80x128xf32, #tpu.memory_space<vmem>> -> memref<1x80x128xf32, #tpu.memory_space<vmem>>
    %dma_wait3A_1301 = tpu.memref_squeeze %dma_wait3A_1300 : memref<1x80x128xf32, #tpu.memory_space<vmem>> -> memref<80x128xf32, #tpu.memory_space<vmem>>
    %dma_wait3A_1302 = arith.constant 0 : i32
    %dma_wait3A_1303 = arith.constant 0 : i32
    %dma_wait3A_1304 = tpu.memref_slice %arg2[%dma_wait3A_1302, %dma_wait3A_1303] : memref<10000x128xf32, #tpu.memory_space<hbm>> -> memref<80x128xf32, #tpu.memory_space<hbm>>
    tpu.wait_dma2 semaphore(%arg17 : memref<!tpu.dma_semaphore, #tpu.memory_space<semaphore_mem>>) src(%dma_wait3A_1304 : memref<80x128xf32, #tpu.memory_space<hbm>>) dst(%dma_wait3A_1301 : memref<80x128xf32, #tpu.memory_space<vmem>>)
    %dma_wait3A_1305 = arith.constant 1 : i32
    %dma_wait3A_1306 = arith.constant 0 : i32
    %dma_wait3A_1307 = arith.constant 0 : i32
    %dma_wait3A_1308 = tpu.memref_slice %arg11[%dma_wait3A_1305, %dma_wait3A_1306, %dma_wait3A_1307] : memref<4x80x16xf32, #tpu.memory_space<vmem>> -> memref<1x80x16xf32, #tpu.memory_space<vmem>>
    %dma_wait3A_1309 = tpu.memref_squeeze %dma_wait3A_1308 : memref<1x80x16xf32, #tpu.memory_space<vmem>> -> memref<80x16xf32, #tpu.memory_space<vmem>>
    %dma_wait3A_1310 = arith.constant 0 : i32
    %dma_wait3A_1311 = arith.constant 0 : i32
    %dma_wait3A_1312 = tpu.memref_slice %arg3[%dma_wait3A_1310, %dma_wait3A_1311] : memref<320000x16xf32, #tpu.memory_space<hbm>> -> memref<80x16xf32, #tpu.memory_space<hbm>>
    %dma_wait3A_1313 = arith.constant 0 : i32
    %dma_wait3A_1314 = arith.constant 0 : i32
    %dma_wait3A_1315 = tpu.memref_slice %arg11[%dma_wait3A_1305, %dma_wait3A_1313, %dma_wait3A_1314] : memref<4x80x16xf32, #tpu.memory_space<vmem>> -> memref<1x80x16xf32, #tpu.memory_space<vmem>>
    %dma_wait3A_1316 = tpu.memref_squeeze %dma_wait3A_1315 : memref<1x80x16xf32, #tpu.memory_space<vmem>> -> memref<80x16xf32, #tpu.memory_space<vmem>>
    %dma_wait3A_1317 = arith.constant 0 : i32
    %dma_wait3A_1318 = arith.constant 0 : i32
    %dma_wait3A_1319 = tpu.memref_slice %arg3[%dma_wait3A_1317, %dma_wait3A_1318] : memref<320000x16xf32, #tpu.memory_space<hbm>> -> memref<80x16xf32, #tpu.memory_space<hbm>>
    tpu.wait_dma2 semaphore(%arg17 : memref<!tpu.dma_semaphore, #tpu.memory_space<semaphore_mem>>) src(%dma_wait3A_1319 : memref<80x16xf32, #tpu.memory_space<hbm>>) dst(%dma_wait3A_1316 : memref<80x16xf32, #tpu.memory_space<vmem>>)
    %add3A_1320 = arith.constant 121 : i32
    %add3A_1321 = arith.addi %mul3A_2, %add3A_1320 : i32
    %mul3A_1322 = arith.constant 80 : i32
    %mul3A_1323 = arith.muli %add3A_1321, %mul3A_1322 : i32
    %dma_start3A_1324 = arith.constant 1 : i32
    %dma_start3A_1325 = arith.constant 0 : i32
    %dma_start3A_1326 = arith.constant 0 : i32
    %dma_start3A_1327 = tpu.memref_slice %arg9[%dma_start3A_1324, %dma_start3A_1325, %dma_start3A_1326] : memref<4x80x128xf32, #tpu.memory_space<vmem>> -> memref<1x80x128xf32, #tpu.memory_space<vmem>>
    %dma_start3A_1328 = tpu.memref_squeeze %dma_start3A_1327 : memref<1x80x128xf32, #tpu.memory_space<vmem>> -> memref<80x128xf32, #tpu.memory_space<vmem>>
    %dma_start3A_1329 = arith.constant 0 : i32
    %dma_start3A_1330 = tpu.memref_slice %arg6[%mul3A_1323, %dma_start3A_1329] : memref<320000x272xf32, #tpu.memory_space<hbm>> -> memref<80x128xf32, #tpu.memory_space<hbm>>
    %dma_start3A_1331 = arith.constant 0 : i32
    %dma_start3A_1332 = tpu.memref_slice %arg6[%mul3A_1323, %dma_start3A_1331] : memref<320000x272xf32, #tpu.memory_space<hbm>> -> memref<80x128xf32, #tpu.memory_space<hbm>>
    %dma_start3A_1333 = arith.constant 0 : i32
    %dma_start3A_1334 = arith.constant 0 : i32
    %dma_start3A_1335 = tpu.memref_slice %arg9[%dma_start3A_1324, %dma_start3A_1333, %dma_start3A_1334] : memref<4x80x128xf32, #tpu.memory_space<vmem>> -> memref<1x80x128xf32, #tpu.memory_space<vmem>>
    %dma_start3A_1336 = tpu.memref_squeeze %dma_start3A_1335 : memref<1x80x128xf32, #tpu.memory_space<vmem>> -> memref<80x128xf32, #tpu.memory_space<vmem>>
    tpu.enqueue_dma source(%dma_start3A_1336 : memref<80x128xf32, #tpu.memory_space<vmem>>) target(%dma_start3A_1332 : memref<80x128xf32, #tpu.memory_space<hbm>>) target_semaphore(%arg21 : memref<!tpu.dma_semaphore, #tpu.memory_space<semaphore_mem>>)
    %dma_start3A_1337 = arith.constant 1 : i32
    %dma_start3A_1338 = arith.constant 0 : i32
    %dma_start3A_1339 = arith.constant 0 : i32
    %dma_start3A_1340 = tpu.memref_slice %arg10[%dma_start3A_1337, %dma_start3A_1338, %dma_start3A_1339] : memref<4x80x128xf32, #tpu.memory_space<vmem>> -> memref<1x80x128xf32, #tpu.memory_space<vmem>>
    %dma_start3A_1341 = tpu.memref_squeeze %dma_start3A_1340 : memref<1x80x128xf32, #tpu.memory_space<vmem>> -> memref<80x128xf32, #tpu.memory_space<vmem>>
    %dma_start3A_1342 = arith.constant 128 : i32
    %dma_start3A_1343 = tpu.memref_slice %arg6[%mul3A_1323, %dma_start3A_1342] : memref<320000x272xf32, #tpu.memory_space<hbm>> -> memref<80x128xf32, #tpu.memory_space<hbm>>
    %dma_start3A_1344 = arith.constant 128 : i32
    %dma_start3A_1345 = tpu.memref_slice %arg6[%mul3A_1323, %dma_start3A_1344] : memref<320000x272xf32, #tpu.memory_space<hbm>> -> memref<80x128xf32, #tpu.memory_space<hbm>>
    %dma_start3A_1346 = arith.constant 0 : i32
    %dma_start3A_1347 = arith.constant 0 : i32
    %dma_start3A_1348 = tpu.memref_slice %arg10[%dma_start3A_1337, %dma_start3A_1346, %dma_start3A_1347] : memref<4x80x128xf32, #tpu.memory_space<vmem>> -> memref<1x80x128xf32, #tpu.memory_space<vmem>>
    %dma_start3A_1349 = tpu.memref_squeeze %dma_start3A_1348 : memref<1x80x128xf32, #tpu.memory_space<vmem>> -> memref<80x128xf32, #tpu.memory_space<vmem>>
    tpu.enqueue_dma source(%dma_start3A_1349 : memref<80x128xf32, #tpu.memory_space<vmem>>) target(%dma_start3A_1345 : memref<80x128xf32, #tpu.memory_space<hbm>>) target_semaphore(%arg21 : memref<!tpu.dma_semaphore, #tpu.memory_space<semaphore_mem>>)
    %dma_start3A_1350 = arith.constant 1 : i32
    %dma_start3A_1351 = arith.constant 0 : i32
    %dma_start3A_1352 = arith.constant 0 : i32
    %dma_start3A_1353 = tpu.memref_slice %arg11[%dma_start3A_1350, %dma_start3A_1351, %dma_start3A_1352] : memref<4x80x16xf32, #tpu.memory_space<vmem>> -> memref<1x80x16xf32, #tpu.memory_space<vmem>>
    %dma_start3A_1354 = tpu.memref_squeeze %dma_start3A_1353 : memref<1x80x16xf32, #tpu.memory_space<vmem>> -> memref<80x16xf32, #tpu.memory_space<vmem>>
    %dma_start3A_1355 = arith.constant 256 : i32
    %dma_start3A_1356 = tpu.memref_slice %arg6[%mul3A_1323, %dma_start3A_1355] : memref<320000x272xf32, #tpu.memory_space<hbm>> -> memref<80x16xf32, #tpu.memory_space<hbm>>
    %dma_start3A_1357 = arith.constant 256 : i32
    %dma_start3A_1358 = tpu.memref_slice %arg6[%mul3A_1323, %dma_start3A_1357] : memref<320000x272xf32, #tpu.memory_space<hbm>> -> memref<80x16xf32, #tpu.memory_space<hbm>>
    %dma_start3A_1359 = arith.constant 0 : i32
    %dma_start3A_1360 = arith.constant 0 : i32
    %dma_start3A_1361 = tpu.memref_slice %arg11[%dma_start3A_1350, %dma_start3A_1359, %dma_start3A_1360] : memref<4x80x16xf32, #tpu.memory_space<vmem>> -> memref<1x80x16xf32, #tpu.memory_space<vmem>>
    %dma_start3A_1362 = tpu.memref_squeeze %dma_start3A_1361 : memref<1x80x16xf32, #tpu.memory_space<vmem>> -> memref<80x16xf32, #tpu.memory_space<vmem>>
    tpu.enqueue_dma source(%dma_start3A_1362 : memref<80x16xf32, #tpu.memory_space<vmem>>) target(%dma_start3A_1358 : memref<80x16xf32, #tpu.memory_space<hbm>>) target_semaphore(%arg21 : memref<!tpu.dma_semaphore, #tpu.memory_space<semaphore_mem>>)
    %dma_wait3A_1363 = arith.constant 3 : i32
    %dma_wait3A_1364 = arith.constant 0 : i32
    %dma_wait3A_1365 = tpu.memref_slice %arg7[%dma_wait3A_1363, %dma_wait3A_1364] : memref<4x80xi32, #tpu.memory_space<vmem>> -> memref<1x80xi32, #tpu.memory_space<vmem>>
    %dma_wait3A_1366 = tpu.memref_squeeze %dma_wait3A_1365 : memref<1x80xi32, #tpu.memory_space<vmem>> -> memref<80xi32, #tpu.memory_space<vmem>>
    %dma_wait3A_1367 = arith.constant 0 : i32
    %dma_wait3A_1368 = tpu.memref_slice %arg4[%dma_wait3A_1367] : memref<320000xi32, #tpu.memory_space<hbm>> -> memref<80xi32, #tpu.memory_space<hbm>>
    %dma_wait3A_1369 = arith.constant 0 : i32
    %dma_wait3A_1370 = tpu.memref_slice %arg7[%dma_wait3A_1363, %dma_wait3A_1369] : memref<4x80xi32, #tpu.memory_space<vmem>> -> memref<1x80xi32, #tpu.memory_space<vmem>>
    %dma_wait3A_1371 = tpu.memref_squeeze %dma_wait3A_1370 : memref<1x80xi32, #tpu.memory_space<vmem>> -> memref<80xi32, #tpu.memory_space<vmem>>
    %dma_wait3A_1372 = arith.constant 0 : i32
    %dma_wait3A_1373 = tpu.memref_slice %arg4[%dma_wait3A_1372] : memref<320000xi32, #tpu.memory_space<hbm>> -> memref<80xi32, #tpu.memory_space<hbm>>
    tpu.wait_dma2 semaphore(%arg15 : memref<!tpu.dma_semaphore, #tpu.memory_space<semaphore_mem>>) src(%dma_wait3A_1373 : memref<80xi32, #tpu.memory_space<hbm>>) dst(%dma_wait3A_1371 : memref<80xi32, #tpu.memory_space<vmem>>)
    %dma_wait3A_1374 = arith.constant 3 : i32
    %dma_wait3A_1375 = arith.constant 0 : i32
    %dma_wait3A_1376 = tpu.memref_slice %arg8[%dma_wait3A_1374, %dma_wait3A_1375] : memref<4x80xi32, #tpu.memory_space<vmem>> -> memref<1x80xi32, #tpu.memory_space<vmem>>
    %dma_wait3A_1377 = tpu.memref_squeeze %dma_wait3A_1376 : memref<1x80xi32, #tpu.memory_space<vmem>> -> memref<80xi32, #tpu.memory_space<vmem>>
    %dma_wait3A_1378 = arith.constant 0 : i32
    %dma_wait3A_1379 = tpu.memref_slice %arg5[%dma_wait3A_1378] : memref<320000xi32, #tpu.memory_space<hbm>> -> memref<80xi32, #tpu.memory_space<hbm>>
    %dma_wait3A_1380 = arith.constant 0 : i32
    %dma_wait3A_1381 = tpu.memref_slice %arg8[%dma_wait3A_1374, %dma_wait3A_1380] : memref<4x80xi32, #tpu.memory_space<vmem>> -> memref<1x80xi32, #tpu.memory_space<vmem>>
    %dma_wait3A_1382 = tpu.memref_squeeze %dma_wait3A_1381 : memref<1x80xi32, #tpu.memory_space<vmem>> -> memref<80xi32, #tpu.memory_space<vmem>>
    %dma_wait3A_1383 = arith.constant 0 : i32
    %dma_wait3A_1384 = tpu.memref_slice %arg5[%dma_wait3A_1383] : memref<320000xi32, #tpu.memory_space<hbm>> -> memref<80xi32, #tpu.memory_space<hbm>>
    tpu.wait_dma2 semaphore(%arg15 : memref<!tpu.dma_semaphore, #tpu.memory_space<semaphore_mem>>) src(%dma_wait3A_1384 : memref<80xi32, #tpu.memory_space<hbm>>) dst(%dma_wait3A_1382 : memref<80xi32, #tpu.memory_space<vmem>>)
    %dma_wait3A_1385 = arith.constant 3 : i32
    %dma_wait3A_1386 = arith.constant 0 : i32
    %dma_wait3A_1387 = arith.constant 0 : i32
    %dma_wait3A_1388 = tpu.memref_slice %arg9[%dma_wait3A_1385, %dma_wait3A_1386, %dma_wait3A_1387] : memref<4x80x128xf32, #tpu.memory_space<vmem>> -> memref<1x80x128xf32, #tpu.memory_space<vmem>>
    %dma_wait3A_1389 = tpu.memref_squeeze %dma_wait3A_1388 : memref<1x80x128xf32, #tpu.memory_space<vmem>> -> memref<80x128xf32, #tpu.memory_space<vmem>>
    %dma_wait3A_1390 = arith.constant 0 : i32
    %dma_wait3A_1391 = arith.constant 0 : i32
    %dma_wait3A_1392 = tpu.memref_slice %arg6[%dma_wait3A_1390, %dma_wait3A_1391] : memref<320000x272xf32, #tpu.memory_space<hbm>> -> memref<80x128xf32, #tpu.memory_space<hbm>>
    %dma_wait3A_1393 = arith.constant 0 : i32
    %dma_wait3A_1394 = arith.constant 0 : i32
    %dma_wait3A_1395 = tpu.memref_slice %arg6[%dma_wait3A_1393, %dma_wait3A_1394] : memref<320000x272xf32, #tpu.memory_space<hbm>> -> memref<80x128xf32, #tpu.memory_space<hbm>>
    %dma_wait3A_1396 = arith.constant 0 : i32
    %dma_wait3A_1397 = arith.constant 0 : i32
    %dma_wait3A_1398 = tpu.memref_slice %arg9[%dma_wait3A_1385, %dma_wait3A_1396, %dma_wait3A_1397] : memref<4x80x128xf32, #tpu.memory_space<vmem>> -> memref<1x80x128xf32, #tpu.memory_space<vmem>>
    %dma_wait3A_1399 = tpu.memref_squeeze %dma_wait3A_1398 : memref<1x80x128xf32, #tpu.memory_space<vmem>> -> memref<80x128xf32, #tpu.memory_space<vmem>>
    tpu.wait_dma2 semaphore(%arg23 : memref<!tpu.dma_semaphore, #tpu.memory_space<semaphore_mem>>) src(%dma_wait3A_1399 : memref<80x128xf32, #tpu.memory_space<vmem>>) dst(%dma_wait3A_1395 : memref<80x128xf32, #tpu.memory_space<hbm>>)
    %dma_wait3A_1400 = arith.constant 3 : i32
    %dma_wait3A_1401 = arith.constant 0 : i32
    %dma_wait3A_1402 = arith.constant 0 : i32
    %dma_wait3A_1403 = tpu.memref_slice %arg10[%dma_wait3A_1400, %dma_wait3A_1401, %dma_wait3A_1402] : memref<4x80x128xf32, #tpu.memory_space<vmem>> -> memref<1x80x128xf32, #tpu.memory_space<vmem>>
    %dma_wait3A_1404 = tpu.memref_squeeze %dma_wait3A_1403 : memref<1x80x128xf32, #tpu.memory_space<vmem>> -> memref<80x128xf32, #tpu.memory_space<vmem>>
    %dma_wait3A_1405 = arith.constant 0 : i32
    %dma_wait3A_1406 = arith.constant 128 : i32
    %dma_wait3A_1407 = tpu.memref_slice %arg6[%dma_wait3A_1405, %dma_wait3A_1406] : memref<320000x272xf32, #tpu.memory_space<hbm>> -> memref<80x128xf32, #tpu.memory_space<hbm>>
    %dma_wait3A_1408 = arith.constant 0 : i32
    %dma_wait3A_1409 = arith.constant 128 : i32
    %dma_wait3A_1410 = tpu.memref_slice %arg6[%dma_wait3A_1408, %dma_wait3A_1409] : memref<320000x272xf32, #tpu.memory_space<hbm>> -> memref<80x128xf32, #tpu.memory_space<hbm>>
    %dma_wait3A_1411 = arith.constant 0 : i32
    %dma_wait3A_1412 = arith.constant 0 : i32
    %dma_wait3A_1413 = tpu.memref_slice %arg10[%dma_wait3A_1400, %dma_wait3A_1411, %dma_wait3A_1412] : memref<4x80x128xf32, #tpu.memory_space<vmem>> -> memref<1x80x128xf32, #tpu.memory_space<vmem>>
    %dma_wait3A_1414 = tpu.memref_squeeze %dma_wait3A_1413 : memref<1x80x128xf32, #tpu.memory_space<vmem>> -> memref<80x128xf32, #tpu.memory_space<vmem>>
    tpu.wait_dma2 semaphore(%arg23 : memref<!tpu.dma_semaphore, #tpu.memory_space<semaphore_mem>>) src(%dma_wait3A_1414 : memref<80x128xf32, #tpu.memory_space<vmem>>) dst(%dma_wait3A_1410 : memref<80x128xf32, #tpu.memory_space<hbm>>)
    %dma_wait3A_1415 = arith.constant 3 : i32
    %dma_wait3A_1416 = arith.constant 0 : i32
    %dma_wait3A_1417 = arith.constant 0 : i32
    %dma_wait3A_1418 = tpu.memref_slice %arg11[%dma_wait3A_1415, %dma_wait3A_1416, %dma_wait3A_1417] : memref<4x80x16xf32, #tpu.memory_space<vmem>> -> memref<1x80x16xf32, #tpu.memory_space<vmem>>
    %dma_wait3A_1419 = tpu.memref_squeeze %dma_wait3A_1418 : memref<1x80x16xf32, #tpu.memory_space<vmem>> -> memref<80x16xf32, #tpu.memory_space<vmem>>
    %dma_wait3A_1420 = arith.constant 0 : i32
    %dma_wait3A_1421 = arith.constant 256 : i32
    %dma_wait3A_1422 = tpu.memref_slice %arg6[%dma_wait3A_1420, %dma_wait3A_1421] : memref<320000x272xf32, #tpu.memory_space<hbm>> -> memref<80x16xf32, #tpu.memory_space<hbm>>
    %dma_wait3A_1423 = arith.constant 0 : i32
    %dma_wait3A_1424 = arith.constant 256 : i32
    %dma_wait3A_1425 = tpu.memref_slice %arg6[%dma_wait3A_1423, %dma_wait3A_1424] : memref<320000x272xf32, #tpu.memory_space<hbm>> -> memref<80x16xf32, #tpu.memory_space<hbm>>
    %dma_wait3A_1426 = arith.constant 0 : i32
    %dma_wait3A_1427 = arith.constant 0 : i32
    %dma_wait3A_1428 = tpu.memref_slice %arg11[%dma_wait3A_1415, %dma_wait3A_1426, %dma_wait3A_1427] : memref<4x80x16xf32, #tpu.memory_space<vmem>> -> memref<1x80x16xf32, #tpu.memory_space<vmem>>
    %dma_wait3A_1429 = tpu.memref_squeeze %dma_wait3A_1428 : memref<1x80x16xf32, #tpu.memory_space<vmem>> -> memref<80x16xf32, #tpu.memory_space<vmem>>
    tpu.wait_dma2 semaphore(%arg23 : memref<!tpu.dma_semaphore, #tpu.memory_space<semaphore_mem>>) src(%dma_wait3A_1429 : memref<80x16xf32, #tpu.memory_space<vmem>>) dst(%dma_wait3A_1425 : memref<80x16xf32, #tpu.memory_space<hbm>>)
    %dma_start3A_1430 = arith.constant 3 : i32
    %dma_start3A_1431 = arith.constant 3 : i32
    %dma_start3A_1432 = arith.constant 0 : i32
    %dma_start3A_1433 = arith.constant 0 : i32
    %dma_start3A_1434 = tpu.memref_slice %arg9[%dma_start3A_1431, %dma_start3A_1432, %dma_start3A_1433] : memref<4x80x128xf32, #tpu.memory_space<vmem>> -> memref<1x80x128xf32, #tpu.memory_space<vmem>>
    %dma_start3A_1435 = tpu.memref_squeeze %dma_start3A_1434 : memref<1x80x128xf32, #tpu.memory_space<vmem>> -> memref<80x128xf32, #tpu.memory_space<vmem>>
    %dma_start3A_1436 = arith.constant 0 : i32
    %dma_start3A_1437 = tpu.memref_slice %arg7[%dma_start3A_1430, %dma_start3A_1436] : memref<4x80xi32, #tpu.memory_space<vmem>> -> memref<1x80xi32, #tpu.memory_space<vmem>>
    %dma_start3A_1438 = tpu.memref_squeeze %dma_start3A_1437 : memref<1x80xi32, #tpu.memory_space<vmem>> -> memref<80xi32, #tpu.memory_space<vmem>>
    %dma_start3A_1439 = arith.constant 0 : i32
    %dma_start3A_1440 = arith.constant 0 : i32
    %dma_start3A_1441 = tpu.memref_slice %arg2[%dma_start3A_1439, %dma_start3A_1440] : memref<10000x128xf32, #tpu.memory_space<hbm>> -> memref<10000x128xf32, #tpu.memory_space<hbm>>
    tpu.enqueue_indirect_dma source(%dma_start3A_1441 : memref<10000x128xf32, #tpu.memory_space<hbm>>) target(%dma_start3A_1435 : memref<80x128xf32, #tpu.memory_space<vmem>>) offsets(%dma_start3A_1438 : memref<80xi32, #tpu.memory_space<vmem>>) semaphore(%arg19 : memref<!tpu.dma_semaphore, #tpu.memory_space<semaphore_mem>>)
    %dma_start3A_1442 = arith.constant 3 : i32
    %dma_start3A_1443 = arith.constant 3 : i32
    %dma_start3A_1444 = arith.constant 0 : i32
    %dma_start3A_1445 = arith.constant 0 : i32
    %dma_start3A_1446 = tpu.memref_slice %arg10[%dma_start3A_1443, %dma_start3A_1444, %dma_start3A_1445] : memref<4x80x128xf32, #tpu.memory_space<vmem>> -> memref<1x80x128xf32, #tpu.memory_space<vmem>>
    %dma_start3A_1447 = tpu.memref_squeeze %dma_start3A_1446 : memref<1x80x128xf32, #tpu.memory_space<vmem>> -> memref<80x128xf32, #tpu.memory_space<vmem>>
    %dma_start3A_1448 = arith.constant 0 : i32
    %dma_start3A_1449 = tpu.memref_slice %arg8[%dma_start3A_1442, %dma_start3A_1448] : memref<4x80xi32, #tpu.memory_space<vmem>> -> memref<1x80xi32, #tpu.memory_space<vmem>>
    %dma_start3A_1450 = tpu.memref_squeeze %dma_start3A_1449 : memref<1x80xi32, #tpu.memory_space<vmem>> -> memref<80xi32, #tpu.memory_space<vmem>>
    %dma_start3A_1451 = arith.constant 0 : i32
    %dma_start3A_1452 = arith.constant 0 : i32
    %dma_start3A_1453 = tpu.memref_slice %arg2[%dma_start3A_1451, %dma_start3A_1452] : memref<10000x128xf32, #tpu.memory_space<hbm>> -> memref<10000x128xf32, #tpu.memory_space<hbm>>
    tpu.enqueue_indirect_dma source(%dma_start3A_1453 : memref<10000x128xf32, #tpu.memory_space<hbm>>) target(%dma_start3A_1447 : memref<80x128xf32, #tpu.memory_space<vmem>>) offsets(%dma_start3A_1450 : memref<80xi32, #tpu.memory_space<vmem>>) semaphore(%arg19 : memref<!tpu.dma_semaphore, #tpu.memory_space<semaphore_mem>>)
    %add3A_1454 = arith.constant 0 : i32
    %add3A_1455 = arith.addi %add3A_1454, %mul3A_2 : i32
    %add3A_1456 = arith.constant 123 : i32
    %add3A_1457 = arith.addi %add3A_1455, %add3A_1456 : i32
    %mul3A_1458 = arith.constant 80 : i32
    %mul3A_1459 = arith.muli %add3A_1457, %mul3A_1458 : i32
    %dma_start3A_1460 = arith.constant 3 : i32
    %dma_start3A_1461 = arith.constant 0 : i32
    %dma_start3A_1462 = arith.constant 0 : i32
    %dma_start3A_1463 = tpu.memref_slice %arg11[%dma_start3A_1460, %dma_start3A_1461, %dma_start3A_1462] : memref<4x80x16xf32, #tpu.memory_space<vmem>> -> memref<1x80x16xf32, #tpu.memory_space<vmem>>
    %dma_start3A_1464 = tpu.memref_squeeze %dma_start3A_1463 : memref<1x80x16xf32, #tpu.memory_space<vmem>> -> memref<80x16xf32, #tpu.memory_space<vmem>>
    %dma_start3A_1465 = arith.constant 0 : i32
    %dma_start3A_1466 = tpu.memref_slice %arg3[%mul3A_1459, %dma_start3A_1465] : memref<320000x16xf32, #tpu.memory_space<hbm>> -> memref<80x16xf32, #tpu.memory_space<hbm>>
    %dma_start3A_1467 = arith.constant 0 : i32
    %dma_start3A_1468 = arith.constant 0 : i32
    %dma_start3A_1469 = tpu.memref_slice %arg11[%dma_start3A_1460, %dma_start3A_1467, %dma_start3A_1468] : memref<4x80x16xf32, #tpu.memory_space<vmem>> -> memref<1x80x16xf32, #tpu.memory_space<vmem>>
    %dma_start3A_1470 = tpu.memref_squeeze %dma_start3A_1469 : memref<1x80x16xf32, #tpu.memory_space<vmem>> -> memref<80x16xf32, #tpu.memory_space<vmem>>
    %dma_start3A_1471 = arith.constant 0 : i32
    %dma_start3A_1472 = tpu.memref_slice %arg3[%mul3A_1459, %dma_start3A_1471] : memref<320000x16xf32, #tpu.memory_space<hbm>> -> memref<80x16xf32, #tpu.memory_space<hbm>>
    tpu.enqueue_dma source(%dma_start3A_1472 : memref<80x16xf32, #tpu.memory_space<hbm>>) target(%dma_start3A_1470 : memref<80x16xf32, #tpu.memory_space<vmem>>) target_semaphore(%arg19 : memref<!tpu.dma_semaphore, #tpu.memory_space<semaphore_mem>>)
    %dma_wait3A_1473 = arith.constant 2 : i32
    %dma_wait3A_1474 = arith.constant 0 : i32
    %dma_wait3A_1475 = arith.constant 0 : i32
    %dma_wait3A_1476 = tpu.memref_slice %arg9[%dma_wait3A_1473, %dma_wait3A_1474, %dma_wait3A_1475] : memref<4x80x128xf32, #tpu.memory_space<vmem>> -> memref<1x80x128xf32, #tpu.memory_space<vmem>>
    %dma_wait3A_1477 = tpu.memref_squeeze %dma_wait3A_1476 : memref<1x80x128xf32, #tpu.memory_space<vmem>> -> memref<80x128xf32, #tpu.memory_space<vmem>>
    %dma_wait3A_1478 = arith.constant 0 : i32
    %dma_wait3A_1479 = arith.constant 0 : i32
    %dma_wait3A_1480 = tpu.memref_slice %arg2[%dma_wait3A_1478, %dma_wait3A_1479] : memref<10000x128xf32, #tpu.memory_space<hbm>> -> memref<80x128xf32, #tpu.memory_space<hbm>>
    %dma_wait3A_1481 = arith.constant 0 : i32
    %dma_wait3A_1482 = arith.constant 0 : i32
    %dma_wait3A_1483 = tpu.memref_slice %arg9[%dma_wait3A_1473, %dma_wait3A_1481, %dma_wait3A_1482] : memref<4x80x128xf32, #tpu.memory_space<vmem>> -> memref<1x80x128xf32, #tpu.memory_space<vmem>>
    %dma_wait3A_1484 = tpu.memref_squeeze %dma_wait3A_1483 : memref<1x80x128xf32, #tpu.memory_space<vmem>> -> memref<80x128xf32, #tpu.memory_space<vmem>>
    %dma_wait3A_1485 = arith.constant 0 : i32
    %dma_wait3A_1486 = arith.constant 0 : i32
    %dma_wait3A_1487 = tpu.memref_slice %arg2[%dma_wait3A_1485, %dma_wait3A_1486] : memref<10000x128xf32, #tpu.memory_space<hbm>> -> memref<80x128xf32, #tpu.memory_space<hbm>>
    tpu.wait_dma2 semaphore(%arg18 : memref<!tpu.dma_semaphore, #tpu.memory_space<semaphore_mem>>) src(%dma_wait3A_1487 : memref<80x128xf32, #tpu.memory_space<hbm>>) dst(%dma_wait3A_1484 : memref<80x128xf32, #tpu.memory_space<vmem>>)
    %dma_wait3A_1488 = arith.constant 2 : i32
    %dma_wait3A_1489 = arith.constant 0 : i32
    %dma_wait3A_1490 = arith.constant 0 : i32
    %dma_wait3A_1491 = tpu.memref_slice %arg10[%dma_wait3A_1488, %dma_wait3A_1489, %dma_wait3A_1490] : memref<4x80x128xf32, #tpu.memory_space<vmem>> -> memref<1x80x128xf32, #tpu.memory_space<vmem>>
    %dma_wait3A_1492 = tpu.memref_squeeze %dma_wait3A_1491 : memref<1x80x128xf32, #tpu.memory_space<vmem>> -> memref<80x128xf32, #tpu.memory_space<vmem>>
    %dma_wait3A_1493 = arith.constant 0 : i32
    %dma_wait3A_1494 = arith.constant 0 : i32
    %dma_wait3A_1495 = tpu.memref_slice %arg2[%dma_wait3A_1493, %dma_wait3A_1494] : memref<10000x128xf32, #tpu.memory_space<hbm>> -> memref<80x128xf32, #tpu.memory_space<hbm>>
    %dma_wait3A_1496 = arith.constant 0 : i32
    %dma_wait3A_1497 = arith.constant 0 : i32
    %dma_wait3A_1498 = tpu.memref_slice %arg10[%dma_wait3A_1488, %dma_wait3A_1496, %dma_wait3A_1497] : memref<4x80x128xf32, #tpu.memory_space<vmem>> -> memref<1x80x128xf32, #tpu.memory_space<vmem>>
    %dma_wait3A_1499 = tpu.memref_squeeze %dma_wait3A_1498 : memref<1x80x128xf32, #tpu.memory_space<vmem>> -> memref<80x128xf32, #tpu.memory_space<vmem>>
    %dma_wait3A_1500 = arith.constant 0 : i32
    %dma_wait3A_1501 = arith.constant 0 : i32
    %dma_wait3A_1502 = tpu.memref_slice %arg2[%dma_wait3A_1500, %dma_wait3A_1501] : memref<10000x128xf32, #tpu.memory_space<hbm>> -> memref<80x128xf32, #tpu.memory_space<hbm>>
    tpu.wait_dma2 semaphore(%arg18 : memref<!tpu.dma_semaphore, #tpu.memory_space<semaphore_mem>>) src(%dma_wait3A_1502 : memref<80x128xf32, #tpu.memory_space<hbm>>) dst(%dma_wait3A_1499 : memref<80x128xf32, #tpu.memory_space<vmem>>)
    %dma_wait3A_1503 = arith.constant 2 : i32
    %dma_wait3A_1504 = arith.constant 0 : i32
    %dma_wait3A_1505 = arith.constant 0 : i32
    %dma_wait3A_1506 = tpu.memref_slice %arg11[%dma_wait3A_1503, %dma_wait3A_1504, %dma_wait3A_1505] : memref<4x80x16xf32, #tpu.memory_space<vmem>> -> memref<1x80x16xf32, #tpu.memory_space<vmem>>
    %dma_wait3A_1507 = tpu.memref_squeeze %dma_wait3A_1506 : memref<1x80x16xf32, #tpu.memory_space<vmem>> -> memref<80x16xf32, #tpu.memory_space<vmem>>
    %dma_wait3A_1508 = arith.constant 0 : i32
    %dma_wait3A_1509 = arith.constant 0 : i32
    %dma_wait3A_1510 = tpu.memref_slice %arg3[%dma_wait3A_1508, %dma_wait3A_1509] : memref<320000x16xf32, #tpu.memory_space<hbm>> -> memref<80x16xf32, #tpu.memory_space<hbm>>
    %dma_wait3A_1511 = arith.constant 0 : i32
    %dma_wait3A_1512 = arith.constant 0 : i32
    %dma_wait3A_1513 = tpu.memref_slice %arg11[%dma_wait3A_1503, %dma_wait3A_1511, %dma_wait3A_1512] : memref<4x80x16xf32, #tpu.memory_space<vmem>> -> memref<1x80x16xf32, #tpu.memory_space<vmem>>
    %dma_wait3A_1514 = tpu.memref_squeeze %dma_wait3A_1513 : memref<1x80x16xf32, #tpu.memory_space<vmem>> -> memref<80x16xf32, #tpu.memory_space<vmem>>
    %dma_wait3A_1515 = arith.constant 0 : i32
    %dma_wait3A_1516 = arith.constant 0 : i32
    %dma_wait3A_1517 = tpu.memref_slice %arg3[%dma_wait3A_1515, %dma_wait3A_1516] : memref<320000x16xf32, #tpu.memory_space<hbm>> -> memref<80x16xf32, #tpu.memory_space<hbm>>
    tpu.wait_dma2 semaphore(%arg18 : memref<!tpu.dma_semaphore, #tpu.memory_space<semaphore_mem>>) src(%dma_wait3A_1517 : memref<80x16xf32, #tpu.memory_space<hbm>>) dst(%dma_wait3A_1514 : memref<80x16xf32, #tpu.memory_space<vmem>>)
    %add3A_1518 = arith.constant 122 : i32
    %add3A_1519 = arith.addi %mul3A_2, %add3A_1518 : i32
    %mul3A_1520 = arith.constant 80 : i32
    %mul3A_1521 = arith.muli %add3A_1519, %mul3A_1520 : i32
    %dma_start3A_1522 = arith.constant 2 : i32
    %dma_start3A_1523 = arith.constant 0 : i32
    %dma_start3A_1524 = arith.constant 0 : i32
    %dma_start3A_1525 = tpu.memref_slice %arg9[%dma_start3A_1522, %dma_start3A_1523, %dma_start3A_1524] : memref<4x80x128xf32, #tpu.memory_space<vmem>> -> memref<1x80x128xf32, #tpu.memory_space<vmem>>
    %dma_start3A_1526 = tpu.memref_squeeze %dma_start3A_1525 : memref<1x80x128xf32, #tpu.memory_space<vmem>> -> memref<80x128xf32, #tpu.memory_space<vmem>>
    %dma_start3A_1527 = arith.constant 0 : i32
    %dma_start3A_1528 = tpu.memref_slice %arg6[%mul3A_1521, %dma_start3A_1527] : memref<320000x272xf32, #tpu.memory_space<hbm>> -> memref<80x128xf32, #tpu.memory_space<hbm>>
    %dma_start3A_1529 = arith.constant 0 : i32
    %dma_start3A_1530 = tpu.memref_slice %arg6[%mul3A_1521, %dma_start3A_1529] : memref<320000x272xf32, #tpu.memory_space<hbm>> -> memref<80x128xf32, #tpu.memory_space<hbm>>
    %dma_start3A_1531 = arith.constant 0 : i32
    %dma_start3A_1532 = arith.constant 0 : i32
    %dma_start3A_1533 = tpu.memref_slice %arg9[%dma_start3A_1522, %dma_start3A_1531, %dma_start3A_1532] : memref<4x80x128xf32, #tpu.memory_space<vmem>> -> memref<1x80x128xf32, #tpu.memory_space<vmem>>
    %dma_start3A_1534 = tpu.memref_squeeze %dma_start3A_1533 : memref<1x80x128xf32, #tpu.memory_space<vmem>> -> memref<80x128xf32, #tpu.memory_space<vmem>>
    tpu.enqueue_dma source(%dma_start3A_1534 : memref<80x128xf32, #tpu.memory_space<vmem>>) target(%dma_start3A_1530 : memref<80x128xf32, #tpu.memory_space<hbm>>) target_semaphore(%arg22 : memref<!tpu.dma_semaphore, #tpu.memory_space<semaphore_mem>>)
    %dma_start3A_1535 = arith.constant 2 : i32
    %dma_start3A_1536 = arith.constant 0 : i32
    %dma_start3A_1537 = arith.constant 0 : i32
    %dma_start3A_1538 = tpu.memref_slice %arg10[%dma_start3A_1535, %dma_start3A_1536, %dma_start3A_1537] : memref<4x80x128xf32, #tpu.memory_space<vmem>> -> memref<1x80x128xf32, #tpu.memory_space<vmem>>
    %dma_start3A_1539 = tpu.memref_squeeze %dma_start3A_1538 : memref<1x80x128xf32, #tpu.memory_space<vmem>> -> memref<80x128xf32, #tpu.memory_space<vmem>>
    %dma_start3A_1540 = arith.constant 128 : i32
    %dma_start3A_1541 = tpu.memref_slice %arg6[%mul3A_1521, %dma_start3A_1540] : memref<320000x272xf32, #tpu.memory_space<hbm>> -> memref<80x128xf32, #tpu.memory_space<hbm>>
    %dma_start3A_1542 = arith.constant 128 : i32
    %dma_start3A_1543 = tpu.memref_slice %arg6[%mul3A_1521, %dma_start3A_1542] : memref<320000x272xf32, #tpu.memory_space<hbm>> -> memref<80x128xf32, #tpu.memory_space<hbm>>
    %dma_start3A_1544 = arith.constant 0 : i32
    %dma_start3A_1545 = arith.constant 0 : i32
    %dma_start3A_1546 = tpu.memref_slice %arg10[%dma_start3A_1535, %dma_start3A_1544, %dma_start3A_1545] : memref<4x80x128xf32, #tpu.memory_space<vmem>> -> memref<1x80x128xf32, #tpu.memory_space<vmem>>
    %dma_start3A_1547 = tpu.memref_squeeze %dma_start3A_1546 : memref<1x80x128xf32, #tpu.memory_space<vmem>> -> memref<80x128xf32, #tpu.memory_space<vmem>>
    tpu.enqueue_dma source(%dma_start3A_1547 : memref<80x128xf32, #tpu.memory_space<vmem>>) target(%dma_start3A_1543 : memref<80x128xf32, #tpu.memory_space<hbm>>) target_semaphore(%arg22 : memref<!tpu.dma_semaphore, #tpu.memory_space<semaphore_mem>>)
    %dma_start3A_1548 = arith.constant 2 : i32
    %dma_start3A_1549 = arith.constant 0 : i32
    %dma_start3A_1550 = arith.constant 0 : i32
    %dma_start3A_1551 = tpu.memref_slice %arg11[%dma_start3A_1548, %dma_start3A_1549, %dma_start3A_1550] : memref<4x80x16xf32, #tpu.memory_space<vmem>> -> memref<1x80x16xf32, #tpu.memory_space<vmem>>
    %dma_start3A_1552 = tpu.memref_squeeze %dma_start3A_1551 : memref<1x80x16xf32, #tpu.memory_space<vmem>> -> memref<80x16xf32, #tpu.memory_space<vmem>>
    %dma_start3A_1553 = arith.constant 256 : i32
    %dma_start3A_1554 = tpu.memref_slice %arg6[%mul3A_1521, %dma_start3A_1553] : memref<320000x272xf32, #tpu.memory_space<hbm>> -> memref<80x16xf32, #tpu.memory_space<hbm>>
    %dma_start3A_1555 = arith.constant 256 : i32
    %dma_start3A_1556 = tpu.memref_slice %arg6[%mul3A_1521, %dma_start3A_1555] : memref<320000x272xf32, #tpu.memory_space<hbm>> -> memref<80x16xf32, #tpu.memory_space<hbm>>
    %dma_start3A_1557 = arith.constant 0 : i32
    %dma_start3A_1558 = arith.constant 0 : i32
    %dma_start3A_1559 = tpu.memref_slice %arg11[%dma_start3A_1548, %dma_start3A_1557, %dma_start3A_1558] : memref<4x80x16xf32, #tpu.memory_space<vmem>> -> memref<1x80x16xf32, #tpu.memory_space<vmem>>
    %dma_start3A_1560 = tpu.memref_squeeze %dma_start3A_1559 : memref<1x80x16xf32, #tpu.memory_space<vmem>> -> memref<80x16xf32, #tpu.memory_space<vmem>>
    tpu.enqueue_dma source(%dma_start3A_1560 : memref<80x16xf32, #tpu.memory_space<vmem>>) target(%dma_start3A_1556 : memref<80x16xf32, #tpu.memory_space<hbm>>) target_semaphore(%arg22 : memref<!tpu.dma_semaphore, #tpu.memory_space<semaphore_mem>>)
    %dma_wait3A_1561 = arith.constant 3 : i32
    %dma_wait3A_1562 = arith.constant 0 : i32
    %dma_wait3A_1563 = arith.constant 0 : i32
    %dma_wait3A_1564 = tpu.memref_slice %arg9[%dma_wait3A_1561, %dma_wait3A_1562, %dma_wait3A_1563] : memref<4x80x128xf32, #tpu.memory_space<vmem>> -> memref<1x80x128xf32, #tpu.memory_space<vmem>>
    %dma_wait3A_1565 = tpu.memref_squeeze %dma_wait3A_1564 : memref<1x80x128xf32, #tpu.memory_space<vmem>> -> memref<80x128xf32, #tpu.memory_space<vmem>>
    %dma_wait3A_1566 = arith.constant 0 : i32
    %dma_wait3A_1567 = arith.constant 0 : i32
    %dma_wait3A_1568 = tpu.memref_slice %arg2[%dma_wait3A_1566, %dma_wait3A_1567] : memref<10000x128xf32, #tpu.memory_space<hbm>> -> memref<80x128xf32, #tpu.memory_space<hbm>>
    %dma_wait3A_1569 = arith.constant 0 : i32
    %dma_wait3A_1570 = arith.constant 0 : i32
    %dma_wait3A_1571 = tpu.memref_slice %arg9[%dma_wait3A_1561, %dma_wait3A_1569, %dma_wait3A_1570] : memref<4x80x128xf32, #tpu.memory_space<vmem>> -> memref<1x80x128xf32, #tpu.memory_space<vmem>>
    %dma_wait3A_1572 = tpu.memref_squeeze %dma_wait3A_1571 : memref<1x80x128xf32, #tpu.memory_space<vmem>> -> memref<80x128xf32, #tpu.memory_space<vmem>>
    %dma_wait3A_1573 = arith.constant 0 : i32
    %dma_wait3A_1574 = arith.constant 0 : i32
    %dma_wait3A_1575 = tpu.memref_slice %arg2[%dma_wait3A_1573, %dma_wait3A_1574] : memref<10000x128xf32, #tpu.memory_space<hbm>> -> memref<80x128xf32, #tpu.memory_space<hbm>>
    tpu.wait_dma2 semaphore(%arg19 : memref<!tpu.dma_semaphore, #tpu.memory_space<semaphore_mem>>) src(%dma_wait3A_1575 : memref<80x128xf32, #tpu.memory_space<hbm>>) dst(%dma_wait3A_1572 : memref<80x128xf32, #tpu.memory_space<vmem>>)
    %dma_wait3A_1576 = arith.constant 3 : i32
    %dma_wait3A_1577 = arith.constant 0 : i32
    %dma_wait3A_1578 = arith.constant 0 : i32
    %dma_wait3A_1579 = tpu.memref_slice %arg10[%dma_wait3A_1576, %dma_wait3A_1577, %dma_wait3A_1578] : memref<4x80x128xf32, #tpu.memory_space<vmem>> -> memref<1x80x128xf32, #tpu.memory_space<vmem>>
    %dma_wait3A_1580 = tpu.memref_squeeze %dma_wait3A_1579 : memref<1x80x128xf32, #tpu.memory_space<vmem>> -> memref<80x128xf32, #tpu.memory_space<vmem>>
    %dma_wait3A_1581 = arith.constant 0 : i32
    %dma_wait3A_1582 = arith.constant 0 : i32
    %dma_wait3A_1583 = tpu.memref_slice %arg2[%dma_wait3A_1581, %dma_wait3A_1582] : memref<10000x128xf32, #tpu.memory_space<hbm>> -> memref<80x128xf32, #tpu.memory_space<hbm>>
    %dma_wait3A_1584 = arith.constant 0 : i32
    %dma_wait3A_1585 = arith.constant 0 : i32
    %dma_wait3A_1586 = tpu.memref_slice %arg10[%dma_wait3A_1576, %dma_wait3A_1584, %dma_wait3A_1585] : memref<4x80x128xf32, #tpu.memory_space<vmem>> -> memref<1x80x128xf32, #tpu.memory_space<vmem>>
    %dma_wait3A_1587 = tpu.memref_squeeze %dma_wait3A_1586 : memref<1x80x128xf32, #tpu.memory_space<vmem>> -> memref<80x128xf32, #tpu.memory_space<vmem>>
    %dma_wait3A_1588 = arith.constant 0 : i32
    %dma_wait3A_1589 = arith.constant 0 : i32
    %dma_wait3A_1590 = tpu.memref_slice %arg2[%dma_wait3A_1588, %dma_wait3A_1589] : memref<10000x128xf32, #tpu.memory_space<hbm>> -> memref<80x128xf32, #tpu.memory_space<hbm>>
    tpu.wait_dma2 semaphore(%arg19 : memref<!tpu.dma_semaphore, #tpu.memory_space<semaphore_mem>>) src(%dma_wait3A_1590 : memref<80x128xf32, #tpu.memory_space<hbm>>) dst(%dma_wait3A_1587 : memref<80x128xf32, #tpu.memory_space<vmem>>)
    %dma_wait3A_1591 = arith.constant 3 : i32
    %dma_wait3A_1592 = arith.constant 0 : i32
    %dma_wait3A_1593 = arith.constant 0 : i32
    %dma_wait3A_1594 = tpu.memref_slice %arg11[%dma_wait3A_1591, %dma_wait3A_1592, %dma_wait3A_1593] : memref<4x80x16xf32, #tpu.memory_space<vmem>> -> memref<1x80x16xf32, #tpu.memory_space<vmem>>
    %dma_wait3A_1595 = tpu.memref_squeeze %dma_wait3A_1594 : memref<1x80x16xf32, #tpu.memory_space<vmem>> -> memref<80x16xf32, #tpu.memory_space<vmem>>
    %dma_wait3A_1596 = arith.constant 0 : i32
    %dma_wait3A_1597 = arith.constant 0 : i32
    %dma_wait3A_1598 = tpu.memref_slice %arg3[%dma_wait3A_1596, %dma_wait3A_1597] : memref<320000x16xf32, #tpu.memory_space<hbm>> -> memref<80x16xf32, #tpu.memory_space<hbm>>
    %dma_wait3A_1599 = arith.constant 0 : i32
    %dma_wait3A_1600 = arith.constant 0 : i32
    %dma_wait3A_1601 = tpu.memref_slice %arg11[%dma_wait3A_1591, %dma_wait3A_1599, %dma_wait3A_1600] : memref<4x80x16xf32, #tpu.memory_space<vmem>> -> memref<1x80x16xf32, #tpu.memory_space<vmem>>
    %dma_wait3A_1602 = tpu.memref_squeeze %dma_wait3A_1601 : memref<1x80x16xf32, #tpu.memory_space<vmem>> -> memref<80x16xf32, #tpu.memory_space<vmem>>
    %dma_wait3A_1603 = arith.constant 0 : i32
    %dma_wait3A_1604 = arith.constant 0 : i32
    %dma_wait3A_1605 = tpu.memref_slice %arg3[%dma_wait3A_1603, %dma_wait3A_1604] : memref<320000x16xf32, #tpu.memory_space<hbm>> -> memref<80x16xf32, #tpu.memory_space<hbm>>
    tpu.wait_dma2 semaphore(%arg19 : memref<!tpu.dma_semaphore, #tpu.memory_space<semaphore_mem>>) src(%dma_wait3A_1605 : memref<80x16xf32, #tpu.memory_space<hbm>>) dst(%dma_wait3A_1602 : memref<80x16xf32, #tpu.memory_space<vmem>>)
    %add3A_1606 = arith.constant 123 : i32
    %add3A_1607 = arith.addi %mul3A_2, %add3A_1606 : i32
    %mul3A_1608 = arith.constant 80 : i32
    %mul3A_1609 = arith.muli %add3A_1607, %mul3A_1608 : i32
    %dma_start3A_1610 = arith.constant 3 : i32
    %dma_start3A_1611 = arith.constant 0 : i32
    %dma_start3A_1612 = arith.constant 0 : i32
    %dma_start3A_1613 = tpu.memref_slice %arg9[%dma_start3A_1610, %dma_start3A_1611, %dma_start3A_1612] : memref<4x80x128xf32, #tpu.memory_space<vmem>> -> memref<1x80x128xf32, #tpu.memory_space<vmem>>
    %dma_start3A_1614 = tpu.memref_squeeze %dma_start3A_1613 : memref<1x80x128xf32, #tpu.memory_space<vmem>> -> memref<80x128xf32, #tpu.memory_space<vmem>>
    %dma_start3A_1615 = arith.constant 0 : i32
    %dma_start3A_1616 = tpu.memref_slice %arg6[%mul3A_1609, %dma_start3A_1615] : memref<320000x272xf32, #tpu.memory_space<hbm>> -> memref<80x128xf32, #tpu.memory_space<hbm>>
    %dma_start3A_1617 = arith.constant 0 : i32
    %dma_start3A_1618 = tpu.memref_slice %arg6[%mul3A_1609, %dma_start3A_1617] : memref<320000x272xf32, #tpu.memory_space<hbm>> -> memref<80x128xf32, #tpu.memory_space<hbm>>
    %dma_start3A_1619 = arith.constant 0 : i32
    %dma_start3A_1620 = arith.constant 0 : i32
    %dma_start3A_1621 = tpu.memref_slice %arg9[%dma_start3A_1610, %dma_start3A_1619, %dma_start3A_1620] : memref<4x80x128xf32, #tpu.memory_space<vmem>> -> memref<1x80x128xf32, #tpu.memory_space<vmem>>
    %dma_start3A_1622 = tpu.memref_squeeze %dma_start3A_1621 : memref<1x80x128xf32, #tpu.memory_space<vmem>> -> memref<80x128xf32, #tpu.memory_space<vmem>>
    tpu.enqueue_dma source(%dma_start3A_1622 : memref<80x128xf32, #tpu.memory_space<vmem>>) target(%dma_start3A_1618 : memref<80x128xf32, #tpu.memory_space<hbm>>) target_semaphore(%arg23 : memref<!tpu.dma_semaphore, #tpu.memory_space<semaphore_mem>>)
    %dma_start3A_1623 = arith.constant 3 : i32
    %dma_start3A_1624 = arith.constant 0 : i32
    %dma_start3A_1625 = arith.constant 0 : i32
    %dma_start3A_1626 = tpu.memref_slice %arg10[%dma_start3A_1623, %dma_start3A_1624, %dma_start3A_1625] : memref<4x80x128xf32, #tpu.memory_space<vmem>> -> memref<1x80x128xf32, #tpu.memory_space<vmem>>
    %dma_start3A_1627 = tpu.memref_squeeze %dma_start3A_1626 : memref<1x80x128xf32, #tpu.memory_space<vmem>> -> memref<80x128xf32, #tpu.memory_space<vmem>>
    %dma_start3A_1628 = arith.constant 128 : i32
    %dma_start3A_1629 = tpu.memref_slice %arg6[%mul3A_1609, %dma_start3A_1628] : memref<320000x272xf32, #tpu.memory_space<hbm>> -> memref<80x128xf32, #tpu.memory_space<hbm>>
    %dma_start3A_1630 = arith.constant 128 : i32
    %dma_start3A_1631 = tpu.memref_slice %arg6[%mul3A_1609, %dma_start3A_1630] : memref<320000x272xf32, #tpu.memory_space<hbm>> -> memref<80x128xf32, #tpu.memory_space<hbm>>
    %dma_start3A_1632 = arith.constant 0 : i32
    %dma_start3A_1633 = arith.constant 0 : i32
    %dma_start3A_1634 = tpu.memref_slice %arg10[%dma_start3A_1623, %dma_start3A_1632, %dma_start3A_1633] : memref<4x80x128xf32, #tpu.memory_space<vmem>> -> memref<1x80x128xf32, #tpu.memory_space<vmem>>
    %dma_start3A_1635 = tpu.memref_squeeze %dma_start3A_1634 : memref<1x80x128xf32, #tpu.memory_space<vmem>> -> memref<80x128xf32, #tpu.memory_space<vmem>>
    tpu.enqueue_dma source(%dma_start3A_1635 : memref<80x128xf32, #tpu.memory_space<vmem>>) target(%dma_start3A_1631 : memref<80x128xf32, #tpu.memory_space<hbm>>) target_semaphore(%arg23 : memref<!tpu.dma_semaphore, #tpu.memory_space<semaphore_mem>>)
    %dma_start3A_1636 = arith.constant 3 : i32
    %dma_start3A_1637 = arith.constant 0 : i32
    %dma_start3A_1638 = arith.constant 0 : i32
    %dma_start3A_1639 = tpu.memref_slice %arg11[%dma_start3A_1636, %dma_start3A_1637, %dma_start3A_1638] : memref<4x80x16xf32, #tpu.memory_space<vmem>> -> memref<1x80x16xf32, #tpu.memory_space<vmem>>
    %dma_start3A_1640 = tpu.memref_squeeze %dma_start3A_1639 : memref<1x80x16xf32, #tpu.memory_space<vmem>> -> memref<80x16xf32, #tpu.memory_space<vmem>>
    %dma_start3A_1641 = arith.constant 256 : i32
    %dma_start3A_1642 = tpu.memref_slice %arg6[%mul3A_1609, %dma_start3A_1641] : memref<320000x272xf32, #tpu.memory_space<hbm>> -> memref<80x16xf32, #tpu.memory_space<hbm>>
    %dma_start3A_1643 = arith.constant 256 : i32
    %dma_start3A_1644 = tpu.memref_slice %arg6[%mul3A_1609, %dma_start3A_1643] : memref<320000x272xf32, #tpu.memory_space<hbm>> -> memref<80x16xf32, #tpu.memory_space<hbm>>
    %dma_start3A_1645 = arith.constant 0 : i32
    %dma_start3A_1646 = arith.constant 0 : i32
    %dma_start3A_1647 = tpu.memref_slice %arg11[%dma_start3A_1636, %dma_start3A_1645, %dma_start3A_1646] : memref<4x80x16xf32, #tpu.memory_space<vmem>> -> memref<1x80x16xf32, #tpu.memory_space<vmem>>
    %dma_start3A_1648 = tpu.memref_squeeze %dma_start3A_1647 : memref<1x80x16xf32, #tpu.memory_space<vmem>> -> memref<80x16xf32, #tpu.memory_space<vmem>>
    tpu.enqueue_dma source(%dma_start3A_1648 : memref<80x16xf32, #tpu.memory_space<vmem>>) target(%dma_start3A_1644 : memref<80x16xf32, #tpu.memory_space<hbm>>) target_semaphore(%arg23 : memref<!tpu.dma_semaphore, #tpu.memory_space<semaphore_mem>>)
    %dma_wait3A_1649 = arith.constant 0 : i32
    %dma_wait3A_1650 = arith.constant 0 : i32
    %dma_wait3A_1651 = arith.constant 0 : i32
    %dma_wait3A_1652 = tpu.memref_slice %arg9[%dma_wait3A_1649, %dma_wait3A_1650, %dma_wait3A_1651] : memref<4x80x128xf32, #tpu.memory_space<vmem>> -> memref<1x80x128xf32, #tpu.memory_space<vmem>>
    %dma_wait3A_1653 = tpu.memref_squeeze %dma_wait3A_1652 : memref<1x80x128xf32, #tpu.memory_space<vmem>> -> memref<80x128xf32, #tpu.memory_space<vmem>>
    %dma_wait3A_1654 = arith.constant 0 : i32
    %dma_wait3A_1655 = arith.constant 0 : i32
    %dma_wait3A_1656 = tpu.memref_slice %arg6[%dma_wait3A_1654, %dma_wait3A_1655] : memref<320000x272xf32, #tpu.memory_space<hbm>> -> memref<80x128xf32, #tpu.memory_space<hbm>>
    %dma_wait3A_1657 = arith.constant 0 : i32
    %dma_wait3A_1658 = arith.constant 0 : i32
    %dma_wait3A_1659 = tpu.memref_slice %arg6[%dma_wait3A_1657, %dma_wait3A_1658] : memref<320000x272xf32, #tpu.memory_space<hbm>> -> memref<80x128xf32, #tpu.memory_space<hbm>>
    %dma_wait3A_1660 = arith.constant 0 : i32
    %dma_wait3A_1661 = arith.constant 0 : i32
    %dma_wait3A_1662 = tpu.memref_slice %arg9[%dma_wait3A_1649, %dma_wait3A_1660, %dma_wait3A_1661] : memref<4x80x128xf32, #tpu.memory_space<vmem>> -> memref<1x80x128xf32, #tpu.memory_space<vmem>>
    %dma_wait3A_1663 = tpu.memref_squeeze %dma_wait3A_1662 : memref<1x80x128xf32, #tpu.memory_space<vmem>> -> memref<80x128xf32, #tpu.memory_space<vmem>>
    tpu.wait_dma2 semaphore(%arg20 : memref<!tpu.dma_semaphore, #tpu.memory_space<semaphore_mem>>) src(%dma_wait3A_1663 : memref<80x128xf32, #tpu.memory_space<vmem>>) dst(%dma_wait3A_1659 : memref<80x128xf32, #tpu.memory_space<hbm>>)
    %dma_wait3A_1664 = arith.constant 0 : i32
    %dma_wait3A_1665 = arith.constant 0 : i32
    %dma_wait3A_1666 = arith.constant 0 : i32
    %dma_wait3A_1667 = tpu.memref_slice %arg10[%dma_wait3A_1664, %dma_wait3A_1665, %dma_wait3A_1666] : memref<4x80x128xf32, #tpu.memory_space<vmem>> -> memref<1x80x128xf32, #tpu.memory_space<vmem>>
    %dma_wait3A_1668 = tpu.memref_squeeze %dma_wait3A_1667 : memref<1x80x128xf32, #tpu.memory_space<vmem>> -> memref<80x128xf32, #tpu.memory_space<vmem>>
    %dma_wait3A_1669 = arith.constant 0 : i32
    %dma_wait3A_1670 = arith.constant 128 : i32
    %dma_wait3A_1671 = tpu.memref_slice %arg6[%dma_wait3A_1669, %dma_wait3A_1670] : memref<320000x272xf32, #tpu.memory_space<hbm>> -> memref<80x128xf32, #tpu.memory_space<hbm>>
    %dma_wait3A_1672 = arith.constant 0 : i32
    %dma_wait3A_1673 = arith.constant 128 : i32
    %dma_wait3A_1674 = tpu.memref_slice %arg6[%dma_wait3A_1672, %dma_wait3A_1673] : memref<320000x272xf32, #tpu.memory_space<hbm>> -> memref<80x128xf32, #tpu.memory_space<hbm>>
    %dma_wait3A_1675 = arith.constant 0 : i32
    %dma_wait3A_1676 = arith.constant 0 : i32
    %dma_wait3A_1677 = tpu.memref_slice %arg10[%dma_wait3A_1664, %dma_wait3A_1675, %dma_wait3A_1676] : memref<4x80x128xf32, #tpu.memory_space<vmem>> -> memref<1x80x128xf32, #tpu.memory_space<vmem>>
    %dma_wait3A_1678 = tpu.memref_squeeze %dma_wait3A_1677 : memref<1x80x128xf32, #tpu.memory_space<vmem>> -> memref<80x128xf32, #tpu.memory_space<vmem>>
    tpu.wait_dma2 semaphore(%arg20 : memref<!tpu.dma_semaphore, #tpu.memory_space<semaphore_mem>>) src(%dma_wait3A_1678 : memref<80x128xf32, #tpu.memory_space<vmem>>) dst(%dma_wait3A_1674 : memref<80x128xf32, #tpu.memory_space<hbm>>)
    %dma_wait3A_1679 = arith.constant 0 : i32
    %dma_wait3A_1680 = arith.constant 0 : i32
    %dma_wait3A_1681 = arith.constant 0 : i32
    %dma_wait3A_1682 = tpu.memref_slice %arg11[%dma_wait3A_1679, %dma_wait3A_1680, %dma_wait3A_1681] : memref<4x80x16xf32, #tpu.memory_space<vmem>> -> memref<1x80x16xf32, #tpu.memory_space<vmem>>
    %dma_wait3A_1683 = tpu.memref_squeeze %dma_wait3A_1682 : memref<1x80x16xf32, #tpu.memory_space<vmem>> -> memref<80x16xf32, #tpu.memory_space<vmem>>
    %dma_wait3A_1684 = arith.constant 0 : i32
    %dma_wait3A_1685 = arith.constant 256 : i32
    %dma_wait3A_1686 = tpu.memref_slice %arg6[%dma_wait3A_1684, %dma_wait3A_1685] : memref<320000x272xf32, #tpu.memory_space<hbm>> -> memref<80x16xf32, #tpu.memory_space<hbm>>
    %dma_wait3A_1687 = arith.constant 0 : i32
    %dma_wait3A_1688 = arith.constant 256 : i32
    %dma_wait3A_1689 = tpu.memref_slice %arg6[%dma_wait3A_1687, %dma_wait3A_1688] : memref<320000x272xf32, #tpu.memory_space<hbm>> -> memref<80x16xf32, #tpu.memory_space<hbm>>
    %dma_wait3A_1690 = arith.constant 0 : i32
    %dma_wait3A_1691 = arith.constant 0 : i32
    %dma_wait3A_1692 = tpu.memref_slice %arg11[%dma_wait3A_1679, %dma_wait3A_1690, %dma_wait3A_1691] : memref<4x80x16xf32, #tpu.memory_space<vmem>> -> memref<1x80x16xf32, #tpu.memory_space<vmem>>
    %dma_wait3A_1693 = tpu.memref_squeeze %dma_wait3A_1692 : memref<1x80x16xf32, #tpu.memory_space<vmem>> -> memref<80x16xf32, #tpu.memory_space<vmem>>
    tpu.wait_dma2 semaphore(%arg20 : memref<!tpu.dma_semaphore, #tpu.memory_space<semaphore_mem>>) src(%dma_wait3A_1693 : memref<80x16xf32, #tpu.memory_space<vmem>>) dst(%dma_wait3A_1689 : memref<80x16xf32, #tpu.memory_space<hbm>>)
    %dma_wait3A_1694 = arith.constant 1 : i32
    %dma_wait3A_1695 = arith.constant 0 : i32
    %dma_wait3A_1696 = arith.constant 0 : i32
    %dma_wait3A_1697 = tpu.memref_slice %arg9[%dma_wait3A_1694, %dma_wait3A_1695, %dma_wait3A_1696] : memref<4x80x128xf32, #tpu.memory_space<vmem>> -> memref<1x80x128xf32, #tpu.memory_space<vmem>>
    %dma_wait3A_1698 = tpu.memref_squeeze %dma_wait3A_1697 : memref<1x80x128xf32, #tpu.memory_space<vmem>> -> memref<80x128xf32, #tpu.memory_space<vmem>>
    %dma_wait3A_1699 = arith.constant 0 : i32
    %dma_wait3A_1700 = arith.constant 0 : i32
    %dma_wait3A_1701 = tpu.memref_slice %arg6[%dma_wait3A_1699, %dma_wait3A_1700] : memref<320000x272xf32, #tpu.memory_space<hbm>> -> memref<80x128xf32, #tpu.memory_space<hbm>>
    %dma_wait3A_1702 = arith.constant 0 : i32
    %dma_wait3A_1703 = arith.constant 0 : i32
    %dma_wait3A_1704 = tpu.memref_slice %arg6[%dma_wait3A_1702, %dma_wait3A_1703] : memref<320000x272xf32, #tpu.memory_space<hbm>> -> memref<80x128xf32, #tpu.memory_space<hbm>>
    %dma_wait3A_1705 = arith.constant 0 : i32
    %dma_wait3A_1706 = arith.constant 0 : i32
    %dma_wait3A_1707 = tpu.memref_slice %arg9[%dma_wait3A_1694, %dma_wait3A_1705, %dma_wait3A_1706] : memref<4x80x128xf32, #tpu.memory_space<vmem>> -> memref<1x80x128xf32, #tpu.memory_space<vmem>>
    %dma_wait3A_1708 = tpu.memref_squeeze %dma_wait3A_1707 : memref<1x80x128xf32, #tpu.memory_space<vmem>> -> memref<80x128xf32, #tpu.memory_space<vmem>>
    tpu.wait_dma2 semaphore(%arg21 : memref<!tpu.dma_semaphore, #tpu.memory_space<semaphore_mem>>) src(%dma_wait3A_1708 : memref<80x128xf32, #tpu.memory_space<vmem>>) dst(%dma_wait3A_1704 : memref<80x128xf32, #tpu.memory_space<hbm>>)
    %dma_wait3A_1709 = arith.constant 1 : i32
    %dma_wait3A_1710 = arith.constant 0 : i32
    %dma_wait3A_1711 = arith.constant 0 : i32
    %dma_wait3A_1712 = tpu.memref_slice %arg10[%dma_wait3A_1709, %dma_wait3A_1710, %dma_wait3A_1711] : memref<4x80x128xf32, #tpu.memory_space<vmem>> -> memref<1x80x128xf32, #tpu.memory_space<vmem>>
    %dma_wait3A_1713 = tpu.memref_squeeze %dma_wait3A_1712 : memref<1x80x128xf32, #tpu.memory_space<vmem>> -> memref<80x128xf32, #tpu.memory_space<vmem>>
    %dma_wait3A_1714 = arith.constant 0 : i32
    %dma_wait3A_1715 = arith.constant 128 : i32
    %dma_wait3A_1716 = tpu.memref_slice %arg6[%dma_wait3A_1714, %dma_wait3A_1715] : memref<320000x272xf32, #tpu.memory_space<hbm>> -> memref<80x128xf32, #tpu.memory_space<hbm>>
    %dma_wait3A_1717 = arith.constant 0 : i32
    %dma_wait3A_1718 = arith.constant 128 : i32
    %dma_wait3A_1719 = tpu.memref_slice %arg6[%dma_wait3A_1717, %dma_wait3A_1718] : memref<320000x272xf32, #tpu.memory_space<hbm>> -> memref<80x128xf32, #tpu.memory_space<hbm>>
    %dma_wait3A_1720 = arith.constant 0 : i32
    %dma_wait3A_1721 = arith.constant 0 : i32
    %dma_wait3A_1722 = tpu.memref_slice %arg10[%dma_wait3A_1709, %dma_wait3A_1720, %dma_wait3A_1721] : memref<4x80x128xf32, #tpu.memory_space<vmem>> -> memref<1x80x128xf32, #tpu.memory_space<vmem>>
    %dma_wait3A_1723 = tpu.memref_squeeze %dma_wait3A_1722 : memref<1x80x128xf32, #tpu.memory_space<vmem>> -> memref<80x128xf32, #tpu.memory_space<vmem>>
    tpu.wait_dma2 semaphore(%arg21 : memref<!tpu.dma_semaphore, #tpu.memory_space<semaphore_mem>>) src(%dma_wait3A_1723 : memref<80x128xf32, #tpu.memory_space<vmem>>) dst(%dma_wait3A_1719 : memref<80x128xf32, #tpu.memory_space<hbm>>)
    %dma_wait3A_1724 = arith.constant 1 : i32
    %dma_wait3A_1725 = arith.constant 0 : i32
    %dma_wait3A_1726 = arith.constant 0 : i32
    %dma_wait3A_1727 = tpu.memref_slice %arg11[%dma_wait3A_1724, %dma_wait3A_1725, %dma_wait3A_1726] : memref<4x80x16xf32, #tpu.memory_space<vmem>> -> memref<1x80x16xf32, #tpu.memory_space<vmem>>
    %dma_wait3A_1728 = tpu.memref_squeeze %dma_wait3A_1727 : memref<1x80x16xf32, #tpu.memory_space<vmem>> -> memref<80x16xf32, #tpu.memory_space<vmem>>
    %dma_wait3A_1729 = arith.constant 0 : i32
    %dma_wait3A_1730 = arith.constant 256 : i32
    %dma_wait3A_1731 = tpu.memref_slice %arg6[%dma_wait3A_1729, %dma_wait3A_1730] : memref<320000x272xf32, #tpu.memory_space<hbm>> -> memref<80x16xf32, #tpu.memory_space<hbm>>
    %dma_wait3A_1732 = arith.constant 0 : i32
    %dma_wait3A_1733 = arith.constant 256 : i32
    %dma_wait3A_1734 = tpu.memref_slice %arg6[%dma_wait3A_1732, %dma_wait3A_1733] : memref<320000x272xf32, #tpu.memory_space<hbm>> -> memref<80x16xf32, #tpu.memory_space<hbm>>
    %dma_wait3A_1735 = arith.constant 0 : i32
    %dma_wait3A_1736 = arith.constant 0 : i32
    %dma_wait3A_1737 = tpu.memref_slice %arg11[%dma_wait3A_1724, %dma_wait3A_1735, %dma_wait3A_1736] : memref<4x80x16xf32, #tpu.memory_space<vmem>> -> memref<1x80x16xf32, #tpu.memory_space<vmem>>
    %dma_wait3A_1738 = tpu.memref_squeeze %dma_wait3A_1737 : memref<1x80x16xf32, #tpu.memory_space<vmem>> -> memref<80x16xf32, #tpu.memory_space<vmem>>
    tpu.wait_dma2 semaphore(%arg21 : memref<!tpu.dma_semaphore, #tpu.memory_space<semaphore_mem>>) src(%dma_wait3A_1738 : memref<80x16xf32, #tpu.memory_space<vmem>>) dst(%dma_wait3A_1734 : memref<80x16xf32, #tpu.memory_space<hbm>>)
    %dma_wait3A_1739 = arith.constant 2 : i32
    %dma_wait3A_1740 = arith.constant 0 : i32
    %dma_wait3A_1741 = arith.constant 0 : i32
    %dma_wait3A_1742 = tpu.memref_slice %arg9[%dma_wait3A_1739, %dma_wait3A_1740, %dma_wait3A_1741] : memref<4x80x128xf32, #tpu.memory_space<vmem>> -> memref<1x80x128xf32, #tpu.memory_space<vmem>>
    %dma_wait3A_1743 = tpu.memref_squeeze %dma_wait3A_1742 : memref<1x80x128xf32, #tpu.memory_space<vmem>> -> memref<80x128xf32, #tpu.memory_space<vmem>>
    %dma_wait3A_1744 = arith.constant 0 : i32
    %dma_wait3A_1745 = arith.constant 0 : i32
    %dma_wait3A_1746 = tpu.memref_slice %arg6[%dma_wait3A_1744, %dma_wait3A_1745] : memref<320000x272xf32, #tpu.memory_space<hbm>> -> memref<80x128xf32, #tpu.memory_space<hbm>>
    %dma_wait3A_1747 = arith.constant 0 : i32
    %dma_wait3A_1748 = arith.constant 0 : i32
    %dma_wait3A_1749 = tpu.memref_slice %arg6[%dma_wait3A_1747, %dma_wait3A_1748] : memref<320000x272xf32, #tpu.memory_space<hbm>> -> memref<80x128xf32, #tpu.memory_space<hbm>>
    %dma_wait3A_1750 = arith.constant 0 : i32
    %dma_wait3A_1751 = arith.constant 0 : i32
    %dma_wait3A_1752 = tpu.memref_slice %arg9[%dma_wait3A_1739, %dma_wait3A_1750, %dma_wait3A_1751] : memref<4x80x128xf32, #tpu.memory_space<vmem>> -> memref<1x80x128xf32, #tpu.memory_space<vmem>>
    %dma_wait3A_1753 = tpu.memref_squeeze %dma_wait3A_1752 : memref<1x80x128xf32, #tpu.memory_space<vmem>> -> memref<80x128xf32, #tpu.memory_space<vmem>>
    tpu.wait_dma2 semaphore(%arg22 : memref<!tpu.dma_semaphore, #tpu.memory_space<semaphore_mem>>) src(%dma_wait3A_1753 : memref<80x128xf32, #tpu.memory_space<vmem>>) dst(%dma_wait3A_1749 : memref<80x128xf32, #tpu.memory_space<hbm>>)
    %dma_wait3A_1754 = arith.constant 2 : i32
    %dma_wait3A_1755 = arith.constant 0 : i32
    %dma_wait3A_1756 = arith.constant 0 : i32
    %dma_wait3A_1757 = tpu.memref_slice %arg10[%dma_wait3A_1754, %dma_wait3A_1755, %dma_wait3A_1756] : memref<4x80x128xf32, #tpu.memory_space<vmem>> -> memref<1x80x128xf32, #tpu.memory_space<vmem>>
    %dma_wait3A_1758 = tpu.memref_squeeze %dma_wait3A_1757 : memref<1x80x128xf32, #tpu.memory_space<vmem>> -> memref<80x128xf32, #tpu.memory_space<vmem>>
    %dma_wait3A_1759 = arith.constant 0 : i32
    %dma_wait3A_1760 = arith.constant 128 : i32
    %dma_wait3A_1761 = tpu.memref_slice %arg6[%dma_wait3A_1759, %dma_wait3A_1760] : memref<320000x272xf32, #tpu.memory_space<hbm>> -> memref<80x128xf32, #tpu.memory_space<hbm>>
    %dma_wait3A_1762 = arith.constant 0 : i32
    %dma_wait3A_1763 = arith.constant 128 : i32
    %dma_wait3A_1764 = tpu.memref_slice %arg6[%dma_wait3A_1762, %dma_wait3A_1763] : memref<320000x272xf32, #tpu.memory_space<hbm>> -> memref<80x128xf32, #tpu.memory_space<hbm>>
    %dma_wait3A_1765 = arith.constant 0 : i32
    %dma_wait3A_1766 = arith.constant 0 : i32
    %dma_wait3A_1767 = tpu.memref_slice %arg10[%dma_wait3A_1754, %dma_wait3A_1765, %dma_wait3A_1766] : memref<4x80x128xf32, #tpu.memory_space<vmem>> -> memref<1x80x128xf32, #tpu.memory_space<vmem>>
    %dma_wait3A_1768 = tpu.memref_squeeze %dma_wait3A_1767 : memref<1x80x128xf32, #tpu.memory_space<vmem>> -> memref<80x128xf32, #tpu.memory_space<vmem>>
    tpu.wait_dma2 semaphore(%arg22 : memref<!tpu.dma_semaphore, #tpu.memory_space<semaphore_mem>>) src(%dma_wait3A_1768 : memref<80x128xf32, #tpu.memory_space<vmem>>) dst(%dma_wait3A_1764 : memref<80x128xf32, #tpu.memory_space<hbm>>)
    %dma_wait3A_1769 = arith.constant 2 : i32
    %dma_wait3A_1770 = arith.constant 0 : i32
    %dma_wait3A_1771 = arith.constant 0 : i32
    %dma_wait3A_1772 = tpu.memref_slice %arg11[%dma_wait3A_1769, %dma_wait3A_1770, %dma_wait3A_1771] : memref<4x80x16xf32, #tpu.memory_space<vmem>> -> memref<1x80x16xf32, #tpu.memory_space<vmem>>
    %dma_wait3A_1773 = tpu.memref_squeeze %dma_wait3A_1772 : memref<1x80x16xf32, #tpu.memory_space<vmem>> -> memref<80x16xf32, #tpu.memory_space<vmem>>
    %dma_wait3A_1774 = arith.constant 0 : i32
    %dma_wait3A_1775 = arith.constant 256 : i32
    %dma_wait3A_1776 = tpu.memref_slice %arg6[%dma_wait3A_1774, %dma_wait3A_1775] : memref<320000x272xf32, #tpu.memory_space<hbm>> -> memref<80x16xf32, #tpu.memory_space<hbm>>
    %dma_wait3A_1777 = arith.constant 0 : i32
    %dma_wait3A_1778 = arith.constant 256 : i32
    %dma_wait3A_1779 = tpu.memref_slice %arg6[%dma_wait3A_1777, %dma_wait3A_1778] : memref<320000x272xf32, #tpu.memory_space<hbm>> -> memref<80x16xf32, #tpu.memory_space<hbm>>
    %dma_wait3A_1780 = arith.constant 0 : i32
    %dma_wait3A_1781 = arith.constant 0 : i32
    %dma_wait3A_1782 = tpu.memref_slice %arg11[%dma_wait3A_1769, %dma_wait3A_1780, %dma_wait3A_1781] : memref<4x80x16xf32, #tpu.memory_space<vmem>> -> memref<1x80x16xf32, #tpu.memory_space<vmem>>
    %dma_wait3A_1783 = tpu.memref_squeeze %dma_wait3A_1782 : memref<1x80x16xf32, #tpu.memory_space<vmem>> -> memref<80x16xf32, #tpu.memory_space<vmem>>
    tpu.wait_dma2 semaphore(%arg22 : memref<!tpu.dma_semaphore, #tpu.memory_space<semaphore_mem>>) src(%dma_wait3A_1783 : memref<80x16xf32, #tpu.memory_space<vmem>>) dst(%dma_wait3A_1779 : memref<80x16xf32, #tpu.memory_space<hbm>>)
    %dma_wait3A_1784 = arith.constant 3 : i32
    %dma_wait3A_1785 = arith.constant 0 : i32
    %dma_wait3A_1786 = arith.constant 0 : i32
    %dma_wait3A_1787 = tpu.memref_slice %arg9[%dma_wait3A_1784, %dma_wait3A_1785, %dma_wait3A_1786] : memref<4x80x128xf32, #tpu.memory_space<vmem>> -> memref<1x80x128xf32, #tpu.memory_space<vmem>>
    %dma_wait3A_1788 = tpu.memref_squeeze %dma_wait3A_1787 : memref<1x80x128xf32, #tpu.memory_space<vmem>> -> memref<80x128xf32, #tpu.memory_space<vmem>>
    %dma_wait3A_1789 = arith.constant 0 : i32
    %dma_wait3A_1790 = arith.constant 0 : i32
    %dma_wait3A_1791 = tpu.memref_slice %arg6[%dma_wait3A_1789, %dma_wait3A_1790] : memref<320000x272xf32, #tpu.memory_space<hbm>> -> memref<80x128xf32, #tpu.memory_space<hbm>>
    %dma_wait3A_1792 = arith.constant 0 : i32
    %dma_wait3A_1793 = arith.constant 0 : i32
    %dma_wait3A_1794 = tpu.memref_slice %arg6[%dma_wait3A_1792, %dma_wait3A_1793] : memref<320000x272xf32, #tpu.memory_space<hbm>> -> memref<80x128xf32, #tpu.memory_space<hbm>>
    %dma_wait3A_1795 = arith.constant 0 : i32
    %dma_wait3A_1796 = arith.constant 0 : i32
    %dma_wait3A_1797 = tpu.memref_slice %arg9[%dma_wait3A_1784, %dma_wait3A_1795, %dma_wait3A_1796] : memref<4x80x128xf32, #tpu.memory_space<vmem>> -> memref<1x80x128xf32, #tpu.memory_space<vmem>>
    %dma_wait3A_1798 = tpu.memref_squeeze %dma_wait3A_1797 : memref<1x80x128xf32, #tpu.memory_space<vmem>> -> memref<80x128xf32, #tpu.memory_space<vmem>>
    tpu.wait_dma2 semaphore(%arg23 : memref<!tpu.dma_semaphore, #tpu.memory_space<semaphore_mem>>) src(%dma_wait3A_1798 : memref<80x128xf32, #tpu.memory_space<vmem>>) dst(%dma_wait3A_1794 : memref<80x128xf32, #tpu.memory_space<hbm>>)
    %dma_wait3A_1799 = arith.constant 3 : i32
    %dma_wait3A_1800 = arith.constant 0 : i32
    %dma_wait3A_1801 = arith.constant 0 : i32
    %dma_wait3A_1802 = tpu.memref_slice %arg10[%dma_wait3A_1799, %dma_wait3A_1800, %dma_wait3A_1801] : memref<4x80x128xf32, #tpu.memory_space<vmem>> -> memref<1x80x128xf32, #tpu.memory_space<vmem>>
    %dma_wait3A_1803 = tpu.memref_squeeze %dma_wait3A_1802 : memref<1x80x128xf32, #tpu.memory_space<vmem>> -> memref<80x128xf32, #tpu.memory_space<vmem>>
    %dma_wait3A_1804 = arith.constant 0 : i32
    %dma_wait3A_1805 = arith.constant 128 : i32
    %dma_wait3A_1806 = tpu.memref_slice %arg6[%dma_wait3A_1804, %dma_wait3A_1805] : memref<320000x272xf32, #tpu.memory_space<hbm>> -> memref<80x128xf32, #tpu.memory_space<hbm>>
    %dma_wait3A_1807 = arith.constant 0 : i32
    %dma_wait3A_1808 = arith.constant 128 : i32
    %dma_wait3A_1809 = tpu.memref_slice %arg6[%dma_wait3A_1807, %dma_wait3A_1808] : memref<320000x272xf32, #tpu.memory_space<hbm>> -> memref<80x128xf32, #tpu.memory_space<hbm>>
    %dma_wait3A_1810 = arith.constant 0 : i32
    %dma_wait3A_1811 = arith.constant 0 : i32
    %dma_wait3A_1812 = tpu.memref_slice %arg10[%dma_wait3A_1799, %dma_wait3A_1810, %dma_wait3A_1811] : memref<4x80x128xf32, #tpu.memory_space<vmem>> -> memref<1x80x128xf32, #tpu.memory_space<vmem>>
    %dma_wait3A_1813 = tpu.memref_squeeze %dma_wait3A_1812 : memref<1x80x128xf32, #tpu.memory_space<vmem>> -> memref<80x128xf32, #tpu.memory_space<vmem>>
    tpu.wait_dma2 semaphore(%arg23 : memref<!tpu.dma_semaphore, #tpu.memory_space<semaphore_mem>>) src(%dma_wait3A_1813 : memref<80x128xf32, #tpu.memory_space<vmem>>) dst(%dma_wait3A_1809 : memref<80x128xf32, #tpu.memory_space<hbm>>)
    %dma_wait3A_1814 = arith.constant 3 : i32
    %dma_wait3A_1815 = arith.constant 0 : i32
    %dma_wait3A_1816 = arith.constant 0 : i32
    %dma_wait3A_1817 = tpu.memref_slice %arg11[%dma_wait3A_1814, %dma_wait3A_1815, %dma_wait3A_1816] : memref<4x80x16xf32, #tpu.memory_space<vmem>> -> memref<1x80x16xf32, #tpu.memory_space<vmem>>
    %dma_wait3A_1818 = tpu.memref_squeeze %dma_wait3A_1817 : memref<1x80x16xf32, #tpu.memory_space<vmem>> -> memref<80x16xf32, #tpu.memory_space<vmem>>
    %dma_wait3A_1819 = arith.constant 0 : i32
    %dma_wait3A_1820 = arith.constant 256 : i32
    %dma_wait3A_1821 = tpu.memref_slice %arg6[%dma_wait3A_1819, %dma_wait3A_1820] : memref<320000x272xf32, #tpu.memory_space<hbm>> -> memref<80x16xf32, #tpu.memory_space<hbm>>
    %dma_wait3A_1822 = arith.constant 0 : i32
    %dma_wait3A_1823 = arith.constant 256 : i32
    %dma_wait3A_1824 = tpu.memref_slice %arg6[%dma_wait3A_1822, %dma_wait3A_1823] : memref<320000x272xf32, #tpu.memory_space<hbm>> -> memref<80x16xf32, #tpu.memory_space<hbm>>
    %dma_wait3A_1825 = arith.constant 0 : i32
    %dma_wait3A_1826 = arith.constant 0 : i32
    %dma_wait3A_1827 = tpu.memref_slice %arg11[%dma_wait3A_1814, %dma_wait3A_1825, %dma_wait3A_1826] : memref<4x80x16xf32, #tpu.memory_space<vmem>> -> memref<1x80x16xf32, #tpu.memory_space<vmem>>
    %dma_wait3A_1828 = tpu.memref_squeeze %dma_wait3A_1827 : memref<1x80x16xf32, #tpu.memory_space<vmem>> -> memref<80x16xf32, #tpu.memory_space<vmem>>
    tpu.wait_dma2 semaphore(%arg23 : memref<!tpu.dma_semaphore, #tpu.memory_space<semaphore_mem>>) src(%dma_wait3A_1828 : memref<80x16xf32, #tpu.memory_space<vmem>>) dst(%dma_wait3A_1824 : memref<80x16xf32, #tpu.memory_space<hbm>>)
    %add3A_1829 = arith.constant 3968 : i32
    %add3A_1830 = arith.addi %add3A_1829, %add3A : i32
    %mul3A_1831 = arith.constant 80 : i32
    %mul3A_1832 = arith.muli %add3A_1830, %mul3A_1831 : i32
    %add3A_1833 = arith.constant 0 : i32
    %add3A_1834 = arith.addi %add3A_1833, %add3A_1830 : i32
    %mul3A_1835 = arith.constant 80 : i32
    %mul3A_1836 = arith.muli %add3A_1834, %mul3A_1835 : i32
    %run_scoped3A = arith.constant 0 : i32
    "tpu.region"() ({
      %run_scoped3A_1890 = tpu.sem_alloc : memref<!tpu.dma_semaphore, #tpu.memory_space<semaphore_mem>>
      %dma_start3A_1891 = arith.constant 0 : i32
      %dma_start3A_1892 = tpu.memref_slice %arg7[%run_scoped3A, %dma_start3A_1891] : memref<4x80xi32, #tpu.memory_space<vmem>> -> memref<1x80xi32, #tpu.memory_space<vmem>>
      %dma_start3A_1893 = tpu.memref_squeeze %dma_start3A_1892 : memref<1x80xi32, #tpu.memory_space<vmem>> -> memref<80xi32, #tpu.memory_space<vmem>>
      %dma_start3A_1894 = tpu.memref_slice %arg4[%mul3A_1836] : memref<320000xi32, #tpu.memory_space<hbm>> -> memref<80xi32, #tpu.memory_space<hbm>>
      %dma_start3A_1895 = arith.constant 0 : i32
      %dma_start3A_1896 = tpu.memref_slice %arg7[%run_scoped3A, %dma_start3A_1895] : memref<4x80xi32, #tpu.memory_space<vmem>> -> memref<1x80xi32, #tpu.memory_space<vmem>>
      %dma_start3A_1897 = tpu.memref_squeeze %dma_start3A_1896 : memref<1x80xi32, #tpu.memory_space<vmem>> -> memref<80xi32, #tpu.memory_space<vmem>>
      %dma_start3A_1898 = tpu.memref_slice %arg4[%mul3A_1836] : memref<320000xi32, #tpu.memory_space<hbm>> -> memref<80xi32, #tpu.memory_space<hbm>>
      tpu.enqueue_dma source(%dma_start3A_1898 : memref<80xi32, #tpu.memory_space<hbm>>) target(%dma_start3A_1897 : memref<80xi32, #tpu.memory_space<vmem>>) target_semaphore(%run_scoped3A_1890 : memref<!tpu.dma_semaphore, #tpu.memory_space<semaphore_mem>>)
      %dma_wait3A_1899 = arith.constant 0 : i32
      %dma_wait3A_1900 = tpu.memref_slice %arg7[%run_scoped3A, %dma_wait3A_1899] : memref<4x80xi32, #tpu.memory_space<vmem>> -> memref<1x80xi32, #tpu.memory_space<vmem>>
      %dma_wait3A_1901 = tpu.memref_squeeze %dma_wait3A_1900 : memref<1x80xi32, #tpu.memory_space<vmem>> -> memref<80xi32, #tpu.memory_space<vmem>>
      %dma_wait3A_1902 = tpu.memref_slice %arg4[%mul3A_1836] : memref<320000xi32, #tpu.memory_space<hbm>> -> memref<80xi32, #tpu.memory_space<hbm>>
      %dma_wait3A_1903 = arith.constant 0 : i32
      %dma_wait3A_1904 = tpu.memref_slice %arg7[%run_scoped3A, %dma_wait3A_1903] : memref<4x80xi32, #tpu.memory_space<vmem>> -> memref<1x80xi32, #tpu.memory_space<vmem>>
      %dma_wait3A_1905 = tpu.memref_squeeze %dma_wait3A_1904 : memref<1x80xi32, #tpu.memory_space<vmem>> -> memref<80xi32, #tpu.memory_space<vmem>>
      %dma_wait3A_1906 = tpu.memref_slice %arg4[%mul3A_1836] : memref<320000xi32, #tpu.memory_space<hbm>> -> memref<80xi32, #tpu.memory_space<hbm>>
      tpu.wait_dma2 semaphore(%run_scoped3A_1890 : memref<!tpu.dma_semaphore, #tpu.memory_space<semaphore_mem>>) src(%dma_wait3A_1906 : memref<80xi32, #tpu.memory_space<hbm>>) dst(%dma_wait3A_1905 : memref<80xi32, #tpu.memory_space<vmem>>)
      tpu.yield
    }) : () -> ()
    %run_scoped3A_1837 = arith.constant 0 : i32
    "tpu.region"() ({
      %run_scoped3A_1890 = tpu.sem_alloc : memref<!tpu.dma_semaphore, #tpu.memory_space<semaphore_mem>>
      %dma_start3A_1891 = arith.constant 0 : i32
      %dma_start3A_1892 = tpu.memref_slice %arg8[%run_scoped3A_1837, %dma_start3A_1891] : memref<4x80xi32, #tpu.memory_space<vmem>> -> memref<1x80xi32, #tpu.memory_space<vmem>>
      %dma_start3A_1893 = tpu.memref_squeeze %dma_start3A_1892 : memref<1x80xi32, #tpu.memory_space<vmem>> -> memref<80xi32, #tpu.memory_space<vmem>>
      %dma_start3A_1894 = tpu.memref_slice %arg5[%mul3A_1836] : memref<320000xi32, #tpu.memory_space<hbm>> -> memref<80xi32, #tpu.memory_space<hbm>>
      %dma_start3A_1895 = arith.constant 0 : i32
      %dma_start3A_1896 = tpu.memref_slice %arg8[%run_scoped3A_1837, %dma_start3A_1895] : memref<4x80xi32, #tpu.memory_space<vmem>> -> memref<1x80xi32, #tpu.memory_space<vmem>>
      %dma_start3A_1897 = tpu.memref_squeeze %dma_start3A_1896 : memref<1x80xi32, #tpu.memory_space<vmem>> -> memref<80xi32, #tpu.memory_space<vmem>>
      %dma_start3A_1898 = tpu.memref_slice %arg5[%mul3A_1836] : memref<320000xi32, #tpu.memory_space<hbm>> -> memref<80xi32, #tpu.memory_space<hbm>>
      tpu.enqueue_dma source(%dma_start3A_1898 : memref<80xi32, #tpu.memory_space<hbm>>) target(%dma_start3A_1897 : memref<80xi32, #tpu.memory_space<vmem>>) target_semaphore(%run_scoped3A_1890 : memref<!tpu.dma_semaphore, #tpu.memory_space<semaphore_mem>>)
      %dma_wait3A_1899 = arith.constant 0 : i32
      %dma_wait3A_1900 = tpu.memref_slice %arg8[%run_scoped3A_1837, %dma_wait3A_1899] : memref<4x80xi32, #tpu.memory_space<vmem>> -> memref<1x80xi32, #tpu.memory_space<vmem>>
      %dma_wait3A_1901 = tpu.memref_squeeze %dma_wait3A_1900 : memref<1x80xi32, #tpu.memory_space<vmem>> -> memref<80xi32, #tpu.memory_space<vmem>>
      %dma_wait3A_1902 = tpu.memref_slice %arg5[%mul3A_1836] : memref<320000xi32, #tpu.memory_space<hbm>> -> memref<80xi32, #tpu.memory_space<hbm>>
      %dma_wait3A_1903 = arith.constant 0 : i32
      %dma_wait3A_1904 = tpu.memref_slice %arg8[%run_scoped3A_1837, %dma_wait3A_1903] : memref<4x80xi32, #tpu.memory_space<vmem>> -> memref<1x80xi32, #tpu.memory_space<vmem>>
      %dma_wait3A_1905 = tpu.memref_squeeze %dma_wait3A_1904 : memref<1x80xi32, #tpu.memory_space<vmem>> -> memref<80xi32, #tpu.memory_space<vmem>>
      %dma_wait3A_1906 = tpu.memref_slice %arg5[%mul3A_1836] : memref<320000xi32, #tpu.memory_space<hbm>> -> memref<80xi32, #tpu.memory_space<hbm>>
      tpu.wait_dma2 semaphore(%run_scoped3A_1890 : memref<!tpu.dma_semaphore, #tpu.memory_space<semaphore_mem>>) src(%dma_wait3A_1906 : memref<80xi32, #tpu.memory_space<hbm>>) dst(%dma_wait3A_1905 : memref<80xi32, #tpu.memory_space<vmem>>)
      tpu.yield
    }) : () -> ()
    %dma_start3A_1838 = arith.constant 0 : i32
    %dma_start3A_1839 = arith.constant 0 : i32
    %dma_start3A_1840 = arith.constant 0 : i32
    %dma_start3A_1841 = arith.constant 0 : i32
    %dma_start3A_1842 = tpu.memref_slice %arg9[%dma_start3A_1839, %dma_start3A_1840, %dma_start3A_1841] : memref<4x80x128xf32, #tpu.memory_space<vmem>> -> memref<1x80x128xf32, #tpu.memory_space<vmem>>
    %dma_start3A_1843 = tpu.memref_squeeze %dma_start3A_1842 : memref<1x80x128xf32, #tpu.memory_space<vmem>> -> memref<80x128xf32, #tpu.memory_space<vmem>>
    %dma_start3A_1844 = arith.constant 0 : i32
    %dma_start3A_1845 = tpu.memref_slice %arg7[%dma_start3A_1838, %dma_start3A_1844] : memref<4x80xi32, #tpu.memory_space<vmem>> -> memref<1x80xi32, #tpu.memory_space<vmem>>
    %dma_start3A_1846 = tpu.memref_squeeze %dma_start3A_1845 : memref<1x80xi32, #tpu.memory_space<vmem>> -> memref<80xi32, #tpu.memory_space<vmem>>
    %dma_start3A_1847 = arith.constant 0 : i32
    %dma_start3A_1848 = arith.constant 0 : i32
    %dma_start3A_1849 = tpu.memref_slice %arg2[%dma_start3A_1847, %dma_start3A_1848] : memref<10000x128xf32, #tpu.memory_space<hbm>> -> memref<10000x128xf32, #tpu.memory_space<hbm>>
    tpu.enqueue_indirect_dma source(%dma_start3A_1849 : memref<10000x128xf32, #tpu.memory_space<hbm>>) target(%dma_start3A_1843 : memref<80x128xf32, #tpu.memory_space<vmem>>) offsets(%dma_start3A_1846 : memref<80xi32, #tpu.memory_space<vmem>>) semaphore(%arg16 : memref<!tpu.dma_semaphore, #tpu.memory_space<semaphore_mem>>)
    %dma_start3A_1850 = arith.constant 0 : i32
    %dma_start3A_1851 = arith.constant 0 : i32
    %dma_start3A_1852 = arith.constant 0 : i32
    %dma_start3A_1853 = arith.constant 0 : i32
    %dma_start3A_1854 = tpu.memref_slice %arg10[%dma_start3A_1851, %dma_start3A_1852, %dma_start3A_1853] : memref<4x80x128xf32, #tpu.memory_space<vmem>> -> memref<1x80x128xf32, #tpu.memory_space<vmem>>
    %dma_start3A_1855 = tpu.memref_squeeze %dma_start3A_1854 : memref<1x80x128xf32, #tpu.memory_space<vmem>> -> memref<80x128xf32, #tpu.memory_space<vmem>>
    %dma_start3A_1856 = arith.constant 0 : i32
    %dma_start3A_1857 = tpu.memref_slice %arg8[%dma_start3A_1850, %dma_start3A_1856] : memref<4x80xi32, #tpu.memory_space<vmem>> -> memref<1x80xi32, #tpu.memory_space<vmem>>
    %dma_start3A_1858 = tpu.memref_squeeze %dma_start3A_1857 : memref<1x80xi32, #tpu.memory_space<vmem>> -> memref<80xi32, #tpu.memory_space<vmem>>
    %dma_start3A_1859 = arith.constant 0 : i32
    %dma_start3A_1860 = arith.constant 0 : i32
    %dma_start3A_1861 = tpu.memref_slice %arg2[%dma_start3A_1859, %dma_start3A_1860] : memref<10000x128xf32, #tpu.memory_space<hbm>> -> memref<10000x128xf32, #tpu.memory_space<hbm>>
    tpu.enqueue_indirect_dma source(%dma_start3A_1861 : memref<10000x128xf32, #tpu.memory_space<hbm>>) target(%dma_start3A_1855 : memref<80x128xf32, #tpu.memory_space<vmem>>) offsets(%dma_start3A_1858 : memref<80xi32, #tpu.memory_space<vmem>>) semaphore(%arg16 : memref<!tpu.dma_semaphore, #tpu.memory_space<semaphore_mem>>)
    %run_scoped3A_1862 = arith.constant 0 : i32
    "tpu.region"() ({
      %run_scoped3A_1890 = tpu.sem_alloc : memref<!tpu.dma_semaphore, #tpu.memory_space<semaphore_mem>>
      %dma_start3A_1891 = arith.constant 0 : i32
      %dma_start3A_1892 = arith.constant 0 : i32
      %dma_start3A_1893 = tpu.memref_slice %arg11[%run_scoped3A_1862, %dma_start3A_1891, %dma_start3A_1892] : memref<4x80x16xf32, #tpu.memory_space<vmem>> -> memref<1x80x16xf32, #tpu.memory_space<vmem>>
      %dma_start3A_1894 = tpu.memref_squeeze %dma_start3A_1893 : memref<1x80x16xf32, #tpu.memory_space<vmem>> -> memref<80x16xf32, #tpu.memory_space<vmem>>
      %dma_start3A_1895 = arith.constant 0 : i32
      %dma_start3A_1896 = tpu.memref_slice %arg3[%mul3A_1836, %dma_start3A_1895] : memref<320000x16xf32, #tpu.memory_space<hbm>> -> memref<80x16xf32, #tpu.memory_space<hbm>>
      %dma_start3A_1897 = arith.constant 0 : i32
      %dma_start3A_1898 = arith.constant 0 : i32
      %dma_start3A_1899 = tpu.memref_slice %arg11[%run_scoped3A_1862, %dma_start3A_1897, %dma_start3A_1898] : memref<4x80x16xf32, #tpu.memory_space<vmem>> -> memref<1x80x16xf32, #tpu.memory_space<vmem>>
      %dma_start3A_1900 = tpu.memref_squeeze %dma_start3A_1899 : memref<1x80x16xf32, #tpu.memory_space<vmem>> -> memref<80x16xf32, #tpu.memory_space<vmem>>
      %dma_start3A_1901 = arith.constant 0 : i32
      %dma_start3A_1902 = tpu.memref_slice %arg3[%mul3A_1836, %dma_start3A_1901] : memref<320000x16xf32, #tpu.memory_space<hbm>> -> memref<80x16xf32, #tpu.memory_space<hbm>>
      tpu.enqueue_dma source(%dma_start3A_1902 : memref<80x16xf32, #tpu.memory_space<hbm>>) target(%dma_start3A_1900 : memref<80x16xf32, #tpu.memory_space<vmem>>) target_semaphore(%run_scoped3A_1890 : memref<!tpu.dma_semaphore, #tpu.memory_space<semaphore_mem>>)
      %dma_wait3A_1903 = arith.constant 0 : i32
      %dma_wait3A_1904 = arith.constant 0 : i32
      %dma_wait3A_1905 = tpu.memref_slice %arg11[%run_scoped3A_1862, %dma_wait3A_1903, %dma_wait3A_1904] : memref<4x80x16xf32, #tpu.memory_space<vmem>> -> memref<1x80x16xf32, #tpu.memory_space<vmem>>
      %dma_wait3A_1906 = tpu.memref_squeeze %dma_wait3A_1905 : memref<1x80x16xf32, #tpu.memory_space<vmem>> -> memref<80x16xf32, #tpu.memory_space<vmem>>
      %dma_wait3A_1907 = arith.constant 0 : i32
      %dma_wait3A_1908 = tpu.memref_slice %arg3[%mul3A_1836, %dma_wait3A_1907] : memref<320000x16xf32, #tpu.memory_space<hbm>> -> memref<80x16xf32, #tpu.memory_space<hbm>>
      %dma_wait3A_1909 = arith.constant 0 : i32
      %dma_wait3A_1910 = arith.constant 0 : i32
      %dma_wait3A_1911 = tpu.memref_slice %arg11[%run_scoped3A_1862, %dma_wait3A_1909, %dma_wait3A_1910] : memref<4x80x16xf32, #tpu.memory_space<vmem>> -> memref<1x80x16xf32, #tpu.memory_space<vmem>>
      %dma_wait3A_1912 = tpu.memref_squeeze %dma_wait3A_1911 : memref<1x80x16xf32, #tpu.memory_space<vmem>> -> memref<80x16xf32, #tpu.memory_space<vmem>>
      %dma_wait3A_1913 = arith.constant 0 : i32
      %dma_wait3A_1914 = tpu.memref_slice %arg3[%mul3A_1836, %dma_wait3A_1913] : memref<320000x16xf32, #tpu.memory_space<hbm>> -> memref<80x16xf32, #tpu.memory_space<hbm>>
      tpu.wait_dma2 semaphore(%run_scoped3A_1890 : memref<!tpu.dma_semaphore, #tpu.memory_space<semaphore_mem>>) src(%dma_wait3A_1914 : memref<80x16xf32, #tpu.memory_space<hbm>>) dst(%dma_wait3A_1912 : memref<80x16xf32, #tpu.memory_space<vmem>>)
      tpu.yield
    }) : () -> ()
    %dma_wait3A_1863 = arith.constant 0 : i32
    %dma_wait3A_1864 = arith.constant 0 : i32
    %dma_wait3A_1865 = arith.constant 0 : i32
    %dma_wait3A_1866 = arith.constant 0 : i32
    %dma_wait3A_1867 = tpu.memref_slice %arg9[%dma_wait3A_1864, %dma_wait3A_1865, %dma_wait3A_1866] : memref<4x80x128xf32, #tpu.memory_space<vmem>> -> memref<1x80x128xf32, #tpu.memory_space<vmem>>
    %dma_wait3A_1868 = tpu.memref_squeeze %dma_wait3A_1867 : memref<1x80x128xf32, #tpu.memory_space<vmem>> -> memref<80x128xf32, #tpu.memory_space<vmem>>
    %dma_wait3A_1869 = arith.constant 0 : i32
    %dma_wait3A_1870 = tpu.memref_slice %arg7[%dma_wait3A_1863, %dma_wait3A_1869] : memref<4x80xi32, #tpu.memory_space<vmem>> -> memref<1x80xi32, #tpu.memory_space<vmem>>
    %dma_wait3A_1871 = tpu.memref_squeeze %dma_wait3A_1870 : memref<1x80xi32, #tpu.memory_space<vmem>> -> memref<80xi32, #tpu.memory_space<vmem>>
    %dma_wait3A_1872 = arith.constant 0 : i32
    %dma_wait3A_1873 = arith.constant 0 : i32
    %dma_wait3A_1874 = tpu.memref_slice %arg2[%dma_wait3A_1872, %dma_wait3A_1873] : memref<10000x128xf32, #tpu.memory_space<hbm>> -> memref<10000x128xf32, #tpu.memory_space<hbm>>
    tpu.wait_indirect_dma semaphore(%arg16 : memref<!tpu.dma_semaphore, #tpu.memory_space<semaphore_mem>>) src(%dma_wait3A_1874 : memref<10000x128xf32, #tpu.memory_space<hbm>>) dst(%dma_wait3A_1868 : memref<80x128xf32, #tpu.memory_space<vmem>>)
    %dma_wait3A_1875 = arith.constant 0 : i32
    %dma_wait3A_1876 = arith.constant 0 : i32
    %dma_wait3A_1877 = arith.constant 0 : i32
    %dma_wait3A_1878 = arith.constant 0 : i32
    %dma_wait3A_1879 = tpu.memref_slice %arg10[%dma_wait3A_1876, %dma_wait3A_1877, %dma_wait3A_1878] : memref<4x80x128xf32, #tpu.memory_space<vmem>> -> memref<1x80x128xf32, #tpu.memory_space<vmem>>
    %dma_wait3A_1880 = tpu.memref_squeeze %dma_wait3A_1879 : memref<1x80x128xf32, #tpu.memory_space<vmem>> -> memref<80x128xf32, #tpu.memory_space<vmem>>
    %dma_wait3A_1881 = arith.constant 0 : i32
    %dma_wait3A_1882 = tpu.memref_slice %arg8[%dma_wait3A_1875, %dma_wait3A_1881] : memref<4x80xi32, #tpu.memory_space<vmem>> -> memref<1x80xi32, #tpu.memory_space<vmem>>
    %dma_wait3A_1883 = tpu.memref_squeeze %dma_wait3A_1882 : memref<1x80xi32, #tpu.memory_space<vmem>> -> memref<80xi32, #tpu.memory_space<vmem>>
    %dma_wait3A_1884 = arith.constant 0 : i32
    %dma_wait3A_1885 = arith.constant 0 : i32
    %dma_wait3A_1886 = tpu.memref_slice %arg2[%dma_wait3A_1884, %dma_wait3A_1885] : memref<10000x128xf32, #tpu.memory_space<hbm>> -> memref<10000x128xf32, #tpu.memory_space<hbm>>
    tpu.wait_indirect_dma semaphore(%arg16 : memref<!tpu.dma_semaphore, #tpu.memory_space<semaphore_mem>>) src(%dma_wait3A_1886 : memref<10000x128xf32, #tpu.memory_space<hbm>>) dst(%dma_wait3A_1880 : memref<80x128xf32, #tpu.memory_space<vmem>>)
    %run_scoped3A_1887 = arith.constant 0 : i32
    "tpu.region"() ({
      %run_scoped3A_1890 = tpu.sem_alloc : memref<!tpu.dma_semaphore, #tpu.memory_space<semaphore_mem>>
      %dma_start3A_1891 = arith.constant 0 : i32
      %dma_start3A_1892 = arith.constant 0 : i32
      %dma_start3A_1893 = tpu.memref_slice %arg9[%run_scoped3A_1887, %dma_start3A_1891, %dma_start3A_1892] : memref<4x80x128xf32, #tpu.memory_space<vmem>> -> memref<1x80x128xf32, #tpu.memory_space<vmem>>
      %dma_start3A_1894 = tpu.memref_squeeze %dma_start3A_1893 : memref<1x80x128xf32, #tpu.memory_space<vmem>> -> memref<80x128xf32, #tpu.memory_space<vmem>>
      %dma_start3A_1895 = arith.constant 0 : i32
      %dma_start3A_1896 = tpu.memref_slice %arg6[%mul3A_1832, %dma_start3A_1895] : memref<320000x272xf32, #tpu.memory_space<hbm>> -> memref<80x128xf32, #tpu.memory_space<hbm>>
      %dma_start3A_1897 = arith.constant 0 : i32
      %dma_start3A_1898 = tpu.memref_slice %arg6[%mul3A_1832, %dma_start3A_1897] : memref<320000x272xf32, #tpu.memory_space<hbm>> -> memref<80x128xf32, #tpu.memory_space<hbm>>
      %dma_start3A_1899 = arith.constant 0 : i32
      %dma_start3A_1900 = arith.constant 0 : i32
      %dma_start3A_1901 = tpu.memref_slice %arg9[%run_scoped3A_1887, %dma_start3A_1899, %dma_start3A_1900] : memref<4x80x128xf32, #tpu.memory_space<vmem>> -> memref<1x80x128xf32, #tpu.memory_space<vmem>>
      %dma_start3A_1902 = tpu.memref_squeeze %dma_start3A_1901 : memref<1x80x128xf32, #tpu.memory_space<vmem>> -> memref<80x128xf32, #tpu.memory_space<vmem>>
      tpu.enqueue_dma source(%dma_start3A_1902 : memref<80x128xf32, #tpu.memory_space<vmem>>) target(%dma_start3A_1898 : memref<80x128xf32, #tpu.memory_space<hbm>>) target_semaphore(%run_scoped3A_1890 : memref<!tpu.dma_semaphore, #tpu.memory_space<semaphore_mem>>)
      %dma_wait3A_1903 = arith.constant 0 : i32
      %dma_wait3A_1904 = arith.constant 0 : i32
      %dma_wait3A_1905 = tpu.memref_slice %arg9[%run_scoped3A_1887, %dma_wait3A_1903, %dma_wait3A_1904] : memref<4x80x128xf32, #tpu.memory_space<vmem>> -> memref<1x80x128xf32, #tpu.memory_space<vmem>>
      %dma_wait3A_1906 = tpu.memref_squeeze %dma_wait3A_1905 : memref<1x80x128xf32, #tpu.memory_space<vmem>> -> memref<80x128xf32, #tpu.memory_space<vmem>>
      %dma_wait3A_1907 = arith.constant 0 : i32
      %dma_wait3A_1908 = tpu.memref_slice %arg6[%mul3A_1832, %dma_wait3A_1907] : memref<320000x272xf32, #tpu.memory_space<hbm>> -> memref<80x128xf32, #tpu.memory_space<hbm>>
      %dma_wait3A_1909 = arith.constant 0 : i32
      %dma_wait3A_1910 = tpu.memref_slice %arg6[%mul3A_1832, %dma_wait3A_1909] : memref<320000x272xf32, #tpu.memory_space<hbm>> -> memref<80x128xf32, #tpu.memory_space<hbm>>
      %dma_wait3A_1911 = arith.constant 0 : i32
      %dma_wait3A_1912 = arith.constant 0 : i32
      %dma_wait3A_1913 = tpu.memref_slice %arg9[%run_scoped3A_1887, %dma_wait3A_1911, %dma_wait3A_1912] : memref<4x80x128xf32, #tpu.memory_space<vmem>> -> memref<1x80x128xf32, #tpu.memory_space<vmem>>
      %dma_wait3A_1914 = tpu.memref_squeeze %dma_wait3A_1913 : memref<1x80x128xf32, #tpu.memory_space<vmem>> -> memref<80x128xf32, #tpu.memory_space<vmem>>
      tpu.wait_dma2 semaphore(%run_scoped3A_1890 : memref<!tpu.dma_semaphore, #tpu.memory_space<semaphore_mem>>) src(%dma_wait3A_1914 : memref<80x128xf32, #tpu.memory_space<vmem>>) dst(%dma_wait3A_1910 : memref<80x128xf32, #tpu.memory_space<hbm>>)
      tpu.yield
    }) : () -> ()
    %run_scoped3A_1888 = arith.constant 0 : i32
    "tpu.region"() ({
      %run_scoped3A_1890 = tpu.sem_alloc : memref<!tpu.dma_semaphore, #tpu.memory_space<semaphore_mem>>
      %dma_start3A_1891 = arith.constant 0 : i32
      %dma_start3A_1892 = arith.constant 0 : i32
      %dma_start3A_1893 = tpu.memref_slice %arg10[%run_scoped3A_1888, %dma_start3A_1891, %dma_start3A_1892] : memref<4x80x128xf32, #tpu.memory_space<vmem>> -> memref<1x80x128xf32, #tpu.memory_space<vmem>>
      %dma_start3A_1894 = tpu.memref_squeeze %dma_start3A_1893 : memref<1x80x128xf32, #tpu.memory_space<vmem>> -> memref<80x128xf32, #tpu.memory_space<vmem>>
      %dma_start3A_1895 = arith.constant 128 : i32
      %dma_start3A_1896 = tpu.memref_slice %arg6[%mul3A_1832, %dma_start3A_1895] : memref<320000x272xf32, #tpu.memory_space<hbm>> -> memref<80x128xf32, #tpu.memory_space<hbm>>
      %dma_start3A_1897 = arith.constant 128 : i32
      %dma_start3A_1898 = tpu.memref_slice %arg6[%mul3A_1832, %dma_start3A_1897] : memref<320000x272xf32, #tpu.memory_space<hbm>> -> memref<80x128xf32, #tpu.memory_space<hbm>>
      %dma_start3A_1899 = arith.constant 0 : i32
      %dma_start3A_1900 = arith.constant 0 : i32
      %dma_start3A_1901 = tpu.memref_slice %arg10[%run_scoped3A_1888, %dma_start3A_1899, %dma_start3A_1900] : memref<4x80x128xf32, #tpu.memory_space<vmem>> -> memref<1x80x128xf32, #tpu.memory_space<vmem>>
      %dma_start3A_1902 = tpu.memref_squeeze %dma_start3A_1901 : memref<1x80x128xf32, #tpu.memory_space<vmem>> -> memref<80x128xf32, #tpu.memory_space<vmem>>
      tpu.enqueue_dma source(%dma_start3A_1902 : memref<80x128xf32, #tpu.memory_space<vmem>>) target(%dma_start3A_1898 : memref<80x128xf32, #tpu.memory_space<hbm>>) target_semaphore(%run_scoped3A_1890 : memref<!tpu.dma_semaphore, #tpu.memory_space<semaphore_mem>>)
      %dma_wait3A_1903 = arith.constant 0 : i32
      %dma_wait3A_1904 = arith.constant 0 : i32
      %dma_wait3A_1905 = tpu.memref_slice %arg10[%run_scoped3A_1888, %dma_wait3A_1903, %dma_wait3A_1904] : memref<4x80x128xf32, #tpu.memory_space<vmem>> -> memref<1x80x128xf32, #tpu.memory_space<vmem>>
      %dma_wait3A_1906 = tpu.memref_squeeze %dma_wait3A_1905 : memref<1x80x128xf32, #tpu.memory_space<vmem>> -> memref<80x128xf32, #tpu.memory_space<vmem>>
      %dma_wait3A_1907 = arith.constant 128 : i32
      %dma_wait3A_1908 = tpu.memref_slice %arg6[%mul3A_1832, %dma_wait3A_1907] : memref<320000x272xf32, #tpu.memory_space<hbm>> -> memref<80x128xf32, #tpu.memory_space<hbm>>
      %dma_wait3A_1909 = arith.constant 128 : i32
      %dma_wait3A_1910 = tpu.memref_slice %arg6[%mul3A_1832, %dma_wait3A_1909] : memref<320000x272xf32, #tpu.memory_space<hbm>> -> memref<80x128xf32, #tpu.memory_space<hbm>>
      %dma_wait3A_1911 = arith.constant 0 : i32
      %dma_wait3A_1912 = arith.constant 0 : i32
      %dma_wait3A_1913 = tpu.memref_slice %arg10[%run_scoped3A_1888, %dma_wait3A_1911, %dma_wait3A_1912] : memref<4x80x128xf32, #tpu.memory_space<vmem>> -> memref<1x80x128xf32, #tpu.memory_space<vmem>>
      %dma_wait3A_1914 = tpu.memref_squeeze %dma_wait3A_1913 : memref<1x80x128xf32, #tpu.memory_space<vmem>> -> memref<80x128xf32, #tpu.memory_space<vmem>>
      tpu.wait_dma2 semaphore(%run_scoped3A_1890 : memref<!tpu.dma_semaphore, #tpu.memory_space<semaphore_mem>>) src(%dma_wait3A_1914 : memref<80x128xf32, #tpu.memory_space<vmem>>) dst(%dma_wait3A_1910 : memref<80x128xf32, #tpu.memory_space<hbm>>)
      tpu.yield
    }) : () -> ()
    %run_scoped3A_1889 = arith.constant 0 : i32
    "tpu.region"() ({
      %run_scoped3A_1890 = tpu.sem_alloc : memref<!tpu.dma_semaphore, #tpu.memory_space<semaphore_mem>>
      %dma_start3A_1891 = arith.constant 0 : i32
      %dma_start3A_1892 = arith.constant 0 : i32
      %dma_start3A_1893 = tpu.memref_slice %arg11[%run_scoped3A_1889, %dma_start3A_1891, %dma_start3A_1892] : memref<4x80x16xf32, #tpu.memory_space<vmem>> -> memref<1x80x16xf32, #tpu.memory_space<vmem>>
      %dma_start3A_1894 = tpu.memref_squeeze %dma_start3A_1893 : memref<1x80x16xf32, #tpu.memory_space<vmem>> -> memref<80x16xf32, #tpu.memory_space<vmem>>
      %dma_start3A_1895 = arith.constant 256 : i32
      %dma_start3A_1896 = tpu.memref_slice %arg6[%mul3A_1832, %dma_start3A_1895] : memref<320000x272xf32, #tpu.memory_space<hbm>> -> memref<80x16xf32, #tpu.memory_space<hbm>>
      %dma_start3A_1897 = arith.constant 256 : i32
      %dma_start3A_1898 = tpu.memref_slice %arg6[%mul3A_1832, %dma_start3A_1897] : memref<320000x272xf32, #tpu.memory_space<hbm>> -> memref<80x16xf32, #tpu.memory_space<hbm>>
      %dma_start3A_1899 = arith.constant 0 : i32
      %dma_start3A_1900 = arith.constant 0 : i32
      %dma_start3A_1901 = tpu.memref_slice %arg11[%run_scoped3A_1889, %dma_start3A_1899, %dma_start3A_1900] : memref<4x80x16xf32, #tpu.memory_space<vmem>> -> memref<1x80x16xf32, #tpu.memory_space<vmem>>
      %dma_start3A_1902 = tpu.memref_squeeze %dma_start3A_1901 : memref<1x80x16xf32, #tpu.memory_space<vmem>> -> memref<80x16xf32, #tpu.memory_space<vmem>>
      tpu.enqueue_dma source(%dma_start3A_1902 : memref<80x16xf32, #tpu.memory_space<vmem>>) target(%dma_start3A_1898 : memref<80x16xf32, #tpu.memory_space<hbm>>) target_semaphore(%run_scoped3A_1890 : memref<!tpu.dma_semaphore, #tpu.memory_space<semaphore_mem>>)
      %dma_wait3A_1903 = arith.constant 0 : i32
      %dma_wait3A_1904 = arith.constant 0 : i32
      %dma_wait3A_1905 = tpu.memref_slice %arg11[%run_scoped3A_1889, %dma_wait3A_1903, %dma_wait3A_1904] : memref<4x80x16xf32, #tpu.memory_space<vmem>> -> memref<1x80x16xf32, #tpu.memory_space<vmem>>
      %dma_wait3A_1906 = tpu.memref_squeeze %dma_wait3A_1905 : memref<1x80x16xf32, #tpu.memory_space<vmem>> -> memref<80x16xf32, #tpu.memory_space<vmem>>
      %dma_wait3A_1907 = arith.constant 256 : i32
      %dma_wait3A_1908 = tpu.memref_slice %arg6[%mul3A_1832, %dma_wait3A_1907] : memref<320000x272xf32, #tpu.memory_space<hbm>> -> memref<80x16xf32, #tpu.memory_space<hbm>>
      %dma_wait3A_1909 = arith.constant 256 : i32
      %dma_wait3A_1910 = tpu.memref_slice %arg6[%mul3A_1832, %dma_wait3A_1909] : memref<320000x272xf32, #tpu.memory_space<hbm>> -> memref<80x16xf32, #tpu.memory_space<hbm>>
      %dma_wait3A_1911 = arith.constant 0 : i32
      %dma_wait3A_1912 = arith.constant 0 : i32
      %dma_wait3A_1913 = tpu.memref_slice %arg11[%run_scoped3A_1889, %dma_wait3A_1911, %dma_wait3A_1912] : memref<4x80x16xf32, #tpu.memory_space<vmem>> -> memref<1x80x16xf32, #tpu.memory_space<vmem>>
      %dma_wait3A_1914 = tpu.memref_squeeze %dma_wait3A_1913 : memref<1x80x16xf32, #tpu.memory_space<vmem>> -> memref<80x16xf32, #tpu.memory_space<vmem>>
      tpu.wait_dma2 semaphore(%run_scoped3A_1890 : memref<!tpu.dma_semaphore, #tpu.memory_space<semaphore_mem>>) src(%dma_wait3A_1914 : memref<80x16xf32, #tpu.memory_space<vmem>>) dst(%dma_wait3A_1910 : memref<80x16xf32, #tpu.memory_space<hbm>>)
      tpu.yield
    }) : () -> ()
    return
  }
}

</mosaic_0001>

<sc_bundles>
// kernel: kernel.3.cloned.1.call-start
scs
__scs_entry_jumppad:
0x0: {  	(pc) =	sbr.rel $0x88, $3  }
0x1: {  	(tag) =	ssettag $0x0;
	lr =	simm.s32 $0x1  }
0x2: {  	[smem:$0x3F9D] =	sst lr;
	_ =	strace $0xD0000000  }
0x3: {  	_ = 	snop  }
0x4: {  	_ = 	snop  }
0x5: {  	_ = 	snop  }
0x6: {  	_ = 	snop  }
0x7: {  	_ = 	snop  }
__scs_overlays_trampoline_lowered:
0x8: {  	[smem:$0x3FAC] =	sst s0  }
0x9: {  	[smem:$0x3FAD] =	sst s1  }
0xa: {  	[smem:$0x3FAE] =	sst s2  }
0xb: {  	[smem:$0x3FAF] =	sst s3  }
0xc: {  	[smem:$0x3FB0] =	sst s4  }
0xd: {  	[smem:$0x3FB1] =	sst s5  }
0xe: {  	[smem:$0x3FB2] =	sst s6  }
0xf: {  	[smem:$0x3FB3] =	sst s7  }
0x10: {  	[smem:$0x3FB4] =	sst s8  }
0x11: {  	[smem:$0x3FB5] =	sst s9;
	s0 =	simm.s32 @!p0 $0x0  }
0x12: {  	s1 =	sld [smem:$0x3F9B];
	s0 =	simm.s32 @p0 $0x1  }
0x13: {  	[smem:$0x3FB6] =	sst s0;
	s0 =	simm.s32 @!p1 $0x0  }
0x14: {  	s2 =	sld [smem:$0x3F9A];
	s0 =	simm.s32 @p1 $0x1  }
0x15: {  	[smem:$0x3FB7] =	sst s0;
	s0 =	simm.s32 @!p2 $0x0  }
0x16: {  	s3 =	sld [smem:$0x3FDB];
	s0 =	simm.s32 @p2 $0x1  }
0x17: {  	s4 =	simm.s32 $0x1BF5;
	[smem:$0x3FB9] =	sst s0  }
0x18: {  	s0 =	sld [smem:$0x3F9C];
	_ =	swait.ge [sflag:s4], $0x0  }
0x19: {  	s7 =	sld [smem:$0x3F9D]  }
0x1a: {  	s8 =	sadd.s32 $0xFFFFE003, lr  }
0x1b: {  	s9 =	sadd.s32 $0xFFFFFEF7, lr;
	s5 =	simm.s32 $0xFFFFFFFF;
	p2 =	slt.u32 s8, $0xFFFFF086  }
0x1c: {  	p1 =	slt.u32 s9, $0xF7A;
	s5 =	simm.s32 @!p2 $0x0  }
0x1d: {  	s5 =	simm.s32 @p1 $0x1;
	p0 =	seq.s32 s7, s2  }
0x1e: {  	s7 =	smul.u32 @!p0 $0xF7A, s2;
	p2 =	seq.s32 @!p0 s5, $0x0  }
0x1f: {  	s9 =	smul.u32 $0xF7A, s1;
	s8 =	simm.s32 @!p0 $0x1BF5;
	p2 =	por !p2, p0  }
0x20: {  	[sflag:s8] =	ssyncset.s32 @!p0 $0xFFFFF086;
	s6 =	sadd.s32 @!p0 s3, s7;
	s7 =	simm.s32 @!p0 $0x108  }
0x21: {  	s3 =	sadd.s32 s3, s9;
	s6 =	sadd.s32 @!p0 $0x88, s6;
	s7 =	simm.s32 @p2 $0x1082  }
0x22: {  	[simem:s7], [sflag:s8] =	dma.local @!p0 [hbm:s6], $0xF7A  }
0x23: {  	s9 =	sor.u32 $0xD0000000, s2;
	s6 =	simm.s32 $0x108;
	_ =	swait.ge @!p0 [sflag:s8], $0x0  }
0x24: {  	s3 =	sadd.s32 $0x88, s3;
	s6 =	simm.s32 @!p1 $0x1082;
	[sflag:s4] =	ssyncset.s32 $0xFFFFF086  }
0x25: {  	[simem:s6], [sflag:s4] =	dma.local [hbm:s3], $0xF7A  }
0x26: {  	[smem:$0x3F9D] =	sst s1;
	(tag) =	ssettag s2;
	_ =	strace s9  }
0x27: {  	s1 =	sld [smem:$0x3FAD]  }
0x28: {  	s2 =	sld [smem:$0x3FAE]  }
0x29: {  	s4 =	sld [smem:$0x3FB0]  }
0x2a: {  	p0 =	seq.s32 s5, $0x0;
	s5 =	sld [smem:$0x3FB1]  }
0x2b: {  	s6 =	sld [smem:$0x3FB2]  }
0x2c: {  	s7 =	sld [smem:$0x3FB3]  }
0x2d: {  	s3 =	simm.s32 $0x108;
	s8 =	sld [smem:$0x3FB4]  }
0x2e: {  	s3 =	simm.s32 @!p0 $0x1082;
	s9 =	sld [smem:$0x3FB5]  }
0x2f: {  	lr =	sadd.s32 s0, s3;
	s0 =	sld [smem:$0x3FAC]  }
0x30: {  	s3 =	sld [smem:$0x3FAF]  }
0x31: {  	[smem:$0x3FB8] =	sst s10  }
0x32: {  	s10 =	sld [smem:$0x3FB6];
	_ =	sdelay $0x3  }
0x33: {  	p0 =	seq.s32 s10, $0x1;
	s10 =	sld [smem:$0x3FB8];
	_ =	sdelay $0x3  }
0x34: {  	[smem:$0x3FB8] =	sst s10  }
0x35: {  	s10 =	sld [smem:$0x3FB7];
	_ =	sdelay $0x3  }
0x36: {  	p1 =	seq.s32 s10, $0x1;
	s10 =	sld [smem:$0x3FB8];
	_ =	sdelay $0x3  }
0x37: {  	[smem:$0x3FB8] =	sst s10  }
0x38: {  	s10 =	sld [smem:$0x3FB9]  }
0x39: {  	_ = 	snop;
	(pc) =	sbr.ind lr, $3  }
0x3a: {  	_ = 	snop  }
0x3b: {  	_ = 	snop  }
0x3c: {  	p2 =	seq.s32 s10, $0x1;
	s10 =	sld [smem:$0x3FB8]  }
0x3d: {  	_ =	shalt  }
0x3e: {  	_ =	shalt  }
0x3f: {  	_ =	shalt  }
0x40: {  	_ =	shalt  }
0x41: {  	_ =	shalt  }
0x42: {  	_ =	shalt  }
0x43: {  	_ =	shalt  }
0x44: {  	_ =	shalt  }
0x45: {  	_ =	shalt  }
0x46: {  	_ =	shalt  }
0x47: {  	_ =	shalt  }
0x48: {  	_ =	shalt  }
0x49: {  	_ =	shalt  }
0x4a: {  	_ =	shalt  }
0x4b: {  	_ =	shalt  }
0x4c: {  	_ =	shalt  }
0x4d: {  	_ =	shalt  }
0x4e: {  	_ =	shalt  }
0x4f: {  	_ =	shalt  }
0x50: {  	_ =	shalt  }
0x51: {  	_ =	shalt  }
0x52: {  	_ =	shalt  }
0x53: {  	_ =	shalt  }
0x54: {  	_ =	shalt  }
0x55: {  	_ =	shalt  }
0x56: {  	_ =	shalt  }
0x57: {  	_ =	shalt  }
0x58: {  	_ =	shalt  }
0x59: {  	_ =	shalt  }
0x5a: {  	_ =	shalt  }
0x5b: {  	_ =	shalt  }
0x5c: {  	_ =	shalt  }
0x5d: {  	_ =	shalt  }
0x5e: {  	_ =	shalt  }
0x5f: {  	_ =	shalt  }
0x60: {  	_ =	shalt  }
0x61: {  	_ =	shalt  }
0x62: {  	_ =	shalt  }
0x63: {  	_ =	shalt  }
0x64: {  	_ =	shalt  }
0x65: {  	_ =	shalt  }
0x66: {  	_ =	shalt  }
0x67: {  	_ =	shalt  }
0x68: {  	_ =	shalt  }
0x69: {  	_ =	shalt  }
0x6a: {  	_ =	shalt  }
0x6b: {  	_ =	shalt  }
0x6c: {  	_ =	shalt  }
0x6d: {  	_ =	shalt  }
0x6e: {  	_ =	shalt  }
0x6f: {  	_ =	shalt  }
0x70: {  	_ =	shalt  }
0x71: {  	_ =	shalt  }
0x72: {  	_ =	shalt  }
0x73: {  	_ =	shalt  }
0x74: {  	_ =	shalt  }
0x75: {  	_ =	shalt  }
0x76: {  	_ =	shalt  }
0x77: {  	_ =	shalt  }
0x78: {  	_ =	shalt  }
0x79: {  	_ =	shalt  }
0x7a: {  	_ =	shalt  }
0x7b: {  	_ =	shalt  }
0x7c: {  	_ =	shalt  }
0x7d: {  	_ =	shalt  }
0x7e: {  	_ =	shalt  }
0x7f: {  	_ =	shalt  }
0x80: {  	_ =	shalt  }
0x81: {  	_ =	shalt  }
0x82: {  	_ =	shalt  }
0x83: {  	_ =	shalt  }
0x84: {  	_ =	shalt  }
0x85: {  	_ =	shalt  }
0x86: {  	_ =	shalt  }
0x87: {  	_ =	shalt  }
.Lfunc_end0:
.L_simem_size_0:
called_computation_lowered:
.L_overlay_start_0:
0x88: {  	s2 =	sld [smem:$0x3FD9]  }
0x89: {  	s3 =	sld [smem:$0x3FFE];
	_ =	sdelay $0x1  }
0x8a: {  	s1 =	srdreg.scid  }
0x8b: {  	s0 =	sand.u32 $0x1, s1  }
0x8c: {  	s17 =	sshll.u32 s0, $0xA;
	s2 =	sadd.s32 s3, s2  }
0x8d: {  	s2 =	sadd.s32 s2, s17  }
0x8e: {  	[smem:$0x3FC4] =	sst s2  }
0x8f: {  	_ = 	snop  }
0x90: {  	s2 =	sld [smem:$0x3FC9]  }
0x91: {  	s18 =	sld [smem:$0x3FC7]  }
0x92: {  	s4 =	sld [smem:$0x3FC6]  }
0x93: {  	s5 =	sld [smem:$0x3FD0];
	(tm) =	ssettm $0x1  }
0x94: {  	s6 =	sld [smem:$0x3FFB];
	_ =	sdelay $0x3  }
0x95: {  	_ =	strace s6  }
0x96: {  	s6 =	sld [smem:$0x3FFC];
	_ =	sdelay $0x3  }
0x97: {  	_ =	strace s6  }
0x98: {  	s6 =	sld [smem:$0x3FFD];
	_ =	sdelay $0x3  }
0x99: {  	_ =	strace s6  }
0x9a: {  	_ =	strace $0x8FFFFFFF  }
0x9b: {  	s19 =	sld [smem:$0x3FDB];
	_ =	sdelay $0x1  }
0x9c: {  	s7 =	simm.s32 $_scs_section_size  }
0x9d: {  	s8 =	simm.s32 $_size__tile_overlayer_lowered;
	s9 =	simm.s32 $_tile_overlayer_lowered  }
0x9e: {  	s22 =	simm.s32 $0x1BFF;
	s21 =	sshll.u32 s9, $0x1;
	s6 =	sadd.s32 s7, s19  }
0x9f: {  	s10 =	simm.s32 $0x0;
	s20 =	sshll.u32 s8, $0x1;
	s8 =	sadd.s32 s21, s6  }
0xa0: {  	[timem:s10], [sflag:s22] =	dma.local [hbm:s8], s20  }
0xa1: {  	_ =	swait.ge [sflag:s22], s20  }
0xa2: {  	s7 =	ssub.s32 $0x0, s20;
	[sflag:s22] =	ssyncset.done $0x0  }
0xa3: {  	[sflag:s22] =	ssyncadd.s32 s7;
	_ =	sdelay $0x1  }
0xa4: {  	s23 =	simm.s32 $0x1B8B  }
0xa5: {  	_ =	swait.ge [sflag:s23], $0x1  }
0xa6: {  	[sflag:s23] =	ssyncset.done $0x0  }
0xa7: {  	s25 =	simm.s32 $0x1B8E;
	s24 =	sld [smem:$0x3FFE];
	[sflag:s23] =	ssyncadd.s32 $0xFFFFFFFF  }
0xa8: {  	s26 =	simm.s32 $execute0_lowered;
	[smem:$0x3FD2] =	sst s25  }
0xa9: {  	s8 =	sshll.u32 s26, $0x1;
	_ =	strace $0x80000046;
	[dreg:$0x1] =	wrdreg $0xFFFFFFFF  }
0xaa: {  	s28 =	simm.s32 $_size_execute0_lowered;
	s6 =	sadd.s32 s6, s8;
	[dreg:$0x0] =	wrdreg $0x0  }
0xab: {  	s8 =	sshll.u32 s28, $0x1;
	[dreg:$0x2] =	wrdreg s6  }
0xac: {  	[dreg:$0x3] =	wrdreg s8  }
0xad: {  	[dreg:$0x4] =	wrdreg $0xC0  }
0xae: {  	_ =	task [dreg:s10], $0x5FFFF  }
0xaf: {  	[dreg:$0x1] =	wrdreg $0xFFFFFFFF  }
0xb0: {  	[dreg:$0x0] =	wrdreg $0x60  }
0xb1: {  	[dreg:$0x2] =	wrdreg s2  }
0xb2: {  	[dreg:$0x3] =	wrdreg s5  }
0xb3: {  	[dreg:$0x4] =	wrdreg s18  }
0xb4: {  	[dreg:$0x5] =	wrdreg s4  }
0xb5: {  	[dreg:$0x6] =	wrdreg s24  }
0xb6: {  	[dreg:$0x7] =	wrdreg $0x9  }
0xb7: {  	_ =	task.clear_ibuf [dreg:s10], $0x8FFFF;
	_ =	strace $0x90000046  }
0xb8: {  	s29 =	simm.s32 $0x9;
	_ =	strace $0x80000048  }
0xb9: {  	_ =	swait.ge [sflag:s29], $0x1  }
0xba: {  	[sflag:s29] =	ssyncadd.s32 $0xFFFFFFFF  }
0xbb: {  	_ =	strace $0x90000048  }
0xbc: {  	_ =	sfence  }
0xbd: {  	s30 =	sld [smem:$0x0];
	_ =	sdelay $0x2  }
0xbe: {  	s31 =	sshll.u32 s1, $0xD;
	s1 =	sshrl.u32 s1, $0x2  }
0xbf: {  	s3 =	sand.u32 $0x4000, s31;
	s1 =	sadd.s32 s1, s30  }
0xc0: {  	s0 =	sor.u32 s3, s0;
	s1 =	sshll.u32 s1, $0x11  }
0xc1: {  	s0 =	sor.u32 s1, s0  }
0xc2: {  	s0 =	sadd.s32 $0x8F2B, s0  }
0xc3: {  	[sflag:s0] =	ssyncadd.remote.s32 $0x1  }
0xc4: {  	_ =	sfence.sel $0xFFFF  }
0xc5: {  	[dreg:$0x0] =	wrdreg $0xFFFFFFFF;
	(pc) =	sbr.abs _section_cstart, $3  }
0xc6: {  	[dreg:$0x1] =	wrdreg $0xFFFFFFFF  }
0xc7: {  	_ =	task.clear_ibuf [dreg:s10], $0x2FFFF;
	_ =	strace $0x9FFFFFFF  }
0xc8: {  	(tm) =	ssettm $0x7FFFFFFF  }
0xc9: {  	_ =	shalt  }
tec
execute0_lowered:
.L_overlay_start_1:
0x0: {  	(tag) =	ssettag $0x1  }
0x1: {  	s8 =	rddreg [dreg:$0x1]  }
0x2: {  	s4 =	rddreg [dreg:$0x2];
	s22 =	stileid.u32  }
0x3: {  	s1 =	srdreg.scid;
	s24 =	smul.u32 $0xE8800, s22  }
0x4: {  	s2 =	rddreg [dreg:$0x3];
	s1 =	sand.u32 $0x1, s1;
	s26 =	smul.u32 $0x744000, s22  }
0x5: {  	s10 =	rddreg [dreg:$0x4];
	s5 =	sshll.u32 s22, $0x1;
	s17 =	smul.u32 $0x74400, s1  }
0x6: {  	s0 =	simm.s32 $0x0;
	s9 =	sor.u32 s1, s5;
	s18 =	smul.u32 $0x3A2000, s1  }
0x7: {  	[smem:$0x7FF] =	sst s0;
	s20 =	ssub.s32 $0x2, s1;
	s11 =	smul.u32 $0x26C0, s9  }
0x8: {  	s6 =	sadd.s32 $0x400, s10;
	s7 =	sshrl.u32 s20, $0x1;
	s12 =	smul.u32 $0x26C00, s9  }
0x9: {  	_ =	strace $0x80000047;
	s9 =	smul.u32 $0x50, s9;
	s5 =	ssub.s32 s20, s7  }
0xa: {  	s13 =	sadd.s32 $0x50, s11;
	s21 =	sadd.s32 s8, s12;
	s12 =	sadd.s32 $0xA0, s11  }
0xb: {  	s14 =	sadd.s32 $0xF0, s11;
	s20 =	sadd.s32 $0x25D0, s11;
	s9 =	sadd.s32 $0x4D800, s9  }
0xc: {  	[dreg:$0xa] =	wrdreg s21;
	s23 =	sshll.u32 s13, $0x4;
	s15 =	sshll.u32 s12, $0x4  }
0xd: {  	s16 =	sshll.u32 s14, $0x4;
	s28 =	sshll.u32 s20, $0x4;
	s21 =	smul.u32 $0x4D800, s22  }
0xe: {  	s3 =	sshll.u32 s9, $0x4;
	s13 =	sshrl.u32 s13, $0x3;
	s7 =	sadd.s32 s8, s23  }
0xf: {  	s12 =	sshrl.u32 s12, $0x3;
	s15 =	sadd.s32 s8, s15;
	[dreg:$0xb] =	wrdreg s7  }
0x10: {  	s25 =	sadd.s32 s8, s16;
	s16 =	sadd.s32 $0x2580, s11;
	[dreg:$0xc] =	wrdreg s15  }
0x11: {  	s23 =	sadd.s32 s4, s13;
	[dreg:$0xd] =	wrdreg s25;
	s7 =	sadd.s32 s24, s6  }
0x12: {  	s19 =	sshll.u32 s16, $0x4;
	s15 =	sadd.s32 s8, s28;
	[dreg:$0x17] =	wrdreg s23  }
0x13: {  	s24 =	sadd.s32 s2, s13;
	s7 =	sadd.s32 s17, s7;
	[dreg:$0xf] =	wrdreg s15  }
0x14: {  	s17 =	sadd.s32 $0x2620, s11;
	s19 =	sadd.s32 s8, s19;
	[dreg:$0x18] =	wrdreg s24  }
0x15: {  	s15 =	sadd.s32 $0x2670, s11;
	s11 =	sshrl.u32 s11, $0x3;
	[dreg:$0x6] =	wrdreg s7  }
0x16: {  	s7 =	sadd.s32 s18, s26;
	[dreg:$0xe] =	wrdreg s19;
	s23 =	sadd.s32 s4, s11  }
0x17: {  	s29 =	sshll.u32 s17, $0x4;
	s24 =	sadd.s32 s2, s11;
	[smem:$0x7DC] =	sst s23  }
0x18: {  	s0 =	sshll.u32 s15, $0x4;
	s30 =	sadd.s32 s8, s29;
	[smem:$0x7DD] =	sst s24  }
0x19: {  	s26 =	sadd.s32 $0x28, s11;
	s19 =	sadd.s32 s8, s0;
	[dreg:$0x10] =	wrdreg s30  }
0x1a: {  	s25 =	smul.u32 $0xC00, s13;
	s28 =	sadd.s32 s4, s26;
	[dreg:$0x11] =	wrdreg s19  }
0x1b: {  	s15 =	sshrl.u32 s15, $0x3;
	s13 =	sadd.s32 s2, s26;
	[dreg:$0x19] =	wrdreg s28  }
0x1c: {  	s31 =	sadd.s32 $0x26000, s7;
	s23 =	sadd.s32 s2, s15;
	[dreg:$0x1a] =	wrdreg s13  }
0x1d: {  	s18 =	sshrl.u32 s31, $0x3;
	s19 =	sadd.s32 s8, s3;
	[smem:$0x7E8] =	sst s23  }
0x1e: {  	s29 =	smul.u32 $0x180, s11;
	s18 =	sadd.s32 s18, s6;
	[dreg:$0x12] =	wrdreg s19  }
0x1f: {  	s8 =	sadd.s32 s21, s8;
	s19 =	sadd.s32 s4, s12;
	[dreg:$0x7] =	wrdreg s18  }
0x20: {  	s21 =	sshrl.u32 s14, $0x3;
	s12 =	sadd.s32 s2, s12;
	[dreg:$0x13] =	wrdreg s19  }
0x21: {  	s30 =	sadd.s32 $0x32, s11;
	s14 =	sadd.s32 s4, s21;
	[dreg:$0x14] =	wrdreg s12  }
0x22: {  	s11 =	smul.u32 $0xC00, s11;
	s31 =	sadd.s32 s4, s30;
	[dreg:$0x15] =	wrdreg s14  }
0x23: {  	s23 =	smul.u32 $0x4D8, s1;
	s0 =	sadd.s32 s6, s29;
	[dreg:$0x1d] =	wrdreg s31  }
0x24: {  	s12 =	sadd.s32 s2, s21;
	s14 =	sadd.s32 $0x480, s10;
	[dreg:$0x1f] =	wrdreg s0  }
0x25: {  	s10 =	sadd.s32 $0x500, s10;
	s21 =	sadd.s32 $0x6EA00, s29;
	[dreg:$0x9] =	wrdreg s23  }
0x26: {  	s11 =	sadd.s32 $0x37C800, s11;
	[dreg:$0x16] =	wrdreg s12;
	s3 =	sadd.s32 s29, s14  }
0x27: {  	s12 =	sshrl.u32 s25, $0x3;
	s19 =	sadd.s32 s29, s10;
	[smem:$0x7DA] =	sst s3  }
0x28: {  	s25 =	sadd.s32 s6, s21;
	s26 =	sadd.s32 s21, s14;
	[smem:$0x7DB] =	sst s19  }
0x29: {  	s29 =	sshrl.u32 s17, $0x3;
	s11 =	sshrl.u32 s11, $0x3;
	[smem:$0x7DE] =	sst s25  }
0x2a: {  	s18 =	sadd.s32 s6, s12;
	s12 =	sadd.s32 s12, s14;
	[smem:$0x7DF] =	sst s26  }
0x2b: {  	s17 =	sadd.s32 s6, s11;
	s11 =	sadd.s32 s11, s14;
	[dreg:$0x1c] =	wrdreg s12  }
0x2c: {  	s28 =	sshrl.u32 s16, $0x3;
	s16 =	sadd.s32 s4, s29;
	[smem:$0x7E1] =	sst s11  }
0x2d: {  	s19 =	sadd.s32 s2, s29;
	[smem:$0x7E5] =	sst s16  }
0x2e: {  	[smem:$0x7E6] =	sst s19  }
0x2f: {  	s24 =	smul.u32 $0xC00, s15;
	s12 =	sadd.s32 s2, s30;
	[dreg:$0x1b] =	wrdreg s18  }
0x30: {  	s30 =	sshrl.u32 s20, $0x3;
	s20 =	smul.u32 $0x180, s29;
	[smem:$0x7F6] =	sst s17  }
0x31: {  	s29 =	sshrl.u32 s24, $0x3;
	s24 =	smax.u32 s5, $0x1;
	[dreg:$0x1e] =	wrdreg s12  }
0x32: {  	s9 =	sshrl.u32 s9, $0x3;
	s12 =	sadd.s32 s21, s10;
	[smem:$0x7F3] =	sst s24  }
0x33: {  	s25 =	smul.u32 $0x9B0, s22;
	s21 =	sadd.s32 s4, s15;
	[smem:$0x7E0] =	sst s12  }
0x34: {  	s31 =	smul.u32 $0xC00, s30;
	s30 =	sadd.s32 s4, s9;
	[smem:$0x7E7] =	sst s21  }
0x35: {  	s13 =	sadd.s32 $0x17000, s7;
	s4 =	sadd.s32 s25, s4;
	[smem:$0x7ED] =	sst s30  }
0x36: {  	s16 =	smul.u32 $0x26C00, s1;
	s26 =	sadd.s32 s6, s20;
	[smem:$0x7EE] =	sst s4  }
0x37: {  	s12 =	smul.u32 $0x180, s28;
	s28 =	sadd.s32 s20, s14;
	[smem:$0x7EB] =	sst s26  }
0x38: {  	s11 =	sshrl.u32 s31, $0x3;
	[smem:$0x7EC] =	sst s28;
	s31 =	sadd.s32 s25, s2  }
0x39: {  	s4 =	sshrl.u32 s13, $0x3;
	s2 =	sadd.s32 s2, s9;
	[smem:$0x7EF] =	sst s31  }
0x3a: {  	s22 =	sadd.s32 s16, s8;
	s21 =	sadd.s32 s4, s6;
	[smem:$0x7F0] =	sst s2  }
0x3b: {  	s25 =	sadd.s32 $0x2300, s22;
	[dreg:$0x8] =	wrdreg s21  }
0x3c: {  	s26 =	sadd.s32 $0x100, s18;
	[smem:$0x7F4] =	sst s25  }
0x3d: {  	s28 =	sadd.s32 $0x100, s17;
	[smem:$0x7F5] =	sst s26  }
0x3e: {  	s0 =	sadd.s32 s6, s12;
	[smem:$0x7F7] =	sst s28  }
0x3f: {  	s3 =	sadd.s32 s12, s14;
	[smem:$0x7E2] =	sst s0  }
0x40: {  	s12 =	sadd.s32 s12, s10;
	[smem:$0x7E3] =	sst s3  }
0x41: {  	s15 =	sadd.s32 s6, s11;
	s11 =	sadd.s32 s11, s14;
	[smem:$0x7E4] =	sst s12  }
0x42: {  	s10 =	sadd.s32 s20, s10;
	[smem:$0x7E9] =	sst s11  }
0x43: {  	[smem:$0x7EA] =	sst s10  }
0x44: {  	s0 =	smul.u32 $0xC00, s9;
	s12 =	sadd.s32 s29, s14;
	[smem:$0x7F8] =	sst s15  }
0x45: {  	s3 =	sadd.s32 s6, s29;
	s29 =	sadd.s32 $0x100, s15;
	[smem:$0x7F1] =	sst s12  }
0x46: {  	[smem:$0x7F9] =	sst s29  }
0x47: {  	[smem:$0x7FA] =	sst s3;
	s30 =	sadd.s32 $0x100, s3;
	s2 =	sshrl.u32 s0, $0x3  }
0x48: {  	[smem:$0x7FB] =	sst s30;
	s19 =	sadd.s32 s2, s14  }
0x49: {  	s20 =	sadd.s32 s6, s2;
	[smem:$0x7F2] =	sst s19  }
0x4a: {  	s13 =	simm.s32 $0xC00;
	[smem:$0x7FC] =	sst s20;
	s31 =	sadd.s32 $0x100, s20  }
0x4b: {  	s11 =	simm.s32 $0x400;
	s2 =	simm.s32 $0x0;
	[smem:$0x7FD] =	sst s31  }
.LBB2_1:
0x4c: {  	s1 =	sld [smem:$0x7DC];
	_ =	sdelay $0x1  }
0x4d: {  	s3 =	simm.s32 $0x0;
	s25 =	sld [smem:$0x7DD]  }
0x4e: {  	[tilespmem:s3], [sflag:$0x1] =	stream.linear.gather [hbm4b:s1+s3], $0x50, $0x38;
	[tilespmem:$0x1E400] =	vst v63  }
0x4f: {  	[smem:$0x7D9] =	sst s2;
	s24 =	simm.s32 $0x200  }
0x50: {  	[tilespmem:s24], [sflag:$0x1] =	stream.linear.gather [hbm4b:s25+s3], $0x50, $0x38;
	[tilespmem:$0x1E400] =	vst v63  }
0x51: {  	s26 =	rddreg [dreg:$0x17];
	s0 =	simm.s32 $0x80  }
0x52: {  	[tilespmem:s0], [sflag:$0x2] =	stream.linear.gather [hbm4b:s26+s3], $0x50, $0x38;
	[tilespmem:$0x1E400] =	vst v63  }
0x53: {  	s29 =	rddreg [dreg:$0x18];
	s19 =	simm.s32 $0x280;
	s5 =	simm.s32 $0x1  }
0x54: {  	[tilespmem:s19], [sflag:$0x2] =	stream.linear.gather [hbm4b:s29+s3], $0x50, $0x38;
	[tilespmem:$0x1E400] =	vst v63  }
0x55: {  	_ =	swait.ge [sflag:s5], $0x50  }
0x56: {  	[sflag:s5] =	ssyncset.done $0x0  }
0x57: {  	[sflag:s5] =	ssyncadd.s32 $0xFFFFFFB0  }
0x58: {  	_ =	swait.ge [sflag:s5], $0x50  }
0x59: {  	[sflag:s5] =	ssyncset.done $0x0  }
0x5a: {  	[sflag:s5] =	ssyncadd.s32 $0xFFFFFFB0  }
0x5b: {  	s10 =	simm.s32 $0x50;
	s0 =	rddreg [dreg:$0x0]  }
0x5c: {  	[tilespmem:s11], [sflag:$0x5] =	stream.indirect.gather [hbm4b:s0+s10], $0x80, s3, s10, $0xb8;
	[tilespmem:$0x1E400] =	vst v63  }
0x5d: {  	s20 =	simm.s32 $0xA400  }
0x5e: {  	[tilespmem:s20], [sflag:$0x5] =	stream.indirect.gather [hbm4b:s0+s10], $0x80, s24, s10, $0xb8;
	[tilespmem:$0x1E400] =	vst v63  }
0x5f: {  	s29 =	simm.s32 $0x14400;
	s30 =	rddreg [dreg:$0xa]  }
0x60: {  	[tilespmem:s29], [sflag:$0x5] =	stream.linear.gather [hbm4b:s30+s3], $0x2800, $0x38;
	[tilespmem:$0x1E400] =	vst v63  }
0x61: {  	s9 =	simm.s32 $0x100;
	s31 =	rddreg [dreg:$0x13]  }
0x62: {  	[tilespmem:s9], [sflag:$0x3] =	stream.linear.gather [hbm4b:s31+s3], $0x50, $0x38;
	[tilespmem:$0x1E400] =	vst v63  }
0x63: {  	s17 =	simm.s32 $0x300;
	s4 =	rddreg [dreg:$0x14];
	s31 =	simm.s32 $0x2  }
0x64: {  	[tilespmem:s17], [sflag:$0x3] =	stream.linear.gather [hbm4b:s4+s3], $0x50, $0x38;
	[tilespmem:$0x1E400] =	vst v63  }
0x65: {  	_ =	swait.ge [sflag:s31], $0x50  }
0x66: {  	[sflag:s31] =	ssyncset.done $0x0  }
0x67: {  	[sflag:s31] =	ssyncadd.s32 $0xFFFFFFB0  }
0x68: {  	_ =	swait.ge [sflag:s31], $0x50  }
0x69: {  	[sflag:s31] =	ssyncset.done $0x0  }
0x6a: {  	s28 =	simm.s32 $0x80;
	s25 =	simm.s32 $0x2C00;
	[sflag:s31] =	ssyncadd.s32 $0xFFFFFFB0  }
0x6b: {  	[tilespmem:s25], [sflag:$0x6] =	stream.indirect.gather [hbm4b:s0+s10], $0x80, s28, s10, $0xb8;
	[tilespmem:$0x1E400] =	vst v63  }
0x6c: {  	s6 =	simm.s32 $0xCC00  }
0x6d: {  	[tilespmem:s6], [sflag:$0x6] =	stream.indirect.gather [hbm4b:s0+s10], $0x80, s19, s10, $0xb8;
	[tilespmem:$0x1E400] =	vst v63  }
0x6e: {  	s4 =	simm.s32 $0x16C00;
	s7 =	rddreg [dreg:$0xb]  }
0x6f: {  	[tilespmem:s4], [sflag:$0x6] =	stream.linear.gather [hbm4b:s7+s3], $0x2800, $0x38;
	[tilespmem:$0x1E400] =	vst v63  }
0x70: {  	s14 =	simm.s32 $0x180;
	s8 =	rddreg [dreg:$0x15]  }
0x71: {  	[tilespmem:s14], [sflag:$0x4] =	stream.linear.gather [hbm4b:s8+s3], $0x50, $0x38;
	[tilespmem:$0x1E400] =	vst v63  }
0x72: {  	s18 =	simm.s32 $0x380;
	s30 =	simm.s32 $0x5;
	s16 =	rddreg [dreg:$0x16]  }
0x73: {  	[tilespmem:s18], [sflag:$0x4] =	stream.linear.gather [hbm4b:s16+s3], $0x50, $0x38;
	[tilespmem:$0x1E400] =	vst v63  }
0x74: {  	_ =	swait.ge [sflag:s30], $0x2800  }
0x75: {  	[sflag:s30] =	ssyncset.done $0x0  }
0x76: {  	[sflag:s30] =	ssyncadd.s32 $0xFFFFD800  }
0x77: {  	_ =	swait.ge [sflag:s30], $0x2800  }
0x78: {  	[sflag:s30] =	ssyncset.done $0x0  }
0x79: {  	[sflag:s30] =	ssyncadd.s32 $0xFFFFD800  }
0x7a: {  	_ =	swait.ge [sflag:s30], $0x2800  }
0x7b: {  	[sflag:s30] =	ssyncset.done $0x0;
	s21 =	rddreg [dreg:$0x1f]  }
0x7c: {  	s22 =	sld [smem:$0x7DA];
	[sflag:s30] =	ssyncadd.s32 $0xFFFFD800  }
0x7d: {  	[hbm4b:s21+s11] =	stream.strided.scatter [tilespmem:s11], [sflag:$0x9], $0x2800, s13, s11, $0x38;
	[tilespmem:$0x1E400] =	vst v63  }
0x7e: {  	s26 =	sld [smem:$0x7DB]  }
0x7f: {  	[hbm4b:s22+s11] =	stream.strided.scatter [tilespmem:s20], [sflag:$0x9], $0x2800, s13, s11, $0x38;
	[tilespmem:$0x1E400] =	vst v63  }
0x80: {  	_ = 	snop  }
0x81: {  	[hbm4b:s26+s11] =	stream.strided.scatter [tilespmem:s29], [sflag:$0x9], $0x2800, s13, s11, $0x38;
	[tilespmem:$0x1E400] =	vst v63  }
0x82: {  	s26 =	simm.s32 $0x3  }
0x83: {  	_ =	swait.ge [sflag:s26], $0x50  }
0x84: {  	[sflag:s26] =	ssyncset.done $0x0  }
0x85: {  	[sflag:s26] =	ssyncadd.s32 $0xFFFFFFB0  }
0x86: {  	_ =	swait.ge [sflag:s26], $0x50  }
0x87: {  	[sflag:s26] =	ssyncset.done $0x0  }
0x88: {  	s7 =	simm.s32 $0x5400;
	[sflag:s26] =	ssyncadd.s32 $0xFFFFFFB0  }
0x89: {  	[tilespmem:s7], [sflag:$0x7] =	stream.indirect.gather [hbm4b:s0+s10], $0x80, s9, s10, $0xb8;
	[tilespmem:$0x1E400] =	vst v63  }
0x8a: {  	s21 =	simm.s32 $0xF400  }
0x8b: {  	[tilespmem:s21], [sflag:$0x7] =	stream.indirect.gather [hbm4b:s0+s10], $0x80, s17, s10, $0xb8;
	[tilespmem:$0x1E400] =	vst v63  }
0x8c: {  	s6 =	simm.s32 $0x19400;
	s28 =	rddreg [dreg:$0xc]  }
0x8d: {  	[tilespmem:s6], [sflag:$0x7] =	stream.linear.gather [hbm4b:s28+s3], $0x2800, $0x38;
	[tilespmem:$0x1E400] =	vst v63  }
0x8e: {  	s8 =	rddreg [dreg:$0x19]  }
0x8f: {  	[tilespmem:s3], [sflag:$0x1] =	stream.linear.gather [hbm4b:s8+s3], $0x50, $0x38;
	[tilespmem:$0x1E400] =	vst v63  }
0x90: {  	s18 =	rddreg [dreg:$0x1a];
	s6 =	simm.s32 $0x6  }
0x91: {  	[tilespmem:s24], [sflag:$0x1] =	stream.linear.gather [hbm4b:s18+s3], $0x50, $0x38;
	[tilespmem:$0x1E400] =	vst v63  }
0x92: {  	_ =	swait.ge [sflag:s6], $0x2800  }
0x93: {  	[sflag:s6] =	ssyncset.done $0x0  }
0x94: {  	[sflag:s6] =	ssyncadd.s32 $0xFFFFD800  }
0x95: {  	_ =	swait.ge [sflag:s6], $0x2800  }
0x96: {  	[sflag:s6] =	ssyncset.done $0x0  }
0x97: {  	[sflag:s6] =	ssyncadd.s32 $0xFFFFD800  }
0x98: {  	_ =	swait.ge [sflag:s6], $0x2800  }
0x99: {  	[sflag:s6] =	ssyncset.done $0x0;
	s22 =	rddreg [dreg:$0x1b]  }
0x9a: {  	s28 =	rddreg [dreg:$0x1c];
	[sflag:s6] =	ssyncadd.s32 $0xFFFFD800  }
0x9b: {  	[hbm4b:s22+s11] =	stream.strided.scatter [tilespmem:s25], [sflag:$0xA], $0x2800, s13, s11, $0x38;
	[tilespmem:$0x1E400] =	vst v63  }
0x9c: {  	s15 =	simm.s32 $0xCC00;
	s8 =	sld [smem:$0x7F5]  }
0x9d: {  	[hbm4b:s28+s11] =	stream.strided.scatter [tilespmem:s15], [sflag:$0xA], $0x2800, s13, s11, $0x38;
	[tilespmem:$0x1E400] =	vst v63  }
0x9e: {  	s12 =	simm.s32 $0x16C00;
	s28 =	simm.s32 $0x4  }
0x9f: {  	[hbm4b:s8+s11] =	stream.strided.scatter [tilespmem:s12], [sflag:$0xA], $0x2800, s13, s11, $0x38;
	[tilespmem:$0x1E400] =	vst v63  }
0xa0: {  	_ =	swait.ge [sflag:s28], $0x50  }
0xa1: {  	[sflag:s28] =	ssyncset.done $0x0  }
0xa2: {  	[sflag:s28] =	ssyncadd.s32 $0xFFFFFFB0  }
0xa3: {  	_ =	swait.ge [sflag:s28], $0x50  }
0xa4: {  	[sflag:s28] =	ssyncset.done $0x0  }
0xa5: {  	s14 =	simm.s32 $0x180;
	s12 =	simm.s32 $0x7C00;
	[sflag:s28] =	ssyncadd.s32 $0xFFFFFFB0  }
0xa6: {  	[tilespmem:s12], [sflag:$0x8] =	stream.indirect.gather [hbm4b:s0+s10], $0x80, s14, s10, $0xb8;
	[tilespmem:$0x1E400] =	vst v63  }
0xa7: {  	s4 =	simm.s32 $0x380;
	s15 =	simm.s32 $0x11C00  }
0xa8: {  	[tilespmem:s15], [sflag:$0x8] =	stream.indirect.gather [hbm4b:s0+s10], $0x80, s4, s10, $0xb8;
	[tilespmem:$0x1E400] =	vst v63  }
0xa9: {  	s18 =	rddreg [dreg:$0xd];
	s14 =	simm.s32 $0x1BC00  }
0xaa: {  	[tilespmem:s14], [sflag:$0x8] =	stream.linear.gather [hbm4b:s18+s3], $0x2800, $0x38;
	[tilespmem:$0x1E400] =	vst v63  }
0xab: {  	s2 =	simm.s32 $0x80;
	s22 =	rddreg [dreg:$0x1d]  }
0xac: {  	[tilespmem:s2], [sflag:$0x2] =	stream.linear.gather [hbm4b:s22+s3], $0x50, $0x38;
	[tilespmem:$0x1E400] =	vst v63  }
0xad: {  	s4 =	simm.s32 $0x7;
	s2 =	rddreg [dreg:$0x1e]  }
0xae: {  	[tilespmem:s19], [sflag:$0x2] =	stream.linear.gather [hbm4b:s2+s3], $0x50, $0x38;
	[tilespmem:$0x1E400] =	vst v63  }
0xaf: {  	_ =	swait.ge [sflag:s4], $0x2800  }
0xb0: {  	[sflag:s4] =	ssyncset.done $0x0  }
0xb1: {  	[sflag:s4] =	ssyncadd.s32 $0xFFFFD800  }
0xb2: {  	_ =	swait.ge [sflag:s4], $0x2800  }
0xb3: {  	[sflag:s4] =	ssyncset.done $0x0  }
0xb4: {  	[sflag:s4] =	ssyncadd.s32 $0xFFFFD800  }
0xb5: {  	_ =	swait.ge [sflag:s4], $0x2800  }
0xb6: {  	s15 =	rddreg [dreg:$0x6]  }
0xb7: {  	[sflag:s4] =	ssyncset.done $0x0;
	s2 =	sadd.s32 $0x0, s15  }
0xb8: {  	[sflag:s4] =	ssyncadd.s32 $0xFFFFD800;
	s18 =	sadd.s32 $0x1E00, s2  }
0xb9: {  	[hbm4b:s18+s11] =	stream.strided.scatter [tilespmem:s7], [sflag:$0xB], $0x2800, s13, s11, $0x38;
	[tilespmem:$0x1E400] =	vst v63  }
0xba: {  	s22 =	sadd.s32 $0x1E80, s2  }
0xbb: {  	[hbm4b:s22+s11] =	stream.strided.scatter [tilespmem:s21], [sflag:$0xB], $0x2800, s13, s11, $0x38;
	[tilespmem:$0x1E400] =	vst v63  }
0xbc: {  	s16 =	simm.s32 $0x19400;
	s1 =	sadd.s32 $0x1F00, s2  }
0xbd: {  	[hbm4b:s1+s11] =	stream.strided.scatter [tilespmem:s16], [sflag:$0xB], $0x2800, s13, s11, $0x38;
	[tilespmem:$0x1E400] =	vst v63  }
0xbe: {  	_ =	swait.ge [sflag:s5], $0x50  }
0xbf: {  	[sflag:s5] =	ssyncset.done $0x0  }
0xc0: {  	[sflag:s5] =	ssyncadd.s32 $0xFFFFFFB0  }
0xc1: {  	_ =	swait.ge [sflag:s5], $0x50  }
0xc2: {  	[sflag:s5] =	ssyncset.done $0x0  }
0xc3: {  	s15 =	simm.s32 $0x9;
	[sflag:s5] =	ssyncadd.s32 $0xFFFFFFB0  }
0xc4: {  	_ =	swait.ge [sflag:s15], $0x2800  }
0xc5: {  	[sflag:s15] =	ssyncset.done $0x0  }
0xc6: {  	[sflag:s15] =	ssyncadd.s32 $0xFFFFD800  }
0xc7: {  	_ =	swait.ge [sflag:s15], $0x2800  }
0xc8: {  	[sflag:s15] =	ssyncset.done $0x0  }
0xc9: {  	[sflag:s15] =	ssyncadd.s32 $0xFFFFD800  }
0xca: {  	_ =	swait.ge [sflag:s15], $0x2800  }
0xcb: {  	[sflag:s15] =	ssyncset.done $0x0;
	s22 =	sld [smem:$0x7F4]  }
0xcc: {  	s1 =	sld [smem:$0x7EE];
	[sflag:s15] =	ssyncadd.s32 $0xFFFFD800  }
0xcd: {  	[tilespmem:s11], [sflag:$0x5] =	stream.indirect.gather [hbm4b:s0+s10], $0x80, s3, s10, $0xb8;
	[tilespmem:$0x1E400] =	vst v63  }
0xce: {  	s5 =	sld [smem:$0x7EF]  }
0xcf: {  	[tilespmem:s20], [sflag:$0x5] =	stream.indirect.gather [hbm4b:s0+s10], $0x80, s24, s10, $0xb8;
	[tilespmem:$0x1E400] =	vst v63  }
0xd0: {  	s16 =	sadd.s32 $0xFFFFF100, s22;
	s15 =	sadd.s32 s1, s23  }
0xd1: {  	[tilespmem:s29], [sflag:$0x5] =	stream.linear.gather [hbm4b:s16+s3], $0x2800, $0x38;
	[tilespmem:$0x1E400] =	vst v63  }
0xd2: {  	s4 =	sadd.s32 s5, s23;
	s18 =	sadd.s32 $0x3C, s15  }
0xd3: {  	[tilespmem:s9], [sflag:$0x3] =	stream.linear.gather [hbm4b:s18+s3], $0x50, $0x38;
	[tilespmem:$0x1E400] =	vst v63  }
0xd4: {  	s23 =	sadd.s32 $0x3C, s4;
	s18 =	simm.s32 $0x8  }
0xd5: {  	[tilespmem:s17], [sflag:$0x3] =	stream.linear.gather [hbm4b:s23+s3], $0x50, $0x38;
	[tilespmem:$0x1E400] =	vst v63  }
0xd6: {  	_ =	swait.ge [sflag:s18], $0x2800  }
0xd7: {  	[sflag:s18] =	ssyncset.done $0x0  }
0xd8: {  	[sflag:s18] =	ssyncadd.s32 $0xFFFFD800  }
0xd9: {  	_ =	swait.ge [sflag:s18], $0x2800  }
0xda: {  	[sflag:s18] =	ssyncset.done $0x0  }
0xdb: {  	[sflag:s18] =	ssyncadd.s32 $0xFFFFD800  }
0xdc: {  	_ =	swait.ge [sflag:s18], $0x2800  }
0xdd: {  	[sflag:s18] =	ssyncset.done $0x0  }
0xde: {  	s8 =	simm.s32 $0x7C00;
	s23 =	sadd.s32 $0x2D00, s2;
	[sflag:s18] =	ssyncadd.s32 $0xFFFFD800  }
0xdf: {  	[hbm4b:s23+s11] =	stream.strided.scatter [tilespmem:s8], [sflag:$0xC], $0x2800, s13, s11, $0x38;
	[tilespmem:$0x1E400] =	vst v63  }
0xe0: {  	s12 =	simm.s32 $0x11C00;
	s18 =	rddreg [dreg:$0x8];
	s23 =	sadd.s32 $0x2D80, s2  }
0xe1: {  	[hbm4b:s23+s11] =	stream.strided.scatter [tilespmem:s12], [sflag:$0xC], $0x2800, s13, s11, $0x38;
	[tilespmem:$0x1E400] =	vst v63  }
0xe2: {  	s8 =	sadd.s32 $0x0, s18  }
0xe3: {  	[hbm4b:s8+s11] =	stream.strided.scatter [tilespmem:s14], [sflag:$0xC], $0x2800, s13, s11, $0x38;
	[tilespmem:$0x1E400] =	vst v63  }
0xe4: {  	_ =	swait.ge [sflag:s31], $0x50  }
0xe5: {  	[sflag:s31] =	ssyncset.done $0x0  }
0xe6: {  	[sflag:s31] =	ssyncadd.s32 $0xFFFFFFB0  }
0xe7: {  	_ =	swait.ge [sflag:s31], $0x50  }
0xe8: {  	[sflag:s31] =	ssyncset.done $0x0  }
0xe9: {  	s12 =	simm.s32 $0xA;
	[sflag:s31] =	ssyncadd.s32 $0xFFFFFFB0  }
0xea: {  	_ =	swait.ge [sflag:s12], $0x2800  }
0xeb: {  	[sflag:s12] =	ssyncset.done $0x0  }
0xec: {  	[sflag:s12] =	ssyncadd.s32 $0xFFFFD800  }
0xed: {  	_ =	swait.ge [sflag:s12], $0x2800  }
0xee: {  	[sflag:s12] =	ssyncset.done $0x0  }
0xef: {  	[sflag:s12] =	ssyncadd.s32 $0xFFFFD800  }
0xf0: {  	_ =	swait.ge [sflag:s12], $0x2800  }
0xf1: {  	[sflag:s12] =	ssyncset.done $0x0  }
0xf2: {  	s23 =	simm.s32 $0x80;
	[sflag:s12] =	ssyncadd.s32 $0xFFFFD800  }
0xf3: {  	[tilespmem:s25], [sflag:$0x6] =	stream.indirect.gather [hbm4b:s0+s10], $0x80, s23, s10, $0xb8;
	[tilespmem:$0x1E400] =	vst v63  }
0xf4: {  	s31 =	simm.s32 $0xCC00  }
0xf5: {  	[tilespmem:s31], [sflag:$0x6] =	stream.indirect.gather [hbm4b:s0+s10], $0x80, s19, s10, $0xb8;
	[tilespmem:$0x1E400] =	vst v63  }
0xf6: {  	s18 =	sadd.s32 $0xFFFFF600, s22;
	s8 =	simm.s32 $0x16C00  }
0xf7: {  	[tilespmem:s8], [sflag:$0x6] =	stream.linear.gather [hbm4b:s18+s3], $0x2800, $0x38;
	[tilespmem:$0x1E400] =	vst v63  }
0xf8: {  	s12 =	simm.s32 $0x180;
	s19 =	sadd.s32 $0x46, s15  }
0xf9: {  	[tilespmem:s12], [sflag:$0x4] =	stream.linear.gather [hbm4b:s19+s3], $0x50, $0x38;
	[tilespmem:$0x1E400] =	vst v63  }
0xfa: {  	s18 =	sadd.s32 $0x46, s4;
	s19 =	simm.s32 $0x380  }
0xfb: {  	[tilespmem:s19], [sflag:$0x4] =	stream.linear.gather [hbm4b:s18+s3], $0x50, $0x38;
	[tilespmem:$0x1E400] =	vst v63  }
0xfc: {  	_ =	swait.ge [sflag:s30], $0x2800  }
0xfd: {  	[sflag:s30] =	ssyncset.done $0x0  }
0xfe: {  	[sflag:s30] =	ssyncadd.s32 $0xFFFFD800  }
0xff: {  	_ =	swait.ge [sflag:s30], $0x2800  }
0x100: {  	[sflag:s30] =	ssyncset.done $0x0  }
0x101: {  	[sflag:s30] =	ssyncadd.s32 $0xFFFFD800  }
0x102: {  	_ =	swait.ge [sflag:s30], $0x2800  }
0x103: {  	[sflag:s30] =	ssyncset.done $0x0  }
0x104: {  	[sflag:s30] =	ssyncadd.s32 $0xFFFFD800;
	s30 =	sadd.s32 $0x3C00, s2  }
0x105: {  	[hbm4b:s30+s11] =	stream.strided.scatter [tilespmem:s11], [sflag:$0x9], $0x2800, s13, s11, $0x38;
	[tilespmem:$0x1E400] =	vst v63  }
0x106: {  	s18 =	sadd.s32 $0x3C80, s2  }
0x107: {  	[hbm4b:s18+s11] =	stream.strided.scatter [tilespmem:s20], [sflag:$0x9], $0x2800, s13, s11, $0x38;
	[tilespmem:$0x1E400] =	vst v63  }
0x108: {  	s20 =	sadd.s32 $0x3D00, s2  }
0x109: {  	[hbm4b:s20+s11] =	stream.strided.scatter [tilespmem:s29], [sflag:$0x9], $0x2800, s13, s11, $0x38;
	[tilespmem:$0x1E400] =	vst v63  }
0x10a: {  	_ =	swait.ge [sflag:s26], $0x50  }
0x10b: {  	[sflag:s26] =	ssyncset.done $0x0  }
0x10c: {  	[sflag:s26] =	ssyncadd.s32 $0xFFFFFFB0  }
0x10d: {  	_ =	swait.ge [sflag:s26], $0x50  }
0x10e: {  	[sflag:s26] =	ssyncset.done $0x0  }
0x10f: {  	s30 =	simm.s32 $0xB;
	[sflag:s26] =	ssyncadd.s32 $0xFFFFFFB0  }
0x110: {  	_ =	swait.ge [sflag:s30], $0x2800  }
0x111: {  	[sflag:s30] =	ssyncset.done $0x0  }
0x112: {  	[sflag:s30] =	ssyncadd.s32 $0xFFFFD800  }
0x113: {  	_ =	swait.ge [sflag:s30], $0x2800  }
0x114: {  	[sflag:s30] =	ssyncset.done $0x0  }
0x115: {  	[sflag:s30] =	ssyncadd.s32 $0xFFFFD800  }
0x116: {  	_ =	swait.ge [sflag:s30], $0x2800  }
0x117: {  	[sflag:s30] =	ssyncset.done $0x0  }
0x118: {  	[sflag:s30] =	ssyncadd.s32 $0xFFFFD800  }
0x119: {  	[tilespmem:s7], [sflag:$0x7] =	stream.indirect.gather [hbm4b:s0+s10], $0x80, s9, s10, $0xb8;
	[tilespmem:$0x1E400] =	vst v63  }
0x11a: {  	_ = 	snop  }
0x11b: {  	[tilespmem:s21], [sflag:$0x7] =	stream.indirect.gather [hbm4b:s0+s10], $0x80, s17, s10, $0xb8;
	[tilespmem:$0x1E400] =	vst v63  }
0x11c: {  	s9 =	sadd.s32 $0xFFFFFB00, s22;
	s17 =	simm.s32 $0x19400  }
0x11d: {  	[tilespmem:s17], [sflag:$0x7] =	stream.linear.gather [hbm4b:s9+s3], $0x2800, $0x38;
	[tilespmem:$0x1E400] =	vst v63  }
0x11e: {  	s18 =	sadd.s32 $0x50, s15  }
0x11f: {  	[tilespmem:s3], [sflag:$0x1] =	stream.linear.gather [hbm4b:s18+s3], $0x50, $0x38;
	[tilespmem:$0x1E400] =	vst v63  }
0x120: {  	s20 =	sadd.s32 $0x50, s4  }
0x121: {  	[tilespmem:s24], [sflag:$0x1] =	stream.linear.gather [hbm4b:s20+s3], $0x50, $0x38;
	[tilespmem:$0x1E400] =	vst v63  }
0x122: {  	_ =	swait.ge [sflag:s6], $0x2800  }
0x123: {  	[sflag:s6] =	ssyncset.done $0x0  }
0x124: {  	[sflag:s6] =	ssyncadd.s32 $0xFFFFD800  }
0x125: {  	_ =	swait.ge [sflag:s6], $0x2800  }
0x126: {  	[sflag:s6] =	ssyncset.done $0x0  }
0x127: {  	[sflag:s6] =	ssyncadd.s32 $0xFFFFD800  }
0x128: {  	_ =	swait.ge [sflag:s6], $0x2800  }
0x129: {  	[sflag:s6] =	ssyncset.done $0x0  }
0x12a: {  	s21 =	sadd.s32 $0x4B00, s2;
	[sflag:s6] =	ssyncadd.s32 $0xFFFFD800  }
0x12b: {  	[hbm4b:s21+s11] =	stream.strided.scatter [tilespmem:s25], [sflag:$0xA], $0x2800, s13, s11, $0x38;
	[tilespmem:$0x1E400] =	vst v63  }
0x12c: {  	s2 =	sadd.s32 $0x4B80, s2;
	s24 =	rddreg [dreg:$0x7]  }
0x12d: {  	[hbm4b:s2+s11] =	stream.strided.scatter [tilespmem:s31], [sflag:$0xA], $0x2800, s13, s11, $0x38;
	[tilespmem:$0x1E400] =	vst v63  }
0x12e: {  	s26 =	sadd.s32 $0x0, s24  }
0x12f: {  	[hbm4b:s26+s11] =	stream.strided.scatter [tilespmem:s8], [sflag:$0xA], $0x2800, s13, s11, $0x38;
	[tilespmem:$0x1E400] =	vst v63  }
0x130: {  	_ =	swait.ge [sflag:s28], $0x50  }
0x131: {  	[sflag:s28] =	ssyncset.done $0x0  }
0x132: {  	[sflag:s28] =	ssyncadd.s32 $0xFFFFFFB0  }
0x133: {  	_ =	swait.ge [sflag:s28], $0x50  }
0x134: {  	[sflag:s28] =	ssyncset.done $0x0  }
0x135: {  	[sflag:s28] =	ssyncadd.s32 $0xFFFFFFB0;
	s28 =	simm.s32 $0xC  }
0x136: {  	_ =	swait.ge [sflag:s28], $0x2800  }
0x137: {  	[sflag:s28] =	ssyncset.done $0x0  }
0x138: {  	[sflag:s28] =	ssyncadd.s32 $0xFFFFD800  }
0x139: {  	_ =	swait.ge [sflag:s28], $0x2800  }
0x13a: {  	[sflag:s28] =	ssyncset.done $0x0  }
0x13b: {  	[sflag:s28] =	ssyncadd.s32 $0xFFFFD800  }
0x13c: {  	_ =	swait.ge [sflag:s28], $0x2800  }
0x13d: {  	[sflag:s28] =	ssyncset.done $0x0  }
0x13e: {  	s29 =	simm.s32 $0x7C00;
	[sflag:s28] =	ssyncadd.s32 $0xFFFFD800  }
0x13f: {  	[tilespmem:s29], [sflag:$0x8] =	stream.indirect.gather [hbm4b:s0+s10], $0x80, s12, s10, $0xb8;
	[tilespmem:$0x1E400] =	vst v63  }
0x140: {  	s30 =	simm.s32 $0x11C00  }
0x141: {  	[tilespmem:s30], [sflag:$0x8] =	stream.indirect.gather [hbm4b:s0+s10], $0x80, s19, s10, $0xb8;
	[tilespmem:$0x1E400] =	vst v63  }
0x142: {  	s16 =	sadd.s32 $0x1400, s22;
	s18 =	sadd.s32 $0x28, s1;
	s31 =	sadd.s32 $0x5A, s15  }
0x143: {  	[tilespmem:s14], [sflag:$0x8] =	stream.linear.gather [hbm4b:s22+s3], $0x2800, $0x38;
	[tilespmem:$0x1E400] =	vst v63  }
0x144: {  	s15 =	simm.s32 $0x3C00;
	s2 =	sadd.s32 $0x5A, s4;
	s22 =	sadd.s32 $0x28, s5  }
0x145: {  	[tilespmem:s23], [sflag:$0x2] =	stream.linear.gather [hbm4b:s31+s3], $0x50, $0x38;
	[tilespmem:$0x1E400] =	vst v63  }
.LBB2_2:
0x146: {  	s20 =	simm.s32 $0x280;
	s3 =	simm.s32 $0x0;
	s0 =	simm.s32 $0x7  }
0x147: {  	[tilespmem:s20], [sflag:$0x2] =	stream.linear.gather [hbm4b:s2+s3], $0x50, $0x38;
	[tilespmem:$0x1E400] =	vst v63  }
0x148: {  	_ =	swait.ge [sflag:s0], $0x2800  }
0x149: {  	[sflag:s0] =	ssyncset.done $0x0  }
0x14a: {  	[sflag:s0] =	ssyncadd.s32 $0xFFFFD800  }
0x14b: {  	_ =	swait.ge [sflag:s0], $0x2800  }
0x14c: {  	[sflag:s0] =	ssyncset.done $0x0  }
0x14d: {  	[sflag:s0] =	ssyncadd.s32 $0xFFFFD800  }
0x14e: {  	_ =	swait.ge [sflag:s0], $0x2800  }
0x14f: {  	s4 =	smov.u32 s15;
	s30 =	rddreg [dreg:$0x6]  }
0x150: {  	[sflag:s0] =	ssyncset.done $0x0;
	s24 =	sadd.s32 s4, s30  }
0x151: {  	s31 =	simm.s32 $0x5400;
	[sflag:s0] =	ssyncadd.s32 $0xFFFFD800;
	s2 =	sadd.s32 $0x1E00, s24  }
0x152: {  	[hbm4b:s2+s11] =	stream.strided.scatter [tilespmem:s31], [sflag:$0xB], $0x2800, s13, s11, $0x38;
	[tilespmem:$0x1E400] =	vst v63  }
0x153: {  	s21 =	simm.s32 $0xF400;
	s0 =	sadd.s32 $0x1E80, s24  }
0x154: {  	[hbm4b:s0+s11] =	stream.strided.scatter [tilespmem:s21], [sflag:$0xB], $0x2800, s13, s11, $0x38;
	[tilespmem:$0x1E400] =	vst v63  }
0x155: {  	s8 =	simm.s32 $0x19400;
	s1 =	sadd.s32 $0x1F00, s24  }
0x156: {  	[hbm4b:s1+s11] =	stream.strided.scatter [tilespmem:s8], [sflag:$0xB], $0x2800, s13, s11, $0x38;
	[tilespmem:$0x1E400] =	vst v63  }
0x157: {  	s1 =	simm.s32 $0x1  }
0x158: {  	_ =	swait.ge [sflag:s1], $0x50  }
0x159: {  	[sflag:s1] =	ssyncset.done $0x0  }
0x15a: {  	[sflag:s1] =	ssyncadd.s32 $0xFFFFFFB0  }
0x15b: {  	_ =	swait.ge [sflag:s1], $0x50  }
0x15c: {  	[sflag:s1] =	ssyncset.done $0x0  }
0x15d: {  	s2 =	simm.s32 $0x9;
	[sflag:s1] =	ssyncadd.s32 $0xFFFFFFB0  }
0x15e: {  	_ =	swait.ge [sflag:s2], $0x2800  }
0x15f: {  	[sflag:s2] =	ssyncset.done $0x0  }
0x160: {  	[sflag:s2] =	ssyncadd.s32 $0xFFFFD800  }
0x161: {  	_ =	swait.ge [sflag:s2], $0x2800  }
0x162: {  	[sflag:s2] =	ssyncset.done $0x0  }
0x163: {  	[sflag:s2] =	ssyncadd.s32 $0xFFFFD800  }
0x164: {  	_ =	swait.ge [sflag:s2], $0x2800  }
0x165: {  	[sflag:s2] =	ssyncset.done $0x0  }
0x166: {  	[sflag:s2] =	ssyncadd.s32 $0xFFFFD800  }
0x167: {  	s28 =	simm.s32 $0x50;
	s10 =	rddreg [dreg:$0x0]  }
0x168: {  	[tilespmem:s11], [sflag:$0x5] =	stream.indirect.gather [hbm4b:s10+s28], $0x80, s3, s28, $0xb8;
	[tilespmem:$0x1E400] =	vst v63  }
0x169: {  	s26 =	simm.s32 $0x200;
	s29 =	simm.s32 $0xA400;
	s6 =	rddreg [dreg:$0x9]  }
0x16a: {  	[tilespmem:s29], [sflag:$0x5] =	stream.indirect.gather [hbm4b:s10+s28], $0x80, s26, s28, $0xb8;
	[tilespmem:$0x1E400] =	vst v63  }
0x16b: {  	s5 =	sadd.s32 $0xFFFFF100, s16;
	s9 =	simm.s32 $0x14400;
	s25 =	sadd.s32 s18, s6  }
0x16c: {  	[tilespmem:s9], [sflag:$0x5] =	stream.linear.gather [hbm4b:s5+s3], $0x2800, $0x38;
	[tilespmem:$0x1E400] =	vst v63  }
0x16d: {  	s17 =	simm.s32 $0x100;
	s2 =	sadd.s32 s22, s6;
	s7 =	sadd.s32 $0x3C, s25  }
0x16e: {  	[tilespmem:s17], [sflag:$0x3] =	stream.linear.gather [hbm4b:s7+s3], $0x50, $0x38;
	[tilespmem:$0x1E400] =	vst v63  }
0x16f: {  	s14 =	simm.s32 $0x8;
	s31 =	simm.s32 $0x300;
	s12 =	sadd.s32 $0x3C, s2  }
0x170: {  	[tilespmem:s31], [sflag:$0x3] =	stream.linear.gather [hbm4b:s12+s3], $0x50, $0x38;
	[tilespmem:$0x1E400] =	vst v63  }
0x171: {  	_ =	swait.ge [sflag:s14], $0x2800  }
0x172: {  	[sflag:s14] =	ssyncset.done $0x0  }
0x173: {  	[sflag:s14] =	ssyncadd.s32 $0xFFFFD800  }
0x174: {  	_ =	swait.ge [sflag:s14], $0x2800  }
0x175: {  	[sflag:s14] =	ssyncset.done $0x0  }
0x176: {  	[sflag:s14] =	ssyncadd.s32 $0xFFFFD800  }
0x177: {  	_ =	swait.ge [sflag:s14], $0x2800  }
0x178: {  	[sflag:s14] =	ssyncset.done $0x0  }
0x179: {  	s19 =	sadd.s32 $0x2D00, s24;
	s12 =	simm.s32 $0x7C00;
	[sflag:s14] =	ssyncadd.s32 $0xFFFFD800  }
0x17a: {  	[hbm4b:s19+s11] =	stream.strided.scatter [tilespmem:s12], [sflag:$0xC], $0x2800, s13, s11, $0x38;
	[tilespmem:$0x1E400] =	vst v63  }
0x17b: {  	s23 =	sadd.s32 $0x2D80, s24;
	s5 =	rddreg [dreg:$0x8];
	s14 =	simm.s32 $0x11C00  }
0x17c: {  	[hbm4b:s23+s11] =	stream.strided.scatter [tilespmem:s14], [sflag:$0xC], $0x2800, s13, s11, $0x38;
	[tilespmem:$0x1E400] =	vst v63  }
0x17d: {  	s0 =	simm.s32 $0x2;
	s7 =	simm.s32 $0x1BC00;
	s30 =	sadd.s32 s4, s5  }
0x17e: {  	[hbm4b:s30+s11] =	stream.strided.scatter [tilespmem:s7], [sflag:$0xC], $0x2800, s13, s11, $0x38;
	[tilespmem:$0x1E400] =	vst v63  }
0x17f: {  	_ =	swait.ge [sflag:s0], $0x50  }
0x180: {  	[sflag:s0] =	ssyncset.done $0x0  }
0x181: {  	[sflag:s0] =	ssyncadd.s32 $0xFFFFFFB0  }
0x182: {  	_ =	swait.ge [sflag:s0], $0x50  }
0x183: {  	[sflag:s0] =	ssyncset.done $0x0  }
0x184: {  	s5 =	simm.s32 $0xA;
	[sflag:s0] =	ssyncadd.s32 $0xFFFFFFB0  }
0x185: {  	_ =	swait.ge [sflag:s5], $0x2800  }
0x186: {  	[sflag:s5] =	ssyncset.done $0x0  }
0x187: {  	[sflag:s5] =	ssyncadd.s32 $0xFFFFD800  }
0x188: {  	_ =	swait.ge [sflag:s5], $0x2800  }
0x189: {  	[sflag:s5] =	ssyncset.done $0x0  }
0x18a: {  	[sflag:s5] =	ssyncadd.s32 $0xFFFFD800  }
0x18b: {  	_ =	swait.ge [sflag:s5], $0x2800  }
0x18c: {  	[sflag:s5] =	ssyncset.done $0x0  }
0x18d: {  	s19 =	simm.s32 $0x80;
	s23 =	simm.s32 $0x2C00;
	[sflag:s5] =	ssyncadd.s32 $0xFFFFD800  }
0x18e: {  	[tilespmem:s23], [sflag:$0x6] =	stream.indirect.gather [hbm4b:s10+s28], $0x80, s19, s28, $0xb8;
	[tilespmem:$0x1E400] =	vst v63  }
0x18f: {  	s0 =	simm.s32 $0xCC00  }
0x190: {  	[tilespmem:s0], [sflag:$0x6] =	stream.indirect.gather [hbm4b:s10+s28], $0x80, s20, s28, $0xb8;
	[tilespmem:$0x1E400] =	vst v63  }
0x191: {  	s6 =	sadd.s32 $0xFFFFF600, s16;
	s20 =	simm.s32 $0x16C00  }
0x192: {  	[tilespmem:s20], [sflag:$0x6] =	stream.linear.gather [hbm4b:s6+s3], $0x2800, $0x38;
	[tilespmem:$0x1E400] =	vst v63  }
0x193: {  	s30 =	sadd.s32 $0x46, s25;
	s6 =	simm.s32 $0x180  }
0x194: {  	[tilespmem:s6], [sflag:$0x4] =	stream.linear.gather [hbm4b:s30+s3], $0x50, $0x38;
	[tilespmem:$0x1E400] =	vst v63  }
0x195: {  	s5 =	sadd.s32 $0x46, s2;
	s30 =	simm.s32 $0x380  }
0x196: {  	[tilespmem:s30], [sflag:$0x4] =	stream.linear.gather [hbm4b:s5+s3], $0x50, $0x38;
	[tilespmem:$0x1E400] =	vst v63  }
0x197: {  	s5 =	simm.s32 $0x5  }
0x198: {  	_ =	swait.ge [sflag:s5], $0x2800  }
0x199: {  	[sflag:s5] =	ssyncset.done $0x0  }
0x19a: {  	[sflag:s5] =	ssyncadd.s32 $0xFFFFD800  }
0x19b: {  	_ =	swait.ge [sflag:s5], $0x2800  }
0x19c: {  	[sflag:s5] =	ssyncset.done $0x0  }
0x19d: {  	[sflag:s5] =	ssyncadd.s32 $0xFFFFD800  }
0x19e: {  	_ =	swait.ge [sflag:s5], $0x2800  }
0x19f: {  	[sflag:s5] =	ssyncset.done $0x0  }
0x1a0: {  	[sflag:s5] =	ssyncadd.s32 $0xFFFFD800;
	s5 =	sadd.s32 $0x3C00, s24  }
0x1a1: {  	[hbm4b:s5+s11] =	stream.strided.scatter [tilespmem:s11], [sflag:$0x9], $0x2800, s13, s11, $0x38;
	[tilespmem:$0x1E400] =	vst v63  }
0x1a2: {  	s5 =	sadd.s32 $0x3C80, s24  }
0x1a3: {  	[hbm4b:s5+s11] =	stream.strided.scatter [tilespmem:s29], [sflag:$0x9], $0x2800, s13, s11, $0x38;
	[tilespmem:$0x1E400] =	vst v63  }
0x1a4: {  	s29 =	sadd.s32 $0x3D00, s24;
	s5 =	simm.s32 $0x3  }
0x1a5: {  	[hbm4b:s29+s11] =	stream.strided.scatter [tilespmem:s9], [sflag:$0x9], $0x2800, s13, s11, $0x38;
	[tilespmem:$0x1E400] =	vst v63  }
0x1a6: {  	_ =	swait.ge [sflag:s5], $0x50  }
0x1a7: {  	[sflag:s5] =	ssyncset.done $0x0  }
0x1a8: {  	[sflag:s5] =	ssyncadd.s32 $0xFFFFFFB0  }
0x1a9: {  	_ =	swait.ge [sflag:s5], $0x50  }
0x1aa: {  	[sflag:s5] =	ssyncset.done $0x0  }
0x1ab: {  	s9 =	simm.s32 $0xB;
	[sflag:s5] =	ssyncadd.s32 $0xFFFFFFB0  }
0x1ac: {  	_ =	swait.ge [sflag:s9], $0x2800  }
0x1ad: {  	[sflag:s9] =	ssyncset.done $0x0  }
0x1ae: {  	[sflag:s9] =	ssyncadd.s32 $0xFFFFD800  }
0x1af: {  	_ =	swait.ge [sflag:s9], $0x2800  }
0x1b0: {  	[sflag:s9] =	ssyncset.done $0x0  }
0x1b1: {  	[sflag:s9] =	ssyncadd.s32 $0xFFFFD800  }
0x1b2: {  	_ =	swait.ge [sflag:s9], $0x2800  }
0x1b3: {  	[sflag:s9] =	ssyncset.done $0x0  }
0x1b4: {  	s29 =	simm.s32 $0x5400;
	[sflag:s9] =	ssyncadd.s32 $0xFFFFD800  }
0x1b5: {  	[tilespmem:s29], [sflag:$0x7] =	stream.indirect.gather [hbm4b:s10+s28], $0x80, s17, s28, $0xb8;
	[tilespmem:$0x1E400] =	vst v63  }
0x1b6: {  	_ = 	snop  }
0x1b7: {  	[tilespmem:s21], [sflag:$0x7] =	stream.indirect.gather [hbm4b:s10+s28], $0x80, s31, s28, $0xb8;
	[tilespmem:$0x1E400] =	vst v63  }
0x1b8: {  	s31 =	sadd.s32 $0xFFFFFB00, s16  }
0x1b9: {  	[tilespmem:s8], [sflag:$0x7] =	stream.linear.gather [hbm4b:s31+s3], $0x2800, $0x38;
	[tilespmem:$0x1E400] =	vst v63  }
0x1ba: {  	s5 =	sadd.s32 $0x50, s25  }
0x1bb: {  	[tilespmem:s3], [sflag:$0x1] =	stream.linear.gather [hbm4b:s5+s3], $0x50, $0x38;
	[tilespmem:$0x1E400] =	vst v63  }
0x1bc: {  	s9 =	simm.s32 $0x6;
	s8 =	sadd.s32 $0x50, s2  }
0x1bd: {  	[tilespmem:s26], [sflag:$0x1] =	stream.linear.gather [hbm4b:s8+s3], $0x50, $0x38;
	[tilespmem:$0x1E400] =	vst v63  }
0x1be: {  	_ =	swait.ge [sflag:s9], $0x2800  }
0x1bf: {  	[sflag:s9] =	ssyncset.done $0x0  }
0x1c0: {  	[sflag:s9] =	ssyncadd.s32 $0xFFFFD800  }
0x1c1: {  	_ =	swait.ge [sflag:s9], $0x2800  }
0x1c2: {  	[sflag:s9] =	ssyncset.done $0x0  }
0x1c3: {  	[sflag:s9] =	ssyncadd.s32 $0xFFFFD800  }
0x1c4: {  	_ =	swait.ge [sflag:s9], $0x2800  }
0x1c5: {  	[sflag:s9] =	ssyncset.done $0x0  }
0x1c6: {  	s17 =	sadd.s32 $0x4B00, s24;
	[sflag:s9] =	ssyncadd.s32 $0xFFFFD800  }
0x1c7: {  	[hbm4b:s17+s11] =	stream.strided.scatter [tilespmem:s23], [sflag:$0xA], $0x2800, s13, s11, $0x38;
	[tilespmem:$0x1E400] =	vst v63  }
0x1c8: {  	s21 =	rddreg [dreg:$0x7];
	s23 =	sadd.s32 $0x4B80, s24  }
0x1c9: {  	[hbm4b:s23+s11] =	stream.strided.scatter [tilespmem:s0], [sflag:$0xA], $0x2800, s13, s11, $0x38;
	[tilespmem:$0x1E400] =	vst v63  }
0x1ca: {  	s26 =	simm.s32 $0x4;
	s24 =	sadd.s32 s4, s21  }
0x1cb: {  	[hbm4b:s24+s11] =	stream.strided.scatter [tilespmem:s20], [sflag:$0xA], $0x2800, s13, s11, $0x38;
	[tilespmem:$0x1E400] =	vst v63  }
0x1cc: {  	_ =	swait.ge [sflag:s26], $0x50  }
0x1cd: {  	[sflag:s26] =	ssyncset.done $0x0  }
0x1ce: {  	[sflag:s26] =	ssyncadd.s32 $0xFFFFFFB0  }
0x1cf: {  	_ =	swait.ge [sflag:s26], $0x50  }
0x1d0: {  	[sflag:s26] =	ssyncset.done $0x0  }
0x1d1: {  	s29 =	simm.s32 $0xC;
	[sflag:s26] =	ssyncadd.s32 $0xFFFFFFB0  }
0x1d2: {  	_ =	swait.ge [sflag:s29], $0x2800  }
0x1d3: {  	[sflag:s29] =	ssyncset.done $0x0  }
0x1d4: {  	[sflag:s29] =	ssyncadd.s32 $0xFFFFD800  }
0x1d5: {  	_ =	swait.ge [sflag:s29], $0x2800  }
0x1d6: {  	[sflag:s29] =	ssyncset.done $0x0  }
0x1d7: {  	[sflag:s29] =	ssyncadd.s32 $0xFFFFD800  }
0x1d8: {  	_ =	swait.ge [sflag:s29], $0x2800  }
0x1d9: {  	[sflag:s29] =	ssyncset.done $0x0  }
0x1da: {  	[sflag:s29] =	ssyncadd.s32 $0xFFFFD800  }
0x1db: {  	[tilespmem:s12], [sflag:$0x8] =	stream.indirect.gather [hbm4b:s10+s28], $0x80, s6, s28, $0xb8;
	[tilespmem:$0x1E400] =	vst v63  }
0x1dc: {  	p0 =	sne.s32 s15, $0x69000  }
0x1dd: {  	[tilespmem:s14], [sflag:$0x8] =	stream.indirect.gather [hbm4b:s10+s28], $0x80, s30, s28, $0xb8;
	[tilespmem:$0x1E400] =	vst v63  }
.Ltmp0:
0x1de: {  	s15 =	sadd.s32 $0x3C00, s15;
	(pc) =	sbr.rel @p0 .LBB2_2-.Ltmp0, $4  }
0x1df: {  	s18 =	sadd.s32 $0x28, s18;
	s22 =	sadd.s32 $0x28, s22;
	s31 =	sadd.s32 $0x5A, s25  }
0x1e0: {  	[tilespmem:s7], [sflag:$0x8] =	stream.linear.gather [hbm4b:s16+s3], $0x2800, $0x38;
	[tilespmem:$0x1E400] =	vst v63  }
0x1e1: {  	s2 =	sadd.s32 $0x5A, s2;
	s4 =	simm.s32 $0x80;
	s16 =	sadd.s32 $0x1400, s16  }
0x1e2: {  	[tilespmem:s19], [sflag:$0x2] =	stream.linear.gather [hbm4b:s31+s3], $0x50, $0x38;
	[tilespmem:$0x1E400] =	vst v63  }
0x1e3: {  	s5 =	simm.s32 $0x280;
	s22 =	simm.s32 $0x0;
	s23 =	simm.s32 $0x7  }
0x1e4: {  	[tilespmem:s5], [sflag:$0x2] =	stream.linear.gather [hbm4b:s2+s22], $0x50, $0x38;
	[tilespmem:$0x1E400] =	vst v63  }
0x1e5: {  	_ =	swait.ge [sflag:s23], $0x2800  }
0x1e6: {  	[sflag:s23] =	ssyncset.done $0x0  }
0x1e7: {  	[sflag:s23] =	ssyncadd.s32 $0xFFFFD800  }
0x1e8: {  	_ =	swait.ge [sflag:s23], $0x2800  }
0x1e9: {  	[sflag:s23] =	ssyncset.done $0x0  }
0x1ea: {  	[sflag:s23] =	ssyncadd.s32 $0xFFFFD800  }
0x1eb: {  	_ =	swait.ge [sflag:s23], $0x2800  }
0x1ec: {  	s1 =	sld [smem:$0x7DE]  }
0x1ed: {  	[sflag:s23] =	ssyncset.done $0x0  }
0x1ee: {  	s7 =	simm.s32 $0x5400;
	s31 =	sld [smem:$0x7DF];
	[sflag:s23] =	ssyncadd.s32 $0xFFFFD800  }
0x1ef: {  	[hbm4b:s1+s11] =	stream.strided.scatter [tilespmem:s7], [sflag:$0xB], $0x2800, s13, s11, $0x38;
	[tilespmem:$0x1E400] =	vst v63  }
0x1f0: {  	s21 =	simm.s32 $0xF400;
	s0 =	sld [smem:$0x7E0]  }
0x1f1: {  	[hbm4b:s31+s11] =	stream.strided.scatter [tilespmem:s21], [sflag:$0xB], $0x2800, s13, s11, $0x38;
	[tilespmem:$0x1E400] =	vst v63  }
0x1f2: {  	s8 =	simm.s32 $0x19400;
	s2 =	simm.s32 $0x1  }
0x1f3: {  	[hbm4b:s0+s11] =	stream.strided.scatter [tilespmem:s8], [sflag:$0xB], $0x2800, s13, s11, $0x38;
	[tilespmem:$0x1E400] =	vst v63  }
0x1f4: {  	_ =	swait.ge [sflag:s2], $0x50  }
0x1f5: {  	[sflag:s2] =	ssyncset.done $0x0  }
0x1f6: {  	[sflag:s2] =	ssyncadd.s32 $0xFFFFFFB0  }
0x1f7: {  	_ =	swait.ge [sflag:s2], $0x50  }
0x1f8: {  	[sflag:s2] =	ssyncset.done $0x0  }
0x1f9: {  	s24 =	simm.s32 $0x9;
	[sflag:s2] =	ssyncadd.s32 $0xFFFFFFB0  }
0x1fa: {  	_ =	swait.ge [sflag:s24], $0x2800  }
0x1fb: {  	[sflag:s24] =	ssyncset.done $0x0  }
0x1fc: {  	[sflag:s24] =	ssyncadd.s32 $0xFFFFD800  }
0x1fd: {  	_ =	swait.ge [sflag:s24], $0x2800  }
0x1fe: {  	[sflag:s24] =	ssyncset.done $0x0  }
0x1ff: {  	[sflag:s24] =	ssyncadd.s32 $0xFFFFD800  }
0x200: {  	_ =	swait.ge [sflag:s24], $0x2800  }
0x201: {  	[sflag:s24] =	ssyncset.done $0x0  }
0x202: {  	[sflag:s24] =	ssyncadd.s32 $0xFFFFD800  }
0x203: {  	s19 =	simm.s32 $0x50;
	s10 =	rddreg [dreg:$0x0]  }
0x204: {  	[tilespmem:s11], [sflag:$0x5] =	stream.indirect.gather [hbm4b:s10+s19], $0x80, s22, s19, $0xb8;
	[tilespmem:$0x1E400] =	vst v63  }
0x205: {  	s15 =	simm.s32 $0xA400;
	s2 =	simm.s32 $0x200;
	s3 =	rddreg [dreg:$0xe]  }
0x206: {  	[tilespmem:s15], [sflag:$0x5] =	stream.indirect.gather [hbm4b:s10+s19], $0x80, s2, s19, $0xb8;
	[tilespmem:$0x1E400] =	vst v63  }
0x207: {  	s16 =	simm.s32 $0x14400;
	s6 =	sld [smem:$0x7E5]  }
0x208: {  	[tilespmem:s16], [sflag:$0x5] =	stream.linear.gather [hbm4b:s3+s22], $0x2800, $0x38;
	[tilespmem:$0x1E400] =	vst v63  }
0x209: {  	s9 =	simm.s32 $0x100;
	s12 =	sld [smem:$0x7E6]  }
0x20a: {  	[tilespmem:s9], [sflag:$0x3] =	stream.linear.gather [hbm4b:s6+s22], $0x50, $0x38;
	[tilespmem:$0x1E400] =	vst v63  }
0x20b: {  	s17 =	simm.s32 $0x300;
	s25 =	simm.s32 $0x8  }
0x20c: {  	[tilespmem:s17], [sflag:$0x3] =	stream.linear.gather [hbm4b:s12+s22], $0x50, $0x38;
	[tilespmem:$0x1E400] =	vst v63  }
0x20d: {  	_ =	swait.ge [sflag:s25], $0x2800  }
0x20e: {  	[sflag:s25] =	ssyncset.done $0x0  }
0x20f: {  	[sflag:s25] =	ssyncadd.s32 $0xFFFFD800  }
0x210: {  	_ =	swait.ge [sflag:s25], $0x2800  }
0x211: {  	[sflag:s25] =	ssyncset.done $0x0  }
0x212: {  	[sflag:s25] =	ssyncadd.s32 $0xFFFFD800  }
0x213: {  	_ =	swait.ge [sflag:s25], $0x2800  }
0x214: {  	s14 =	sld [smem:$0x7F6]  }
0x215: {  	[sflag:s25] =	ssyncset.done $0x0  }
0x216: {  	s12 =	simm.s32 $0x7C00;
	s18 =	sld [smem:$0x7E1];
	[sflag:s25] =	ssyncadd.s32 $0xFFFFD800  }
0x217: {  	[hbm4b:s14+s11] =	stream.strided.scatter [tilespmem:s12], [sflag:$0xC], $0x2800, s13, s11, $0x38;
	[tilespmem:$0x1E400] =	vst v63  }
0x218: {  	s20 =	sld [smem:$0x7F7];
	s14 =	simm.s32 $0x11C00  }
0x219: {  	[hbm4b:s18+s11] =	stream.strided.scatter [tilespmem:s14], [sflag:$0xC], $0x2800, s13, s11, $0x38;
	[tilespmem:$0x1E400] =	vst v63  }
0x21a: {  	s26 =	simm.s32 $0x2;
	s3 =	simm.s32 $0x1BC00  }
0x21b: {  	[hbm4b:s20+s11] =	stream.strided.scatter [tilespmem:s3], [sflag:$0xC], $0x2800, s13, s11, $0x38;
	[tilespmem:$0x1E400] =	vst v63  }
0x21c: {  	_ =	swait.ge [sflag:s26], $0x50  }
0x21d: {  	[sflag:s26] =	ssyncset.done $0x0  }
0x21e: {  	[sflag:s26] =	ssyncadd.s32 $0xFFFFFFB0  }
0x21f: {  	_ =	swait.ge [sflag:s26], $0x50  }
0x220: {  	[sflag:s26] =	ssyncset.done $0x0  }
0x221: {  	[sflag:s26] =	ssyncadd.s32 $0xFFFFFFB0;
	s26 =	simm.s32 $0xA  }
0x222: {  	_ =	swait.ge [sflag:s26], $0x2800  }
0x223: {  	[sflag:s26] =	ssyncset.done $0x0  }
0x224: {  	[sflag:s26] =	ssyncadd.s32 $0xFFFFD800  }
0x225: {  	_ =	swait.ge [sflag:s26], $0x2800  }
0x226: {  	[sflag:s26] =	ssyncset.done $0x0  }
0x227: {  	[sflag:s26] =	ssyncadd.s32 $0xFFFFD800  }
0x228: {  	_ =	swait.ge [sflag:s26], $0x2800  }
0x229: {  	[sflag:s26] =	ssyncset.done $0x0  }
0x22a: {  	s18 =	simm.s32 $0x2C00;
	[sflag:s26] =	ssyncadd.s32 $0xFFFFD800  }
0x22b: {  	[tilespmem:s18], [sflag:$0x6] =	stream.indirect.gather [hbm4b:s10+s19], $0x80, s4, s19, $0xb8;
	[tilespmem:$0x1E400] =	vst v63  }
0x22c: {  	s0 =	simm.s32 $0xCC00;
	s28 =	rddreg [dreg:$0xf]  }
0x22d: {  	[tilespmem:s0], [sflag:$0x6] =	stream.indirect.gather [hbm4b:s10+s19], $0x80, s5, s19, $0xb8;
	[tilespmem:$0x1E400] =	vst v63  }
0x22e: {  	s29 =	sld [smem:$0x7E7];
	s4 =	simm.s32 $0x16C00  }
0x22f: {  	[tilespmem:s4], [sflag:$0x6] =	stream.linear.gather [hbm4b:s28+s22], $0x2800, $0x38;
	[tilespmem:$0x1E400] =	vst v63  }
0x230: {  	s30 =	sld [smem:$0x7E8];
	s5 =	simm.s32 $0x180  }
0x231: {  	[tilespmem:s5], [sflag:$0x4] =	stream.linear.gather [hbm4b:s29+s22], $0x50, $0x38;
	[tilespmem:$0x1E400] =	vst v63  }
0x232: {  	s6 =	simm.s32 $0x380;
	s20 =	simm.s32 $0x5  }
0x233: {  	[tilespmem:s6], [sflag:$0x4] =	stream.linear.gather [hbm4b:s30+s22], $0x50, $0x38;
	[tilespmem:$0x1E400] =	vst v63  }
0x234: {  	_ =	swait.ge [sflag:s20], $0x2800  }
0x235: {  	[sflag:s20] =	ssyncset.done $0x0  }
0x236: {  	[sflag:s20] =	ssyncadd.s32 $0xFFFFD800  }
0x237: {  	_ =	swait.ge [sflag:s20], $0x2800  }
0x238: {  	[sflag:s20] =	ssyncset.done $0x0  }
0x239: {  	[sflag:s20] =	ssyncadd.s32 $0xFFFFD800  }
0x23a: {  	_ =	swait.ge [sflag:s20], $0x2800  }
0x23b: {  	s31 =	sld [smem:$0x7E2]  }
0x23c: {  	[sflag:s20] =	ssyncset.done $0x0  }
0x23d: {  	s28 =	sld [smem:$0x7E3];
	[sflag:s20] =	ssyncadd.s32 $0xFFFFD800  }
0x23e: {  	[hbm4b:s31+s11] =	stream.strided.scatter [tilespmem:s11], [sflag:$0x9], $0x2800, s13, s11, $0x38;
	[tilespmem:$0x1E400] =	vst v63  }
0x23f: {  	s29 =	sld [smem:$0x7E4]  }
0x240: {  	[hbm4b:s28+s11] =	stream.strided.scatter [tilespmem:s15], [sflag:$0x9], $0x2800, s13, s11, $0x38;
	[tilespmem:$0x1E400] =	vst v63  }
0x241: {  	s30 =	simm.s32 $0x3  }
0x242: {  	[hbm4b:s29+s11] =	stream.strided.scatter [tilespmem:s16], [sflag:$0x9], $0x2800, s13, s11, $0x38;
	[tilespmem:$0x1E400] =	vst v63  }
0x243: {  	_ =	swait.ge [sflag:s30], $0x50  }
0x244: {  	[sflag:s30] =	ssyncset.done $0x0  }
0x245: {  	[sflag:s30] =	ssyncadd.s32 $0xFFFFFFB0  }
0x246: {  	_ =	swait.ge [sflag:s30], $0x50  }
0x247: {  	[sflag:s30] =	ssyncset.done $0x0  }
0x248: {  	s28 =	simm.s32 $0xB;
	[sflag:s30] =	ssyncadd.s32 $0xFFFFFFB0  }
0x249: {  	_ =	swait.ge [sflag:s28], $0x2800  }
0x24a: {  	[sflag:s28] =	ssyncset.done $0x0  }
0x24b: {  	[sflag:s28] =	ssyncadd.s32 $0xFFFFD800  }
0x24c: {  	_ =	swait.ge [sflag:s28], $0x2800  }
0x24d: {  	[sflag:s28] =	ssyncset.done $0x0  }
0x24e: {  	[sflag:s28] =	ssyncadd.s32 $0xFFFFD800  }
0x24f: {  	_ =	swait.ge [sflag:s28], $0x2800  }
0x250: {  	[sflag:s28] =	ssyncset.done $0x0  }
0x251: {  	[sflag:s28] =	ssyncadd.s32 $0xFFFFD800  }
0x252: {  	[tilespmem:s7], [sflag:$0x7] =	stream.indirect.gather [hbm4b:s10+s19], $0x80, s9, s19, $0xb8;
	[tilespmem:$0x1E400] =	vst v63  }
0x253: {  	_ = 	snop  }
0x254: {  	[tilespmem:s21], [sflag:$0x7] =	stream.indirect.gather [hbm4b:s10+s19], $0x80, s17, s19, $0xb8;
	[tilespmem:$0x1E400] =	vst v63  }
0x255: {  	s31 =	rddreg [dreg:$0x10];
	s9 =	simm.s32 $0x6  }
0x256: {  	[tilespmem:s8], [sflag:$0x7] =	stream.linear.gather [hbm4b:s31+s22], $0x2800, $0x38;
	[tilespmem:$0x1E400] =	vst v63  }
0x257: {  	_ =	swait.ge [sflag:s9], $0x2800  }
0x258: {  	[sflag:s9] =	ssyncset.done $0x0  }
0x259: {  	[sflag:s9] =	ssyncadd.s32 $0xFFFFD800  }
0x25a: {  	_ =	swait.ge [sflag:s9], $0x2800  }
0x25b: {  	[sflag:s9] =	ssyncset.done $0x0  }
0x25c: {  	[sflag:s9] =	ssyncadd.s32 $0xFFFFD800  }
0x25d: {  	_ =	swait.ge [sflag:s9], $0x2800  }
0x25e: {  	s17 =	sld [smem:$0x7F8]  }
0x25f: {  	[sflag:s9] =	ssyncset.done $0x0  }
0x260: {  	[sflag:s9] =	ssyncadd.s32 $0xFFFFD800  }
0x261: {  	[hbm4b:s17+s11] =	stream.strided.scatter [tilespmem:s18], [sflag:$0xA], $0x2800, s13, s11, $0x38;
	[tilespmem:$0x1E400] =	vst v63  }
0x262: {  	s18 =	sld [smem:$0x7E9];
	_ =	sdelay $0x1  }
0x263: {  	s29 =	sld [smem:$0x7F9]  }
0x264: {  	[hbm4b:s18+s11] =	stream.strided.scatter [tilespmem:s0], [sflag:$0xA], $0x2800, s13, s11, $0x38;
	[tilespmem:$0x1E400] =	vst v63  }
0x265: {  	s30 =	simm.s32 $0x4  }
0x266: {  	[hbm4b:s29+s11] =	stream.strided.scatter [tilespmem:s4], [sflag:$0xA], $0x2800, s13, s11, $0x38;
	[tilespmem:$0x1E400] =	vst v63  }
0x267: {  	_ =	swait.ge [sflag:s30], $0x50  }
0x268: {  	[sflag:s30] =	ssyncset.done $0x0  }
0x269: {  	[sflag:s30] =	ssyncadd.s32 $0xFFFFFFB0  }
0x26a: {  	_ =	swait.ge [sflag:s30], $0x50  }
0x26b: {  	[sflag:s30] =	ssyncset.done $0x0  }
0x26c: {  	s31 =	simm.s32 $0xC;
	[sflag:s30] =	ssyncadd.s32 $0xFFFFFFB0  }
0x26d: {  	_ =	swait.ge [sflag:s31], $0x2800  }
0x26e: {  	[sflag:s31] =	ssyncset.done $0x0  }
0x26f: {  	[sflag:s31] =	ssyncadd.s32 $0xFFFFD800  }
0x270: {  	_ =	swait.ge [sflag:s31], $0x2800  }
0x271: {  	[sflag:s31] =	ssyncset.done $0x0  }
0x272: {  	[sflag:s31] =	ssyncadd.s32 $0xFFFFD800  }
0x273: {  	_ =	swait.ge [sflag:s31], $0x2800  }
0x274: {  	[sflag:s31] =	ssyncset.done $0x0  }
0x275: {  	[sflag:s31] =	ssyncadd.s32 $0xFFFFD800  }
0x276: {  	[tilespmem:s12], [sflag:$0x8] =	stream.indirect.gather [hbm4b:s10+s19], $0x80, s5, s19, $0xb8;
	[tilespmem:$0x1E400] =	vst v63  }
0x277: {  	_ = 	snop  }
0x278: {  	[tilespmem:s14], [sflag:$0x8] =	stream.indirect.gather [hbm4b:s10+s19], $0x80, s6, s19, $0xb8;
	[tilespmem:$0x1E400] =	vst v63  }
0x279: {  	s4 =	rddreg [dreg:$0x11]  }
0x27a: {  	[tilespmem:s3], [sflag:$0x8] =	stream.linear.gather [hbm4b:s4+s22], $0x2800, $0x38;
	[tilespmem:$0x1E400] =	vst v63  }
0x27b: {  	_ =	swait.ge [sflag:s23], $0x2800  }
0x27c: {  	[sflag:s23] =	ssyncset.done $0x0  }
0x27d: {  	[sflag:s23] =	ssyncadd.s32 $0xFFFFD800  }
0x27e: {  	_ =	swait.ge [sflag:s23], $0x2800  }
0x27f: {  	[sflag:s23] =	ssyncset.done $0x0  }
0x280: {  	[sflag:s23] =	ssyncadd.s32 $0xFFFFD800  }
0x281: {  	_ =	swait.ge [sflag:s23], $0x2800  }
0x282: {  	s5 =	sld [smem:$0x7EB]  }
0x283: {  	[sflag:s23] =	ssyncset.done $0x0  }
0x284: {  	s6 =	sld [smem:$0x7EC];
	[sflag:s23] =	ssyncadd.s32 $0xFFFFD800  }
0x285: {  	[hbm4b:s5+s11] =	stream.strided.scatter [tilespmem:s7], [sflag:$0xB], $0x2800, s13, s11, $0x38;
	[tilespmem:$0x1E400] =	vst v63  }
0x286: {  	s7 =	sld [smem:$0x7EA]  }
0x287: {  	[hbm4b:s6+s11] =	stream.strided.scatter [tilespmem:s21], [sflag:$0xB], $0x2800, s13, s11, $0x38;
	[tilespmem:$0x1E400] =	vst v63  }
0x288: {  	_ = 	snop  }
0x289: {  	[hbm4b:s7+s11] =	stream.strided.scatter [tilespmem:s8], [sflag:$0xB], $0x2800, s13, s11, $0x38;
	[tilespmem:$0x1E400] =	vst v63  }
0x28a: {  	_ =	swait.ge [sflag:s25], $0x2800  }
0x28b: {  	[sflag:s25] =	ssyncset.done $0x0  }
0x28c: {  	[sflag:s25] =	ssyncadd.s32 $0xFFFFD800  }
0x28d: {  	_ =	swait.ge [sflag:s25], $0x2800  }
0x28e: {  	[sflag:s25] =	ssyncset.done $0x0  }
0x28f: {  	[sflag:s25] =	ssyncadd.s32 $0xFFFFD800  }
0x290: {  	_ =	swait.ge [sflag:s25], $0x2800  }
0x291: {  	s9 =	sld [smem:$0x7FA]  }
0x292: {  	[sflag:s25] =	ssyncset.done $0x0  }
0x293: {  	s17 =	sld [smem:$0x7F1];
	[sflag:s25] =	ssyncadd.s32 $0xFFFFD800  }
0x294: {  	[hbm4b:s9+s11] =	stream.strided.scatter [tilespmem:s12], [sflag:$0xC], $0x2800, s13, s11, $0x38;
	[tilespmem:$0x1E400] =	vst v63  }
0x295: {  	s18 =	sld [smem:$0x7FB]  }
0x296: {  	[hbm4b:s17+s11] =	stream.strided.scatter [tilespmem:s14], [sflag:$0xC], $0x2800, s13, s11, $0x38;
	[tilespmem:$0x1E400] =	vst v63  }
0x297: {  	_ = 	snop  }
0x298: {  	[hbm4b:s18+s11] =	stream.strided.scatter [tilespmem:s3], [sflag:$0xC], $0x2800, s13, s11, $0x38;
	[tilespmem:$0x1E400] =	vst v63  }
0x299: {  	_ =	swait.ge [sflag:s24], $0x2800  }
0x29a: {  	[sflag:s24] =	ssyncset.done $0x0  }
0x29b: {  	[sflag:s24] =	ssyncadd.s32 $0xFFFFD800  }
0x29c: {  	_ =	swait.ge [sflag:s24], $0x2800  }
0x29d: {  	[sflag:s24] =	ssyncset.done $0x0  }
0x29e: {  	[sflag:s24] =	ssyncadd.s32 $0xFFFFD800  }
0x29f: {  	_ =	swait.ge [sflag:s24], $0x2800  }
0x2a0: {  	[sflag:s24] =	ssyncset.done $0x0  }
0x2a1: {  	[sflag:s24] =	ssyncadd.s32 $0xFFFFD800  }
0x2a2: {  	_ =	swait.ge [sflag:s26], $0x2800  }
0x2a3: {  	[sflag:s26] =	ssyncset.done $0x0  }
0x2a4: {  	[sflag:s26] =	ssyncadd.s32 $0xFFFFD800  }
0x2a5: {  	_ =	swait.ge [sflag:s26], $0x2800  }
0x2a6: {  	[sflag:s26] =	ssyncset.done $0x0  }
0x2a7: {  	[sflag:s26] =	ssyncadd.s32 $0xFFFFD800  }
0x2a8: {  	_ =	swait.ge [sflag:s26], $0x2800  }
0x2a9: {  	[sflag:s26] =	ssyncset.done $0x0  }
0x2aa: {  	[sflag:s26] =	ssyncadd.s32 $0xFFFFD800  }
0x2ab: {  	_ =	swait.ge [sflag:s28], $0x2800  }
0x2ac: {  	[sflag:s28] =	ssyncset.done $0x0  }
0x2ad: {  	[sflag:s28] =	ssyncadd.s32 $0xFFFFD800  }
0x2ae: {  	_ =	swait.ge [sflag:s28], $0x2800  }
0x2af: {  	[sflag:s28] =	ssyncset.done $0x0  }
0x2b0: {  	[sflag:s28] =	ssyncadd.s32 $0xFFFFD800  }
0x2b1: {  	_ =	swait.ge [sflag:s28], $0x2800  }
0x2b2: {  	[sflag:s28] =	ssyncset.done $0x0  }
0x2b3: {  	[sflag:s28] =	ssyncadd.s32 $0xFFFFD800  }
0x2b4: {  	_ =	swait.ge [sflag:s31], $0x2800  }
0x2b5: {  	[sflag:s31] =	ssyncset.done $0x0  }
0x2b6: {  	[sflag:s31] =	ssyncadd.s32 $0xFFFFD800  }
0x2b7: {  	_ =	swait.ge [sflag:s31], $0x2800  }
0x2b8: {  	[sflag:s31] =	ssyncset.done $0x0  }
0x2b9: {  	[sflag:s31] =	ssyncadd.s32 $0xFFFFD800  }
0x2ba: {  	_ =	swait.ge [sflag:s31], $0x2800  }
0x2bb: {  	s21 =	sld [smem:$0x7ED]  }
0x2bc: {  	[sflag:s31] =	ssyncset.done $0x0  }
0x2bd: {  	s23 =	simm.s32 $0xD;
	[sflag:s31] =	ssyncadd.s32 $0xFFFFD800  }
0x2be: {  	[tilespmem:s22], [sflag:$0xD] =	stream.linear.gather [hbm4b:s21+s22], $0x50, $0x38;
	[tilespmem:$0x1E400] =	vst v63  }
0x2bf: {  	_ =	swait.ge [sflag:s23], $0x50  }
0x2c0: {  	s24 =	sld [smem:$0x7F0]  }
0x2c1: {  	[sflag:s23] =	ssyncset.done $0x0  }
0x2c2: {  	[sflag:s23] =	ssyncadd.s32 $0xFFFFFFB0  }
0x2c3: {  	[tilespmem:s2], [sflag:$0xD] =	stream.linear.gather [hbm4b:s24+s22], $0x50, $0x38;
	[tilespmem:$0x1E400] =	vst v63  }
0x2c4: {  	_ =	swait.ge [sflag:s23], $0x50  }
0x2c5: {  	[sflag:s23] =	ssyncset.done $0x0  }
0x2c6: {  	[sflag:s23] =	ssyncadd.s32 $0xFFFFFFB0  }
0x2c7: {  	[tilespmem:s11], [sflag:$0x5] =	stream.indirect.gather [hbm4b:s10+s19], $0x80, s22, s19, $0xb8;
	[tilespmem:$0x1E400] =	vst v63  }
0x2c8: {  	_ = 	snop  }
0x2c9: {  	[tilespmem:s15], [sflag:$0x5] =	stream.indirect.gather [hbm4b:s10+s19], $0x80, s2, s19, $0xb8;
	[tilespmem:$0x1E400] =	vst v63  }
0x2ca: {  	s25 =	rddreg [dreg:$0x12]  }
0x2cb: {  	[tilespmem:s16], [sflag:$0xD] =	stream.linear.gather [hbm4b:s25+s22], $0x2800, $0x38;
	[tilespmem:$0x1E400] =	vst v63  }
0x2cc: {  	_ =	swait.ge [sflag:s23], $0x2800  }
0x2cd: {  	[sflag:s23] =	ssyncset.done $0x0  }
0x2ce: {  	[sflag:s23] =	ssyncadd.s32 $0xFFFFD800  }
0x2cf: {  	_ =	swait.ge [sflag:s20], $0x2800  }
0x2d0: {  	[sflag:s20] =	ssyncset.done $0x0  }
0x2d1: {  	[sflag:s20] =	ssyncadd.s32 $0xFFFFD800  }
0x2d2: {  	_ =	swait.ge [sflag:s20], $0x2800  }
0x2d3: {  	s26 =	sld [smem:$0x7FC]  }
0x2d4: {  	[sflag:s20] =	ssyncset.done $0x0  }
0x2d5: {  	[sflag:s20] =	ssyncadd.s32 $0xFFFFD800  }
0x2d6: {  	[hbm4b:s26+s11] =	stream.strided.scatter [tilespmem:s11], [sflag:$0xD], $0x2800, s13, s11, $0x38;
	[tilespmem:$0x1E400] =	vst v63  }
0x2d7: {  	_ =	swait.ge [sflag:s23], $0x2800  }
0x2d8: {  	s28 =	sld [smem:$0x7F2]  }
0x2d9: {  	[sflag:s23] =	ssyncset.done $0x0  }
0x2da: {  	[sflag:s23] =	ssyncadd.s32 $0xFFFFD800  }
0x2db: {  	[hbm4b:s28+s11] =	stream.strided.scatter [tilespmem:s15], [sflag:$0xD], $0x2800, s13, s11, $0x38;
	[tilespmem:$0x1E400] =	vst v63  }
0x2dc: {  	_ =	swait.ge [sflag:s23], $0x2800  }
0x2dd: {  	s29 =	sld [smem:$0x7FD]  }
0x2de: {  	[sflag:s23] =	ssyncset.done $0x0  }
0x2df: {  	[sflag:s23] =	ssyncadd.s32 $0xFFFFD800  }
0x2e0: {  	[hbm4b:s29+s11] =	stream.strided.scatter [tilespmem:s16], [sflag:$0xD], $0x2800, s13, s11, $0x38;
	[tilespmem:$0x1E400] =	vst v63  }
0x2e1: {  	_ =	swait.ge [sflag:s23], $0x2800  }
0x2e2: {  	s30 =	sld [smem:$0x7D9]  }
0x2e3: {  	s31 =	sld [smem:$0x7F3];
	_ =	sdelay $0x1  }
0x2e4: {  	s2 =	sadd.s32 $0x1, s30  }
0x2e5: {  	p0 =	sne.s32 s2, s31  }
.Ltmp1:
0x2e6: {  	_ = 	snop;
	(pc) =	sbr.rel @p0 .LBB2_1-.Ltmp1, $3  }
0x2e7: {  	_ =	sdelay $0x1  }
0x2e8: {  	[sflag:s23] =	ssyncset.done $0x0  }
0x2e9: {  	[sflag:s23] =	ssyncadd.s32 $0xFFFFD800;
	s23 =	rddreg [dreg:$0x9]  }
0x2ea: {  	_ =	sfence.sel $0x180000  }
0x2eb: {  	[bflag:$0x0] =	sbarrier.arrive $0xFFFF  }
0x2ec: {  	_ =	strace $0x90000047  }
0x2ed: {  	s0 =	stileid.u32;
	[bflag:$0x2] =	sbarrier.arrive $0xFFFF  }
0x2ee: {  	p0 =	sne.s32 s0, $0x0;
	s0 =	rddreg [dreg:$0x5]  }
0x2ef: {  	s0 =	sadd.s32 @!p0 $0x100000, s0  }
0x2f0: {  	[sflag:s0] =	ssyncadd.tile.s32 @!p0 $0x1;
	_ =	shalt  }
.Lfunc_end2:
_tile_overlayer_lowered:
.L_overlay_start_2:
0x2f1: {  	(tag) =	ssettag $0x2  }
0x2f2: {  	s0 =	rddreg [dreg:$0x0];
	s2 =	stileid.u32  }
0x2f3: {  	s1 =	rddreg [dreg:$0x1];
	p0 =	sne.s32 s2, $0x0  }
0x2f4: {  	s3 =	rddreg [dreg:$0x2];
	[bflag:$0x3] =	sbarrier.arrive $0xFFFF;
	s2 =	simm.s32 @!p0 $0x1C0D  }
0x2f5: {  	[timem:s3], [sflag:s2] =	dma.local @!p0 [hbm:s0], s1  }
0x2f6: {  	s0 =	simm.s32 @!p0 $0xD  }
0x2f7: {  	_ =	swait.ge @!p0 [sflag:s0], s1  }
0x2f8: {  	s1 =	ssub.s32 @!p0 $0x0, s1;
	[sflag:s0] =	ssyncset.done @!p0 $0x0  }
0x2f9: {  	[sflag:s0] =	ssyncadd.s32 @!p0 s1  }
0x2fa: {  	[bflag:$0x3] =	sbarrier.arrive $0xFFFF  }
0x2fb: {  	_ =	shalt  }

</sc_bundles>
